<compile_context>
chip_gen: v7x
topology: tpu7x:2x2x1
jax: 0.10.2.dev20260603
libtpu: 0.0.44.dev20260713+nightly
codegen_flags: <defaults>
</compile_context>

<pallas_src>
import functools

import jax
import jax.numpy as jnp
from jax import lax
from jax.experimental import pallas as pl
from jax.experimental.pallas import tpu as pltpu
from jax.experimental.pallas import tpu_sc as plsc

SIZE = 64
CAPACITY = 1000000

_info = plsc.get_sparse_core_info()
NC = _info.num_cores
NS = _info.num_subcores
NW = NC * NS
L = 16

CHUNK = 256
W_KEYS = 4096
NCH = W_KEYS // CHUNK
GROUPS = CHUNK // L
SC_END = W_KEYS * NW
TC_BLOCK = 8192
TC_END = 999424
TC_NBLK = (TC_END - SC_END) // TC_BLOCK

_NEG = -3.4e38
_EPS2 = 1e-16


def _perm(v, idx):
    dnums = lax.GatherDimensionNumbers(
        offset_dims=(), collapsed_slice_dims=(0,), start_index_map=(0,))
    return lax.gather(v, idx[:, None], dnums, (1,),
                      mode=lax.GatherScatterMode.PROMISE_IN_BOUNDS)


def _tree(v, io, op):
    for sh in (8, 4, 2, 1):
        v = op(v, _perm(v, io ^ sh))
    return v


def _make_sc_scan():
    mesh = plsc.VectorSubcoreMesh(core_axis_name="c", subcore_axis_name="s")

    @functools.partial(
        pl.kernel,
        out_type=[
            jax.ShapeDtypeStruct((NW, L), jnp.float32),
            jax.ShapeDtypeStruct((NW, L), jnp.int32),
        ],
        mesh=mesh,
        compiler_params=pltpu.CompilerParams(use_tc_tiling_on_sc=True),
        scratch_types=[
            pltpu.VMEM((1, SIZE), jnp.float32),
            pltpu.VMEM((SIZE, SIZE), jnp.float32),
            pltpu.VMEM((SIZE,), jnp.float32),
            pltpu.VMEM((SIZE, CHUNK), jnp.float32),
            pltpu.VMEM((SIZE, CHUNK), jnp.float32),
            pltpu.VMEM((L,), jnp.float32),
            pltpu.VMEM((L,), jnp.int32),
            pltpu.SemaphoreType.DMA,
            pltpu.SemaphoreType.DMA,
        ],
    )
    def sc_scan(q_hbm, w_hbm, b_hbm, ckt_hbm, stats_hbm, idx_hbm,
                qv, wv, bv, buf0, buf1, statv, idxv, sem0, sem1):
        wid = lax.axis_index("s") * NC + lax.axis_index("c")
        start = wid * W_KEYS
        io = lax.iota(jnp.int32, L)

        pltpu.sync_copy(q_hbm, qv)
        pltpu.sync_copy(w_hbm, wv)
        pltpu.sync_copy(b_hbm, bv)

        q0 = qv[0, pl.ds(0, L)]
        q1 = qv[0, pl.ds(L, L)]
        q2 = qv[0, pl.ds(2 * L, L)]
        q3 = qv[0, pl.ds(3 * L, L)]

        def proj_block(blk):
            def body(j16, acc):
                row = blk * L + j16
                w0 = wv[row, pl.ds(0, L)]
                w1 = wv[row, pl.ds(L, L)]
                w2 = wv[row, pl.ds(2 * L, L)]
                w3 = wv[row, pl.ds(3 * L, L)]
                s = _tree(q0 * w0 + q1 * w1 + q2 * w2 + q3 * w3, io, jnp.add)
                return jnp.where(io == j16, s, acc)
            acc = lax.fori_loop(0, L, body, jnp.zeros((L,), jnp.float32))
            return acc + bv[pl.ds(blk * L, L)]

        pq = [proj_block(0), proj_block(1), proj_block(2), proj_block(3)]
        pqn2 = _tree(pq[0] * pq[0] + pq[1] * pq[1]
                     + pq[2] * pq[2] + pq[3] * pq[3], io, jnp.add)

        def pq_bcast(c):
            return _perm(pq[c // L], jnp.full((L,), c % L, jnp.int32))

        statv[...] = jnp.full((L,), _NEG, jnp.float32)
        idxv[...] = jnp.zeros((L,), jnp.int32)

        def chunk_start(i):
            return pl.multiple_of(start + i * CHUNK, 128)

        pltpu.make_async_copy(
            ckt_hbm.at[:, pl.ds(chunk_start(0), CHUNK)], buf0, sem0).start()

        def chunk_body(i, _unused):
            p = lax.rem(i, 2)
            s = chunk_start(i)
            nxt = chunk_start(i + 1)
            more = (i + 1) < NCH

            @pl.when(jnp.logical_and(more, p == 0))
            def _():
                pltpu.make_async_copy(
                    ckt_hbm.at[:, pl.ds(nxt, CHUNK)], buf1, sem1).start()

            @pl.when(jnp.logical_and(more, p == 1))
            def _():
                pltpu.make_async_copy(
                    ckt_hbm.at[:, pl.ds(nxt, CHUNK)], buf0, sem0).start()

            def process(buf):
                def group_body(g, car):
                    gbk, gbi = car
                    rb = g * L
                    da = [jnp.zeros((L,), jnp.float32) for _ in range(4)]
                    na = [jnp.zeros((L,), jnp.float32) for _ in range(4)]
                    for c in range(SIZE):
                        col = buf[c, pl.ds(rb, L)]
                        da[c % 4] = da[c % 4] + col * pq_bcast(c)
                        na[c % 4] = na[c % 4] + col * col
                    dd = (da[0] + da[1]) + (da[2] + da[3])
                    nn = (na[0] + na[1]) + (na[2] + na[3])
                    kvec = dd * jnp.abs(dd) / jnp.maximum(nn, jnp.float32(_EPS2))
                    ivec = (s + rb) + io
                    upd = kvec > gbk
                    return (jnp.where(upd, kvec, gbk),
                            jnp.where(upd, ivec, gbi))

                bk, bi = lax.fori_loop(0, GROUPS, group_body,
                                       (statv[...], idxv[...]))
                statv[...] = bk
                idxv[...] = bi

            @pl.when(p == 0)
            def _():
                pltpu.make_async_copy(
                    ckt_hbm.at[:, pl.ds(s, CHUNK)], buf0, sem0).wait()
                process(buf0)

            @pl.when(p == 1)
            def _():
                pltpu.make_async_copy(
                    ckt_hbm.at[:, pl.ds(s, CHUNK)], buf1, sem1).wait()
                process(buf1)

            return 0

        lax.fori_loop(0, NCH, chunk_body, 0)
        bk = statv[...]
        bi = idxv[...]

        m = _tree(bk, io, jnp.maximum)
        sel = bk == m
        bidx = _tree(jnp.where(sel, bi, jnp.int32(2147483647)), io, jnp.minimum)

        sv = jnp.zeros((L,), jnp.float32)
        sv = jnp.where(io == 0, m, sv)
        sv = jnp.where(io == 1, pqn2, sv)
        statv[...] = sv
        idxv[...] = bidx
        pltpu.sync_copy(statv, stats_hbm.at[wid])
        pltpu.sync_copy(idxv, idx_hbm.at[wid])

    return sc_scan


_sc_scan = _make_sc_scan()


def _tc_body(pq_ref, ck_ref, ko_ref, io_ref):
    i = pl.program_id(0)
    pqv = pq_ref[...]
    blk = ck_ref[...]
    dot = jax.lax.dot_general(
        pqv, blk, (((1,), (0,)), ((), ())),
        preferred_element_type=jnp.float32)
    n2 = jax.lax.dot_general(
        jnp.ones((1, SIZE), jnp.float32), blk * blk, (((1,), (0,)), ((), ())),
        preferred_element_type=jnp.float32)
    key = dot * jnp.abs(dot) / jnp.maximum(n2, jnp.float32(_EPS2))
    rows = (SC_END + i * TC_BLOCK
            + jax.lax.broadcasted_iota(jnp.int32, (1, TC_BLOCK), 1))
    bm = jnp.max(key)
    bi = jnp.min(jnp.where(key == bm, rows, jnp.int32(2147483647)))
    ko_ref[...] = jnp.full((1, 1, 1), bm, jnp.float32)
    io_ref[...] = jnp.full((1, 1, 1), bi, jnp.int32)


def _tc_scan(pq, ckt):
    return pl.pallas_call(
        _tc_body,
        grid=(TC_NBLK,),
        in_specs=[
            pl.BlockSpec((1, SIZE), lambda i: (0, 0)),
            pl.BlockSpec((SIZE, TC_BLOCK), lambda i: (0, i + SC_END // TC_BLOCK)),
        ],
        out_specs=[
            pl.BlockSpec((1, 1, 1), lambda i: (i, 0, 0)),
            pl.BlockSpec((1, 1, 1), lambda i: (i, 0, 0)),
        ],
        out_shape=[
            jax.ShapeDtypeStruct((TC_NBLK, 1, 1), jnp.float32),
            jax.ShapeDtypeStruct((TC_NBLK, 1, 1), jnp.int32),
        ],
    )(pq, ckt)


def kernel(query, W, b, cache_keys, cache_values):
    ckt = cache_keys.T
    stats, idxs = _sc_scan(query, W, b, ckt)

    pq = query @ W.T + b
    tk, ti = _tc_scan(pq, ckt)

    key32 = stats[:, 0]
    w = jnp.argmax(key32)
    k_sc = key32[w]
    i_sc = idxs[w, 0]

    tk = tk[:, 0, 0]
    ti = ti[:, 0, 0]
    wt = jnp.argmax(tk)
    k_tc = tk[wt]
    i_tc = ti[wt]

    tail = cache_keys[TC_END:]
    tdot = tail @ pq[0]
    tn2 = jnp.sum(tail * tail, axis=1)
    tkey = tdot * jnp.abs(tdot) / jnp.maximum(tn2, jnp.float32(_EPS2))
    wl = jnp.argmax(tkey)
    k_tl = tkey[wl]
    i_tl = (TC_END + wl).astype(jnp.int32)

    k_best = k_sc
    idx = i_sc
    take_tc = k_tc > k_best
    k_best = jnp.where(take_tc, k_tc, k_best)
    idx = jnp.where(take_tc, i_tc, idx)
    take_tl = k_tl > k_best
    k_best = jnp.where(take_tl, k_tl, k_best)
    idx = jnp.where(take_tl, i_tl, idx)

    pqn = jnp.maximum(jnp.sqrt(jnp.sum(pq * pq)), jnp.float32(1e-8))
    conf = jnp.sign(k_best) * jnp.sqrt(jnp.abs(k_best)) / pqn
    cached_value = lax.dynamic_slice_in_dim(cache_values, idx, 1, axis=0)
    return cached_value, conf

# --- scband reference (transcript-rebuilt; emitter-appended) ---
"""Pipeline reference for scband-predictive-cache-31344671326596 (READ-ONLY COPY).

The authoritative reference and input builder live on the scoring server;
editing this copy changes nothing except your own understanding.
"""

import jax, jax.numpy as jnp
import numpy as np

SIZE = 64
CAPACITY = 1000000


def setup_inputs(seed: int = 0) -> dict:
    key = jax.random.key(seed)
    k_q, k_w, k_ck, k_cv = jax.random.split(key, 4)
    query = jax.random.normal(k_q, (1, SIZE), dtype=jnp.float32)
    W = jax.random.normal(k_w, (SIZE, SIZE), dtype=jnp.float32) / np.sqrt(SIZE)
    b = jnp.zeros((SIZE,), dtype=jnp.float32)
    cache_keys = jax.random.normal(k_ck, (CAPACITY, SIZE), dtype=jnp.float32)
    cache_values = jax.random.normal(k_cv, (CAPACITY, SIZE), dtype=jnp.float32)
    return {"query": query, "W": W, "b": b, "cache_keys": cache_keys, "cache_values": cache_values}


def reference(query, W, b, cache_keys, cache_values):
    # projected_query = self.query_net(query)  (nn.Linear: x @ W^T + b)
    pq = query @ W.T + b  # [1, size]
    # F.cosine_similarity(pq.unsqueeze(1), cache_keys.unsqueeze(0), dim=-1) -> [1, capacity]
    eps = 1e-8
    pq_n = pq / jnp.maximum(jnp.linalg.norm(pq, axis=-1, keepdims=True), eps)
    ck_n = cache_keys / jnp.maximum(jnp.linalg.norm(cache_keys, axis=-1, keepdims=True), eps)
    similarities = pq_n @ ck_n.T  # [1, capacity]
    confidence = jnp.max(similarities, axis=-1)  # [1]
    best_idx = jnp.argmax(similarities, axis=-1)  # [1]
    cached_value = jnp.take(cache_values, best_idx, axis=0)  # [1, size]
    # torch returns (cache_values[best_idx], confidence.item()); access_counts update is a
    # non-differentiable buffer side effect, omitted from the functional reference.
    return cached_value, confidence[0]

if __name__ == "__main__":
    import jax
    _d = setup_inputs()
    print(jax.jit(kernel)(*tuple(_d.values())))

</pallas_src>

<mosaic_0001>
#map = affine_map<(d0, d1) -> (0, 0)>
#map1 = affine_map<(d0, d1) -> (0)>
module attributes {stable_mosaic.version = 14 : i64} {
  func.func @sc_scan(%arg0: i32, %arg1: i32, %arg2: memref<1x64xf32, #tpu.memory_space<hbm>>, %arg3: memref<64x64xf32, #tpu.memory_space<hbm>>, %arg4: memref<64xf32, #tpu.memory_space<hbm>>, %arg5: memref<64x1000000xf32, #tpu.memory_space<hbm>>, %arg6: memref<32x16xf32, #tpu.memory_space<hbm>>, %arg7: memref<32x16xi32, #tpu.memory_space<hbm>>, %arg8: memref<1x64xf32, #tpu.memory_space<vmem>>, %arg9: memref<64x64xf32, #tpu.memory_space<vmem>>, %arg10: memref<64xf32, #tpu.memory_space<vmem>>, %arg11: memref<64x256xf32, #tpu.memory_space<vmem>>, %arg12: memref<64x256xf32, #tpu.memory_space<vmem>>, %arg13: memref<16xf32, #tpu.memory_space<vmem>>, %arg14: memref<16xi32, #tpu.memory_space<vmem>>, %arg15: memref<!tpu.dma_semaphore, #tpu.memory_space<semaphore_mem>>, %arg16: memref<!tpu.dma_semaphore, #tpu.memory_space<semaphore_mem>>) attributes {dimension_semantics = [#tpu.dimension_semantics<core_parallel>, #tpu.dimension_semantics<subcore_parallel>], iteration_bounds = array<i64: 2, 16>, scalar_prefetch = 0 : i64, scratch_operands = 9 : i64, tpu.core_type = #tpu.core_type<sc_vector_subcore>, window_params = [{transform_indices = #map}, {transform_indices = #map}, {transform_indices = #map1}, {transform_indices = #map}, {transform_indices = #map}, {transform_indices = #map}]} {
    %mul3A = arith.constant 2 : i32
    %mul3A_0 = arith.muli %arg1, %mul3A : i32
    %add3A = arith.addi %mul3A_0, %arg0 : i32
    %mul3A_1 = arith.constant 4096 : i32
    %mul3A_2 = arith.muli %add3A, %mul3A_1 : i32
    %iota3A = tpu.iota {dimensions = array<i32: 0>} : vector<16xi32>
    "tpu.region"() ({
      %run_scoped3A = tpu.sem_alloc : memref<!tpu.dma_semaphore, #tpu.memory_space<semaphore_mem>>
      tpu.enqueue_dma source(%arg2 : memref<1x64xf32, #tpu.memory_space<hbm>>) target(%arg8 : memref<1x64xf32, #tpu.memory_space<vmem>>) target_semaphore(%run_scoped3A : memref<!tpu.dma_semaphore, #tpu.memory_space<semaphore_mem>>)
      tpu.wait_dma2 semaphore(%run_scoped3A : memref<!tpu.dma_semaphore, #tpu.memory_space<semaphore_mem>>) src(%arg2 : memref<1x64xf32, #tpu.memory_space<hbm>>) dst(%arg8 : memref<1x64xf32, #tpu.memory_space<vmem>>)
      tpu.yield
    }) : () -> ()
    "tpu.region"() ({
      %run_scoped3A = tpu.sem_alloc : memref<!tpu.dma_semaphore, #tpu.memory_space<semaphore_mem>>
      tpu.enqueue_dma source(%arg3 : memref<64x64xf32, #tpu.memory_space<hbm>>) target(%arg9 : memref<64x64xf32, #tpu.memory_space<vmem>>) target_semaphore(%run_scoped3A : memref<!tpu.dma_semaphore, #tpu.memory_space<semaphore_mem>>)
      tpu.wait_dma2 semaphore(%run_scoped3A : memref<!tpu.dma_semaphore, #tpu.memory_space<semaphore_mem>>) src(%arg3 : memref<64x64xf32, #tpu.memory_space<hbm>>) dst(%arg9 : memref<64x64xf32, #tpu.memory_space<vmem>>)
      tpu.yield
    }) : () -> ()
    "tpu.region"() ({
      %run_scoped3A = tpu.sem_alloc : memref<!tpu.dma_semaphore, #tpu.memory_space<semaphore_mem>>
      tpu.enqueue_dma source(%arg4 : memref<64xf32, #tpu.memory_space<hbm>>) target(%arg10 : memref<64xf32, #tpu.memory_space<vmem>>) target_semaphore(%run_scoped3A : memref<!tpu.dma_semaphore, #tpu.memory_space<semaphore_mem>>)
      tpu.wait_dma2 semaphore(%run_scoped3A : memref<!tpu.dma_semaphore, #tpu.memory_space<semaphore_mem>>) src(%arg4 : memref<64xf32, #tpu.memory_space<hbm>>) dst(%arg10 : memref<64xf32, #tpu.memory_space<vmem>>)
      tpu.yield
    }) : () -> ()
    %get3A = arith.constant 0 : i32
    %get3A_3 = arith.index_cast %get3A : i32 to index
    %get3A_4 = arith.constant 0 : index
    %get3A_5 = tpu.vector_load %arg8[%get3A_3, %get3A_4] {strides = array<i32>} : memref<1x64xf32, #tpu.memory_space<vmem>>, vector<1x16xf32>,
    %get3A_6 = vector.shape_cast %get3A_5 : vector<1x16xf32> to vector<16xf32>
    %get3A_7 = arith.constant 0 : i32
    %get3A_8 = arith.index_cast %get3A_7 : i32 to index
    %get3A_9 = arith.constant 16 : index
    %get3A_10 = tpu.vector_load %arg8[%get3A_8, %get3A_9] {strides = array<i32>} : memref<1x64xf32, #tpu.memory_space<vmem>>, vector<1x16xf32>,
    %get3A_11 = vector.shape_cast %get3A_10 : vector<1x16xf32> to vector<16xf32>
    %get3A_12 = arith.constant 0 : i32
    %get3A_13 = arith.index_cast %get3A_12 : i32 to index
    %get3A_14 = arith.constant 32 : index
    %get3A_15 = tpu.vector_load %arg8[%get3A_13, %get3A_14] {strides = array<i32>} : memref<1x64xf32, #tpu.memory_space<vmem>>, vector<1x16xf32>,
    %get3A_16 = vector.shape_cast %get3A_15 : vector<1x16xf32> to vector<16xf32>
    %get3A_17 = arith.constant 0 : i32
    %get3A_18 = arith.index_cast %get3A_17 : i32 to index
    %get3A_19 = arith.constant 48 : index
    %get3A_20 = tpu.vector_load %arg8[%get3A_18, %get3A_19] {strides = array<i32>} : memref<1x64xf32, #tpu.memory_space<vmem>>, vector<1x16xf32>,
    %get3A_21 = vector.shape_cast %get3A_20 : vector<1x16xf32> to vector<16xf32>
    %broadcast_in_dim3A = arith.constant 0.000000e+00 : f32
    %broadcast_in_dim3A_22 = vector.broadcast %broadcast_in_dim3A : f32 to vector<16xf32>
    %scan3A = arith.constant 0 : i32
    %scan3A_23 = arith.constant 16 : i32
    %scan3A_24 = arith.addi %scan3A, %scan3A_23 : i32
    %scan3A_25 = arith.constant 1 : i32
    %scan3A_26 = scf.for %scan3A_203 = %scan3A to %scan3A_24 step %scan3A_25 iter_args(%scan3A_204 = %broadcast_in_dim3A_22) -> (vector<16xf32>)  : i32 {
      %add3A_205 = arith.constant 0 : i32
      %add3A_206 = arith.addi %add3A_205, %scan3A_203 : i32
      %get3A_207 = arith.index_cast %add3A_206 : i32 to index
      %get3A_208 = arith.constant 0 : index
      %get3A_209 = tpu.vector_load %arg9[%get3A_207, %get3A_208] {strides = array<i32>} : memref<64x64xf32, #tpu.memory_space<vmem>>, vector<1x16xf32>,
      %get3A_210 = vector.shape_cast %get3A_209 : vector<1x16xf32> to vector<16xf32>
      %get3A_211 = arith.index_cast %add3A_206 : i32 to index
      %get3A_212 = arith.constant 16 : index
      %get3A_213 = tpu.vector_load %arg9[%get3A_211, %get3A_212] {strides = array<i32>} : memref<64x64xf32, #tpu.memory_space<vmem>>, vector<1x16xf32>,
      %get3A_214 = vector.shape_cast %get3A_213 : vector<1x16xf32> to vector<16xf32>
      %get3A_215 = arith.index_cast %add3A_206 : i32 to index
      %get3A_216 = arith.constant 32 : index
      %get3A_217 = tpu.vector_load %arg9[%get3A_215, %get3A_216] {strides = array<i32>} : memref<64x64xf32, #tpu.memory_space<vmem>>, vector<1x16xf32>,
      %get3A_218 = vector.shape_cast %get3A_217 : vector<1x16xf32> to vector<16xf32>
      %get3A_219 = arith.index_cast %add3A_206 : i32 to index
      %get3A_220 = arith.constant 48 : index
      %get3A_221 = tpu.vector_load %arg9[%get3A_219, %get3A_220] {strides = array<i32>} : memref<64x64xf32, #tpu.memory_space<vmem>>, vector<1x16xf32>,
      %get3A_222 = vector.shape_cast %get3A_221 : vector<1x16xf32> to vector<16xf32>
      %mul3A_223 = arith.mulf %get3A_6, %get3A_210 : vector<16xf32>
      %mul3A_224 = arith.mulf %get3A_11, %get3A_214 : vector<16xf32>
      %add3A_225 = arith.addf %mul3A_223, %mul3A_224 : vector<16xf32>
      %mul3A_226 = arith.mulf %get3A_16, %get3A_218 : vector<16xf32>
      %add3A_227 = arith.addf %add3A_225, %mul3A_226 : vector<16xf32>
      %mul3A_228 = arith.mulf %get3A_21, %get3A_222 : vector<16xf32>
      %add3A_229 = arith.addf %add3A_227, %mul3A_228 : vector<16xf32>
      %xor3A_230 = arith.constant 8 : i32
      %xor3A_231 = vector.broadcast %xor3A_230 : i32 to vector<16xi32>
      %xor3A_232 = arith.xori %iota3A, %xor3A_231 : vector<16xi32>
      %broadcast_in_dim3A_233 = vector.shape_cast %xor3A_232 : vector<16xi32> to vector<16x1xi32>
      %gather3A_234 = vector.shape_cast %broadcast_in_dim3A_233 : vector<16x1xi32> to vector<16xi32>
      %gather3A_235 = tpu.dynamic_gather %add3A_229[%gather3A_234] in [0] : vector<16xf32>, vector<16xi32> -> vector<16xf32>
      %add3A_236 = arith.addf %add3A_229, %gather3A_235 : vector<16xf32>
      %xor3A_237 = arith.constant 4 : i32
      %xor3A_238 = vector.broadcast %xor3A_237 : i32 to vector<16xi32>
      %xor3A_239 = arith.xori %iota3A, %xor3A_238 : vector<16xi32>
      %broadcast_in_dim3A_240 = vector.shape_cast %xor3A_239 : vector<16xi32> to vector<16x1xi32>
      %gather3A_241 = vector.shape_cast %broadcast_in_dim3A_240 : vector<16x1xi32> to vector<16xi32>
      %gather3A_242 = tpu.dynamic_gather %add3A_236[%gather3A_241] in [0] : vector<16xf32>, vector<16xi32> -> vector<16xf32>
      %add3A_243 = arith.addf %add3A_236, %gather3A_242 : vector<16xf32>
      %xor3A_244 = arith.constant 2 : i32
      %xor3A_245 = vector.broadcast %xor3A_244 : i32 to vector<16xi32>
      %xor3A_246 = arith.xori %iota3A, %xor3A_245 : vector<16xi32>
      %broadcast_in_dim3A_247 = vector.shape_cast %xor3A_246 : vector<16xi32> to vector<16x1xi32>
      %gather3A_248 = vector.shape_cast %broadcast_in_dim3A_247 : vector<16x1xi32> to vector<16xi32>
      %gather3A_249 = tpu.dynamic_gather %add3A_243[%gather3A_248] in [0] : vector<16xf32>, vector<16xi32> -> vector<16xf32>
      %add3A_250 = arith.addf %add3A_243, %gather3A_249 : vector<16xf32>
      %xor3A_251 = arith.constant 1 : i32
      %xor3A_252 = vector.broadcast %xor3A_251 : i32 to vector<16xi32>
      %xor3A_253 = arith.xori %iota3A, %xor3A_252 : vector<16xi32>
      %broadcast_in_dim3A_254 = vector.shape_cast %xor3A_253 : vector<16xi32> to vector<16x1xi32>
      %gather3A_255 = vector.shape_cast %broadcast_in_dim3A_254 : vector<16x1xi32> to vector<16xi32>
      %gather3A_256 = tpu.dynamic_gather %add3A_250[%gather3A_255] in [0] : vector<16xf32>, vector<16xi32> -> vector<16xf32>
      %add3A_257 = arith.addf %add3A_250, %gather3A_256 : vector<16xf32>
      %eq3A_258 = vector.broadcast %scan3A_203 : i32 to vector<16xi32>
      %eq3A_259 = arith.cmpi eq, %iota3A, %eq3A_258 : vector<16xi32>
      %select_n3A_260 = arith.select %eq3A_259, %add3A_257, %scan3A_204 : vector<16xi1>, vector<16xf32>
      scf.yield %select_n3A_260 : vector<16xf32>
    }
    %scan3A_27 = arith.constant 16 : i32
    %get3A_28 = arith.constant 0 : index
    %get3A_29 = tpu.vector_load %arg10[%get3A_28] {strides = array<i32>} : memref<64xf32, #tpu.memory_space<vmem>>, vector<16xf32>,
    %get3A_30 = vector.shape_cast %get3A_29 : vector<16xf32> to vector<16xf32>
    %add3A_31 = arith.addf %scan3A_26, %get3A_30 : vector<16xf32>
    %broadcast_in_dim3A_32 = arith.constant 0.000000e+00 : f32
    %broadcast_in_dim3A_33 = vector.broadcast %broadcast_in_dim3A_32 : f32 to vector<16xf32>
    %scan3A_34 = arith.constant 0 : i32
    %scan3A_35 = arith.constant 16 : i32
    %scan3A_36 = arith.addi %scan3A_34, %scan3A_35 : i32
    %scan3A_37 = arith.constant 1 : i32
    %scan3A_38 = scf.for %scan3A_203 = %scan3A_34 to %scan3A_36 step %scan3A_37 iter_args(%scan3A_204 = %broadcast_in_dim3A_33) -> (vector<16xf32>)  : i32 {
      %add3A_205 = arith.constant 16 : i32
      %add3A_206 = arith.addi %add3A_205, %scan3A_203 : i32
      %get3A_207 = arith.index_cast %add3A_206 : i32 to index
      %get3A_208 = arith.constant 0 : index
      %get3A_209 = tpu.vector_load %arg9[%get3A_207, %get3A_208] {strides = array<i32>} : memref<64x64xf32, #tpu.memory_space<vmem>>, vector<1x16xf32>,
      %get3A_210 = vector.shape_cast %get3A_209 : vector<1x16xf32> to vector<16xf32>
      %get3A_211 = arith.index_cast %add3A_206 : i32 to index
      %get3A_212 = arith.constant 16 : index
      %get3A_213 = tpu.vector_load %arg9[%get3A_211, %get3A_212] {strides = array<i32>} : memref<64x64xf32, #tpu.memory_space<vmem>>, vector<1x16xf32>,
      %get3A_214 = vector.shape_cast %get3A_213 : vector<1x16xf32> to vector<16xf32>
      %get3A_215 = arith.index_cast %add3A_206 : i32 to index
      %get3A_216 = arith.constant 32 : index
      %get3A_217 = tpu.vector_load %arg9[%get3A_215, %get3A_216] {strides = array<i32>} : memref<64x64xf32, #tpu.memory_space<vmem>>, vector<1x16xf32>,
      %get3A_218 = vector.shape_cast %get3A_217 : vector<1x16xf32> to vector<16xf32>
      %get3A_219 = arith.index_cast %add3A_206 : i32 to index
      %get3A_220 = arith.constant 48 : index
      %get3A_221 = tpu.vector_load %arg9[%get3A_219, %get3A_220] {strides = array<i32>} : memref<64x64xf32, #tpu.memory_space<vmem>>, vector<1x16xf32>,
      %get3A_222 = vector.shape_cast %get3A_221 : vector<1x16xf32> to vector<16xf32>
      %mul3A_223 = arith.mulf %get3A_6, %get3A_210 : vector<16xf32>
      %mul3A_224 = arith.mulf %get3A_11, %get3A_214 : vector<16xf32>
      %add3A_225 = arith.addf %mul3A_223, %mul3A_224 : vector<16xf32>
      %mul3A_226 = arith.mulf %get3A_16, %get3A_218 : vector<16xf32>
      %add3A_227 = arith.addf %add3A_225, %mul3A_226 : vector<16xf32>
      %mul3A_228 = arith.mulf %get3A_21, %get3A_222 : vector<16xf32>
      %add3A_229 = arith.addf %add3A_227, %mul3A_228 : vector<16xf32>
      %xor3A_230 = arith.constant 8 : i32
      %xor3A_231 = vector.broadcast %xor3A_230 : i32 to vector<16xi32>
      %xor3A_232 = arith.xori %iota3A, %xor3A_231 : vector<16xi32>
      %broadcast_in_dim3A_233 = vector.shape_cast %xor3A_232 : vector<16xi32> to vector<16x1xi32>
      %gather3A_234 = vector.shape_cast %broadcast_in_dim3A_233 : vector<16x1xi32> to vector<16xi32>
      %gather3A_235 = tpu.dynamic_gather %add3A_229[%gather3A_234] in [0] : vector<16xf32>, vector<16xi32> -> vector<16xf32>
      %add3A_236 = arith.addf %add3A_229, %gather3A_235 : vector<16xf32>
      %xor3A_237 = arith.constant 4 : i32
      %xor3A_238 = vector.broadcast %xor3A_237 : i32 to vector<16xi32>
      %xor3A_239 = arith.xori %iota3A, %xor3A_238 : vector<16xi32>
      %broadcast_in_dim3A_240 = vector.shape_cast %xor3A_239 : vector<16xi32> to vector<16x1xi32>
      %gather3A_241 = vector.shape_cast %broadcast_in_dim3A_240 : vector<16x1xi32> to vector<16xi32>
      %gather3A_242 = tpu.dynamic_gather %add3A_236[%gather3A_241] in [0] : vector<16xf32>, vector<16xi32> -> vector<16xf32>
      %add3A_243 = arith.addf %add3A_236, %gather3A_242 : vector<16xf32>
      %xor3A_244 = arith.constant 2 : i32
      %xor3A_245 = vector.broadcast %xor3A_244 : i32 to vector<16xi32>
      %xor3A_246 = arith.xori %iota3A, %xor3A_245 : vector<16xi32>
      %broadcast_in_dim3A_247 = vector.shape_cast %xor3A_246 : vector<16xi32> to vector<16x1xi32>
      %gather3A_248 = vector.shape_cast %broadcast_in_dim3A_247 : vector<16x1xi32> to vector<16xi32>
      %gather3A_249 = tpu.dynamic_gather %add3A_243[%gather3A_248] in [0] : vector<16xf32>, vector<16xi32> -> vector<16xf32>
      %add3A_250 = arith.addf %add3A_243, %gather3A_249 : vector<16xf32>
      %xor3A_251 = arith.constant 1 : i32
      %xor3A_252 = vector.broadcast %xor3A_251 : i32 to vector<16xi32>
      %xor3A_253 = arith.xori %iota3A, %xor3A_252 : vector<16xi32>
      %broadcast_in_dim3A_254 = vector.shape_cast %xor3A_253 : vector<16xi32> to vector<16x1xi32>
      %gather3A_255 = vector.shape_cast %broadcast_in_dim3A_254 : vector<16x1xi32> to vector<16xi32>
      %gather3A_256 = tpu.dynamic_gather %add3A_250[%gather3A_255] in [0] : vector<16xf32>, vector<16xi32> -> vector<16xf32>
      %add3A_257 = arith.addf %add3A_250, %gather3A_256 : vector<16xf32>
      %eq3A_258 = vector.broadcast %scan3A_203 : i32 to vector<16xi32>
      %eq3A_259 = arith.cmpi eq, %iota3A, %eq3A_258 : vector<16xi32>
      %select_n3A_260 = arith.select %eq3A_259, %add3A_257, %scan3A_204 : vector<16xi1>, vector<16xf32>
      scf.yield %select_n3A_260 : vector<16xf32>
    }
    %scan3A_39 = arith.constant 16 : i32
    %get3A_40 = arith.constant 16 : index
    %get3A_41 = tpu.vector_load %arg10[%get3A_40] {strides = array<i32>} : memref<64xf32, #tpu.memory_space<vmem>>, vector<16xf32>,
    %get3A_42 = vector.shape_cast %get3A_41 : vector<16xf32> to vector<16xf32>
    %add3A_43 = arith.addf %scan3A_38, %get3A_42 : vector<16xf32>
    %broadcast_in_dim3A_44 = arith.constant 0.000000e+00 : f32
    %broadcast_in_dim3A_45 = vector.broadcast %broadcast_in_dim3A_44 : f32 to vector<16xf32>
    %scan3A_46 = arith.constant 0 : i32
    %scan3A_47 = arith.constant 16 : i32
    %scan3A_48 = arith.addi %scan3A_46, %scan3A_47 : i32
    %scan3A_49 = arith.constant 1 : i32
    %scan3A_50 = scf.for %scan3A_203 = %scan3A_46 to %scan3A_48 step %scan3A_49 iter_args(%scan3A_204 = %broadcast_in_dim3A_45) -> (vector<16xf32>)  : i32 {
      %add3A_205 = arith.constant 32 : i32
      %add3A_206 = arith.addi %add3A_205, %scan3A_203 : i32
      %get3A_207 = arith.index_cast %add3A_206 : i32 to index
      %get3A_208 = arith.constant 0 : index
      %get3A_209 = tpu.vector_load %arg9[%get3A_207, %get3A_208] {strides = array<i32>} : memref<64x64xf32, #tpu.memory_space<vmem>>, vector<1x16xf32>,
      %get3A_210 = vector.shape_cast %get3A_209 : vector<1x16xf32> to vector<16xf32>
      %get3A_211 = arith.index_cast %add3A_206 : i32 to index
      %get3A_212 = arith.constant 16 : index
      %get3A_213 = tpu.vector_load %arg9[%get3A_211, %get3A_212] {strides = array<i32>} : memref<64x64xf32, #tpu.memory_space<vmem>>, vector<1x16xf32>,
      %get3A_214 = vector.shape_cast %get3A_213 : vector<1x16xf32> to vector<16xf32>
      %get3A_215 = arith.index_cast %add3A_206 : i32 to index
      %get3A_216 = arith.constant 32 : index
      %get3A_217 = tpu.vector_load %arg9[%get3A_215, %get3A_216] {strides = array<i32>} : memref<64x64xf32, #tpu.memory_space<vmem>>, vector<1x16xf32>,
      %get3A_218 = vector.shape_cast %get3A_217 : vector<1x16xf32> to vector<16xf32>
      %get3A_219 = arith.index_cast %add3A_206 : i32 to index
      %get3A_220 = arith.constant 48 : index
      %get3A_221 = tpu.vector_load %arg9[%get3A_219, %get3A_220] {strides = array<i32>} : memref<64x64xf32, #tpu.memory_space<vmem>>, vector<1x16xf32>,
      %get3A_222 = vector.shape_cast %get3A_221 : vector<1x16xf32> to vector<16xf32>
      %mul3A_223 = arith.mulf %get3A_6, %get3A_210 : vector<16xf32>
      %mul3A_224 = arith.mulf %get3A_11, %get3A_214 : vector<16xf32>
      %add3A_225 = arith.addf %mul3A_223, %mul3A_224 : vector<16xf32>
      %mul3A_226 = arith.mulf %get3A_16, %get3A_218 : vector<16xf32>
      %add3A_227 = arith.addf %add3A_225, %mul3A_226 : vector<16xf32>
      %mul3A_228 = arith.mulf %get3A_21, %get3A_222 : vector<16xf32>
      %add3A_229 = arith.addf %add3A_227, %mul3A_228 : vector<16xf32>
      %xor3A_230 = arith.constant 8 : i32
      %xor3A_231 = vector.broadcast %xor3A_230 : i32 to vector<16xi32>
      %xor3A_232 = arith.xori %iota3A, %xor3A_231 : vector<16xi32>
      %broadcast_in_dim3A_233 = vector.shape_cast %xor3A_232 : vector<16xi32> to vector<16x1xi32>
      %gather3A_234 = vector.shape_cast %broadcast_in_dim3A_233 : vector<16x1xi32> to vector<16xi32>
      %gather3A_235 = tpu.dynamic_gather %add3A_229[%gather3A_234] in [0] : vector<16xf32>, vector<16xi32> -> vector<16xf32>
      %add3A_236 = arith.addf %add3A_229, %gather3A_235 : vector<16xf32>
      %xor3A_237 = arith.constant 4 : i32
      %xor3A_238 = vector.broadcast %xor3A_237 : i32 to vector<16xi32>
      %xor3A_239 = arith.xori %iota3A, %xor3A_238 : vector<16xi32>
      %broadcast_in_dim3A_240 = vector.shape_cast %xor3A_239 : vector<16xi32> to vector<16x1xi32>
      %gather3A_241 = vector.shape_cast %broadcast_in_dim3A_240 : vector<16x1xi32> to vector<16xi32>
      %gather3A_242 = tpu.dynamic_gather %add3A_236[%gather3A_241] in [0] : vector<16xf32>, vector<16xi32> -> vector<16xf32>
      %add3A_243 = arith.addf %add3A_236, %gather3A_242 : vector<16xf32>
      %xor3A_244 = arith.constant 2 : i32
      %xor3A_245 = vector.broadcast %xor3A_244 : i32 to vector<16xi32>
      %xor3A_246 = arith.xori %iota3A, %xor3A_245 : vector<16xi32>
      %broadcast_in_dim3A_247 = vector.shape_cast %xor3A_246 : vector<16xi32> to vector<16x1xi32>
      %gather3A_248 = vector.shape_cast %broadcast_in_dim3A_247 : vector<16x1xi32> to vector<16xi32>
      %gather3A_249 = tpu.dynamic_gather %add3A_243[%gather3A_248] in [0] : vector<16xf32>, vector<16xi32> -> vector<16xf32>
      %add3A_250 = arith.addf %add3A_243, %gather3A_249 : vector<16xf32>
      %xor3A_251 = arith.constant 1 : i32
      %xor3A_252 = vector.broadcast %xor3A_251 : i32 to vector<16xi32>
      %xor3A_253 = arith.xori %iota3A, %xor3A_252 : vector<16xi32>
      %broadcast_in_dim3A_254 = vector.shape_cast %xor3A_253 : vector<16xi32> to vector<16x1xi32>
      %gather3A_255 = vector.shape_cast %broadcast_in_dim3A_254 : vector<16x1xi32> to vector<16xi32>
      %gather3A_256 = tpu.dynamic_gather %add3A_250[%gather3A_255] in [0] : vector<16xf32>, vector<16xi32> -> vector<16xf32>
      %add3A_257 = arith.addf %add3A_250, %gather3A_256 : vector<16xf32>
      %eq3A_258 = vector.broadcast %scan3A_203 : i32 to vector<16xi32>
      %eq3A_259 = arith.cmpi eq, %iota3A, %eq3A_258 : vector<16xi32>
      %select_n3A_260 = arith.select %eq3A_259, %add3A_257, %scan3A_204 : vector<16xi1>, vector<16xf32>
      scf.yield %select_n3A_260 : vector<16xf32>
    }
    %scan3A_51 = arith.constant 16 : i32
    %get3A_52 = arith.constant 32 : index
    %get3A_53 = tpu.vector_load %arg10[%get3A_52] {strides = array<i32>} : memref<64xf32, #tpu.memory_space<vmem>>, vector<16xf32>,
    %get3A_54 = vector.shape_cast %get3A_53 : vector<16xf32> to vector<16xf32>
    %add3A_55 = arith.addf %scan3A_50, %get3A_54 : vector<16xf32>
    %broadcast_in_dim3A_56 = arith.constant 0.000000e+00 : f32
    %broadcast_in_dim3A_57 = vector.broadcast %broadcast_in_dim3A_56 : f32 to vector<16xf32>
    %scan3A_58 = arith.constant 0 : i32
    %scan3A_59 = arith.constant 16 : i32
    %scan3A_60 = arith.addi %scan3A_58, %scan3A_59 : i32
    %scan3A_61 = arith.constant 1 : i32
    %scan3A_62 = scf.for %scan3A_203 = %scan3A_58 to %scan3A_60 step %scan3A_61 iter_args(%scan3A_204 = %broadcast_in_dim3A_57) -> (vector<16xf32>)  : i32 {
      %add3A_205 = arith.constant 48 : i32
      %add3A_206 = arith.addi %add3A_205, %scan3A_203 : i32
      %get3A_207 = arith.index_cast %add3A_206 : i32 to index
      %get3A_208 = arith.constant 0 : index
      %get3A_209 = tpu.vector_load %arg9[%get3A_207, %get3A_208] {strides = array<i32>} : memref<64x64xf32, #tpu.memory_space<vmem>>, vector<1x16xf32>,
      %get3A_210 = vector.shape_cast %get3A_209 : vector<1x16xf32> to vector<16xf32>
      %get3A_211 = arith.index_cast %add3A_206 : i32 to index
      %get3A_212 = arith.constant 16 : index
      %get3A_213 = tpu.vector_load %arg9[%get3A_211, %get3A_212] {strides = array<i32>} : memref<64x64xf32, #tpu.memory_space<vmem>>, vector<1x16xf32>,
      %get3A_214 = vector.shape_cast %get3A_213 : vector<1x16xf32> to vector<16xf32>
      %get3A_215 = arith.index_cast %add3A_206 : i32 to index
      %get3A_216 = arith.constant 32 : index
      %get3A_217 = tpu.vector_load %arg9[%get3A_215, %get3A_216] {strides = array<i32>} : memref<64x64xf32, #tpu.memory_space<vmem>>, vector<1x16xf32>,
      %get3A_218 = vector.shape_cast %get3A_217 : vector<1x16xf32> to vector<16xf32>
      %get3A_219 = arith.index_cast %add3A_206 : i32 to index
      %get3A_220 = arith.constant 48 : index
      %get3A_221 = tpu.vector_load %arg9[%get3A_219, %get3A_220] {strides = array<i32>} : memref<64x64xf32, #tpu.memory_space<vmem>>, vector<1x16xf32>,
      %get3A_222 = vector.shape_cast %get3A_221 : vector<1x16xf32> to vector<16xf32>
      %mul3A_223 = arith.mulf %get3A_6, %get3A_210 : vector<16xf32>
      %mul3A_224 = arith.mulf %get3A_11, %get3A_214 : vector<16xf32>
      %add3A_225 = arith.addf %mul3A_223, %mul3A_224 : vector<16xf32>
      %mul3A_226 = arith.mulf %get3A_16, %get3A_218 : vector<16xf32>
      %add3A_227 = arith.addf %add3A_225, %mul3A_226 : vector<16xf32>
      %mul3A_228 = arith.mulf %get3A_21, %get3A_222 : vector<16xf32>
      %add3A_229 = arith.addf %add3A_227, %mul3A_228 : vector<16xf32>
      %xor3A_230 = arith.constant 8 : i32
      %xor3A_231 = vector.broadcast %xor3A_230 : i32 to vector<16xi32>
      %xor3A_232 = arith.xori %iota3A, %xor3A_231 : vector<16xi32>
      %broadcast_in_dim3A_233 = vector.shape_cast %xor3A_232 : vector<16xi32> to vector<16x1xi32>
      %gather3A_234 = vector.shape_cast %broadcast_in_dim3A_233 : vector<16x1xi32> to vector<16xi32>
      %gather3A_235 = tpu.dynamic_gather %add3A_229[%gather3A_234] in [0] : vector<16xf32>, vector<16xi32> -> vector<16xf32>
      %add3A_236 = arith.addf %add3A_229, %gather3A_235 : vector<16xf32>
      %xor3A_237 = arith.constant 4 : i32
      %xor3A_238 = vector.broadcast %xor3A_237 : i32 to vector<16xi32>
      %xor3A_239 = arith.xori %iota3A, %xor3A_238 : vector<16xi32>
      %broadcast_in_dim3A_240 = vector.shape_cast %xor3A_239 : vector<16xi32> to vector<16x1xi32>
      %gather3A_241 = vector.shape_cast %broadcast_in_dim3A_240 : vector<16x1xi32> to vector<16xi32>
      %gather3A_242 = tpu.dynamic_gather %add3A_236[%gather3A_241] in [0] : vector<16xf32>, vector<16xi32> -> vector<16xf32>
      %add3A_243 = arith.addf %add3A_236, %gather3A_242 : vector<16xf32>
      %xor3A_244 = arith.constant 2 : i32
      %xor3A_245 = vector.broadcast %xor3A_244 : i32 to vector<16xi32>
      %xor3A_246 = arith.xori %iota3A, %xor3A_245 : vector<16xi32>
      %broadcast_in_dim3A_247 = vector.shape_cast %xor3A_246 : vector<16xi32> to vector<16x1xi32>
      %gather3A_248 = vector.shape_cast %broadcast_in_dim3A_247 : vector<16x1xi32> to vector<16xi32>
      %gather3A_249 = tpu.dynamic_gather %add3A_243[%gather3A_248] in [0] : vector<16xf32>, vector<16xi32> -> vector<16xf32>
      %add3A_250 = arith.addf %add3A_243, %gather3A_249 : vector<16xf32>
      %xor3A_251 = arith.constant 1 : i32
      %xor3A_252 = vector.broadcast %xor3A_251 : i32 to vector<16xi32>
      %xor3A_253 = arith.xori %iota3A, %xor3A_252 : vector<16xi32>
      %broadcast_in_dim3A_254 = vector.shape_cast %xor3A_253 : vector<16xi32> to vector<16x1xi32>
      %gather3A_255 = vector.shape_cast %broadcast_in_dim3A_254 : vector<16x1xi32> to vector<16xi32>
      %gather3A_256 = tpu.dynamic_gather %add3A_250[%gather3A_255] in [0] : vector<16xf32>, vector<16xi32> -> vector<16xf32>
      %add3A_257 = arith.addf %add3A_250, %gather3A_256 : vector<16xf32>
      %eq3A_258 = vector.broadcast %scan3A_203 : i32 to vector<16xi32>
      %eq3A_259 = arith.cmpi eq, %iota3A, %eq3A_258 : vector<16xi32>
      %select_n3A_260 = arith.select %eq3A_259, %add3A_257, %scan3A_204 : vector<16xi1>, vector<16xf32>
      scf.yield %select_n3A_260 : vector<16xf32>
    }
    %scan3A_63 = arith.constant 16 : i32
    %get3A_64 = arith.constant 48 : index
    %get3A_65 = tpu.vector_load %arg10[%get3A_64] {strides = array<i32>} : memref<64xf32, #tpu.memory_space<vmem>>, vector<16xf32>,
    %get3A_66 = vector.shape_cast %get3A_65 : vector<16xf32> to vector<16xf32>
    %add3A_67 = arith.addf %scan3A_62, %get3A_66 : vector<16xf32>
    %mul3A_68 = arith.mulf %add3A_31, %add3A_31 : vector<16xf32>
    %mul3A_69 = arith.mulf %add3A_43, %add3A_43 : vector<16xf32>
    %add3A_70 = arith.addf %mul3A_68, %mul3A_69 : vector<16xf32>
    %mul3A_71 = arith.mulf %add3A_55, %add3A_55 : vector<16xf32>
    %add3A_72 = arith.addf %add3A_70, %mul3A_71 : vector<16xf32>
    %mul3A_73 = arith.mulf %add3A_67, %add3A_67 : vector<16xf32>
    %add3A_74 = arith.addf %add3A_72, %mul3A_73 : vector<16xf32>
    %xor3A = arith.constant 8 : i32
    %xor3A_75 = vector.broadcast %xor3A : i32 to vector<16xi32>
    %xor3A_76 = arith.xori %iota3A, %xor3A_75 : vector<16xi32>
    %broadcast_in_dim3A_77 = vector.shape_cast %xor3A_76 : vector<16xi32> to vector<16x1xi32>
    %gather3A = vector.shape_cast %broadcast_in_dim3A_77 : vector<16x1xi32> to vector<16xi32>
    %gather3A_78 = tpu.dynamic_gather %add3A_74[%gather3A] in [0] : vector<16xf32>, vector<16xi32> -> vector<16xf32>
    %add3A_79 = arith.addf %add3A_74, %gather3A_78 : vector<16xf32>
    %xor3A_80 = arith.constant 4 : i32
    %xor3A_81 = vector.broadcast %xor3A_80 : i32 to vector<16xi32>
    %xor3A_82 = arith.xori %iota3A, %xor3A_81 : vector<16xi32>
    %broadcast_in_dim3A_83 = vector.shape_cast %xor3A_82 : vector<16xi32> to vector<16x1xi32>
    %gather3A_84 = vector.shape_cast %broadcast_in_dim3A_83 : vector<16x1xi32> to vector<16xi32>
    %gather3A_85 = tpu.dynamic_gather %add3A_79[%gather3A_84] in [0] : vector<16xf32>, vector<16xi32> -> vector<16xf32>
    %add3A_86 = arith.addf %add3A_79, %gather3A_85 : vector<16xf32>
    %xor3A_87 = arith.constant 2 : i32
    %xor3A_88 = vector.broadcast %xor3A_87 : i32 to vector<16xi32>
    %xor3A_89 = arith.xori %iota3A, %xor3A_88 : vector<16xi32>
    %broadcast_in_dim3A_90 = vector.shape_cast %xor3A_89 : vector<16xi32> to vector<16x1xi32>
    %gather3A_91 = vector.shape_cast %broadcast_in_dim3A_90 : vector<16x1xi32> to vector<16xi32>
    %gather3A_92 = tpu.dynamic_gather %add3A_86[%gather3A_91] in [0] : vector<16xf32>, vector<16xi32> -> vector<16xf32>
    %add3A_93 = arith.addf %add3A_86, %gather3A_92 : vector<16xf32>
    %xor3A_94 = arith.constant 1 : i32
    %xor3A_95 = vector.broadcast %xor3A_94 : i32 to vector<16xi32>
    %xor3A_96 = arith.xori %iota3A, %xor3A_95 : vector<16xi32>
    %broadcast_in_dim3A_97 = vector.shape_cast %xor3A_96 : vector<16xi32> to vector<16x1xi32>
    %gather3A_98 = vector.shape_cast %broadcast_in_dim3A_97 : vector<16x1xi32> to vector<16xi32>
    %gather3A_99 = tpu.dynamic_gather %add3A_93[%gather3A_98] in [0] : vector<16xf32>, vector<16xi32> -> vector<16xf32>
    %add3A_100 = arith.addf %add3A_93, %gather3A_99 : vector<16xf32>
    %broadcast_in_dim3A_101 = arith.constant -3.400000e+38 : f32
    %broadcast_in_dim3A_102 = vector.broadcast %broadcast_in_dim3A_101 : f32 to vector<16xf32>
    %swap3A = arith.constant 0 : index
    %swap3A_103 = tpu.vector_load %arg13[%swap3A] {strides = array<i32>} : memref<16xf32, #tpu.memory_space<vmem>>, vector<16xf32>,
    %swap3A_104 = vector.shape_cast %swap3A_103 : vector<16xf32> to vector<16xf32>
    %swap3A_105 = vector.shape_cast %broadcast_in_dim3A_102 : vector<16xf32> to vector<16xf32>
    tpu.vector_store %arg13[%swap3A], %swap3A_105 {strides = array<i32>} : memref<16xf32, #tpu.memory_space<vmem>>, vector<16xf32>,
    %broadcast_in_dim3A_106 = arith.constant 0 : i32
    %broadcast_in_dim3A_107 = vector.broadcast %broadcast_in_dim3A_106 : i32 to vector<16xi32>
    %swap3A_108 = arith.constant 0 : index
    %swap3A_109 = tpu.vector_load %arg14[%swap3A_108] {strides = array<i32>} : memref<16xi32, #tpu.memory_space<vmem>>, vector<16xi32>,
    %swap3A_110 = vector.shape_cast %swap3A_109 : vector<16xi32> to vector<16xi32>
    %swap3A_111 = vector.shape_cast %broadcast_in_dim3A_107 : vector<16xi32> to vector<16xi32>
    tpu.vector_store %arg14[%swap3A_108], %swap3A_111 {strides = array<i32>} : memref<16xi32, #tpu.memory_space<vmem>>, vector<16xi32>,
    %add3A_112 = arith.constant 0 : i32
    %add3A_113 = arith.addi %mul3A_2, %add3A_112 : i32
    %multiple_of3A = tpu.assume_multiple %add3A_113, 128 : i32
    %dma_start3A = arith.constant 0 : i32
    %dma_start3A_114 = tpu.memref_slice %arg5[%dma_start3A, %multiple_of3A] : memref<64x1000000xf32, #tpu.memory_space<hbm>> -> memref<64x256xf32, #tpu.memory_space<hbm>>
    %dma_start3A_115 = arith.constant 0 : i32
    %dma_start3A_116 = tpu.memref_slice %arg5[%dma_start3A_115, %multiple_of3A] : memref<64x1000000xf32, #tpu.memory_space<hbm>> -> memref<64x256xf32, #tpu.memory_space<hbm>>
    tpu.enqueue_dma source(%dma_start3A_116 : memref<64x256xf32, #tpu.memory_space<hbm>>) target(%arg11 : memref<64x256xf32, #tpu.memory_space<vmem>>) target_semaphore(%arg15 : memref<!tpu.dma_semaphore, #tpu.memory_space<semaphore_mem>>)
    %scan3A_117 = arith.constant 0 : i32
    %scan3A_118 = arith.constant 0 : i32
    %scan3A_119 = arith.constant 16 : i32
    %scan3A_120 = arith.addi %scan3A_118, %scan3A_119 : i32
    %scan3A_121 = arith.constant 1 : i32
    %scan3A_122 = scf.for %scan3A_203 = %scan3A_118 to %scan3A_120 step %scan3A_121 iter_args(%scan3A_204 = %scan3A_117) -> (i32)  : i32 {
      %rem3A = arith.constant 2 : i32
      %rem3A_205 = arith.remsi %scan3A_203, %rem3A : i32
      %mul3A_206 = arith.constant 256 : i32
      %mul3A_207 = arith.muli %scan3A_203, %mul3A_206 : i32
      %add3A_208 = arith.addi %mul3A_2, %mul3A_207 : i32
      %multiple_of3A_209 = tpu.assume_multiple %add3A_208, 128 : i32
      %add3A_210 = arith.constant 1 : i32
      %add3A_211 = arith.addi %scan3A_203, %add3A_210 : i32
      %mul3A_212 = arith.constant 256 : i32
      %mul3A_213 = arith.muli %add3A_211, %mul3A_212 : i32
      %add3A_214 = arith.addi %mul3A_2, %mul3A_213 : i32
      %multiple_of3A_215 = tpu.assume_multiple %add3A_214, 128 : i32
      %add3A_216 = arith.constant 1 : i32
      %add3A_217 = arith.addi %scan3A_203, %add3A_216 : i32
      %lt3A = arith.constant 16 : i32
      %lt3A_218 = arith.cmpi slt, %add3A_217, %lt3A : i32
      %eq3A_219 = arith.constant 0 : i32
      %eq3A_220 = arith.cmpi eq, %rem3A_205, %eq3A_219 : i32
      %and3A = arith.andi %lt3A_218, %eq3A_220 : i1
      %convert_element_type3A = arith.extui %and3A : i1 to i32
      %cond3A = arith.constant 0 : i32
      %cond3A_221 = arith.cmpi ne, %convert_element_type3A, %cond3A : i32
      scf.if %cond3A_221 {
        %dma_start3A_239 = arith.constant 0 : i32
        %dma_start3A_240 = tpu.memref_slice %arg5[%dma_start3A_239, %multiple_of3A_215] : memref<64x1000000xf32, #tpu.memory_space<hbm>> -> memref<64x256xf32, #tpu.memory_space<hbm>>
        %dma_start3A_241 = arith.constant 0 : i32
        %dma_start3A_242 = tpu.memref_slice %arg5[%dma_start3A_241, %multiple_of3A_215] : memref<64x1000000xf32, #tpu.memory_space<hbm>> -> memref<64x256xf32, #tpu.memory_space<hbm>>
        tpu.enqueue_dma source(%dma_start3A_242 : memref<64x256xf32, #tpu.memory_space<hbm>>) target(%arg12 : memref<64x256xf32, #tpu.memory_space<vmem>>) target_semaphore(%arg16 : memref<!tpu.dma_semaphore, #tpu.memory_space<semaphore_mem>>)
      } else {
      }
      %eq3A_222 = arith.constant 1 : i32
      %eq3A_223 = arith.cmpi eq, %rem3A_205, %eq3A_222 : i32
      %and3A_224 = arith.andi %lt3A_218, %eq3A_223 : i1
      %convert_element_type3A_225 = arith.extui %and3A_224 : i1 to i32
      %cond3A_226 = arith.constant 0 : i32
      %cond3A_227 = arith.cmpi ne, %convert_element_type3A_225, %cond3A_226 : i32
      scf.if %cond3A_227 {
        %dma_start3A_239 = arith.constant 0 : i32
        %dma_start3A_240 = tpu.memref_slice %arg5[%dma_start3A_239, %multiple_of3A_215] : memref<64x1000000xf32, #tpu.memory_space<hbm>> -> memref<64x256xf32, #tpu.memory_space<hbm>>
        %dma_start3A_241 = arith.constant 0 : i32
        %dma_start3A_242 = tpu.memref_slice %arg5[%dma_start3A_241, %multiple_of3A_215] : memref<64x1000000xf32, #tpu.memory_space<hbm>> -> memref<64x256xf32, #tpu.memory_space<hbm>>
        tpu.enqueue_dma source(%dma_start3A_242 : memref<64x256xf32, #tpu.memory_space<hbm>>) target(%arg11 : memref<64x256xf32, #tpu.memory_space<vmem>>) target_semaphore(%arg15 : memref<!tpu.dma_semaphore, #tpu.memory_space<semaphore_mem>>)
      } else {
      }
      %eq3A_228 = arith.constant 0 : i32
      %eq3A_229 = arith.cmpi eq, %rem3A_205, %eq3A_228 : i32
      %convert_element_type3A_230 = arith.extui %eq3A_229 : i1 to i32
      %cond3A_231 = arith.constant 0 : i32
      %cond3A_232 = arith.cmpi ne, %convert_element_type3A_230, %cond3A_231 : i32
      scf.if %cond3A_232 {
        %dma_wait3A = arith.constant 0 : i32
        %dma_wait3A_239 = tpu.memref_slice %arg5[%dma_wait3A, %multiple_of3A_209] : memref<64x1000000xf32, #tpu.memory_space<hbm>> -> memref<64x256xf32, #tpu.memory_space<hbm>>
        %dma_wait3A_240 = arith.constant 0 : i32
        %dma_wait3A_241 = tpu.memref_slice %arg5[%dma_wait3A_240, %multiple_of3A_209] : memref<64x1000000xf32, #tpu.memory_space<hbm>> -> memref<64x256xf32, #tpu.memory_space<hbm>>
        tpu.wait_dma2 semaphore(%arg15 : memref<!tpu.dma_semaphore, #tpu.memory_space<semaphore_mem>>) src(%dma_wait3A_241 : memref<64x256xf32, #tpu.memory_space<hbm>>) dst(%arg11 : memref<64x256xf32, #tpu.memory_space<vmem>>)
        %get3A_242 = arith.constant 0 : index
        %get3A_243 = tpu.vector_load %arg13[%get3A_242] {strides = array<i32>} : memref<16xf32, #tpu.memory_space<vmem>>, vector<16xf32>,
        %get3A_244 = vector.shape_cast %get3A_243 : vector<16xf32> to vector<16xf32>
        %get3A_245 = arith.constant 0 : index
        %get3A_246 = tpu.vector_load %arg14[%get3A_245] {strides = array<i32>} : memref<16xi32, #tpu.memory_space<vmem>>, vector<16xi32>,
        %get3A_247 = vector.shape_cast %get3A_246 : vector<16xi32> to vector<16xi32>
        %scan3A_248 = arith.constant 0 : i32
        %scan3A_249 = arith.constant 16 : i32
        %scan3A_250 = arith.addi %scan3A_248, %scan3A_249 : i32
        %scan3A_251 = arith.constant 1 : i32
        %scan3A_252:2 = scf.for %scan3A_262 = %scan3A_248 to %scan3A_250 step %scan3A_251 iter_args(%scan3A_263 = %get3A_244, %scan3A_264 = %get3A_247) -> (vector<16xf32>, vector<16xi32>)  : i32 {
          %mul3A_265 = arith.constant 16 : i32
          %mul3A_266 = arith.muli %scan3A_262, %mul3A_265 : i32
          %broadcast_in_dim3A_267 = arith.constant 0.000000e+00 : f32
          %broadcast_in_dim3A_268 = vector.broadcast %broadcast_in_dim3A_267 : f32 to vector<16xf32>
          %broadcast_in_dim3A_269 = arith.constant 0.000000e+00 : f32
          %broadcast_in_dim3A_270 = vector.broadcast %broadcast_in_dim3A_269 : f32 to vector<16xf32>
          %broadcast_in_dim3A_271 = arith.constant 0.000000e+00 : f32
          %broadcast_in_dim3A_272 = vector.broadcast %broadcast_in_dim3A_271 : f32 to vector<16xf32>
          %broadcast_in_dim3A_273 = arith.constant 0.000000e+00 : f32
          %broadcast_in_dim3A_274 = vector.broadcast %broadcast_in_dim3A_273 : f32 to vector<16xf32>
          %broadcast_in_dim3A_275 = arith.constant 0.000000e+00 : f32
          %broadcast_in_dim3A_276 = vector.broadcast %broadcast_in_dim3A_275 : f32 to vector<16xf32>
          %broadcast_in_dim3A_277 = arith.constant 0.000000e+00 : f32
          %broadcast_in_dim3A_278 = vector.broadcast %broadcast_in_dim3A_277 : f32 to vector<16xf32>
          %broadcast_in_dim3A_279 = arith.constant 0.000000e+00 : f32
          %broadcast_in_dim3A_280 = vector.broadcast %broadcast_in_dim3A_279 : f32 to vector<16xf32>
          %broadcast_in_dim3A_281 = arith.constant 0.000000e+00 : f32
          %broadcast_in_dim3A_282 = vector.broadcast %broadcast_in_dim3A_281 : f32 to vector<16xf32>
          %get3A_283 = arith.constant 0 : i32
          %get3A_284 = arith.index_cast %get3A_283 : i32 to index
          %get3A_285 = arith.index_cast %mul3A_266 : i32 to index
          %get3A_286 = tpu.vector_load %arg11[%get3A_284, %get3A_285] {strides = array<i32>} : memref<64x256xf32, #tpu.memory_space<vmem>>, vector<1x16xf32>,
          %get3A_287 = vector.shape_cast %get3A_286 : vector<1x16xf32> to vector<16xf32>
          %broadcast_in_dim3A_288 = arith.constant 0 : i32
          %broadcast_in_dim3A_289 = vector.broadcast %broadcast_in_dim3A_288 : i32 to vector<16xi32>
          %broadcast_in_dim3A_290 = vector.shape_cast %broadcast_in_dim3A_289 : vector<16xi32> to vector<16x1xi32>
          %gather3A_291 = vector.shape_cast %broadcast_in_dim3A_290 : vector<16x1xi32> to vector<16xi32>
          %gather3A_292 = tpu.dynamic_gather %add3A_31[%gather3A_291] in [0] : vector<16xf32>, vector<16xi32> -> vector<16xf32>
          %mul3A_293 = arith.mulf %get3A_287, %gather3A_292 : vector<16xf32>
          %add3A_294 = arith.addf %broadcast_in_dim3A_268, %mul3A_293 : vector<16xf32>
          %mul3A_295 = arith.mulf %get3A_287, %get3A_287 : vector<16xf32>
          %add3A_296 = arith.addf %broadcast_in_dim3A_276, %mul3A_295 : vector<16xf32>
          %get3A_297 = arith.constant 1 : i32
          %get3A_298 = arith.index_cast %get3A_297 : i32 to index
          %get3A_299 = arith.index_cast %mul3A_266 : i32 to index
          %get3A_300 = tpu.vector_load %arg11[%get3A_298, %get3A_299] {strides = array<i32>} : memref<64x256xf32, #tpu.memory_space<vmem>>, vector<1x16xf32>,
          %get3A_301 = vector.shape_cast %get3A_300 : vector<1x16xf32> to vector<16xf32>
          %broadcast_in_dim3A_302 = arith.constant 1 : i32
          %broadcast_in_dim3A_303 = vector.broadcast %broadcast_in_dim3A_302 : i32 to vector<16xi32>
          %broadcast_in_dim3A_304 = vector.shape_cast %broadcast_in_dim3A_303 : vector<16xi32> to vector<16x1xi32>
          %gather3A_305 = vector.shape_cast %broadcast_in_dim3A_304 : vector<16x1xi32> to vector<16xi32>
          %gather3A_306 = tpu.dynamic_gather %add3A_31[%gather3A_305] in [0] : vector<16xf32>, vector<16xi32> -> vector<16xf32>
          %mul3A_307 = arith.mulf %get3A_301, %gather3A_306 : vector<16xf32>
          %add3A_308 = arith.addf %broadcast_in_dim3A_270, %mul3A_307 : vector<16xf32>
          %mul3A_309 = arith.mulf %get3A_301, %get3A_301 : vector<16xf32>
          %add3A_310 = arith.addf %broadcast_in_dim3A_278, %mul3A_309 : vector<16xf32>
          %get3A_311 = arith.constant 2 : i32
          %get3A_312 = arith.index_cast %get3A_311 : i32 to index
          %get3A_313 = arith.index_cast %mul3A_266 : i32 to index
          %get3A_314 = tpu.vector_load %arg11[%get3A_312, %get3A_313] {strides = array<i32>} : memref<64x256xf32, #tpu.memory_space<vmem>>, vector<1x16xf32>,
          %get3A_315 = vector.shape_cast %get3A_314 : vector<1x16xf32> to vector<16xf32>
          %broadcast_in_dim3A_316 = arith.constant 2 : i32
          %broadcast_in_dim3A_317 = vector.broadcast %broadcast_in_dim3A_316 : i32 to vector<16xi32>
          %broadcast_in_dim3A_318 = vector.shape_cast %broadcast_in_dim3A_317 : vector<16xi32> to vector<16x1xi32>
          %gather3A_319 = vector.shape_cast %broadcast_in_dim3A_318 : vector<16x1xi32> to vector<16xi32>
          %gather3A_320 = tpu.dynamic_gather %add3A_31[%gather3A_319] in [0] : vector<16xf32>, vector<16xi32> -> vector<16xf32>
          %mul3A_321 = arith.mulf %get3A_315, %gather3A_320 : vector<16xf32>
          %add3A_322 = arith.addf %broadcast_in_dim3A_272, %mul3A_321 : vector<16xf32>
          %mul3A_323 = arith.mulf %get3A_315, %get3A_315 : vector<16xf32>
          %add3A_324 = arith.addf %broadcast_in_dim3A_280, %mul3A_323 : vector<16xf32>
          %get3A_325 = arith.constant 3 : i32
          %get3A_326 = arith.index_cast %get3A_325 : i32 to index
          %get3A_327 = arith.index_cast %mul3A_266 : i32 to index
          %get3A_328 = tpu.vector_load %arg11[%get3A_326, %get3A_327] {strides = array<i32>} : memref<64x256xf32, #tpu.memory_space<vmem>>, vector<1x16xf32>,
          %get3A_329 = vector.shape_cast %get3A_328 : vector<1x16xf32> to vector<16xf32>
          %broadcast_in_dim3A_330 = arith.constant 3 : i32
          %broadcast_in_dim3A_331 = vector.broadcast %broadcast_in_dim3A_330 : i32 to vector<16xi32>
          %broadcast_in_dim3A_332 = vector.shape_cast %broadcast_in_dim3A_331 : vector<16xi32> to vector<16x1xi32>
          %gather3A_333 = vector.shape_cast %broadcast_in_dim3A_332 : vector<16x1xi32> to vector<16xi32>
          %gather3A_334 = tpu.dynamic_gather %add3A_31[%gather3A_333] in [0] : vector<16xf32>, vector<16xi32> -> vector<16xf32>
          %mul3A_335 = arith.mulf %get3A_329, %gather3A_334 : vector<16xf32>
          %add3A_336 = arith.addf %broadcast_in_dim3A_274, %mul3A_335 : vector<16xf32>
          %mul3A_337 = arith.mulf %get3A_329, %get3A_329 : vector<16xf32>
          %add3A_338 = arith.addf %broadcast_in_dim3A_282, %mul3A_337 : vector<16xf32>
          %get3A_339 = arith.constant 4 : i32
          %get3A_340 = arith.index_cast %get3A_339 : i32 to index
          %get3A_341 = arith.index_cast %mul3A_266 : i32 to index
          %get3A_342 = tpu.vector_load %arg11[%get3A_340, %get3A_341] {strides = array<i32>} : memref<64x256xf32, #tpu.memory_space<vmem>>, vector<1x16xf32>,
          %get3A_343 = vector.shape_cast %get3A_342 : vector<1x16xf32> to vector<16xf32>
          %broadcast_in_dim3A_344 = arith.constant 4 : i32
          %broadcast_in_dim3A_345 = vector.broadcast %broadcast_in_dim3A_344 : i32 to vector<16xi32>
          %broadcast_in_dim3A_346 = vector.shape_cast %broadcast_in_dim3A_345 : vector<16xi32> to vector<16x1xi32>
          %gather3A_347 = vector.shape_cast %broadcast_in_dim3A_346 : vector<16x1xi32> to vector<16xi32>
          %gather3A_348 = tpu.dynamic_gather %add3A_31[%gather3A_347] in [0] : vector<16xf32>, vector<16xi32> -> vector<16xf32>
          %mul3A_349 = arith.mulf %get3A_343, %gather3A_348 : vector<16xf32>
          %add3A_350 = arith.addf %add3A_294, %mul3A_349 : vector<16xf32>
          %mul3A_351 = arith.mulf %get3A_343, %get3A_343 : vector<16xf32>
          %add3A_352 = arith.addf %add3A_296, %mul3A_351 : vector<16xf32>
          %get3A_353 = arith.constant 5 : i32
          %get3A_354 = arith.index_cast %get3A_353 : i32 to index
          %get3A_355 = arith.index_cast %mul3A_266 : i32 to index
          %get3A_356 = tpu.vector_load %arg11[%get3A_354, %get3A_355] {strides = array<i32>} : memref<64x256xf32, #tpu.memory_space<vmem>>, vector<1x16xf32>,
          %get3A_357 = vector.shape_cast %get3A_356 : vector<1x16xf32> to vector<16xf32>
          %broadcast_in_dim3A_358 = arith.constant 5 : i32
          %broadcast_in_dim3A_359 = vector.broadcast %broadcast_in_dim3A_358 : i32 to vector<16xi32>
          %broadcast_in_dim3A_360 = vector.shape_cast %broadcast_in_dim3A_359 : vector<16xi32> to vector<16x1xi32>
          %gather3A_361 = vector.shape_cast %broadcast_in_dim3A_360 : vector<16x1xi32> to vector<16xi32>
          %gather3A_362 = tpu.dynamic_gather %add3A_31[%gather3A_361] in [0] : vector<16xf32>, vector<16xi32> -> vector<16xf32>
          %mul3A_363 = arith.mulf %get3A_357, %gather3A_362 : vector<16xf32>
          %add3A_364 = arith.addf %add3A_308, %mul3A_363 : vector<16xf32>
          %mul3A_365 = arith.mulf %get3A_357, %get3A_357 : vector<16xf32>
          %add3A_366 = arith.addf %add3A_310, %mul3A_365 : vector<16xf32>
          %get3A_367 = arith.constant 6 : i32
          %get3A_368 = arith.index_cast %get3A_367 : i32 to index
          %get3A_369 = arith.index_cast %mul3A_266 : i32 to index
          %get3A_370 = tpu.vector_load %arg11[%get3A_368, %get3A_369] {strides = array<i32>} : memref<64x256xf32, #tpu.memory_space<vmem>>, vector<1x16xf32>,
          %get3A_371 = vector.shape_cast %get3A_370 : vector<1x16xf32> to vector<16xf32>
          %broadcast_in_dim3A_372 = arith.constant 6 : i32
          %broadcast_in_dim3A_373 = vector.broadcast %broadcast_in_dim3A_372 : i32 to vector<16xi32>
          %broadcast_in_dim3A_374 = vector.shape_cast %broadcast_in_dim3A_373 : vector<16xi32> to vector<16x1xi32>
          %gather3A_375 = vector.shape_cast %broadcast_in_dim3A_374 : vector<16x1xi32> to vector<16xi32>
          %gather3A_376 = tpu.dynamic_gather %add3A_31[%gather3A_375] in [0] : vector<16xf32>, vector<16xi32> -> vector<16xf32>
          %mul3A_377 = arith.mulf %get3A_371, %gather3A_376 : vector<16xf32>
          %add3A_378 = arith.addf %add3A_322, %mul3A_377 : vector<16xf32>
          %mul3A_379 = arith.mulf %get3A_371, %get3A_371 : vector<16xf32>
          %add3A_380 = arith.addf %add3A_324, %mul3A_379 : vector<16xf32>
          %get3A_381 = arith.constant 7 : i32
          %get3A_382 = arith.index_cast %get3A_381 : i32 to index
          %get3A_383 = arith.index_cast %mul3A_266 : i32 to index
          %get3A_384 = tpu.vector_load %arg11[%get3A_382, %get3A_383] {strides = array<i32>} : memref<64x256xf32, #tpu.memory_space<vmem>>, vector<1x16xf32>,
          %get3A_385 = vector.shape_cast %get3A_384 : vector<1x16xf32> to vector<16xf32>
          %broadcast_in_dim3A_386 = arith.constant 7 : i32
          %broadcast_in_dim3A_387 = vector.broadcast %broadcast_in_dim3A_386 : i32 to vector<16xi32>
          %broadcast_in_dim3A_388 = vector.shape_cast %broadcast_in_dim3A_387 : vector<16xi32> to vector<16x1xi32>
          %gather3A_389 = vector.shape_cast %broadcast_in_dim3A_388 : vector<16x1xi32> to vector<16xi32>
          %gather3A_390 = tpu.dynamic_gather %add3A_31[%gather3A_389] in [0] : vector<16xf32>, vector<16xi32> -> vector<16xf32>
          %mul3A_391 = arith.mulf %get3A_385, %gather3A_390 : vector<16xf32>
          %add3A_392 = arith.addf %add3A_336, %mul3A_391 : vector<16xf32>
          %mul3A_393 = arith.mulf %get3A_385, %get3A_385 : vector<16xf32>
          %add3A_394 = arith.addf %add3A_338, %mul3A_393 : vector<16xf32>
          %get3A_395 = arith.constant 8 : i32
          %get3A_396 = arith.index_cast %get3A_395 : i32 to index
          %get3A_397 = arith.index_cast %mul3A_266 : i32 to index
          %get3A_398 = tpu.vector_load %arg11[%get3A_396, %get3A_397] {strides = array<i32>} : memref<64x256xf32, #tpu.memory_space<vmem>>, vector<1x16xf32>,
          %get3A_399 = vector.shape_cast %get3A_398 : vector<1x16xf32> to vector<16xf32>
          %broadcast_in_dim3A_400 = arith.constant 8 : i32
          %broadcast_in_dim3A_401 = vector.broadcast %broadcast_in_dim3A_400 : i32 to vector<16xi32>
          %broadcast_in_dim3A_402 = vector.shape_cast %broadcast_in_dim3A_401 : vector<16xi32> to vector<16x1xi32>
          %gather3A_403 = vector.shape_cast %broadcast_in_dim3A_402 : vector<16x1xi32> to vector<16xi32>
          %gather3A_404 = tpu.dynamic_gather %add3A_31[%gather3A_403] in [0] : vector<16xf32>, vector<16xi32> -> vector<16xf32>
          %mul3A_405 = arith.mulf %get3A_399, %gather3A_404 : vector<16xf32>
          %add3A_406 = arith.addf %add3A_350, %mul3A_405 : vector<16xf32>
          %mul3A_407 = arith.mulf %get3A_399, %get3A_399 : vector<16xf32>
          %add3A_408 = arith.addf %add3A_352, %mul3A_407 : vector<16xf32>
          %get3A_409 = arith.constant 9 : i32
          %get3A_410 = arith.index_cast %get3A_409 : i32 to index
          %get3A_411 = arith.index_cast %mul3A_266 : i32 to index
          %get3A_412 = tpu.vector_load %arg11[%get3A_410, %get3A_411] {strides = array<i32>} : memref<64x256xf32, #tpu.memory_space<vmem>>, vector<1x16xf32>,
          %get3A_413 = vector.shape_cast %get3A_412 : vector<1x16xf32> to vector<16xf32>
          %broadcast_in_dim3A_414 = arith.constant 9 : i32
          %broadcast_in_dim3A_415 = vector.broadcast %broadcast_in_dim3A_414 : i32 to vector<16xi32>
          %broadcast_in_dim3A_416 = vector.shape_cast %broadcast_in_dim3A_415 : vector<16xi32> to vector<16x1xi32>
          %gather3A_417 = vector.shape_cast %broadcast_in_dim3A_416 : vector<16x1xi32> to vector<16xi32>
          %gather3A_418 = tpu.dynamic_gather %add3A_31[%gather3A_417] in [0] : vector<16xf32>, vector<16xi32> -> vector<16xf32>
          %mul3A_419 = arith.mulf %get3A_413, %gather3A_418 : vector<16xf32>
          %add3A_420 = arith.addf %add3A_364, %mul3A_419 : vector<16xf32>
          %mul3A_421 = arith.mulf %get3A_413, %get3A_413 : vector<16xf32>
          %add3A_422 = arith.addf %add3A_366, %mul3A_421 : vector<16xf32>
          %get3A_423 = arith.constant 10 : i32
          %get3A_424 = arith.index_cast %get3A_423 : i32 to index
          %get3A_425 = arith.index_cast %mul3A_266 : i32 to index
          %get3A_426 = tpu.vector_load %arg11[%get3A_424, %get3A_425] {strides = array<i32>} : memref<64x256xf32, #tpu.memory_space<vmem>>, vector<1x16xf32>,
          %get3A_427 = vector.shape_cast %get3A_426 : vector<1x16xf32> to vector<16xf32>
          %broadcast_in_dim3A_428 = arith.constant 10 : i32
          %broadcast_in_dim3A_429 = vector.broadcast %broadcast_in_dim3A_428 : i32 to vector<16xi32>
          %broadcast_in_dim3A_430 = vector.shape_cast %broadcast_in_dim3A_429 : vector<16xi32> to vector<16x1xi32>
          %gather3A_431 = vector.shape_cast %broadcast_in_dim3A_430 : vector<16x1xi32> to vector<16xi32>
          %gather3A_432 = tpu.dynamic_gather %add3A_31[%gather3A_431] in [0] : vector<16xf32>, vector<16xi32> -> vector<16xf32>
          %mul3A_433 = arith.mulf %get3A_427, %gather3A_432 : vector<16xf32>
          %add3A_434 = arith.addf %add3A_378, %mul3A_433 : vector<16xf32>
          %mul3A_435 = arith.mulf %get3A_427, %get3A_427 : vector<16xf32>
          %add3A_436 = arith.addf %add3A_380, %mul3A_435 : vector<16xf32>
          %get3A_437 = arith.constant 11 : i32
          %get3A_438 = arith.index_cast %get3A_437 : i32 to index
          %get3A_439 = arith.index_cast %mul3A_266 : i32 to index
          %get3A_440 = tpu.vector_load %arg11[%get3A_438, %get3A_439] {strides = array<i32>} : memref<64x256xf32, #tpu.memory_space<vmem>>, vector<1x16xf32>,
          %get3A_441 = vector.shape_cast %get3A_440 : vector<1x16xf32> to vector<16xf32>
          %broadcast_in_dim3A_442 = arith.constant 11 : i32
          %broadcast_in_dim3A_443 = vector.broadcast %broadcast_in_dim3A_442 : i32 to vector<16xi32>
          %broadcast_in_dim3A_444 = vector.shape_cast %broadcast_in_dim3A_443 : vector<16xi32> to vector<16x1xi32>
          %gather3A_445 = vector.shape_cast %broadcast_in_dim3A_444 : vector<16x1xi32> to vector<16xi32>
          %gather3A_446 = tpu.dynamic_gather %add3A_31[%gather3A_445] in [0] : vector<16xf32>, vector<16xi32> -> vector<16xf32>
          %mul3A_447 = arith.mulf %get3A_441, %gather3A_446 : vector<16xf32>
          %add3A_448 = arith.addf %add3A_392, %mul3A_447 : vector<16xf32>
          %mul3A_449 = arith.mulf %get3A_441, %get3A_441 : vector<16xf32>
          %add3A_450 = arith.addf %add3A_394, %mul3A_449 : vector<16xf32>
          %get3A_451 = arith.constant 12 : i32
          %get3A_452 = arith.index_cast %get3A_451 : i32 to index
          %get3A_453 = arith.index_cast %mul3A_266 : i32 to index
          %get3A_454 = tpu.vector_load %arg11[%get3A_452, %get3A_453] {strides = array<i32>} : memref<64x256xf32, #tpu.memory_space<vmem>>, vector<1x16xf32>,
          %get3A_455 = vector.shape_cast %get3A_454 : vector<1x16xf32> to vector<16xf32>
          %broadcast_in_dim3A_456 = arith.constant 12 : i32
          %broadcast_in_dim3A_457 = vector.broadcast %broadcast_in_dim3A_456 : i32 to vector<16xi32>
          %broadcast_in_dim3A_458 = vector.shape_cast %broadcast_in_dim3A_457 : vector<16xi32> to vector<16x1xi32>
          %gather3A_459 = vector.shape_cast %broadcast_in_dim3A_458 : vector<16x1xi32> to vector<16xi32>
          %gather3A_460 = tpu.dynamic_gather %add3A_31[%gather3A_459] in [0] : vector<16xf32>, vector<16xi32> -> vector<16xf32>
          %mul3A_461 = arith.mulf %get3A_455, %gather3A_460 : vector<16xf32>
          %add3A_462 = arith.addf %add3A_406, %mul3A_461 : vector<16xf32>
          %mul3A_463 = arith.mulf %get3A_455, %get3A_455 : vector<16xf32>
          %add3A_464 = arith.addf %add3A_408, %mul3A_463 : vector<16xf32>
          %get3A_465 = arith.constant 13 : i32
          %get3A_466 = arith.index_cast %get3A_465 : i32 to index
          %get3A_467 = arith.index_cast %mul3A_266 : i32 to index
          %get3A_468 = tpu.vector_load %arg11[%get3A_466, %get3A_467] {strides = array<i32>} : memref<64x256xf32, #tpu.memory_space<vmem>>, vector<1x16xf32>,
          %get3A_469 = vector.shape_cast %get3A_468 : vector<1x16xf32> to vector<16xf32>
          %broadcast_in_dim3A_470 = arith.constant 13 : i32
          %broadcast_in_dim3A_471 = vector.broadcast %broadcast_in_dim3A_470 : i32 to vector<16xi32>
          %broadcast_in_dim3A_472 = vector.shape_cast %broadcast_in_dim3A_471 : vector<16xi32> to vector<16x1xi32>
          %gather3A_473 = vector.shape_cast %broadcast_in_dim3A_472 : vector<16x1xi32> to vector<16xi32>
          %gather3A_474 = tpu.dynamic_gather %add3A_31[%gather3A_473] in [0] : vector<16xf32>, vector<16xi32> -> vector<16xf32>
          %mul3A_475 = arith.mulf %get3A_469, %gather3A_474 : vector<16xf32>
          %add3A_476 = arith.addf %add3A_420, %mul3A_475 : vector<16xf32>
          %mul3A_477 = arith.mulf %get3A_469, %get3A_469 : vector<16xf32>
          %add3A_478 = arith.addf %add3A_422, %mul3A_477 : vector<16xf32>
          %get3A_479 = arith.constant 14 : i32
          %get3A_480 = arith.index_cast %get3A_479 : i32 to index
          %get3A_481 = arith.index_cast %mul3A_266 : i32 to index
          %get3A_482 = tpu.vector_load %arg11[%get3A_480, %get3A_481] {strides = array<i32>} : memref<64x256xf32, #tpu.memory_space<vmem>>, vector<1x16xf32>,
          %get3A_483 = vector.shape_cast %get3A_482 : vector<1x16xf32> to vector<16xf32>
          %broadcast_in_dim3A_484 = arith.constant 14 : i32
          %broadcast_in_dim3A_485 = vector.broadcast %broadcast_in_dim3A_484 : i32 to vector<16xi32>
          %broadcast_in_dim3A_486 = vector.shape_cast %broadcast_in_dim3A_485 : vector<16xi32> to vector<16x1xi32>
          %gather3A_487 = vector.shape_cast %broadcast_in_dim3A_486 : vector<16x1xi32> to vector<16xi32>
          %gather3A_488 = tpu.dynamic_gather %add3A_31[%gather3A_487] in [0] : vector<16xf32>, vector<16xi32> -> vector<16xf32>
          %mul3A_489 = arith.mulf %get3A_483, %gather3A_488 : vector<16xf32>
          %add3A_490 = arith.addf %add3A_434, %mul3A_489 : vector<16xf32>
          %mul3A_491 = arith.mulf %get3A_483, %get3A_483 : vector<16xf32>
          %add3A_492 = arith.addf %add3A_436, %mul3A_491 : vector<16xf32>
          %get3A_493 = arith.constant 15 : i32
          %get3A_494 = arith.index_cast %get3A_493 : i32 to index
          %get3A_495 = arith.index_cast %mul3A_266 : i32 to index
          %get3A_496 = tpu.vector_load %arg11[%get3A_494, %get3A_495] {strides = array<i32>} : memref<64x256xf32, #tpu.memory_space<vmem>>, vector<1x16xf32>,
          %get3A_497 = vector.shape_cast %get3A_496 : vector<1x16xf32> to vector<16xf32>
          %broadcast_in_dim3A_498 = arith.constant 15 : i32
          %broadcast_in_dim3A_499 = vector.broadcast %broadcast_in_dim3A_498 : i32 to vector<16xi32>
          %broadcast_in_dim3A_500 = vector.shape_cast %broadcast_in_dim3A_499 : vector<16xi32> to vector<16x1xi32>
          %gather3A_501 = vector.shape_cast %broadcast_in_dim3A_500 : vector<16x1xi32> to vector<16xi32>
          %gather3A_502 = tpu.dynamic_gather %add3A_31[%gather3A_501] in [0] : vector<16xf32>, vector<16xi32> -> vector<16xf32>
          %mul3A_503 = arith.mulf %get3A_497, %gather3A_502 : vector<16xf32>
          %add3A_504 = arith.addf %add3A_448, %mul3A_503 : vector<16xf32>
          %mul3A_505 = arith.mulf %get3A_497, %get3A_497 : vector<16xf32>
          %add3A_506 = arith.addf %add3A_450, %mul3A_505 : vector<16xf32>
          %get3A_507 = arith.constant 16 : i32
          %get3A_508 = arith.index_cast %get3A_507 : i32 to index
          %get3A_509 = arith.index_cast %mul3A_266 : i32 to index
          %get3A_510 = tpu.vector_load %arg11[%get3A_508, %get3A_509] {strides = array<i32>} : memref<64x256xf32, #tpu.memory_space<vmem>>, vector<1x16xf32>,
          %get3A_511 = vector.shape_cast %get3A_510 : vector<1x16xf32> to vector<16xf32>
          %broadcast_in_dim3A_512 = arith.constant 0 : i32
          %broadcast_in_dim3A_513 = vector.broadcast %broadcast_in_dim3A_512 : i32 to vector<16xi32>
          %broadcast_in_dim3A_514 = vector.shape_cast %broadcast_in_dim3A_513 : vector<16xi32> to vector<16x1xi32>
          %gather3A_515 = vector.shape_cast %broadcast_in_dim3A_514 : vector<16x1xi32> to vector<16xi32>
          %gather3A_516 = tpu.dynamic_gather %add3A_43[%gather3A_515] in [0] : vector<16xf32>, vector<16xi32> -> vector<16xf32>
          %mul3A_517 = arith.mulf %get3A_511, %gather3A_516 : vector<16xf32>
          %add3A_518 = arith.addf %add3A_462, %mul3A_517 : vector<16xf32>
          %mul3A_519 = arith.mulf %get3A_511, %get3A_511 : vector<16xf32>
          %add3A_520 = arith.addf %add3A_464, %mul3A_519 : vector<16xf32>
          %get3A_521 = arith.constant 17 : i32
          %get3A_522 = arith.index_cast %get3A_521 : i32 to index
          %get3A_523 = arith.index_cast %mul3A_266 : i32 to index
          %get3A_524 = tpu.vector_load %arg11[%get3A_522, %get3A_523] {strides = array<i32>} : memref<64x256xf32, #tpu.memory_space<vmem>>, vector<1x16xf32>,
          %get3A_525 = vector.shape_cast %get3A_524 : vector<1x16xf32> to vector<16xf32>
          %broadcast_in_dim3A_526 = arith.constant 1 : i32
          %broadcast_in_dim3A_527 = vector.broadcast %broadcast_in_dim3A_526 : i32 to vector<16xi32>
          %broadcast_in_dim3A_528 = vector.shape_cast %broadcast_in_dim3A_527 : vector<16xi32> to vector<16x1xi32>
          %gather3A_529 = vector.shape_cast %broadcast_in_dim3A_528 : vector<16x1xi32> to vector<16xi32>
          %gather3A_530 = tpu.dynamic_gather %add3A_43[%gather3A_529] in [0] : vector<16xf32>, vector<16xi32> -> vector<16xf32>
          %mul3A_531 = arith.mulf %get3A_525, %gather3A_530 : vector<16xf32>
          %add3A_532 = arith.addf %add3A_476, %mul3A_531 : vector<16xf32>
          %mul3A_533 = arith.mulf %get3A_525, %get3A_525 : vector<16xf32>
          %add3A_534 = arith.addf %add3A_478, %mul3A_533 : vector<16xf32>
          %get3A_535 = arith.constant 18 : i32
          %get3A_536 = arith.index_cast %get3A_535 : i32 to index
          %get3A_537 = arith.index_cast %mul3A_266 : i32 to index
          %get3A_538 = tpu.vector_load %arg11[%get3A_536, %get3A_537] {strides = array<i32>} : memref<64x256xf32, #tpu.memory_space<vmem>>, vector<1x16xf32>,
          %get3A_539 = vector.shape_cast %get3A_538 : vector<1x16xf32> to vector<16xf32>
          %broadcast_in_dim3A_540 = arith.constant 2 : i32
          %broadcast_in_dim3A_541 = vector.broadcast %broadcast_in_dim3A_540 : i32 to vector<16xi32>
          %broadcast_in_dim3A_542 = vector.shape_cast %broadcast_in_dim3A_541 : vector<16xi32> to vector<16x1xi32>
          %gather3A_543 = vector.shape_cast %broadcast_in_dim3A_542 : vector<16x1xi32> to vector<16xi32>
          %gather3A_544 = tpu.dynamic_gather %add3A_43[%gather3A_543] in [0] : vector<16xf32>, vector<16xi32> -> vector<16xf32>
          %mul3A_545 = arith.mulf %get3A_539, %gather3A_544 : vector<16xf32>
          %add3A_546 = arith.addf %add3A_490, %mul3A_545 : vector<16xf32>
          %mul3A_547 = arith.mulf %get3A_539, %get3A_539 : vector<16xf32>
          %add3A_548 = arith.addf %add3A_492, %mul3A_547 : vector<16xf32>
          %get3A_549 = arith.constant 19 : i32
          %get3A_550 = arith.index_cast %get3A_549 : i32 to index
          %get3A_551 = arith.index_cast %mul3A_266 : i32 to index
          %get3A_552 = tpu.vector_load %arg11[%get3A_550, %get3A_551] {strides = array<i32>} : memref<64x256xf32, #tpu.memory_space<vmem>>, vector<1x16xf32>,
          %get3A_553 = vector.shape_cast %get3A_552 : vector<1x16xf32> to vector<16xf32>
          %broadcast_in_dim3A_554 = arith.constant 3 : i32
          %broadcast_in_dim3A_555 = vector.broadcast %broadcast_in_dim3A_554 : i32 to vector<16xi32>
          %broadcast_in_dim3A_556 = vector.shape_cast %broadcast_in_dim3A_555 : vector<16xi32> to vector<16x1xi32>
          %gather3A_557 = vector.shape_cast %broadcast_in_dim3A_556 : vector<16x1xi32> to vector<16xi32>
          %gather3A_558 = tpu.dynamic_gather %add3A_43[%gather3A_557] in [0] : vector<16xf32>, vector<16xi32> -> vector<16xf32>
          %mul3A_559 = arith.mulf %get3A_553, %gather3A_558 : vector<16xf32>
          %add3A_560 = arith.addf %add3A_504, %mul3A_559 : vector<16xf32>
          %mul3A_561 = arith.mulf %get3A_553, %get3A_553 : vector<16xf32>
          %add3A_562 = arith.addf %add3A_506, %mul3A_561 : vector<16xf32>
          %get3A_563 = arith.constant 20 : i32
          %get3A_564 = arith.index_cast %get3A_563 : i32 to index
          %get3A_565 = arith.index_cast %mul3A_266 : i32 to index
          %get3A_566 = tpu.vector_load %arg11[%get3A_564, %get3A_565] {strides = array<i32>} : memref<64x256xf32, #tpu.memory_space<vmem>>, vector<1x16xf32>,
          %get3A_567 = vector.shape_cast %get3A_566 : vector<1x16xf32> to vector<16xf32>
          %broadcast_in_dim3A_568 = arith.constant 4 : i32
          %broadcast_in_dim3A_569 = vector.broadcast %broadcast_in_dim3A_568 : i32 to vector<16xi32>
          %broadcast_in_dim3A_570 = vector.shape_cast %broadcast_in_dim3A_569 : vector<16xi32> to vector<16x1xi32>
          %gather3A_571 = vector.shape_cast %broadcast_in_dim3A_570 : vector<16x1xi32> to vector<16xi32>
          %gather3A_572 = tpu.dynamic_gather %add3A_43[%gather3A_571] in [0] : vector<16xf32>, vector<16xi32> -> vector<16xf32>
          %mul3A_573 = arith.mulf %get3A_567, %gather3A_572 : vector<16xf32>
          %add3A_574 = arith.addf %add3A_518, %mul3A_573 : vector<16xf32>
          %mul3A_575 = arith.mulf %get3A_567, %get3A_567 : vector<16xf32>
          %add3A_576 = arith.addf %add3A_520, %mul3A_575 : vector<16xf32>
          %get3A_577 = arith.constant 21 : i32
          %get3A_578 = arith.index_cast %get3A_577 : i32 to index
          %get3A_579 = arith.index_cast %mul3A_266 : i32 to index
          %get3A_580 = tpu.vector_load %arg11[%get3A_578, %get3A_579] {strides = array<i32>} : memref<64x256xf32, #tpu.memory_space<vmem>>, vector<1x16xf32>,
          %get3A_581 = vector.shape_cast %get3A_580 : vector<1x16xf32> to vector<16xf32>
          %broadcast_in_dim3A_582 = arith.constant 5 : i32
          %broadcast_in_dim3A_583 = vector.broadcast %broadcast_in_dim3A_582 : i32 to vector<16xi32>
          %broadcast_in_dim3A_584 = vector.shape_cast %broadcast_in_dim3A_583 : vector<16xi32> to vector<16x1xi32>
          %gather3A_585 = vector.shape_cast %broadcast_in_dim3A_584 : vector<16x1xi32> to vector<16xi32>
          %gather3A_586 = tpu.dynamic_gather %add3A_43[%gather3A_585] in [0] : vector<16xf32>, vector<16xi32> -> vector<16xf32>
          %mul3A_587 = arith.mulf %get3A_581, %gather3A_586 : vector<16xf32>
          %add3A_588 = arith.addf %add3A_532, %mul3A_587 : vector<16xf32>
          %mul3A_589 = arith.mulf %get3A_581, %get3A_581 : vector<16xf32>
          %add3A_590 = arith.addf %add3A_534, %mul3A_589 : vector<16xf32>
          %get3A_591 = arith.constant 22 : i32
          %get3A_592 = arith.index_cast %get3A_591 : i32 to index
          %get3A_593 = arith.index_cast %mul3A_266 : i32 to index
          %get3A_594 = tpu.vector_load %arg11[%get3A_592, %get3A_593] {strides = array<i32>} : memref<64x256xf32, #tpu.memory_space<vmem>>, vector<1x16xf32>,
          %get3A_595 = vector.shape_cast %get3A_594 : vector<1x16xf32> to vector<16xf32>
          %broadcast_in_dim3A_596 = arith.constant 6 : i32
          %broadcast_in_dim3A_597 = vector.broadcast %broadcast_in_dim3A_596 : i32 to vector<16xi32>
          %broadcast_in_dim3A_598 = vector.shape_cast %broadcast_in_dim3A_597 : vector<16xi32> to vector<16x1xi32>
          %gather3A_599 = vector.shape_cast %broadcast_in_dim3A_598 : vector<16x1xi32> to vector<16xi32>
          %gather3A_600 = tpu.dynamic_gather %add3A_43[%gather3A_599] in [0] : vector<16xf32>, vector<16xi32> -> vector<16xf32>
          %mul3A_601 = arith.mulf %get3A_595, %gather3A_600 : vector<16xf32>
          %add3A_602 = arith.addf %add3A_546, %mul3A_601 : vector<16xf32>
          %mul3A_603 = arith.mulf %get3A_595, %get3A_595 : vector<16xf32>
          %add3A_604 = arith.addf %add3A_548, %mul3A_603 : vector<16xf32>
          %get3A_605 = arith.constant 23 : i32
          %get3A_606 = arith.index_cast %get3A_605 : i32 to index
          %get3A_607 = arith.index_cast %mul3A_266 : i32 to index
          %get3A_608 = tpu.vector_load %arg11[%get3A_606, %get3A_607] {strides = array<i32>} : memref<64x256xf32, #tpu.memory_space<vmem>>, vector<1x16xf32>,
          %get3A_609 = vector.shape_cast %get3A_608 : vector<1x16xf32> to vector<16xf32>
          %broadcast_in_dim3A_610 = arith.constant 7 : i32
          %broadcast_in_dim3A_611 = vector.broadcast %broadcast_in_dim3A_610 : i32 to vector<16xi32>
          %broadcast_in_dim3A_612 = vector.shape_cast %broadcast_in_dim3A_611 : vector<16xi32> to vector<16x1xi32>
          %gather3A_613 = vector.shape_cast %broadcast_in_dim3A_612 : vector<16x1xi32> to vector<16xi32>
          %gather3A_614 = tpu.dynamic_gather %add3A_43[%gather3A_613] in [0] : vector<16xf32>, vector<16xi32> -> vector<16xf32>
          %mul3A_615 = arith.mulf %get3A_609, %gather3A_614 : vector<16xf32>
          %add3A_616 = arith.addf %add3A_560, %mul3A_615 : vector<16xf32>
          %mul3A_617 = arith.mulf %get3A_609, %get3A_609 : vector<16xf32>
          %add3A_618 = arith.addf %add3A_562, %mul3A_617 : vector<16xf32>
          %get3A_619 = arith.constant 24 : i32
          %get3A_620 = arith.index_cast %get3A_619 : i32 to index
          %get3A_621 = arith.index_cast %mul3A_266 : i32 to index
          %get3A_622 = tpu.vector_load %arg11[%get3A_620, %get3A_621] {strides = array<i32>} : memref<64x256xf32, #tpu.memory_space<vmem>>, vector<1x16xf32>,
          %get3A_623 = vector.shape_cast %get3A_622 : vector<1x16xf32> to vector<16xf32>
          %broadcast_in_dim3A_624 = arith.constant 8 : i32
          %broadcast_in_dim3A_625 = vector.broadcast %broadcast_in_dim3A_624 : i32 to vector<16xi32>
          %broadcast_in_dim3A_626 = vector.shape_cast %broadcast_in_dim3A_625 : vector<16xi32> to vector<16x1xi32>
          %gather3A_627 = vector.shape_cast %broadcast_in_dim3A_626 : vector<16x1xi32> to vector<16xi32>
          %gather3A_628 = tpu.dynamic_gather %add3A_43[%gather3A_627] in [0] : vector<16xf32>, vector<16xi32> -> vector<16xf32>
          %mul3A_629 = arith.mulf %get3A_623, %gather3A_628 : vector<16xf32>
          %add3A_630 = arith.addf %add3A_574, %mul3A_629 : vector<16xf32>
          %mul3A_631 = arith.mulf %get3A_623, %get3A_623 : vector<16xf32>
          %add3A_632 = arith.addf %add3A_576, %mul3A_631 : vector<16xf32>
          %get3A_633 = arith.constant 25 : i32
          %get3A_634 = arith.index_cast %get3A_633 : i32 to index
          %get3A_635 = arith.index_cast %mul3A_266 : i32 to index
          %get3A_636 = tpu.vector_load %arg11[%get3A_634, %get3A_635] {strides = array<i32>} : memref<64x256xf32, #tpu.memory_space<vmem>>, vector<1x16xf32>,
          %get3A_637 = vector.shape_cast %get3A_636 : vector<1x16xf32> to vector<16xf32>
          %broadcast_in_dim3A_638 = arith.constant 9 : i32
          %broadcast_in_dim3A_639 = vector.broadcast %broadcast_in_dim3A_638 : i32 to vector<16xi32>
          %broadcast_in_dim3A_640 = vector.shape_cast %broadcast_in_dim3A_639 : vector<16xi32> to vector<16x1xi32>
          %gather3A_641 = vector.shape_cast %broadcast_in_dim3A_640 : vector<16x1xi32> to vector<16xi32>
          %gather3A_642 = tpu.dynamic_gather %add3A_43[%gather3A_641] in [0] : vector<16xf32>, vector<16xi32> -> vector<16xf32>
          %mul3A_643 = arith.mulf %get3A_637, %gather3A_642 : vector<16xf32>
          %add3A_644 = arith.addf %add3A_588, %mul3A_643 : vector<16xf32>
          %mul3A_645 = arith.mulf %get3A_637, %get3A_637 : vector<16xf32>
          %add3A_646 = arith.addf %add3A_590, %mul3A_645 : vector<16xf32>
          %get3A_647 = arith.constant 26 : i32
          %get3A_648 = arith.index_cast %get3A_647 : i32 to index
          %get3A_649 = arith.index_cast %mul3A_266 : i32 to index
          %get3A_650 = tpu.vector_load %arg11[%get3A_648, %get3A_649] {strides = array<i32>} : memref<64x256xf32, #tpu.memory_space<vmem>>, vector<1x16xf32>,
          %get3A_651 = vector.shape_cast %get3A_650 : vector<1x16xf32> to vector<16xf32>
          %broadcast_in_dim3A_652 = arith.constant 10 : i32
          %broadcast_in_dim3A_653 = vector.broadcast %broadcast_in_dim3A_652 : i32 to vector<16xi32>
          %broadcast_in_dim3A_654 = vector.shape_cast %broadcast_in_dim3A_653 : vector<16xi32> to vector<16x1xi32>
          %gather3A_655 = vector.shape_cast %broadcast_in_dim3A_654 : vector<16x1xi32> to vector<16xi32>
          %gather3A_656 = tpu.dynamic_gather %add3A_43[%gather3A_655] in [0] : vector<16xf32>, vector<16xi32> -> vector<16xf32>
          %mul3A_657 = arith.mulf %get3A_651, %gather3A_656 : vector<16xf32>
          %add3A_658 = arith.addf %add3A_602, %mul3A_657 : vector<16xf32>
          %mul3A_659 = arith.mulf %get3A_651, %get3A_651 : vector<16xf32>
          %add3A_660 = arith.addf %add3A_604, %mul3A_659 : vector<16xf32>
          %get3A_661 = arith.constant 27 : i32
          %get3A_662 = arith.index_cast %get3A_661 : i32 to index
          %get3A_663 = arith.index_cast %mul3A_266 : i32 to index
          %get3A_664 = tpu.vector_load %arg11[%get3A_662, %get3A_663] {strides = array<i32>} : memref<64x256xf32, #tpu.memory_space<vmem>>, vector<1x16xf32>,
          %get3A_665 = vector.shape_cast %get3A_664 : vector<1x16xf32> to vector<16xf32>
          %broadcast_in_dim3A_666 = arith.constant 11 : i32
          %broadcast_in_dim3A_667 = vector.broadcast %broadcast_in_dim3A_666 : i32 to vector<16xi32>
          %broadcast_in_dim3A_668 = vector.shape_cast %broadcast_in_dim3A_667 : vector<16xi32> to vector<16x1xi32>
          %gather3A_669 = vector.shape_cast %broadcast_in_dim3A_668 : vector<16x1xi32> to vector<16xi32>
          %gather3A_670 = tpu.dynamic_gather %add3A_43[%gather3A_669] in [0] : vector<16xf32>, vector<16xi32> -> vector<16xf32>
          %mul3A_671 = arith.mulf %get3A_665, %gather3A_670 : vector<16xf32>
          %add3A_672 = arith.addf %add3A_616, %mul3A_671 : vector<16xf32>
          %mul3A_673 = arith.mulf %get3A_665, %get3A_665 : vector<16xf32>
          %add3A_674 = arith.addf %add3A_618, %mul3A_673 : vector<16xf32>
          %get3A_675 = arith.constant 28 : i32
          %get3A_676 = arith.index_cast %get3A_675 : i32 to index
          %get3A_677 = arith.index_cast %mul3A_266 : i32 to index
          %get3A_678 = tpu.vector_load %arg11[%get3A_676, %get3A_677] {strides = array<i32>} : memref<64x256xf32, #tpu.memory_space<vmem>>, vector<1x16xf32>,
          %get3A_679 = vector.shape_cast %get3A_678 : vector<1x16xf32> to vector<16xf32>
          %broadcast_in_dim3A_680 = arith.constant 12 : i32
          %broadcast_in_dim3A_681 = vector.broadcast %broadcast_in_dim3A_680 : i32 to vector<16xi32>
          %broadcast_in_dim3A_682 = vector.shape_cast %broadcast_in_dim3A_681 : vector<16xi32> to vector<16x1xi32>
          %gather3A_683 = vector.shape_cast %broadcast_in_dim3A_682 : vector<16x1xi32> to vector<16xi32>
          %gather3A_684 = tpu.dynamic_gather %add3A_43[%gather3A_683] in [0] : vector<16xf32>, vector<16xi32> -> vector<16xf32>
          %mul3A_685 = arith.mulf %get3A_679, %gather3A_684 : vector<16xf32>
          %add3A_686 = arith.addf %add3A_630, %mul3A_685 : vector<16xf32>
          %mul3A_687 = arith.mulf %get3A_679, %get3A_679 : vector<16xf32>
          %add3A_688 = arith.addf %add3A_632, %mul3A_687 : vector<16xf32>
          %get3A_689 = arith.constant 29 : i32
          %get3A_690 = arith.index_cast %get3A_689 : i32 to index
          %get3A_691 = arith.index_cast %mul3A_266 : i32 to index
          %get3A_692 = tpu.vector_load %arg11[%get3A_690, %get3A_691] {strides = array<i32>} : memref<64x256xf32, #tpu.memory_space<vmem>>, vector<1x16xf32>,
          %get3A_693 = vector.shape_cast %get3A_692 : vector<1x16xf32> to vector<16xf32>
          %broadcast_in_dim3A_694 = arith.constant 13 : i32
          %broadcast_in_dim3A_695 = vector.broadcast %broadcast_in_dim3A_694 : i32 to vector<16xi32>
          %broadcast_in_dim3A_696 = vector.shape_cast %broadcast_in_dim3A_695 : vector<16xi32> to vector<16x1xi32>
          %gather3A_697 = vector.shape_cast %broadcast_in_dim3A_696 : vector<16x1xi32> to vector<16xi32>
          %gather3A_698 = tpu.dynamic_gather %add3A_43[%gather3A_697] in [0] : vector<16xf32>, vector<16xi32> -> vector<16xf32>
          %mul3A_699 = arith.mulf %get3A_693, %gather3A_698 : vector<16xf32>
          %add3A_700 = arith.addf %add3A_644, %mul3A_699 : vector<16xf32>
          %mul3A_701 = arith.mulf %get3A_693, %get3A_693 : vector<16xf32>
          %add3A_702 = arith.addf %add3A_646, %mul3A_701 : vector<16xf32>
          %get3A_703 = arith.constant 30 : i32
          %get3A_704 = arith.index_cast %get3A_703 : i32 to index
          %get3A_705 = arith.index_cast %mul3A_266 : i32 to index
          %get3A_706 = tpu.vector_load %arg11[%get3A_704, %get3A_705] {strides = array<i32>} : memref<64x256xf32, #tpu.memory_space<vmem>>, vector<1x16xf32>,
          %get3A_707 = vector.shape_cast %get3A_706 : vector<1x16xf32> to vector<16xf32>
          %broadcast_in_dim3A_708 = arith.constant 14 : i32
          %broadcast_in_dim3A_709 = vector.broadcast %broadcast_in_dim3A_708 : i32 to vector<16xi32>
          %broadcast_in_dim3A_710 = vector.shape_cast %broadcast_in_dim3A_709 : vector<16xi32> to vector<16x1xi32>
          %gather3A_711 = vector.shape_cast %broadcast_in_dim3A_710 : vector<16x1xi32> to vector<16xi32>
          %gather3A_712 = tpu.dynamic_gather %add3A_43[%gather3A_711] in [0] : vector<16xf32>, vector<16xi32> -> vector<16xf32>
          %mul3A_713 = arith.mulf %get3A_707, %gather3A_712 : vector<16xf32>
          %add3A_714 = arith.addf %add3A_658, %mul3A_713 : vector<16xf32>
          %mul3A_715 = arith.mulf %get3A_707, %get3A_707 : vector<16xf32>
          %add3A_716 = arith.addf %add3A_660, %mul3A_715 : vector<16xf32>
          %get3A_717 = arith.constant 31 : i32
          %get3A_718 = arith.index_cast %get3A_717 : i32 to index
          %get3A_719 = arith.index_cast %mul3A_266 : i32 to index
          %get3A_720 = tpu.vector_load %arg11[%get3A_718, %get3A_719] {strides = array<i32>} : memref<64x256xf32, #tpu.memory_space<vmem>>, vector<1x16xf32>,
          %get3A_721 = vector.shape_cast %get3A_720 : vector<1x16xf32> to vector<16xf32>
          %broadcast_in_dim3A_722 = arith.constant 15 : i32
          %broadcast_in_dim3A_723 = vector.broadcast %broadcast_in_dim3A_722 : i32 to vector<16xi32>
          %broadcast_in_dim3A_724 = vector.shape_cast %broadcast_in_dim3A_723 : vector<16xi32> to vector<16x1xi32>
          %gather3A_725 = vector.shape_cast %broadcast_in_dim3A_724 : vector<16x1xi32> to vector<16xi32>
          %gather3A_726 = tpu.dynamic_gather %add3A_43[%gather3A_725] in [0] : vector<16xf32>, vector<16xi32> -> vector<16xf32>
          %mul3A_727 = arith.mulf %get3A_721, %gather3A_726 : vector<16xf32>
          %add3A_728 = arith.addf %add3A_672, %mul3A_727 : vector<16xf32>
          %mul3A_729 = arith.mulf %get3A_721, %get3A_721 : vector<16xf32>
          %add3A_730 = arith.addf %add3A_674, %mul3A_729 : vector<16xf32>
          %get3A_731 = arith.constant 32 : i32
          %get3A_732 = arith.index_cast %get3A_731 : i32 to index
          %get3A_733 = arith.index_cast %mul3A_266 : i32 to index
          %get3A_734 = tpu.vector_load %arg11[%get3A_732, %get3A_733] {strides = array<i32>} : memref<64x256xf32, #tpu.memory_space<vmem>>, vector<1x16xf32>,
          %get3A_735 = vector.shape_cast %get3A_734 : vector<1x16xf32> to vector<16xf32>
          %broadcast_in_dim3A_736 = arith.constant 0 : i32
          %broadcast_in_dim3A_737 = vector.broadcast %broadcast_in_dim3A_736 : i32 to vector<16xi32>
          %broadcast_in_dim3A_738 = vector.shape_cast %broadcast_in_dim3A_737 : vector<16xi32> to vector<16x1xi32>
          %gather3A_739 = vector.shape_cast %broadcast_in_dim3A_738 : vector<16x1xi32> to vector<16xi32>
          %gather3A_740 = tpu.dynamic_gather %add3A_55[%gather3A_739] in [0] : vector<16xf32>, vector<16xi32> -> vector<16xf32>
          %mul3A_741 = arith.mulf %get3A_735, %gather3A_740 : vector<16xf32>
          %add3A_742 = arith.addf %add3A_686, %mul3A_741 : vector<16xf32>
          %mul3A_743 = arith.mulf %get3A_735, %get3A_735 : vector<16xf32>
          %add3A_744 = arith.addf %add3A_688, %mul3A_743 : vector<16xf32>
          %get3A_745 = arith.constant 33 : i32
          %get3A_746 = arith.index_cast %get3A_745 : i32 to index
          %get3A_747 = arith.index_cast %mul3A_266 : i32 to index
          %get3A_748 = tpu.vector_load %arg11[%get3A_746, %get3A_747] {strides = array<i32>} : memref<64x256xf32, #tpu.memory_space<vmem>>, vector<1x16xf32>,
          %get3A_749 = vector.shape_cast %get3A_748 : vector<1x16xf32> to vector<16xf32>
          %broadcast_in_dim3A_750 = arith.constant 1 : i32
          %broadcast_in_dim3A_751 = vector.broadcast %broadcast_in_dim3A_750 : i32 to vector<16xi32>
          %broadcast_in_dim3A_752 = vector.shape_cast %broadcast_in_dim3A_751 : vector<16xi32> to vector<16x1xi32>
          %gather3A_753 = vector.shape_cast %broadcast_in_dim3A_752 : vector<16x1xi32> to vector<16xi32>
          %gather3A_754 = tpu.dynamic_gather %add3A_55[%gather3A_753] in [0] : vector<16xf32>, vector<16xi32> -> vector<16xf32>
          %mul3A_755 = arith.mulf %get3A_749, %gather3A_754 : vector<16xf32>
          %add3A_756 = arith.addf %add3A_700, %mul3A_755 : vector<16xf32>
          %mul3A_757 = arith.mulf %get3A_749, %get3A_749 : vector<16xf32>
          %add3A_758 = arith.addf %add3A_702, %mul3A_757 : vector<16xf32>
          %get3A_759 = arith.constant 34 : i32
          %get3A_760 = arith.index_cast %get3A_759 : i32 to index
          %get3A_761 = arith.index_cast %mul3A_266 : i32 to index
          %get3A_762 = tpu.vector_load %arg11[%get3A_760, %get3A_761] {strides = array<i32>} : memref<64x256xf32, #tpu.memory_space<vmem>>, vector<1x16xf32>,
          %get3A_763 = vector.shape_cast %get3A_762 : vector<1x16xf32> to vector<16xf32>
          %broadcast_in_dim3A_764 = arith.constant 2 : i32
          %broadcast_in_dim3A_765 = vector.broadcast %broadcast_in_dim3A_764 : i32 to vector<16xi32>
          %broadcast_in_dim3A_766 = vector.shape_cast %broadcast_in_dim3A_765 : vector<16xi32> to vector<16x1xi32>
          %gather3A_767 = vector.shape_cast %broadcast_in_dim3A_766 : vector<16x1xi32> to vector<16xi32>
          %gather3A_768 = tpu.dynamic_gather %add3A_55[%gather3A_767] in [0] : vector<16xf32>, vector<16xi32> -> vector<16xf32>
          %mul3A_769 = arith.mulf %get3A_763, %gather3A_768 : vector<16xf32>
          %add3A_770 = arith.addf %add3A_714, %mul3A_769 : vector<16xf32>
          %mul3A_771 = arith.mulf %get3A_763, %get3A_763 : vector<16xf32>
          %add3A_772 = arith.addf %add3A_716, %mul3A_771 : vector<16xf32>
          %get3A_773 = arith.constant 35 : i32
          %get3A_774 = arith.index_cast %get3A_773 : i32 to index
          %get3A_775 = arith.index_cast %mul3A_266 : i32 to index
          %get3A_776 = tpu.vector_load %arg11[%get3A_774, %get3A_775] {strides = array<i32>} : memref<64x256xf32, #tpu.memory_space<vmem>>, vector<1x16xf32>,
          %get3A_777 = vector.shape_cast %get3A_776 : vector<1x16xf32> to vector<16xf32>
          %broadcast_in_dim3A_778 = arith.constant 3 : i32
          %broadcast_in_dim3A_779 = vector.broadcast %broadcast_in_dim3A_778 : i32 to vector<16xi32>
          %broadcast_in_dim3A_780 = vector.shape_cast %broadcast_in_dim3A_779 : vector<16xi32> to vector<16x1xi32>
          %gather3A_781 = vector.shape_cast %broadcast_in_dim3A_780 : vector<16x1xi32> to vector<16xi32>
          %gather3A_782 = tpu.dynamic_gather %add3A_55[%gather3A_781] in [0] : vector<16xf32>, vector<16xi32> -> vector<16xf32>
          %mul3A_783 = arith.mulf %get3A_777, %gather3A_782 : vector<16xf32>
          %add3A_784 = arith.addf %add3A_728, %mul3A_783 : vector<16xf32>
          %mul3A_785 = arith.mulf %get3A_777, %get3A_777 : vector<16xf32>
          %add3A_786 = arith.addf %add3A_730, %mul3A_785 : vector<16xf32>
          %get3A_787 = arith.constant 36 : i32
          %get3A_788 = arith.index_cast %get3A_787 : i32 to index
          %get3A_789 = arith.index_cast %mul3A_266 : i32 to index
          %get3A_790 = tpu.vector_load %arg11[%get3A_788, %get3A_789] {strides = array<i32>} : memref<64x256xf32, #tpu.memory_space<vmem>>, vector<1x16xf32>,
          %get3A_791 = vector.shape_cast %get3A_790 : vector<1x16xf32> to vector<16xf32>
          %broadcast_in_dim3A_792 = arith.constant 4 : i32
          %broadcast_in_dim3A_793 = vector.broadcast %broadcast_in_dim3A_792 : i32 to vector<16xi32>
          %broadcast_in_dim3A_794 = vector.shape_cast %broadcast_in_dim3A_793 : vector<16xi32> to vector<16x1xi32>
          %gather3A_795 = vector.shape_cast %broadcast_in_dim3A_794 : vector<16x1xi32> to vector<16xi32>
          %gather3A_796 = tpu.dynamic_gather %add3A_55[%gather3A_795] in [0] : vector<16xf32>, vector<16xi32> -> vector<16xf32>
          %mul3A_797 = arith.mulf %get3A_791, %gather3A_796 : vector<16xf32>
          %add3A_798 = arith.addf %add3A_742, %mul3A_797 : vector<16xf32>
          %mul3A_799 = arith.mulf %get3A_791, %get3A_791 : vector<16xf32>
          %add3A_800 = arith.addf %add3A_744, %mul3A_799 : vector<16xf32>
          %get3A_801 = arith.constant 37 : i32
          %get3A_802 = arith.index_cast %get3A_801 : i32 to index
          %get3A_803 = arith.index_cast %mul3A_266 : i32 to index
          %get3A_804 = tpu.vector_load %arg11[%get3A_802, %get3A_803] {strides = array<i32>} : memref<64x256xf32, #tpu.memory_space<vmem>>, vector<1x16xf32>,
          %get3A_805 = vector.shape_cast %get3A_804 : vector<1x16xf32> to vector<16xf32>
          %broadcast_in_dim3A_806 = arith.constant 5 : i32
          %broadcast_in_dim3A_807 = vector.broadcast %broadcast_in_dim3A_806 : i32 to vector<16xi32>
          %broadcast_in_dim3A_808 = vector.shape_cast %broadcast_in_dim3A_807 : vector<16xi32> to vector<16x1xi32>
          %gather3A_809 = vector.shape_cast %broadcast_in_dim3A_808 : vector<16x1xi32> to vector<16xi32>
          %gather3A_810 = tpu.dynamic_gather %add3A_55[%gather3A_809] in [0] : vector<16xf32>, vector<16xi32> -> vector<16xf32>
          %mul3A_811 = arith.mulf %get3A_805, %gather3A_810 : vector<16xf32>
          %add3A_812 = arith.addf %add3A_756, %mul3A_811 : vector<16xf32>
          %mul3A_813 = arith.mulf %get3A_805, %get3A_805 : vector<16xf32>
          %add3A_814 = arith.addf %add3A_758, %mul3A_813 : vector<16xf32>
          %get3A_815 = arith.constant 38 : i32
          %get3A_816 = arith.index_cast %get3A_815 : i32 to index
          %get3A_817 = arith.index_cast %mul3A_266 : i32 to index
          %get3A_818 = tpu.vector_load %arg11[%get3A_816, %get3A_817] {strides = array<i32>} : memref<64x256xf32, #tpu.memory_space<vmem>>, vector<1x16xf32>,
          %get3A_819 = vector.shape_cast %get3A_818 : vector<1x16xf32> to vector<16xf32>
          %broadcast_in_dim3A_820 = arith.constant 6 : i32
          %broadcast_in_dim3A_821 = vector.broadcast %broadcast_in_dim3A_820 : i32 to vector<16xi32>
          %broadcast_in_dim3A_822 = vector.shape_cast %broadcast_in_dim3A_821 : vector<16xi32> to vector<16x1xi32>
          %gather3A_823 = vector.shape_cast %broadcast_in_dim3A_822 : vector<16x1xi32> to vector<16xi32>
          %gather3A_824 = tpu.dynamic_gather %add3A_55[%gather3A_823] in [0] : vector<16xf32>, vector<16xi32> -> vector<16xf32>
          %mul3A_825 = arith.mulf %get3A_819, %gather3A_824 : vector<16xf32>
          %add3A_826 = arith.addf %add3A_770, %mul3A_825 : vector<16xf32>
          %mul3A_827 = arith.mulf %get3A_819, %get3A_819 : vector<16xf32>
          %add3A_828 = arith.addf %add3A_772, %mul3A_827 : vector<16xf32>
          %get3A_829 = arith.constant 39 : i32
          %get3A_830 = arith.index_cast %get3A_829 : i32 to index
          %get3A_831 = arith.index_cast %mul3A_266 : i32 to index
          %get3A_832 = tpu.vector_load %arg11[%get3A_830, %get3A_831] {strides = array<i32>} : memref<64x256xf32, #tpu.memory_space<vmem>>, vector<1x16xf32>,
          %get3A_833 = vector.shape_cast %get3A_832 : vector<1x16xf32> to vector<16xf32>
          %broadcast_in_dim3A_834 = arith.constant 7 : i32
          %broadcast_in_dim3A_835 = vector.broadcast %broadcast_in_dim3A_834 : i32 to vector<16xi32>
          %broadcast_in_dim3A_836 = vector.shape_cast %broadcast_in_dim3A_835 : vector<16xi32> to vector<16x1xi32>
          %gather3A_837 = vector.shape_cast %broadcast_in_dim3A_836 : vector<16x1xi32> to vector<16xi32>
          %gather3A_838 = tpu.dynamic_gather %add3A_55[%gather3A_837] in [0] : vector<16xf32>, vector<16xi32> -> vector<16xf32>
          %mul3A_839 = arith.mulf %get3A_833, %gather3A_838 : vector<16xf32>
          %add3A_840 = arith.addf %add3A_784, %mul3A_839 : vector<16xf32>
          %mul3A_841 = arith.mulf %get3A_833, %get3A_833 : vector<16xf32>
          %add3A_842 = arith.addf %add3A_786, %mul3A_841 : vector<16xf32>
          %get3A_843 = arith.constant 40 : i32
          %get3A_844 = arith.index_cast %get3A_843 : i32 to index
          %get3A_845 = arith.index_cast %mul3A_266 : i32 to index
          %get3A_846 = tpu.vector_load %arg11[%get3A_844, %get3A_845] {strides = array<i32>} : memref<64x256xf32, #tpu.memory_space<vmem>>, vector<1x16xf32>,
          %get3A_847 = vector.shape_cast %get3A_846 : vector<1x16xf32> to vector<16xf32>
          %broadcast_in_dim3A_848 = arith.constant 8 : i32
          %broadcast_in_dim3A_849 = vector.broadcast %broadcast_in_dim3A_848 : i32 to vector<16xi32>
          %broadcast_in_dim3A_850 = vector.shape_cast %broadcast_in_dim3A_849 : vector<16xi32> to vector<16x1xi32>
          %gather3A_851 = vector.shape_cast %broadcast_in_dim3A_850 : vector<16x1xi32> to vector<16xi32>
          %gather3A_852 = tpu.dynamic_gather %add3A_55[%gather3A_851] in [0] : vector<16xf32>, vector<16xi32> -> vector<16xf32>
          %mul3A_853 = arith.mulf %get3A_847, %gather3A_852 : vector<16xf32>
          %add3A_854 = arith.addf %add3A_798, %mul3A_853 : vector<16xf32>
          %mul3A_855 = arith.mulf %get3A_847, %get3A_847 : vector<16xf32>
          %add3A_856 = arith.addf %add3A_800, %mul3A_855 : vector<16xf32>
          %get3A_857 = arith.constant 41 : i32
          %get3A_858 = arith.index_cast %get3A_857 : i32 to index
          %get3A_859 = arith.index_cast %mul3A_266 : i32 to index
          %get3A_860 = tpu.vector_load %arg11[%get3A_858, %get3A_859] {strides = array<i32>} : memref<64x256xf32, #tpu.memory_space<vmem>>, vector<1x16xf32>,
          %get3A_861 = vector.shape_cast %get3A_860 : vector<1x16xf32> to vector<16xf32>
          %broadcast_in_dim3A_862 = arith.constant 9 : i32
          %broadcast_in_dim3A_863 = vector.broadcast %broadcast_in_dim3A_862 : i32 to vector<16xi32>
          %broadcast_in_dim3A_864 = vector.shape_cast %broadcast_in_dim3A_863 : vector<16xi32> to vector<16x1xi32>
          %gather3A_865 = vector.shape_cast %broadcast_in_dim3A_864 : vector<16x1xi32> to vector<16xi32>
          %gather3A_866 = tpu.dynamic_gather %add3A_55[%gather3A_865] in [0] : vector<16xf32>, vector<16xi32> -> vector<16xf32>
          %mul3A_867 = arith.mulf %get3A_861, %gather3A_866 : vector<16xf32>
          %add3A_868 = arith.addf %add3A_812, %mul3A_867 : vector<16xf32>
          %mul3A_869 = arith.mulf %get3A_861, %get3A_861 : vector<16xf32>
          %add3A_870 = arith.addf %add3A_814, %mul3A_869 : vector<16xf32>
          %get3A_871 = arith.constant 42 : i32
          %get3A_872 = arith.index_cast %get3A_871 : i32 to index
          %get3A_873 = arith.index_cast %mul3A_266 : i32 to index
          %get3A_874 = tpu.vector_load %arg11[%get3A_872, %get3A_873] {strides = array<i32>} : memref<64x256xf32, #tpu.memory_space<vmem>>, vector<1x16xf32>,
          %get3A_875 = vector.shape_cast %get3A_874 : vector<1x16xf32> to vector<16xf32>
          %broadcast_in_dim3A_876 = arith.constant 10 : i32
          %broadcast_in_dim3A_877 = vector.broadcast %broadcast_in_dim3A_876 : i32 to vector<16xi32>
          %broadcast_in_dim3A_878 = vector.shape_cast %broadcast_in_dim3A_877 : vector<16xi32> to vector<16x1xi32>
          %gather3A_879 = vector.shape_cast %broadcast_in_dim3A_878 : vector<16x1xi32> to vector<16xi32>
          %gather3A_880 = tpu.dynamic_gather %add3A_55[%gather3A_879] in [0] : vector<16xf32>, vector<16xi32> -> vector<16xf32>
          %mul3A_881 = arith.mulf %get3A_875, %gather3A_880 : vector<16xf32>
          %add3A_882 = arith.addf %add3A_826, %mul3A_881 : vector<16xf32>
          %mul3A_883 = arith.mulf %get3A_875, %get3A_875 : vector<16xf32>
          %add3A_884 = arith.addf %add3A_828, %mul3A_883 : vector<16xf32>
          %get3A_885 = arith.constant 43 : i32
          %get3A_886 = arith.index_cast %get3A_885 : i32 to index
          %get3A_887 = arith.index_cast %mul3A_266 : i32 to index
          %get3A_888 = tpu.vector_load %arg11[%get3A_886, %get3A_887] {strides = array<i32>} : memref<64x256xf32, #tpu.memory_space<vmem>>, vector<1x16xf32>,
          %get3A_889 = vector.shape_cast %get3A_888 : vector<1x16xf32> to vector<16xf32>
          %broadcast_in_dim3A_890 = arith.constant 11 : i32
          %broadcast_in_dim3A_891 = vector.broadcast %broadcast_in_dim3A_890 : i32 to vector<16xi32>
          %broadcast_in_dim3A_892 = vector.shape_cast %broadcast_in_dim3A_891 : vector<16xi32> to vector<16x1xi32>
          %gather3A_893 = vector.shape_cast %broadcast_in_dim3A_892 : vector<16x1xi32> to vector<16xi32>
          %gather3A_894 = tpu.dynamic_gather %add3A_55[%gather3A_893] in [0] : vector<16xf32>, vector<16xi32> -> vector<16xf32>
          %mul3A_895 = arith.mulf %get3A_889, %gather3A_894 : vector<16xf32>
          %add3A_896 = arith.addf %add3A_840, %mul3A_895 : vector<16xf32>
          %mul3A_897 = arith.mulf %get3A_889, %get3A_889 : vector<16xf32>
          %add3A_898 = arith.addf %add3A_842, %mul3A_897 : vector<16xf32>
          %get3A_899 = arith.constant 44 : i32
          %get3A_900 = arith.index_cast %get3A_899 : i32 to index
          %get3A_901 = arith.index_cast %mul3A_266 : i32 to index
          %get3A_902 = tpu.vector_load %arg11[%get3A_900, %get3A_901] {strides = array<i32>} : memref<64x256xf32, #tpu.memory_space<vmem>>, vector<1x16xf32>,
          %get3A_903 = vector.shape_cast %get3A_902 : vector<1x16xf32> to vector<16xf32>
          %broadcast_in_dim3A_904 = arith.constant 12 : i32
          %broadcast_in_dim3A_905 = vector.broadcast %broadcast_in_dim3A_904 : i32 to vector<16xi32>
          %broadcast_in_dim3A_906 = vector.shape_cast %broadcast_in_dim3A_905 : vector<16xi32> to vector<16x1xi32>
          %gather3A_907 = vector.shape_cast %broadcast_in_dim3A_906 : vector<16x1xi32> to vector<16xi32>
          %gather3A_908 = tpu.dynamic_gather %add3A_55[%gather3A_907] in [0] : vector<16xf32>, vector<16xi32> -> vector<16xf32>
          %mul3A_909 = arith.mulf %get3A_903, %gather3A_908 : vector<16xf32>
          %add3A_910 = arith.addf %add3A_854, %mul3A_909 : vector<16xf32>
          %mul3A_911 = arith.mulf %get3A_903, %get3A_903 : vector<16xf32>
          %add3A_912 = arith.addf %add3A_856, %mul3A_911 : vector<16xf32>
          %get3A_913 = arith.constant 45 : i32
          %get3A_914 = arith.index_cast %get3A_913 : i32 to index
          %get3A_915 = arith.index_cast %mul3A_266 : i32 to index
          %get3A_916 = tpu.vector_load %arg11[%get3A_914, %get3A_915] {strides = array<i32>} : memref<64x256xf32, #tpu.memory_space<vmem>>, vector<1x16xf32>,
          %get3A_917 = vector.shape_cast %get3A_916 : vector<1x16xf32> to vector<16xf32>
          %broadcast_in_dim3A_918 = arith.constant 13 : i32
          %broadcast_in_dim3A_919 = vector.broadcast %broadcast_in_dim3A_918 : i32 to vector<16xi32>
          %broadcast_in_dim3A_920 = vector.shape_cast %broadcast_in_dim3A_919 : vector<16xi32> to vector<16x1xi32>
          %gather3A_921 = vector.shape_cast %broadcast_in_dim3A_920 : vector<16x1xi32> to vector<16xi32>
          %gather3A_922 = tpu.dynamic_gather %add3A_55[%gather3A_921] in [0] : vector<16xf32>, vector<16xi32> -> vector<16xf32>
          %mul3A_923 = arith.mulf %get3A_917, %gather3A_922 : vector<16xf32>
          %add3A_924 = arith.addf %add3A_868, %mul3A_923 : vector<16xf32>
          %mul3A_925 = arith.mulf %get3A_917, %get3A_917 : vector<16xf32>
          %add3A_926 = arith.addf %add3A_870, %mul3A_925 : vector<16xf32>
          %get3A_927 = arith.constant 46 : i32
          %get3A_928 = arith.index_cast %get3A_927 : i32 to index
          %get3A_929 = arith.index_cast %mul3A_266 : i32 to index
          %get3A_930 = tpu.vector_load %arg11[%get3A_928, %get3A_929] {strides = array<i32>} : memref<64x256xf32, #tpu.memory_space<vmem>>, vector<1x16xf32>,
          %get3A_931 = vector.shape_cast %get3A_930 : vector<1x16xf32> to vector<16xf32>
          %broadcast_in_dim3A_932 = arith.constant 14 : i32
          %broadcast_in_dim3A_933 = vector.broadcast %broadcast_in_dim3A_932 : i32 to vector<16xi32>
          %broadcast_in_dim3A_934 = vector.shape_cast %broadcast_in_dim3A_933 : vector<16xi32> to vector<16x1xi32>
          %gather3A_935 = vector.shape_cast %broadcast_in_dim3A_934 : vector<16x1xi32> to vector<16xi32>
          %gather3A_936 = tpu.dynamic_gather %add3A_55[%gather3A_935] in [0] : vector<16xf32>, vector<16xi32> -> vector<16xf32>
          %mul3A_937 = arith.mulf %get3A_931, %gather3A_936 : vector<16xf32>
          %add3A_938 = arith.addf %add3A_882, %mul3A_937 : vector<16xf32>
          %mul3A_939 = arith.mulf %get3A_931, %get3A_931 : vector<16xf32>
          %add3A_940 = arith.addf %add3A_884, %mul3A_939 : vector<16xf32>
          %get3A_941 = arith.constant 47 : i32
          %get3A_942 = arith.index_cast %get3A_941 : i32 to index
          %get3A_943 = arith.index_cast %mul3A_266 : i32 to index
          %get3A_944 = tpu.vector_load %arg11[%get3A_942, %get3A_943] {strides = array<i32>} : memref<64x256xf32, #tpu.memory_space<vmem>>, vector<1x16xf32>,
          %get3A_945 = vector.shape_cast %get3A_944 : vector<1x16xf32> to vector<16xf32>
          %broadcast_in_dim3A_946 = arith.constant 15 : i32
          %broadcast_in_dim3A_947 = vector.broadcast %broadcast_in_dim3A_946 : i32 to vector<16xi32>
          %broadcast_in_dim3A_948 = vector.shape_cast %broadcast_in_dim3A_947 : vector<16xi32> to vector<16x1xi32>
          %gather3A_949 = vector.shape_cast %broadcast_in_dim3A_948 : vector<16x1xi32> to vector<16xi32>
          %gather3A_950 = tpu.dynamic_gather %add3A_55[%gather3A_949] in [0] : vector<16xf32>, vector<16xi32> -> vector<16xf32>
          %mul3A_951 = arith.mulf %get3A_945, %gather3A_950 : vector<16xf32>
          %add3A_952 = arith.addf %add3A_896, %mul3A_951 : vector<16xf32>
          %mul3A_953 = arith.mulf %get3A_945, %get3A_945 : vector<16xf32>
          %add3A_954 = arith.addf %add3A_898, %mul3A_953 : vector<16xf32>
          %get3A_955 = arith.constant 48 : i32
          %get3A_956 = arith.index_cast %get3A_955 : i32 to index
          %get3A_957 = arith.index_cast %mul3A_266 : i32 to index
          %get3A_958 = tpu.vector_load %arg11[%get3A_956, %get3A_957] {strides = array<i32>} : memref<64x256xf32, #tpu.memory_space<vmem>>, vector<1x16xf32>,
          %get3A_959 = vector.shape_cast %get3A_958 : vector<1x16xf32> to vector<16xf32>
          %broadcast_in_dim3A_960 = arith.constant 0 : i32
          %broadcast_in_dim3A_961 = vector.broadcast %broadcast_in_dim3A_960 : i32 to vector<16xi32>
          %broadcast_in_dim3A_962 = vector.shape_cast %broadcast_in_dim3A_961 : vector<16xi32> to vector<16x1xi32>
          %gather3A_963 = vector.shape_cast %broadcast_in_dim3A_962 : vector<16x1xi32> to vector<16xi32>
          %gather3A_964 = tpu.dynamic_gather %add3A_67[%gather3A_963] in [0] : vector<16xf32>, vector<16xi32> -> vector<16xf32>
          %mul3A_965 = arith.mulf %get3A_959, %gather3A_964 : vector<16xf32>
          %add3A_966 = arith.addf %add3A_910, %mul3A_965 : vector<16xf32>
          %mul3A_967 = arith.mulf %get3A_959, %get3A_959 : vector<16xf32>
          %add3A_968 = arith.addf %add3A_912, %mul3A_967 : vector<16xf32>
          %get3A_969 = arith.constant 49 : i32
          %get3A_970 = arith.index_cast %get3A_969 : i32 to index
          %get3A_971 = arith.index_cast %mul3A_266 : i32 to index
          %get3A_972 = tpu.vector_load %arg11[%get3A_970, %get3A_971] {strides = array<i32>} : memref<64x256xf32, #tpu.memory_space<vmem>>, vector<1x16xf32>,
          %get3A_973 = vector.shape_cast %get3A_972 : vector<1x16xf32> to vector<16xf32>
          %broadcast_in_dim3A_974 = arith.constant 1 : i32
          %broadcast_in_dim3A_975 = vector.broadcast %broadcast_in_dim3A_974 : i32 to vector<16xi32>
          %broadcast_in_dim3A_976 = vector.shape_cast %broadcast_in_dim3A_975 : vector<16xi32> to vector<16x1xi32>
          %gather3A_977 = vector.shape_cast %broadcast_in_dim3A_976 : vector<16x1xi32> to vector<16xi32>
          %gather3A_978 = tpu.dynamic_gather %add3A_67[%gather3A_977] in [0] : vector<16xf32>, vector<16xi32> -> vector<16xf32>
          %mul3A_979 = arith.mulf %get3A_973, %gather3A_978 : vector<16xf32>
          %add3A_980 = arith.addf %add3A_924, %mul3A_979 : vector<16xf32>
          %mul3A_981 = arith.mulf %get3A_973, %get3A_973 : vector<16xf32>
          %add3A_982 = arith.addf %add3A_926, %mul3A_981 : vector<16xf32>
          %get3A_983 = arith.constant 50 : i32
          %get3A_984 = arith.index_cast %get3A_983 : i32 to index
          %get3A_985 = arith.index_cast %mul3A_266 : i32 to index
          %get3A_986 = tpu.vector_load %arg11[%get3A_984, %get3A_985] {strides = array<i32>} : memref<64x256xf32, #tpu.memory_space<vmem>>, vector<1x16xf32>,
          %get3A_987 = vector.shape_cast %get3A_986 : vector<1x16xf32> to vector<16xf32>
          %broadcast_in_dim3A_988 = arith.constant 2 : i32
          %broadcast_in_dim3A_989 = vector.broadcast %broadcast_in_dim3A_988 : i32 to vector<16xi32>
          %broadcast_in_dim3A_990 = vector.shape_cast %broadcast_in_dim3A_989 : vector<16xi32> to vector<16x1xi32>
          %gather3A_991 = vector.shape_cast %broadcast_in_dim3A_990 : vector<16x1xi32> to vector<16xi32>
          %gather3A_992 = tpu.dynamic_gather %add3A_67[%gather3A_991] in [0] : vector<16xf32>, vector<16xi32> -> vector<16xf32>
          %mul3A_993 = arith.mulf %get3A_987, %gather3A_992 : vector<16xf32>
          %add3A_994 = arith.addf %add3A_938, %mul3A_993 : vector<16xf32>
          %mul3A_995 = arith.mulf %get3A_987, %get3A_987 : vector<16xf32>
          %add3A_996 = arith.addf %add3A_940, %mul3A_995 : vector<16xf32>
          %get3A_997 = arith.constant 51 : i32
          %get3A_998 = arith.index_cast %get3A_997 : i32 to index
          %get3A_999 = arith.index_cast %mul3A_266 : i32 to index
          %get3A_1000 = tpu.vector_load %arg11[%get3A_998, %get3A_999] {strides = array<i32>} : memref<64x256xf32, #tpu.memory_space<vmem>>, vector<1x16xf32>,
          %get3A_1001 = vector.shape_cast %get3A_1000 : vector<1x16xf32> to vector<16xf32>
          %broadcast_in_dim3A_1002 = arith.constant 3 : i32
          %broadcast_in_dim3A_1003 = vector.broadcast %broadcast_in_dim3A_1002 : i32 to vector<16xi32>
          %broadcast_in_dim3A_1004 = vector.shape_cast %broadcast_in_dim3A_1003 : vector<16xi32> to vector<16x1xi32>
          %gather3A_1005 = vector.shape_cast %broadcast_in_dim3A_1004 : vector<16x1xi32> to vector<16xi32>
          %gather3A_1006 = tpu.dynamic_gather %add3A_67[%gather3A_1005] in [0] : vector<16xf32>, vector<16xi32> -> vector<16xf32>
          %mul3A_1007 = arith.mulf %get3A_1001, %gather3A_1006 : vector<16xf32>
          %add3A_1008 = arith.addf %add3A_952, %mul3A_1007 : vector<16xf32>
          %mul3A_1009 = arith.mulf %get3A_1001, %get3A_1001 : vector<16xf32>
          %add3A_1010 = arith.addf %add3A_954, %mul3A_1009 : vector<16xf32>
          %get3A_1011 = arith.constant 52 : i32
          %get3A_1012 = arith.index_cast %get3A_1011 : i32 to index
          %get3A_1013 = arith.index_cast %mul3A_266 : i32 to index
          %get3A_1014 = tpu.vector_load %arg11[%get3A_1012, %get3A_1013] {strides = array<i32>} : memref<64x256xf32, #tpu.memory_space<vmem>>, vector<1x16xf32>,
          %get3A_1015 = vector.shape_cast %get3A_1014 : vector<1x16xf32> to vector<16xf32>
          %broadcast_in_dim3A_1016 = arith.constant 4 : i32
          %broadcast_in_dim3A_1017 = vector.broadcast %broadcast_in_dim3A_1016 : i32 to vector<16xi32>
          %broadcast_in_dim3A_1018 = vector.shape_cast %broadcast_in_dim3A_1017 : vector<16xi32> to vector<16x1xi32>
          %gather3A_1019 = vector.shape_cast %broadcast_in_dim3A_1018 : vector<16x1xi32> to vector<16xi32>
          %gather3A_1020 = tpu.dynamic_gather %add3A_67[%gather3A_1019] in [0] : vector<16xf32>, vector<16xi32> -> vector<16xf32>
          %mul3A_1021 = arith.mulf %get3A_1015, %gather3A_1020 : vector<16xf32>
          %add3A_1022 = arith.addf %add3A_966, %mul3A_1021 : vector<16xf32>
          %mul3A_1023 = arith.mulf %get3A_1015, %get3A_1015 : vector<16xf32>
          %add3A_1024 = arith.addf %add3A_968, %mul3A_1023 : vector<16xf32>
          %get3A_1025 = arith.constant 53 : i32
          %get3A_1026 = arith.index_cast %get3A_1025 : i32 to index
          %get3A_1027 = arith.index_cast %mul3A_266 : i32 to index
          %get3A_1028 = tpu.vector_load %arg11[%get3A_1026, %get3A_1027] {strides = array<i32>} : memref<64x256xf32, #tpu.memory_space<vmem>>, vector<1x16xf32>,
          %get3A_1029 = vector.shape_cast %get3A_1028 : vector<1x16xf32> to vector<16xf32>
          %broadcast_in_dim3A_1030 = arith.constant 5 : i32
          %broadcast_in_dim3A_1031 = vector.broadcast %broadcast_in_dim3A_1030 : i32 to vector<16xi32>
          %broadcast_in_dim3A_1032 = vector.shape_cast %broadcast_in_dim3A_1031 : vector<16xi32> to vector<16x1xi32>
          %gather3A_1033 = vector.shape_cast %broadcast_in_dim3A_1032 : vector<16x1xi32> to vector<16xi32>
          %gather3A_1034 = tpu.dynamic_gather %add3A_67[%gather3A_1033] in [0] : vector<16xf32>, vector<16xi32> -> vector<16xf32>
          %mul3A_1035 = arith.mulf %get3A_1029, %gather3A_1034 : vector<16xf32>
          %add3A_1036 = arith.addf %add3A_980, %mul3A_1035 : vector<16xf32>
          %mul3A_1037 = arith.mulf %get3A_1029, %get3A_1029 : vector<16xf32>
          %add3A_1038 = arith.addf %add3A_982, %mul3A_1037 : vector<16xf32>
          %get3A_1039 = arith.constant 54 : i32
          %get3A_1040 = arith.index_cast %get3A_1039 : i32 to index
          %get3A_1041 = arith.index_cast %mul3A_266 : i32 to index
          %get3A_1042 = tpu.vector_load %arg11[%get3A_1040, %get3A_1041] {strides = array<i32>} : memref<64x256xf32, #tpu.memory_space<vmem>>, vector<1x16xf32>,
          %get3A_1043 = vector.shape_cast %get3A_1042 : vector<1x16xf32> to vector<16xf32>
          %broadcast_in_dim3A_1044 = arith.constant 6 : i32
          %broadcast_in_dim3A_1045 = vector.broadcast %broadcast_in_dim3A_1044 : i32 to vector<16xi32>
          %broadcast_in_dim3A_1046 = vector.shape_cast %broadcast_in_dim3A_1045 : vector<16xi32> to vector<16x1xi32>
          %gather3A_1047 = vector.shape_cast %broadcast_in_dim3A_1046 : vector<16x1xi32> to vector<16xi32>
          %gather3A_1048 = tpu.dynamic_gather %add3A_67[%gather3A_1047] in [0] : vector<16xf32>, vector<16xi32> -> vector<16xf32>
          %mul3A_1049 = arith.mulf %get3A_1043, %gather3A_1048 : vector<16xf32>
          %add3A_1050 = arith.addf %add3A_994, %mul3A_1049 : vector<16xf32>
          %mul3A_1051 = arith.mulf %get3A_1043, %get3A_1043 : vector<16xf32>
          %add3A_1052 = arith.addf %add3A_996, %mul3A_1051 : vector<16xf32>
          %get3A_1053 = arith.constant 55 : i32
          %get3A_1054 = arith.index_cast %get3A_1053 : i32 to index
          %get3A_1055 = arith.index_cast %mul3A_266 : i32 to index
          %get3A_1056 = tpu.vector_load %arg11[%get3A_1054, %get3A_1055] {strides = array<i32>} : memref<64x256xf32, #tpu.memory_space<vmem>>, vector<1x16xf32>,
          %get3A_1057 = vector.shape_cast %get3A_1056 : vector<1x16xf32> to vector<16xf32>
          %broadcast_in_dim3A_1058 = arith.constant 7 : i32
          %broadcast_in_dim3A_1059 = vector.broadcast %broadcast_in_dim3A_1058 : i32 to vector<16xi32>
          %broadcast_in_dim3A_1060 = vector.shape_cast %broadcast_in_dim3A_1059 : vector<16xi32> to vector<16x1xi32>
          %gather3A_1061 = vector.shape_cast %broadcast_in_dim3A_1060 : vector<16x1xi32> to vector<16xi32>
          %gather3A_1062 = tpu.dynamic_gather %add3A_67[%gather3A_1061] in [0] : vector<16xf32>, vector<16xi32> -> vector<16xf32>
          %mul3A_1063 = arith.mulf %get3A_1057, %gather3A_1062 : vector<16xf32>
          %add3A_1064 = arith.addf %add3A_1008, %mul3A_1063 : vector<16xf32>
          %mul3A_1065 = arith.mulf %get3A_1057, %get3A_1057 : vector<16xf32>
          %add3A_1066 = arith.addf %add3A_1010, %mul3A_1065 : vector<16xf32>
          %get3A_1067 = arith.constant 56 : i32
          %get3A_1068 = arith.index_cast %get3A_1067 : i32 to index
          %get3A_1069 = arith.index_cast %mul3A_266 : i32 to index
          %get3A_1070 = tpu.vector_load %arg11[%get3A_1068, %get3A_1069] {strides = array<i32>} : memref<64x256xf32, #tpu.memory_space<vmem>>, vector<1x16xf32>,
          %get3A_1071 = vector.shape_cast %get3A_1070 : vector<1x16xf32> to vector<16xf32>
          %broadcast_in_dim3A_1072 = arith.constant 8 : i32
          %broadcast_in_dim3A_1073 = vector.broadcast %broadcast_in_dim3A_1072 : i32 to vector<16xi32>
          %broadcast_in_dim3A_1074 = vector.shape_cast %broadcast_in_dim3A_1073 : vector<16xi32> to vector<16x1xi32>
          %gather3A_1075 = vector.shape_cast %broadcast_in_dim3A_1074 : vector<16x1xi32> to vector<16xi32>
          %gather3A_1076 = tpu.dynamic_gather %add3A_67[%gather3A_1075] in [0] : vector<16xf32>, vector<16xi32> -> vector<16xf32>
          %mul3A_1077 = arith.mulf %get3A_1071, %gather3A_1076 : vector<16xf32>
          %add3A_1078 = arith.addf %add3A_1022, %mul3A_1077 : vector<16xf32>
          %mul3A_1079 = arith.mulf %get3A_1071, %get3A_1071 : vector<16xf32>
          %add3A_1080 = arith.addf %add3A_1024, %mul3A_1079 : vector<16xf32>
          %get3A_1081 = arith.constant 57 : i32
          %get3A_1082 = arith.index_cast %get3A_1081 : i32 to index
          %get3A_1083 = arith.index_cast %mul3A_266 : i32 to index
          %get3A_1084 = tpu.vector_load %arg11[%get3A_1082, %get3A_1083] {strides = array<i32>} : memref<64x256xf32, #tpu.memory_space<vmem>>, vector<1x16xf32>,
          %get3A_1085 = vector.shape_cast %get3A_1084 : vector<1x16xf32> to vector<16xf32>
          %broadcast_in_dim3A_1086 = arith.constant 9 : i32
          %broadcast_in_dim3A_1087 = vector.broadcast %broadcast_in_dim3A_1086 : i32 to vector<16xi32>
          %broadcast_in_dim3A_1088 = vector.shape_cast %broadcast_in_dim3A_1087 : vector<16xi32> to vector<16x1xi32>
          %gather3A_1089 = vector.shape_cast %broadcast_in_dim3A_1088 : vector<16x1xi32> to vector<16xi32>
          %gather3A_1090 = tpu.dynamic_gather %add3A_67[%gather3A_1089] in [0] : vector<16xf32>, vector<16xi32> -> vector<16xf32>
          %mul3A_1091 = arith.mulf %get3A_1085, %gather3A_1090 : vector<16xf32>
          %add3A_1092 = arith.addf %add3A_1036, %mul3A_1091 : vector<16xf32>
          %mul3A_1093 = arith.mulf %get3A_1085, %get3A_1085 : vector<16xf32>
          %add3A_1094 = arith.addf %add3A_1038, %mul3A_1093 : vector<16xf32>
          %get3A_1095 = arith.constant 58 : i32
          %get3A_1096 = arith.index_cast %get3A_1095 : i32 to index
          %get3A_1097 = arith.index_cast %mul3A_266 : i32 to index
          %get3A_1098 = tpu.vector_load %arg11[%get3A_1096, %get3A_1097] {strides = array<i32>} : memref<64x256xf32, #tpu.memory_space<vmem>>, vector<1x16xf32>,
          %get3A_1099 = vector.shape_cast %get3A_1098 : vector<1x16xf32> to vector<16xf32>
          %broadcast_in_dim3A_1100 = arith.constant 10 : i32
          %broadcast_in_dim3A_1101 = vector.broadcast %broadcast_in_dim3A_1100 : i32 to vector<16xi32>
          %broadcast_in_dim3A_1102 = vector.shape_cast %broadcast_in_dim3A_1101 : vector<16xi32> to vector<16x1xi32>
          %gather3A_1103 = vector.shape_cast %broadcast_in_dim3A_1102 : vector<16x1xi32> to vector<16xi32>
          %gather3A_1104 = tpu.dynamic_gather %add3A_67[%gather3A_1103] in [0] : vector<16xf32>, vector<16xi32> -> vector<16xf32>
          %mul3A_1105 = arith.mulf %get3A_1099, %gather3A_1104 : vector<16xf32>
          %add3A_1106 = arith.addf %add3A_1050, %mul3A_1105 : vector<16xf32>
          %mul3A_1107 = arith.mulf %get3A_1099, %get3A_1099 : vector<16xf32>
          %add3A_1108 = arith.addf %add3A_1052, %mul3A_1107 : vector<16xf32>
          %get3A_1109 = arith.constant 59 : i32
          %get3A_1110 = arith.index_cast %get3A_1109 : i32 to index
          %get3A_1111 = arith.index_cast %mul3A_266 : i32 to index
          %get3A_1112 = tpu.vector_load %arg11[%get3A_1110, %get3A_1111] {strides = array<i32>} : memref<64x256xf32, #tpu.memory_space<vmem>>, vector<1x16xf32>,
          %get3A_1113 = vector.shape_cast %get3A_1112 : vector<1x16xf32> to vector<16xf32>
          %broadcast_in_dim3A_1114 = arith.constant 11 : i32
          %broadcast_in_dim3A_1115 = vector.broadcast %broadcast_in_dim3A_1114 : i32 to vector<16xi32>
          %broadcast_in_dim3A_1116 = vector.shape_cast %broadcast_in_dim3A_1115 : vector<16xi32> to vector<16x1xi32>
          %gather3A_1117 = vector.shape_cast %broadcast_in_dim3A_1116 : vector<16x1xi32> to vector<16xi32>
          %gather3A_1118 = tpu.dynamic_gather %add3A_67[%gather3A_1117] in [0] : vector<16xf32>, vector<16xi32> -> vector<16xf32>
          %mul3A_1119 = arith.mulf %get3A_1113, %gather3A_1118 : vector<16xf32>
          %add3A_1120 = arith.addf %add3A_1064, %mul3A_1119 : vector<16xf32>
          %mul3A_1121 = arith.mulf %get3A_1113, %get3A_1113 : vector<16xf32>
          %add3A_1122 = arith.addf %add3A_1066, %mul3A_1121 : vector<16xf32>
          %get3A_1123 = arith.constant 60 : i32
          %get3A_1124 = arith.index_cast %get3A_1123 : i32 to index
          %get3A_1125 = arith.index_cast %mul3A_266 : i32 to index
          %get3A_1126 = tpu.vector_load %arg11[%get3A_1124, %get3A_1125] {strides = array<i32>} : memref<64x256xf32, #tpu.memory_space<vmem>>, vector<1x16xf32>,
          %get3A_1127 = vector.shape_cast %get3A_1126 : vector<1x16xf32> to vector<16xf32>
          %broadcast_in_dim3A_1128 = arith.constant 12 : i32
          %broadcast_in_dim3A_1129 = vector.broadcast %broadcast_in_dim3A_1128 : i32 to vector<16xi32>
          %broadcast_in_dim3A_1130 = vector.shape_cast %broadcast_in_dim3A_1129 : vector<16xi32> to vector<16x1xi32>
          %gather3A_1131 = vector.shape_cast %broadcast_in_dim3A_1130 : vector<16x1xi32> to vector<16xi32>
          %gather3A_1132 = tpu.dynamic_gather %add3A_67[%gather3A_1131] in [0] : vector<16xf32>, vector<16xi32> -> vector<16xf32>
          %mul3A_1133 = arith.mulf %get3A_1127, %gather3A_1132 : vector<16xf32>
          %add3A_1134 = arith.addf %add3A_1078, %mul3A_1133 : vector<16xf32>
          %mul3A_1135 = arith.mulf %get3A_1127, %get3A_1127 : vector<16xf32>
          %add3A_1136 = arith.addf %add3A_1080, %mul3A_1135 : vector<16xf32>
          %get3A_1137 = arith.constant 61 : i32
          %get3A_1138 = arith.index_cast %get3A_1137 : i32 to index
          %get3A_1139 = arith.index_cast %mul3A_266 : i32 to index
          %get3A_1140 = tpu.vector_load %arg11[%get3A_1138, %get3A_1139] {strides = array<i32>} : memref<64x256xf32, #tpu.memory_space<vmem>>, vector<1x16xf32>,
          %get3A_1141 = vector.shape_cast %get3A_1140 : vector<1x16xf32> to vector<16xf32>
          %broadcast_in_dim3A_1142 = arith.constant 13 : i32
          %broadcast_in_dim3A_1143 = vector.broadcast %broadcast_in_dim3A_1142 : i32 to vector<16xi32>
          %broadcast_in_dim3A_1144 = vector.shape_cast %broadcast_in_dim3A_1143 : vector<16xi32> to vector<16x1xi32>
          %gather3A_1145 = vector.shape_cast %broadcast_in_dim3A_1144 : vector<16x1xi32> to vector<16xi32>
          %gather3A_1146 = tpu.dynamic_gather %add3A_67[%gather3A_1145] in [0] : vector<16xf32>, vector<16xi32> -> vector<16xf32>
          %mul3A_1147 = arith.mulf %get3A_1141, %gather3A_1146 : vector<16xf32>
          %add3A_1148 = arith.addf %add3A_1092, %mul3A_1147 : vector<16xf32>
          %mul3A_1149 = arith.mulf %get3A_1141, %get3A_1141 : vector<16xf32>
          %add3A_1150 = arith.addf %add3A_1094, %mul3A_1149 : vector<16xf32>
          %get3A_1151 = arith.constant 62 : i32
          %get3A_1152 = arith.index_cast %get3A_1151 : i32 to index
          %get3A_1153 = arith.index_cast %mul3A_266 : i32 to index
          %get3A_1154 = tpu.vector_load %arg11[%get3A_1152, %get3A_1153] {strides = array<i32>} : memref<64x256xf32, #tpu.memory_space<vmem>>, vector<1x16xf32>,
          %get3A_1155 = vector.shape_cast %get3A_1154 : vector<1x16xf32> to vector<16xf32>
          %broadcast_in_dim3A_1156 = arith.constant 14 : i32
          %broadcast_in_dim3A_1157 = vector.broadcast %broadcast_in_dim3A_1156 : i32 to vector<16xi32>
          %broadcast_in_dim3A_1158 = vector.shape_cast %broadcast_in_dim3A_1157 : vector<16xi32> to vector<16x1xi32>
          %gather3A_1159 = vector.shape_cast %broadcast_in_dim3A_1158 : vector<16x1xi32> to vector<16xi32>
          %gather3A_1160 = tpu.dynamic_gather %add3A_67[%gather3A_1159] in [0] : vector<16xf32>, vector<16xi32> -> vector<16xf32>
          %mul3A_1161 = arith.mulf %get3A_1155, %gather3A_1160 : vector<16xf32>
          %add3A_1162 = arith.addf %add3A_1106, %mul3A_1161 : vector<16xf32>
          %mul3A_1163 = arith.mulf %get3A_1155, %get3A_1155 : vector<16xf32>
          %add3A_1164 = arith.addf %add3A_1108, %mul3A_1163 : vector<16xf32>
          %get3A_1165 = arith.constant 63 : i32
          %get3A_1166 = arith.index_cast %get3A_1165 : i32 to index
          %get3A_1167 = arith.index_cast %mul3A_266 : i32 to index
          %get3A_1168 = tpu.vector_load %arg11[%get3A_1166, %get3A_1167] {strides = array<i32>} : memref<64x256xf32, #tpu.memory_space<vmem>>, vector<1x16xf32>,
          %get3A_1169 = vector.shape_cast %get3A_1168 : vector<1x16xf32> to vector<16xf32>
          %broadcast_in_dim3A_1170 = arith.constant 15 : i32
          %broadcast_in_dim3A_1171 = vector.broadcast %broadcast_in_dim3A_1170 : i32 to vector<16xi32>
          %broadcast_in_dim3A_1172 = vector.shape_cast %broadcast_in_dim3A_1171 : vector<16xi32> to vector<16x1xi32>
          %gather3A_1173 = vector.shape_cast %broadcast_in_dim3A_1172 : vector<16x1xi32> to vector<16xi32>
          %gather3A_1174 = tpu.dynamic_gather %add3A_67[%gather3A_1173] in [0] : vector<16xf32>, vector<16xi32> -> vector<16xf32>
          %mul3A_1175 = arith.mulf %get3A_1169, %gather3A_1174 : vector<16xf32>
          %add3A_1176 = arith.addf %add3A_1120, %mul3A_1175 : vector<16xf32>
          %mul3A_1177 = arith.mulf %get3A_1169, %get3A_1169 : vector<16xf32>
          %add3A_1178 = arith.addf %add3A_1122, %mul3A_1177 : vector<16xf32>
          %add3A_1179 = arith.addf %add3A_1134, %add3A_1148 : vector<16xf32>
          %add3A_1180 = arith.addf %add3A_1162, %add3A_1176 : vector<16xf32>
          %add3A_1181 = arith.addf %add3A_1179, %add3A_1180 : vector<16xf32>
          %add3A_1182 = arith.addf %add3A_1136, %add3A_1150 : vector<16xf32>
          %add3A_1183 = arith.addf %add3A_1164, %add3A_1178 : vector<16xf32>
          %add3A_1184 = arith.addf %add3A_1182, %add3A_1183 : vector<16xf32>
          %abs3A = math.absf %add3A_1181 : vector<16xf32>
          %mul3A_1185 = arith.mulf %add3A_1181, %abs3A : vector<16xf32>
          %max3A_1186 = arith.constant 1.000000e-16 : f32
          %max3A_1187 = vector.broadcast %max3A_1186 : f32 to vector<16xf32>
          %max3A_1188 = arith.maximumf %add3A_1184, %max3A_1187 : vector<16xf32>
          %div3A = arith.divf %mul3A_1185, %max3A_1188 : vector<16xf32>
          %add3A_1189 = arith.addi %multiple_of3A_209, %mul3A_266 : i32
          %add3A_1190 = vector.broadcast %add3A_1189 : i32 to vector<16xi32>
          %add3A_1191 = arith.addi %add3A_1190, %iota3A : vector<16xi32>
          %gt3A = arith.cmpf ogt, %div3A, %scan3A_263 : vector<16xf32>
          %select_n3A_1192 = arith.select %gt3A, %div3A, %scan3A_263 : vector<16xi1>, vector<16xf32>
          %select_n3A_1193 = arith.select %gt3A, %add3A_1191, %scan3A_264 : vector<16xi1>, vector<16xi32>
          scf.yield %select_n3A_1192, %select_n3A_1193 : vector<16xf32>, vector<16xi32>
        }
        %scan3A_253 = arith.constant 16 : i32
        %swap3A_254 = arith.constant 0 : index
        %swap3A_255 = tpu.vector_load %arg13[%swap3A_254] {strides = array<i32>} : memref<16xf32, #tpu.memory_space<vmem>>, vector<16xf32>,
        %swap3A_256 = vector.shape_cast %swap3A_255 : vector<16xf32> to vector<16xf32>
        %swap3A_257 = vector.shape_cast %scan3A_252#0 : vector<16xf32> to vector<16xf32>
        tpu.vector_store %arg13[%swap3A_254], %swap3A_257 {strides = array<i32>} : memref<16xf32, #tpu.memory_space<vmem>>, vector<16xf32>,
        %swap3A_258 = arith.constant 0 : index
        %swap3A_259 = tpu.vector_load %arg14[%swap3A_258] {strides = array<i32>} : memref<16xi32, #tpu.memory_space<vmem>>, vector<16xi32>,
        %swap3A_260 = vector.shape_cast %swap3A_259 : vector<16xi32> to vector<16xi32>
        %swap3A_261 = vector.shape_cast %scan3A_252#1 : vector<16xi32> to vector<16xi32>
        tpu.vector_store %arg14[%swap3A_258], %swap3A_261 {strides = array<i32>} : memref<16xi32, #tpu.memory_space<vmem>>, vector<16xi32>,
      } else {
      }
      %eq3A_233 = arith.constant 1 : i32
      %eq3A_234 = arith.cmpi eq, %rem3A_205, %eq3A_233 : i32
      %convert_element_type3A_235 = arith.extui %eq3A_234 : i1 to i32
      %cond3A_236 = arith.constant 0 : i32
      %cond3A_237 = arith.cmpi ne, %convert_element_type3A_235, %cond3A_236 : i32
      scf.if %cond3A_237 {
        %dma_wait3A = arith.constant 0 : i32
        %dma_wait3A_239 = tpu.memref_slice %arg5[%dma_wait3A, %multiple_of3A_209] : memref<64x1000000xf32, #tpu.memory_space<hbm>> -> memref<64x256xf32, #tpu.memory_space<hbm>>
        %dma_wait3A_240 = arith.constant 0 : i32
        %dma_wait3A_241 = tpu.memref_slice %arg5[%dma_wait3A_240, %multiple_of3A_209] : memref<64x1000000xf32, #tpu.memory_space<hbm>> -> memref<64x256xf32, #tpu.memory_space<hbm>>
        tpu.wait_dma2 semaphore(%arg16 : memref<!tpu.dma_semaphore, #tpu.memory_space<semaphore_mem>>) src(%dma_wait3A_241 : memref<64x256xf32, #tpu.memory_space<hbm>>) dst(%arg12 : memref<64x256xf32, #tpu.memory_space<vmem>>)
        %get3A_242 = arith.constant 0 : index
        %get3A_243 = tpu.vector_load %arg13[%get3A_242] {strides = array<i32>} : memref<16xf32, #tpu.memory_space<vmem>>, vector<16xf32>,
        %get3A_244 = vector.shape_cast %get3A_243 : vector<16xf32> to vector<16xf32>
        %get3A_245 = arith.constant 0 : index
        %get3A_246 = tpu.vector_load %arg14[%get3A_245] {strides = array<i32>} : memref<16xi32, #tpu.memory_space<vmem>>, vector<16xi32>,
        %get3A_247 = vector.shape_cast %get3A_246 : vector<16xi32> to vector<16xi32>
        %scan3A_248 = arith.constant 0 : i32
        %scan3A_249 = arith.constant 16 : i32
        %scan3A_250 = arith.addi %scan3A_248, %scan3A_249 : i32
        %scan3A_251 = arith.constant 1 : i32
        %scan3A_252:2 = scf.for %scan3A_262 = %scan3A_248 to %scan3A_250 step %scan3A_251 iter_args(%scan3A_263 = %get3A_244, %scan3A_264 = %get3A_247) -> (vector<16xf32>, vector<16xi32>)  : i32 {
          %mul3A_265 = arith.constant 16 : i32
          %mul3A_266 = arith.muli %scan3A_262, %mul3A_265 : i32
          %broadcast_in_dim3A_267 = arith.constant 0.000000e+00 : f32
          %broadcast_in_dim3A_268 = vector.broadcast %broadcast_in_dim3A_267 : f32 to vector<16xf32>
          %broadcast_in_dim3A_269 = arith.constant 0.000000e+00 : f32
          %broadcast_in_dim3A_270 = vector.broadcast %broadcast_in_dim3A_269 : f32 to vector<16xf32>
          %broadcast_in_dim3A_271 = arith.constant 0.000000e+00 : f32
          %broadcast_in_dim3A_272 = vector.broadcast %broadcast_in_dim3A_271 : f32 to vector<16xf32>
          %broadcast_in_dim3A_273 = arith.constant 0.000000e+00 : f32
          %broadcast_in_dim3A_274 = vector.broadcast %broadcast_in_dim3A_273 : f32 to vector<16xf32>
          %broadcast_in_dim3A_275 = arith.constant 0.000000e+00 : f32
          %broadcast_in_dim3A_276 = vector.broadcast %broadcast_in_dim3A_275 : f32 to vector<16xf32>
          %broadcast_in_dim3A_277 = arith.constant 0.000000e+00 : f32
          %broadcast_in_dim3A_278 = vector.broadcast %broadcast_in_dim3A_277 : f32 to vector<16xf32>
          %broadcast_in_dim3A_279 = arith.constant 0.000000e+00 : f32
          %broadcast_in_dim3A_280 = vector.broadcast %broadcast_in_dim3A_279 : f32 to vector<16xf32>
          %broadcast_in_dim3A_281 = arith.constant 0.000000e+00 : f32
          %broadcast_in_dim3A_282 = vector.broadcast %broadcast_in_dim3A_281 : f32 to vector<16xf32>
          %get3A_283 = arith.constant 0 : i32
          %get3A_284 = arith.index_cast %get3A_283 : i32 to index
          %get3A_285 = arith.index_cast %mul3A_266 : i32 to index
          %get3A_286 = tpu.vector_load %arg12[%get3A_284, %get3A_285] {strides = array<i32>} : memref<64x256xf32, #tpu.memory_space<vmem>>, vector<1x16xf32>,
          %get3A_287 = vector.shape_cast %get3A_286 : vector<1x16xf32> to vector<16xf32>
          %broadcast_in_dim3A_288 = arith.constant 0 : i32
          %broadcast_in_dim3A_289 = vector.broadcast %broadcast_in_dim3A_288 : i32 to vector<16xi32>
          %broadcast_in_dim3A_290 = vector.shape_cast %broadcast_in_dim3A_289 : vector<16xi32> to vector<16x1xi32>
          %gather3A_291 = vector.shape_cast %broadcast_in_dim3A_290 : vector<16x1xi32> to vector<16xi32>
          %gather3A_292 = tpu.dynamic_gather %add3A_31[%gather3A_291] in [0] : vector<16xf32>, vector<16xi32> -> vector<16xf32>
          %mul3A_293 = arith.mulf %get3A_287, %gather3A_292 : vector<16xf32>
          %add3A_294 = arith.addf %broadcast_in_dim3A_268, %mul3A_293 : vector<16xf32>
          %mul3A_295 = arith.mulf %get3A_287, %get3A_287 : vector<16xf32>
          %add3A_296 = arith.addf %broadcast_in_dim3A_276, %mul3A_295 : vector<16xf32>
          %get3A_297 = arith.constant 1 : i32
          %get3A_298 = arith.index_cast %get3A_297 : i32 to index
          %get3A_299 = arith.index_cast %mul3A_266 : i32 to index
          %get3A_300 = tpu.vector_load %arg12[%get3A_298, %get3A_299] {strides = array<i32>} : memref<64x256xf32, #tpu.memory_space<vmem>>, vector<1x16xf32>,
          %get3A_301 = vector.shape_cast %get3A_300 : vector<1x16xf32> to vector<16xf32>
          %broadcast_in_dim3A_302 = arith.constant 1 : i32
          %broadcast_in_dim3A_303 = vector.broadcast %broadcast_in_dim3A_302 : i32 to vector<16xi32>
          %broadcast_in_dim3A_304 = vector.shape_cast %broadcast_in_dim3A_303 : vector<16xi32> to vector<16x1xi32>
          %gather3A_305 = vector.shape_cast %broadcast_in_dim3A_304 : vector<16x1xi32> to vector<16xi32>
          %gather3A_306 = tpu.dynamic_gather %add3A_31[%gather3A_305] in [0] : vector<16xf32>, vector<16xi32> -> vector<16xf32>
          %mul3A_307 = arith.mulf %get3A_301, %gather3A_306 : vector<16xf32>
          %add3A_308 = arith.addf %broadcast_in_dim3A_270, %mul3A_307 : vector<16xf32>
          %mul3A_309 = arith.mulf %get3A_301, %get3A_301 : vector<16xf32>
          %add3A_310 = arith.addf %broadcast_in_dim3A_278, %mul3A_309 : vector<16xf32>
          %get3A_311 = arith.constant 2 : i32
          %get3A_312 = arith.index_cast %get3A_311 : i32 to index
          %get3A_313 = arith.index_cast %mul3A_266 : i32 to index
          %get3A_314 = tpu.vector_load %arg12[%get3A_312, %get3A_313] {strides = array<i32>} : memref<64x256xf32, #tpu.memory_space<vmem>>, vector<1x16xf32>,
          %get3A_315 = vector.shape_cast %get3A_314 : vector<1x16xf32> to vector<16xf32>
          %broadcast_in_dim3A_316 = arith.constant 2 : i32
          %broadcast_in_dim3A_317 = vector.broadcast %broadcast_in_dim3A_316 : i32 to vector<16xi32>
          %broadcast_in_dim3A_318 = vector.shape_cast %broadcast_in_dim3A_317 : vector<16xi32> to vector<16x1xi32>
          %gather3A_319 = vector.shape_cast %broadcast_in_dim3A_318 : vector<16x1xi32> to vector<16xi32>
          %gather3A_320 = tpu.dynamic_gather %add3A_31[%gather3A_319] in [0] : vector<16xf32>, vector<16xi32> -> vector<16xf32>
          %mul3A_321 = arith.mulf %get3A_315, %gather3A_320 : vector<16xf32>
          %add3A_322 = arith.addf %broadcast_in_dim3A_272, %mul3A_321 : vector<16xf32>
          %mul3A_323 = arith.mulf %get3A_315, %get3A_315 : vector<16xf32>
          %add3A_324 = arith.addf %broadcast_in_dim3A_280, %mul3A_323 : vector<16xf32>
          %get3A_325 = arith.constant 3 : i32
          %get3A_326 = arith.index_cast %get3A_325 : i32 to index
          %get3A_327 = arith.index_cast %mul3A_266 : i32 to index
          %get3A_328 = tpu.vector_load %arg12[%get3A_326, %get3A_327] {strides = array<i32>} : memref<64x256xf32, #tpu.memory_space<vmem>>, vector<1x16xf32>,
          %get3A_329 = vector.shape_cast %get3A_328 : vector<1x16xf32> to vector<16xf32>
          %broadcast_in_dim3A_330 = arith.constant 3 : i32
          %broadcast_in_dim3A_331 = vector.broadcast %broadcast_in_dim3A_330 : i32 to vector<16xi32>
          %broadcast_in_dim3A_332 = vector.shape_cast %broadcast_in_dim3A_331 : vector<16xi32> to vector<16x1xi32>
          %gather3A_333 = vector.shape_cast %broadcast_in_dim3A_332 : vector<16x1xi32> to vector<16xi32>
          %gather3A_334 = tpu.dynamic_gather %add3A_31[%gather3A_333] in [0] : vector<16xf32>, vector<16xi32> -> vector<16xf32>
          %mul3A_335 = arith.mulf %get3A_329, %gather3A_334 : vector<16xf32>
          %add3A_336 = arith.addf %broadcast_in_dim3A_274, %mul3A_335 : vector<16xf32>
          %mul3A_337 = arith.mulf %get3A_329, %get3A_329 : vector<16xf32>
          %add3A_338 = arith.addf %broadcast_in_dim3A_282, %mul3A_337 : vector<16xf32>
          %get3A_339 = arith.constant 4 : i32
          %get3A_340 = arith.index_cast %get3A_339 : i32 to index
          %get3A_341 = arith.index_cast %mul3A_266 : i32 to index
          %get3A_342 = tpu.vector_load %arg12[%get3A_340, %get3A_341] {strides = array<i32>} : memref<64x256xf32, #tpu.memory_space<vmem>>, vector<1x16xf32>,
          %get3A_343 = vector.shape_cast %get3A_342 : vector<1x16xf32> to vector<16xf32>
          %broadcast_in_dim3A_344 = arith.constant 4 : i32
          %broadcast_in_dim3A_345 = vector.broadcast %broadcast_in_dim3A_344 : i32 to vector<16xi32>
          %broadcast_in_dim3A_346 = vector.shape_cast %broadcast_in_dim3A_345 : vector<16xi32> to vector<16x1xi32>
          %gather3A_347 = vector.shape_cast %broadcast_in_dim3A_346 : vector<16x1xi32> to vector<16xi32>
          %gather3A_348 = tpu.dynamic_gather %add3A_31[%gather3A_347] in [0] : vector<16xf32>, vector<16xi32> -> vector<16xf32>
          %mul3A_349 = arith.mulf %get3A_343, %gather3A_348 : vector<16xf32>
          %add3A_350 = arith.addf %add3A_294, %mul3A_349 : vector<16xf32>
          %mul3A_351 = arith.mulf %get3A_343, %get3A_343 : vector<16xf32>
          %add3A_352 = arith.addf %add3A_296, %mul3A_351 : vector<16xf32>
          %get3A_353 = arith.constant 5 : i32
          %get3A_354 = arith.index_cast %get3A_353 : i32 to index
          %get3A_355 = arith.index_cast %mul3A_266 : i32 to index
          %get3A_356 = tpu.vector_load %arg12[%get3A_354, %get3A_355] {strides = array<i32>} : memref<64x256xf32, #tpu.memory_space<vmem>>, vector<1x16xf32>,
          %get3A_357 = vector.shape_cast %get3A_356 : vector<1x16xf32> to vector<16xf32>
          %broadcast_in_dim3A_358 = arith.constant 5 : i32
          %broadcast_in_dim3A_359 = vector.broadcast %broadcast_in_dim3A_358 : i32 to vector<16xi32>
          %broadcast_in_dim3A_360 = vector.shape_cast %broadcast_in_dim3A_359 : vector<16xi32> to vector<16x1xi32>
          %gather3A_361 = vector.shape_cast %broadcast_in_dim3A_360 : vector<16x1xi32> to vector<16xi32>
          %gather3A_362 = tpu.dynamic_gather %add3A_31[%gather3A_361] in [0] : vector<16xf32>, vector<16xi32> -> vector<16xf32>
          %mul3A_363 = arith.mulf %get3A_357, %gather3A_362 : vector<16xf32>
          %add3A_364 = arith.addf %add3A_308, %mul3A_363 : vector<16xf32>
          %mul3A_365 = arith.mulf %get3A_357, %get3A_357 : vector<16xf32>
          %add3A_366 = arith.addf %add3A_310, %mul3A_365 : vector<16xf32>
          %get3A_367 = arith.constant 6 : i32
          %get3A_368 = arith.index_cast %get3A_367 : i32 to index
          %get3A_369 = arith.index_cast %mul3A_266 : i32 to index
          %get3A_370 = tpu.vector_load %arg12[%get3A_368, %get3A_369] {strides = array<i32>} : memref<64x256xf32, #tpu.memory_space<vmem>>, vector<1x16xf32>,
          %get3A_371 = vector.shape_cast %get3A_370 : vector<1x16xf32> to vector<16xf32>
          %broadcast_in_dim3A_372 = arith.constant 6 : i32
          %broadcast_in_dim3A_373 = vector.broadcast %broadcast_in_dim3A_372 : i32 to vector<16xi32>
          %broadcast_in_dim3A_374 = vector.shape_cast %broadcast_in_dim3A_373 : vector<16xi32> to vector<16x1xi32>
          %gather3A_375 = vector.shape_cast %broadcast_in_dim3A_374 : vector<16x1xi32> to vector<16xi32>
          %gather3A_376 = tpu.dynamic_gather %add3A_31[%gather3A_375] in [0] : vector<16xf32>, vector<16xi32> -> vector<16xf32>
          %mul3A_377 = arith.mulf %get3A_371, %gather3A_376 : vector<16xf32>
          %add3A_378 = arith.addf %add3A_322, %mul3A_377 : vector<16xf32>
          %mul3A_379 = arith.mulf %get3A_371, %get3A_371 : vector<16xf32>
          %add3A_380 = arith.addf %add3A_324, %mul3A_379 : vector<16xf32>
          %get3A_381 = arith.constant 7 : i32
          %get3A_382 = arith.index_cast %get3A_381 : i32 to index
          %get3A_383 = arith.index_cast %mul3A_266 : i32 to index
          %get3A_384 = tpu.vector_load %arg12[%get3A_382, %get3A_383] {strides = array<i32>} : memref<64x256xf32, #tpu.memory_space<vmem>>, vector<1x16xf32>,
          %get3A_385 = vector.shape_cast %get3A_384 : vector<1x16xf32> to vector<16xf32>
          %broadcast_in_dim3A_386 = arith.constant 7 : i32
          %broadcast_in_dim3A_387 = vector.broadcast %broadcast_in_dim3A_386 : i32 to vector<16xi32>
          %broadcast_in_dim3A_388 = vector.shape_cast %broadcast_in_dim3A_387 : vector<16xi32> to vector<16x1xi32>
          %gather3A_389 = vector.shape_cast %broadcast_in_dim3A_388 : vector<16x1xi32> to vector<16xi32>
          %gather3A_390 = tpu.dynamic_gather %add3A_31[%gather3A_389] in [0] : vector<16xf32>, vector<16xi32> -> vector<16xf32>
          %mul3A_391 = arith.mulf %get3A_385, %gather3A_390 : vector<16xf32>
          %add3A_392 = arith.addf %add3A_336, %mul3A_391 : vector<16xf32>
          %mul3A_393 = arith.mulf %get3A_385, %get3A_385 : vector<16xf32>
          %add3A_394 = arith.addf %add3A_338, %mul3A_393 : vector<16xf32>
          %get3A_395 = arith.constant 8 : i32
          %get3A_396 = arith.index_cast %get3A_395 : i32 to index
          %get3A_397 = arith.index_cast %mul3A_266 : i32 to index
          %get3A_398 = tpu.vector_load %arg12[%get3A_396, %get3A_397] {strides = array<i32>} : memref<64x256xf32, #tpu.memory_space<vmem>>, vector<1x16xf32>,
          %get3A_399 = vector.shape_cast %get3A_398 : vector<1x16xf32> to vector<16xf32>
          %broadcast_in_dim3A_400 = arith.constant 8 : i32
          %broadcast_in_dim3A_401 = vector.broadcast %broadcast_in_dim3A_400 : i32 to vector<16xi32>
          %broadcast_in_dim3A_402 = vector.shape_cast %broadcast_in_dim3A_401 : vector<16xi32> to vector<16x1xi32>
          %gather3A_403 = vector.shape_cast %broadcast_in_dim3A_402 : vector<16x1xi32> to vector<16xi32>
          %gather3A_404 = tpu.dynamic_gather %add3A_31[%gather3A_403] in [0] : vector<16xf32>, vector<16xi32> -> vector<16xf32>
          %mul3A_405 = arith.mulf %get3A_399, %gather3A_404 : vector<16xf32>
          %add3A_406 = arith.addf %add3A_350, %mul3A_405 : vector<16xf32>
          %mul3A_407 = arith.mulf %get3A_399, %get3A_399 : vector<16xf32>
          %add3A_408 = arith.addf %add3A_352, %mul3A_407 : vector<16xf32>
          %get3A_409 = arith.constant 9 : i32
          %get3A_410 = arith.index_cast %get3A_409 : i32 to index
          %get3A_411 = arith.index_cast %mul3A_266 : i32 to index
          %get3A_412 = tpu.vector_load %arg12[%get3A_410, %get3A_411] {strides = array<i32>} : memref<64x256xf32, #tpu.memory_space<vmem>>, vector<1x16xf32>,
          %get3A_413 = vector.shape_cast %get3A_412 : vector<1x16xf32> to vector<16xf32>
          %broadcast_in_dim3A_414 = arith.constant 9 : i32
          %broadcast_in_dim3A_415 = vector.broadcast %broadcast_in_dim3A_414 : i32 to vector<16xi32>
          %broadcast_in_dim3A_416 = vector.shape_cast %broadcast_in_dim3A_415 : vector<16xi32> to vector<16x1xi32>
          %gather3A_417 = vector.shape_cast %broadcast_in_dim3A_416 : vector<16x1xi32> to vector<16xi32>
          %gather3A_418 = tpu.dynamic_gather %add3A_31[%gather3A_417] in [0] : vector<16xf32>, vector<16xi32> -> vector<16xf32>
          %mul3A_419 = arith.mulf %get3A_413, %gather3A_418 : vector<16xf32>
          %add3A_420 = arith.addf %add3A_364, %mul3A_419 : vector<16xf32>
          %mul3A_421 = arith.mulf %get3A_413, %get3A_413 : vector<16xf32>
          %add3A_422 = arith.addf %add3A_366, %mul3A_421 : vector<16xf32>
          %get3A_423 = arith.constant 10 : i32
          %get3A_424 = arith.index_cast %get3A_423 : i32 to index
          %get3A_425 = arith.index_cast %mul3A_266 : i32 to index
          %get3A_426 = tpu.vector_load %arg12[%get3A_424, %get3A_425] {strides = array<i32>} : memref<64x256xf32, #tpu.memory_space<vmem>>, vector<1x16xf32>,
          %get3A_427 = vector.shape_cast %get3A_426 : vector<1x16xf32> to vector<16xf32>
          %broadcast_in_dim3A_428 = arith.constant 10 : i32
          %broadcast_in_dim3A_429 = vector.broadcast %broadcast_in_dim3A_428 : i32 to vector<16xi32>
          %broadcast_in_dim3A_430 = vector.shape_cast %broadcast_in_dim3A_429 : vector<16xi32> to vector<16x1xi32>
          %gather3A_431 = vector.shape_cast %broadcast_in_dim3A_430 : vector<16x1xi32> to vector<16xi32>
          %gather3A_432 = tpu.dynamic_gather %add3A_31[%gather3A_431] in [0] : vector<16xf32>, vector<16xi32> -> vector<16xf32>
          %mul3A_433 = arith.mulf %get3A_427, %gather3A_432 : vector<16xf32>
          %add3A_434 = arith.addf %add3A_378, %mul3A_433 : vector<16xf32>
          %mul3A_435 = arith.mulf %get3A_427, %get3A_427 : vector<16xf32>
          %add3A_436 = arith.addf %add3A_380, %mul3A_435 : vector<16xf32>
          %get3A_437 = arith.constant 11 : i32
          %get3A_438 = arith.index_cast %get3A_437 : i32 to index
          %get3A_439 = arith.index_cast %mul3A_266 : i32 to index
          %get3A_440 = tpu.vector_load %arg12[%get3A_438, %get3A_439] {strides = array<i32>} : memref<64x256xf32, #tpu.memory_space<vmem>>, vector<1x16xf32>,
          %get3A_441 = vector.shape_cast %get3A_440 : vector<1x16xf32> to vector<16xf32>
          %broadcast_in_dim3A_442 = arith.constant 11 : i32
          %broadcast_in_dim3A_443 = vector.broadcast %broadcast_in_dim3A_442 : i32 to vector<16xi32>
          %broadcast_in_dim3A_444 = vector.shape_cast %broadcast_in_dim3A_443 : vector<16xi32> to vector<16x1xi32>
          %gather3A_445 = vector.shape_cast %broadcast_in_dim3A_444 : vector<16x1xi32> to vector<16xi32>
          %gather3A_446 = tpu.dynamic_gather %add3A_31[%gather3A_445] in [0] : vector<16xf32>, vector<16xi32> -> vector<16xf32>
          %mul3A_447 = arith.mulf %get3A_441, %gather3A_446 : vector<16xf32>
          %add3A_448 = arith.addf %add3A_392, %mul3A_447 : vector<16xf32>
          %mul3A_449 = arith.mulf %get3A_441, %get3A_441 : vector<16xf32>
          %add3A_450 = arith.addf %add3A_394, %mul3A_449 : vector<16xf32>
          %get3A_451 = arith.constant 12 : i32
          %get3A_452 = arith.index_cast %get3A_451 : i32 to index
          %get3A_453 = arith.index_cast %mul3A_266 : i32 to index
          %get3A_454 = tpu.vector_load %arg12[%get3A_452, %get3A_453] {strides = array<i32>} : memref<64x256xf32, #tpu.memory_space<vmem>>, vector<1x16xf32>,
          %get3A_455 = vector.shape_cast %get3A_454 : vector<1x16xf32> to vector<16xf32>
          %broadcast_in_dim3A_456 = arith.constant 12 : i32
          %broadcast_in_dim3A_457 = vector.broadcast %broadcast_in_dim3A_456 : i32 to vector<16xi32>
          %broadcast_in_dim3A_458 = vector.shape_cast %broadcast_in_dim3A_457 : vector<16xi32> to vector<16x1xi32>
          %gather3A_459 = vector.shape_cast %broadcast_in_dim3A_458 : vector<16x1xi32> to vector<16xi32>
          %gather3A_460 = tpu.dynamic_gather %add3A_31[%gather3A_459] in [0] : vector<16xf32>, vector<16xi32> -> vector<16xf32>
          %mul3A_461 = arith.mulf %get3A_455, %gather3A_460 : vector<16xf32>
          %add3A_462 = arith.addf %add3A_406, %mul3A_461 : vector<16xf32>
          %mul3A_463 = arith.mulf %get3A_455, %get3A_455 : vector<16xf32>
          %add3A_464 = arith.addf %add3A_408, %mul3A_463 : vector<16xf32>
          %get3A_465 = arith.constant 13 : i32
          %get3A_466 = arith.index_cast %get3A_465 : i32 to index
          %get3A_467 = arith.index_cast %mul3A_266 : i32 to index
          %get3A_468 = tpu.vector_load %arg12[%get3A_466, %get3A_467] {strides = array<i32>} : memref<64x256xf32, #tpu.memory_space<vmem>>, vector<1x16xf32>,
          %get3A_469 = vector.shape_cast %get3A_468 : vector<1x16xf32> to vector<16xf32>
          %broadcast_in_dim3A_470 = arith.constant 13 : i32
          %broadcast_in_dim3A_471 = vector.broadcast %broadcast_in_dim3A_470 : i32 to vector<16xi32>
          %broadcast_in_dim3A_472 = vector.shape_cast %broadcast_in_dim3A_471 : vector<16xi32> to vector<16x1xi32>
          %gather3A_473 = vector.shape_cast %broadcast_in_dim3A_472 : vector<16x1xi32> to vector<16xi32>
          %gather3A_474 = tpu.dynamic_gather %add3A_31[%gather3A_473] in [0] : vector<16xf32>, vector<16xi32> -> vector<16xf32>
          %mul3A_475 = arith.mulf %get3A_469, %gather3A_474 : vector<16xf32>
          %add3A_476 = arith.addf %add3A_420, %mul3A_475 : vector<16xf32>
          %mul3A_477 = arith.mulf %get3A_469, %get3A_469 : vector<16xf32>
          %add3A_478 = arith.addf %add3A_422, %mul3A_477 : vector<16xf32>
          %get3A_479 = arith.constant 14 : i32
          %get3A_480 = arith.index_cast %get3A_479 : i32 to index
          %get3A_481 = arith.index_cast %mul3A_266 : i32 to index
          %get3A_482 = tpu.vector_load %arg12[%get3A_480, %get3A_481] {strides = array<i32>} : memref<64x256xf32, #tpu.memory_space<vmem>>, vector<1x16xf32>,
          %get3A_483 = vector.shape_cast %get3A_482 : vector<1x16xf32> to vector<16xf32>
          %broadcast_in_dim3A_484 = arith.constant 14 : i32
          %broadcast_in_dim3A_485 = vector.broadcast %broadcast_in_dim3A_484 : i32 to vector<16xi32>
          %broadcast_in_dim3A_486 = vector.shape_cast %broadcast_in_dim3A_485 : vector<16xi32> to vector<16x1xi32>
          %gather3A_487 = vector.shape_cast %broadcast_in_dim3A_486 : vector<16x1xi32> to vector<16xi32>
          %gather3A_488 = tpu.dynamic_gather %add3A_31[%gather3A_487] in [0] : vector<16xf32>, vector<16xi32> -> vector<16xf32>
          %mul3A_489 = arith.mulf %get3A_483, %gather3A_488 : vector<16xf32>
          %add3A_490 = arith.addf %add3A_434, %mul3A_489 : vector<16xf32>
          %mul3A_491 = arith.mulf %get3A_483, %get3A_483 : vector<16xf32>
          %add3A_492 = arith.addf %add3A_436, %mul3A_491 : vector<16xf32>
          %get3A_493 = arith.constant 15 : i32
          %get3A_494 = arith.index_cast %get3A_493 : i32 to index
          %get3A_495 = arith.index_cast %mul3A_266 : i32 to index
          %get3A_496 = tpu.vector_load %arg12[%get3A_494, %get3A_495] {strides = array<i32>} : memref<64x256xf32, #tpu.memory_space<vmem>>, vector<1x16xf32>,
          %get3A_497 = vector.shape_cast %get3A_496 : vector<1x16xf32> to vector<16xf32>
          %broadcast_in_dim3A_498 = arith.constant 15 : i32
          %broadcast_in_dim3A_499 = vector.broadcast %broadcast_in_dim3A_498 : i32 to vector<16xi32>
          %broadcast_in_dim3A_500 = vector.shape_cast %broadcast_in_dim3A_499 : vector<16xi32> to vector<16x1xi32>
          %gather3A_501 = vector.shape_cast %broadcast_in_dim3A_500 : vector<16x1xi32> to vector<16xi32>
          %gather3A_502 = tpu.dynamic_gather %add3A_31[%gather3A_501] in [0] : vector<16xf32>, vector<16xi32> -> vector<16xf32>
          %mul3A_503 = arith.mulf %get3A_497, %gather3A_502 : vector<16xf32>
          %add3A_504 = arith.addf %add3A_448, %mul3A_503 : vector<16xf32>
          %mul3A_505 = arith.mulf %get3A_497, %get3A_497 : vector<16xf32>
          %add3A_506 = arith.addf %add3A_450, %mul3A_505 : vector<16xf32>
          %get3A_507 = arith.constant 16 : i32
          %get3A_508 = arith.index_cast %get3A_507 : i32 to index
          %get3A_509 = arith.index_cast %mul3A_266 : i32 to index
          %get3A_510 = tpu.vector_load %arg12[%get3A_508, %get3A_509] {strides = array<i32>} : memref<64x256xf32, #tpu.memory_space<vmem>>, vector<1x16xf32>,
          %get3A_511 = vector.shape_cast %get3A_510 : vector<1x16xf32> to vector<16xf32>
          %broadcast_in_dim3A_512 = arith.constant 0 : i32
          %broadcast_in_dim3A_513 = vector.broadcast %broadcast_in_dim3A_512 : i32 to vector<16xi32>
          %broadcast_in_dim3A_514 = vector.shape_cast %broadcast_in_dim3A_513 : vector<16xi32> to vector<16x1xi32>
          %gather3A_515 = vector.shape_cast %broadcast_in_dim3A_514 : vector<16x1xi32> to vector<16xi32>
          %gather3A_516 = tpu.dynamic_gather %add3A_43[%gather3A_515] in [0] : vector<16xf32>, vector<16xi32> -> vector<16xf32>
          %mul3A_517 = arith.mulf %get3A_511, %gather3A_516 : vector<16xf32>
          %add3A_518 = arith.addf %add3A_462, %mul3A_517 : vector<16xf32>
          %mul3A_519 = arith.mulf %get3A_511, %get3A_511 : vector<16xf32>
          %add3A_520 = arith.addf %add3A_464, %mul3A_519 : vector<16xf32>
          %get3A_521 = arith.constant 17 : i32
          %get3A_522 = arith.index_cast %get3A_521 : i32 to index
          %get3A_523 = arith.index_cast %mul3A_266 : i32 to index
          %get3A_524 = tpu.vector_load %arg12[%get3A_522, %get3A_523] {strides = array<i32>} : memref<64x256xf32, #tpu.memory_space<vmem>>, vector<1x16xf32>,
          %get3A_525 = vector.shape_cast %get3A_524 : vector<1x16xf32> to vector<16xf32>
          %broadcast_in_dim3A_526 = arith.constant 1 : i32
          %broadcast_in_dim3A_527 = vector.broadcast %broadcast_in_dim3A_526 : i32 to vector<16xi32>
          %broadcast_in_dim3A_528 = vector.shape_cast %broadcast_in_dim3A_527 : vector<16xi32> to vector<16x1xi32>
          %gather3A_529 = vector.shape_cast %broadcast_in_dim3A_528 : vector<16x1xi32> to vector<16xi32>
          %gather3A_530 = tpu.dynamic_gather %add3A_43[%gather3A_529] in [0] : vector<16xf32>, vector<16xi32> -> vector<16xf32>
          %mul3A_531 = arith.mulf %get3A_525, %gather3A_530 : vector<16xf32>
          %add3A_532 = arith.addf %add3A_476, %mul3A_531 : vector<16xf32>
          %mul3A_533 = arith.mulf %get3A_525, %get3A_525 : vector<16xf32>
          %add3A_534 = arith.addf %add3A_478, %mul3A_533 : vector<16xf32>
          %get3A_535 = arith.constant 18 : i32
          %get3A_536 = arith.index_cast %get3A_535 : i32 to index
          %get3A_537 = arith.index_cast %mul3A_266 : i32 to index
          %get3A_538 = tpu.vector_load %arg12[%get3A_536, %get3A_537] {strides = array<i32>} : memref<64x256xf32, #tpu.memory_space<vmem>>, vector<1x16xf32>,
          %get3A_539 = vector.shape_cast %get3A_538 : vector<1x16xf32> to vector<16xf32>
          %broadcast_in_dim3A_540 = arith.constant 2 : i32
          %broadcast_in_dim3A_541 = vector.broadcast %broadcast_in_dim3A_540 : i32 to vector<16xi32>
          %broadcast_in_dim3A_542 = vector.shape_cast %broadcast_in_dim3A_541 : vector<16xi32> to vector<16x1xi32>
          %gather3A_543 = vector.shape_cast %broadcast_in_dim3A_542 : vector<16x1xi32> to vector<16xi32>
          %gather3A_544 = tpu.dynamic_gather %add3A_43[%gather3A_543] in [0] : vector<16xf32>, vector<16xi32> -> vector<16xf32>
          %mul3A_545 = arith.mulf %get3A_539, %gather3A_544 : vector<16xf32>
          %add3A_546 = arith.addf %add3A_490, %mul3A_545 : vector<16xf32>
          %mul3A_547 = arith.mulf %get3A_539, %get3A_539 : vector<16xf32>
          %add3A_548 = arith.addf %add3A_492, %mul3A_547 : vector<16xf32>
          %get3A_549 = arith.constant 19 : i32
          %get3A_550 = arith.index_cast %get3A_549 : i32 to index
          %get3A_551 = arith.index_cast %mul3A_266 : i32 to index
          %get3A_552 = tpu.vector_load %arg12[%get3A_550, %get3A_551] {strides = array<i32>} : memref<64x256xf32, #tpu.memory_space<vmem>>, vector<1x16xf32>,
          %get3A_553 = vector.shape_cast %get3A_552 : vector<1x16xf32> to vector<16xf32>
          %broadcast_in_dim3A_554 = arith.constant 3 : i32
          %broadcast_in_dim3A_555 = vector.broadcast %broadcast_in_dim3A_554 : i32 to vector<16xi32>
          %broadcast_in_dim3A_556 = vector.shape_cast %broadcast_in_dim3A_555 : vector<16xi32> to vector<16x1xi32>
          %gather3A_557 = vector.shape_cast %broadcast_in_dim3A_556 : vector<16x1xi32> to vector<16xi32>
          %gather3A_558 = tpu.dynamic_gather %add3A_43[%gather3A_557] in [0] : vector<16xf32>, vector<16xi32> -> vector<16xf32>
          %mul3A_559 = arith.mulf %get3A_553, %gather3A_558 : vector<16xf32>
          %add3A_560 = arith.addf %add3A_504, %mul3A_559 : vector<16xf32>
          %mul3A_561 = arith.mulf %get3A_553, %get3A_553 : vector<16xf32>
          %add3A_562 = arith.addf %add3A_506, %mul3A_561 : vector<16xf32>
          %get3A_563 = arith.constant 20 : i32
          %get3A_564 = arith.index_cast %get3A_563 : i32 to index
          %get3A_565 = arith.index_cast %mul3A_266 : i32 to index
          %get3A_566 = tpu.vector_load %arg12[%get3A_564, %get3A_565] {strides = array<i32>} : memref<64x256xf32, #tpu.memory_space<vmem>>, vector<1x16xf32>,
          %get3A_567 = vector.shape_cast %get3A_566 : vector<1x16xf32> to vector<16xf32>
          %broadcast_in_dim3A_568 = arith.constant 4 : i32
          %broadcast_in_dim3A_569 = vector.broadcast %broadcast_in_dim3A_568 : i32 to vector<16xi32>
          %broadcast_in_dim3A_570 = vector.shape_cast %broadcast_in_dim3A_569 : vector<16xi32> to vector<16x1xi32>
          %gather3A_571 = vector.shape_cast %broadcast_in_dim3A_570 : vector<16x1xi32> to vector<16xi32>
          %gather3A_572 = tpu.dynamic_gather %add3A_43[%gather3A_571] in [0] : vector<16xf32>, vector<16xi32> -> vector<16xf32>
          %mul3A_573 = arith.mulf %get3A_567, %gather3A_572 : vector<16xf32>
          %add3A_574 = arith.addf %add3A_518, %mul3A_573 : vector<16xf32>
          %mul3A_575 = arith.mulf %get3A_567, %get3A_567 : vector<16xf32>
          %add3A_576 = arith.addf %add3A_520, %mul3A_575 : vector<16xf32>
          %get3A_577 = arith.constant 21 : i32
          %get3A_578 = arith.index_cast %get3A_577 : i32 to index
          %get3A_579 = arith.index_cast %mul3A_266 : i32 to index
          %get3A_580 = tpu.vector_load %arg12[%get3A_578, %get3A_579] {strides = array<i32>} : memref<64x256xf32, #tpu.memory_space<vmem>>, vector<1x16xf32>,
          %get3A_581 = vector.shape_cast %get3A_580 : vector<1x16xf32> to vector<16xf32>
          %broadcast_in_dim3A_582 = arith.constant 5 : i32
          %broadcast_in_dim3A_583 = vector.broadcast %broadcast_in_dim3A_582 : i32 to vector<16xi32>
          %broadcast_in_dim3A_584 = vector.shape_cast %broadcast_in_dim3A_583 : vector<16xi32> to vector<16x1xi32>
          %gather3A_585 = vector.shape_cast %broadcast_in_dim3A_584 : vector<16x1xi32> to vector<16xi32>
          %gather3A_586 = tpu.dynamic_gather %add3A_43[%gather3A_585] in [0] : vector<16xf32>, vector<16xi32> -> vector<16xf32>
          %mul3A_587 = arith.mulf %get3A_581, %gather3A_586 : vector<16xf32>
          %add3A_588 = arith.addf %add3A_532, %mul3A_587 : vector<16xf32>
          %mul3A_589 = arith.mulf %get3A_581, %get3A_581 : vector<16xf32>
          %add3A_590 = arith.addf %add3A_534, %mul3A_589 : vector<16xf32>
          %get3A_591 = arith.constant 22 : i32
          %get3A_592 = arith.index_cast %get3A_591 : i32 to index
          %get3A_593 = arith.index_cast %mul3A_266 : i32 to index
          %get3A_594 = tpu.vector_load %arg12[%get3A_592, %get3A_593] {strides = array<i32>} : memref<64x256xf32, #tpu.memory_space<vmem>>, vector<1x16xf32>,
          %get3A_595 = vector.shape_cast %get3A_594 : vector<1x16xf32> to vector<16xf32>
          %broadcast_in_dim3A_596 = arith.constant 6 : i32
          %broadcast_in_dim3A_597 = vector.broadcast %broadcast_in_dim3A_596 : i32 to vector<16xi32>
          %broadcast_in_dim3A_598 = vector.shape_cast %broadcast_in_dim3A_597 : vector<16xi32> to vector<16x1xi32>
          %gather3A_599 = vector.shape_cast %broadcast_in_dim3A_598 : vector<16x1xi32> to vector<16xi32>
          %gather3A_600 = tpu.dynamic_gather %add3A_43[%gather3A_599] in [0] : vector<16xf32>, vector<16xi32> -> vector<16xf32>
          %mul3A_601 = arith.mulf %get3A_595, %gather3A_600 : vector<16xf32>
          %add3A_602 = arith.addf %add3A_546, %mul3A_601 : vector<16xf32>
          %mul3A_603 = arith.mulf %get3A_595, %get3A_595 : vector<16xf32>
          %add3A_604 = arith.addf %add3A_548, %mul3A_603 : vector<16xf32>
          %get3A_605 = arith.constant 23 : i32
          %get3A_606 = arith.index_cast %get3A_605 : i32 to index
          %get3A_607 = arith.index_cast %mul3A_266 : i32 to index
          %get3A_608 = tpu.vector_load %arg12[%get3A_606, %get3A_607] {strides = array<i32>} : memref<64x256xf32, #tpu.memory_space<vmem>>, vector<1x16xf32>,
          %get3A_609 = vector.shape_cast %get3A_608 : vector<1x16xf32> to vector<16xf32>
          %broadcast_in_dim3A_610 = arith.constant 7 : i32
          %broadcast_in_dim3A_611 = vector.broadcast %broadcast_in_dim3A_610 : i32 to vector<16xi32>
          %broadcast_in_dim3A_612 = vector.shape_cast %broadcast_in_dim3A_611 : vector<16xi32> to vector<16x1xi32>
          %gather3A_613 = vector.shape_cast %broadcast_in_dim3A_612 : vector<16x1xi32> to vector<16xi32>
          %gather3A_614 = tpu.dynamic_gather %add3A_43[%gather3A_613] in [0] : vector<16xf32>, vector<16xi32> -> vector<16xf32>
          %mul3A_615 = arith.mulf %get3A_609, %gather3A_614 : vector<16xf32>
          %add3A_616 = arith.addf %add3A_560, %mul3A_615 : vector<16xf32>
          %mul3A_617 = arith.mulf %get3A_609, %get3A_609 : vector<16xf32>
          %add3A_618 = arith.addf %add3A_562, %mul3A_617 : vector<16xf32>
          %get3A_619 = arith.constant 24 : i32
          %get3A_620 = arith.index_cast %get3A_619 : i32 to index
          %get3A_621 = arith.index_cast %mul3A_266 : i32 to index
          %get3A_622 = tpu.vector_load %arg12[%get3A_620, %get3A_621] {strides = array<i32>} : memref<64x256xf32, #tpu.memory_space<vmem>>, vector<1x16xf32>,
          %get3A_623 = vector.shape_cast %get3A_622 : vector<1x16xf32> to vector<16xf32>
          %broadcast_in_dim3A_624 = arith.constant 8 : i32
          %broadcast_in_dim3A_625 = vector.broadcast %broadcast_in_dim3A_624 : i32 to vector<16xi32>
          %broadcast_in_dim3A_626 = vector.shape_cast %broadcast_in_dim3A_625 : vector<16xi32> to vector<16x1xi32>
          %gather3A_627 = vector.shape_cast %broadcast_in_dim3A_626 : vector<16x1xi32> to vector<16xi32>
          %gather3A_628 = tpu.dynamic_gather %add3A_43[%gather3A_627] in [0] : vector<16xf32>, vector<16xi32> -> vector<16xf32>
          %mul3A_629 = arith.mulf %get3A_623, %gather3A_628 : vector<16xf32>
          %add3A_630 = arith.addf %add3A_574, %mul3A_629 : vector<16xf32>
          %mul3A_631 = arith.mulf %get3A_623, %get3A_623 : vector<16xf32>
          %add3A_632 = arith.addf %add3A_576, %mul3A_631 : vector<16xf32>
          %get3A_633 = arith.constant 25 : i32
          %get3A_634 = arith.index_cast %get3A_633 : i32 to index
          %get3A_635 = arith.index_cast %mul3A_266 : i32 to index
          %get3A_636 = tpu.vector_load %arg12[%get3A_634, %get3A_635] {strides = array<i32>} : memref<64x256xf32, #tpu.memory_space<vmem>>, vector<1x16xf32>,
          %get3A_637 = vector.shape_cast %get3A_636 : vector<1x16xf32> to vector<16xf32>
          %broadcast_in_dim3A_638 = arith.constant 9 : i32
          %broadcast_in_dim3A_639 = vector.broadcast %broadcast_in_dim3A_638 : i32 to vector<16xi32>
          %broadcast_in_dim3A_640 = vector.shape_cast %broadcast_in_dim3A_639 : vector<16xi32> to vector<16x1xi32>
          %gather3A_641 = vector.shape_cast %broadcast_in_dim3A_640 : vector<16x1xi32> to vector<16xi32>
          %gather3A_642 = tpu.dynamic_gather %add3A_43[%gather3A_641] in [0] : vector<16xf32>, vector<16xi32> -> vector<16xf32>
          %mul3A_643 = arith.mulf %get3A_637, %gather3A_642 : vector<16xf32>
          %add3A_644 = arith.addf %add3A_588, %mul3A_643 : vector<16xf32>
          %mul3A_645 = arith.mulf %get3A_637, %get3A_637 : vector<16xf32>
          %add3A_646 = arith.addf %add3A_590, %mul3A_645 : vector<16xf32>
          %get3A_647 = arith.constant 26 : i32
          %get3A_648 = arith.index_cast %get3A_647 : i32 to index
          %get3A_649 = arith.index_cast %mul3A_266 : i32 to index
          %get3A_650 = tpu.vector_load %arg12[%get3A_648, %get3A_649] {strides = array<i32>} : memref<64x256xf32, #tpu.memory_space<vmem>>, vector<1x16xf32>,
          %get3A_651 = vector.shape_cast %get3A_650 : vector<1x16xf32> to vector<16xf32>
          %broadcast_in_dim3A_652 = arith.constant 10 : i32
          %broadcast_in_dim3A_653 = vector.broadcast %broadcast_in_dim3A_652 : i32 to vector<16xi32>
          %broadcast_in_dim3A_654 = vector.shape_cast %broadcast_in_dim3A_653 : vector<16xi32> to vector<16x1xi32>
          %gather3A_655 = vector.shape_cast %broadcast_in_dim3A_654 : vector<16x1xi32> to vector<16xi32>
          %gather3A_656 = tpu.dynamic_gather %add3A_43[%gather3A_655] in [0] : vector<16xf32>, vector<16xi32> -> vector<16xf32>
          %mul3A_657 = arith.mulf %get3A_651, %gather3A_656 : vector<16xf32>
          %add3A_658 = arith.addf %add3A_602, %mul3A_657 : vector<16xf32>
          %mul3A_659 = arith.mulf %get3A_651, %get3A_651 : vector<16xf32>
          %add3A_660 = arith.addf %add3A_604, %mul3A_659 : vector<16xf32>
          %get3A_661 = arith.constant 27 : i32
          %get3A_662 = arith.index_cast %get3A_661 : i32 to index
          %get3A_663 = arith.index_cast %mul3A_266 : i32 to index
          %get3A_664 = tpu.vector_load %arg12[%get3A_662, %get3A_663] {strides = array<i32>} : memref<64x256xf32, #tpu.memory_space<vmem>>, vector<1x16xf32>,
          %get3A_665 = vector.shape_cast %get3A_664 : vector<1x16xf32> to vector<16xf32>
          %broadcast_in_dim3A_666 = arith.constant 11 : i32
          %broadcast_in_dim3A_667 = vector.broadcast %broadcast_in_dim3A_666 : i32 to vector<16xi32>
          %broadcast_in_dim3A_668 = vector.shape_cast %broadcast_in_dim3A_667 : vector<16xi32> to vector<16x1xi32>
          %gather3A_669 = vector.shape_cast %broadcast_in_dim3A_668 : vector<16x1xi32> to vector<16xi32>
          %gather3A_670 = tpu.dynamic_gather %add3A_43[%gather3A_669] in [0] : vector<16xf32>, vector<16xi32> -> vector<16xf32>
          %mul3A_671 = arith.mulf %get3A_665, %gather3A_670 : vector<16xf32>
          %add3A_672 = arith.addf %add3A_616, %mul3A_671 : vector<16xf32>
          %mul3A_673 = arith.mulf %get3A_665, %get3A_665 : vector<16xf32>
          %add3A_674 = arith.addf %add3A_618, %mul3A_673 : vector<16xf32>
          %get3A_675 = arith.constant 28 : i32
          %get3A_676 = arith.index_cast %get3A_675 : i32 to index
          %get3A_677 = arith.index_cast %mul3A_266 : i32 to index
          %get3A_678 = tpu.vector_load %arg12[%get3A_676, %get3A_677] {strides = array<i32>} : memref<64x256xf32, #tpu.memory_space<vmem>>, vector<1x16xf32>,
          %get3A_679 = vector.shape_cast %get3A_678 : vector<1x16xf32> to vector<16xf32>
          %broadcast_in_dim3A_680 = arith.constant 12 : i32
          %broadcast_in_dim3A_681 = vector.broadcast %broadcast_in_dim3A_680 : i32 to vector<16xi32>
          %broadcast_in_dim3A_682 = vector.shape_cast %broadcast_in_dim3A_681 : vector<16xi32> to vector<16x1xi32>
          %gather3A_683 = vector.shape_cast %broadcast_in_dim3A_682 : vector<16x1xi32> to vector<16xi32>
          %gather3A_684 = tpu.dynamic_gather %add3A_43[%gather3A_683] in [0] : vector<16xf32>, vector<16xi32> -> vector<16xf32>
          %mul3A_685 = arith.mulf %get3A_679, %gather3A_684 : vector<16xf32>
          %add3A_686 = arith.addf %add3A_630, %mul3A_685 : vector<16xf32>
          %mul3A_687 = arith.mulf %get3A_679, %get3A_679 : vector<16xf32>
          %add3A_688 = arith.addf %add3A_632, %mul3A_687 : vector<16xf32>
          %get3A_689 = arith.constant 29 : i32
          %get3A_690 = arith.index_cast %get3A_689 : i32 to index
          %get3A_691 = arith.index_cast %mul3A_266 : i32 to index
          %get3A_692 = tpu.vector_load %arg12[%get3A_690, %get3A_691] {strides = array<i32>} : memref<64x256xf32, #tpu.memory_space<vmem>>, vector<1x16xf32>,
          %get3A_693 = vector.shape_cast %get3A_692 : vector<1x16xf32> to vector<16xf32>
          %broadcast_in_dim3A_694 = arith.constant 13 : i32
          %broadcast_in_dim3A_695 = vector.broadcast %broadcast_in_dim3A_694 : i32 to vector<16xi32>
          %broadcast_in_dim3A_696 = vector.shape_cast %broadcast_in_dim3A_695 : vector<16xi32> to vector<16x1xi32>
          %gather3A_697 = vector.shape_cast %broadcast_in_dim3A_696 : vector<16x1xi32> to vector<16xi32>
          %gather3A_698 = tpu.dynamic_gather %add3A_43[%gather3A_697] in [0] : vector<16xf32>, vector<16xi32> -> vector<16xf32>
          %mul3A_699 = arith.mulf %get3A_693, %gather3A_698 : vector<16xf32>
          %add3A_700 = arith.addf %add3A_644, %mul3A_699 : vector<16xf32>
          %mul3A_701 = arith.mulf %get3A_693, %get3A_693 : vector<16xf32>
          %add3A_702 = arith.addf %add3A_646, %mul3A_701 : vector<16xf32>
          %get3A_703 = arith.constant 30 : i32
          %get3A_704 = arith.index_cast %get3A_703 : i32 to index
          %get3A_705 = arith.index_cast %mul3A_266 : i32 to index
          %get3A_706 = tpu.vector_load %arg12[%get3A_704, %get3A_705] {strides = array<i32>} : memref<64x256xf32, #tpu.memory_space<vmem>>, vector<1x16xf32>,
          %get3A_707 = vector.shape_cast %get3A_706 : vector<1x16xf32> to vector<16xf32>
          %broadcast_in_dim3A_708 = arith.constant 14 : i32
          %broadcast_in_dim3A_709 = vector.broadcast %broadcast_in_dim3A_708 : i32 to vector<16xi32>
          %broadcast_in_dim3A_710 = vector.shape_cast %broadcast_in_dim3A_709 : vector<16xi32> to vector<16x1xi32>
          %gather3A_711 = vector.shape_cast %broadcast_in_dim3A_710 : vector<16x1xi32> to vector<16xi32>
          %gather3A_712 = tpu.dynamic_gather %add3A_43[%gather3A_711] in [0] : vector<16xf32>, vector<16xi32> -> vector<16xf32>
          %mul3A_713 = arith.mulf %get3A_707, %gather3A_712 : vector<16xf32>
          %add3A_714 = arith.addf %add3A_658, %mul3A_713 : vector<16xf32>
          %mul3A_715 = arith.mulf %get3A_707, %get3A_707 : vector<16xf32>
          %add3A_716 = arith.addf %add3A_660, %mul3A_715 : vector<16xf32>
          %get3A_717 = arith.constant 31 : i32
          %get3A_718 = arith.index_cast %get3A_717 : i32 to index
          %get3A_719 = arith.index_cast %mul3A_266 : i32 to index
          %get3A_720 = tpu.vector_load %arg12[%get3A_718, %get3A_719] {strides = array<i32>} : memref<64x256xf32, #tpu.memory_space<vmem>>, vector<1x16xf32>,
          %get3A_721 = vector.shape_cast %get3A_720 : vector<1x16xf32> to vector<16xf32>
          %broadcast_in_dim3A_722 = arith.constant 15 : i32
          %broadcast_in_dim3A_723 = vector.broadcast %broadcast_in_dim3A_722 : i32 to vector<16xi32>
          %broadcast_in_dim3A_724 = vector.shape_cast %broadcast_in_dim3A_723 : vector<16xi32> to vector<16x1xi32>
          %gather3A_725 = vector.shape_cast %broadcast_in_dim3A_724 : vector<16x1xi32> to vector<16xi32>
          %gather3A_726 = tpu.dynamic_gather %add3A_43[%gather3A_725] in [0] : vector<16xf32>, vector<16xi32> -> vector<16xf32>
          %mul3A_727 = arith.mulf %get3A_721, %gather3A_726 : vector<16xf32>
          %add3A_728 = arith.addf %add3A_672, %mul3A_727 : vector<16xf32>
          %mul3A_729 = arith.mulf %get3A_721, %get3A_721 : vector<16xf32>
          %add3A_730 = arith.addf %add3A_674, %mul3A_729 : vector<16xf32>
          %get3A_731 = arith.constant 32 : i32
          %get3A_732 = arith.index_cast %get3A_731 : i32 to index
          %get3A_733 = arith.index_cast %mul3A_266 : i32 to index
          %get3A_734 = tpu.vector_load %arg12[%get3A_732, %get3A_733] {strides = array<i32>} : memref<64x256xf32, #tpu.memory_space<vmem>>, vector<1x16xf32>,
          %get3A_735 = vector.shape_cast %get3A_734 : vector<1x16xf32> to vector<16xf32>
          %broadcast_in_dim3A_736 = arith.constant 0 : i32
          %broadcast_in_dim3A_737 = vector.broadcast %broadcast_in_dim3A_736 : i32 to vector<16xi32>
          %broadcast_in_dim3A_738 = vector.shape_cast %broadcast_in_dim3A_737 : vector<16xi32> to vector<16x1xi32>
          %gather3A_739 = vector.shape_cast %broadcast_in_dim3A_738 : vector<16x1xi32> to vector<16xi32>
          %gather3A_740 = tpu.dynamic_gather %add3A_55[%gather3A_739] in [0] : vector<16xf32>, vector<16xi32> -> vector<16xf32>
          %mul3A_741 = arith.mulf %get3A_735, %gather3A_740 : vector<16xf32>
          %add3A_742 = arith.addf %add3A_686, %mul3A_741 : vector<16xf32>
          %mul3A_743 = arith.mulf %get3A_735, %get3A_735 : vector<16xf32>
          %add3A_744 = arith.addf %add3A_688, %mul3A_743 : vector<16xf32>
          %get3A_745 = arith.constant 33 : i32
          %get3A_746 = arith.index_cast %get3A_745 : i32 to index
          %get3A_747 = arith.index_cast %mul3A_266 : i32 to index
          %get3A_748 = tpu.vector_load %arg12[%get3A_746, %get3A_747] {strides = array<i32>} : memref<64x256xf32, #tpu.memory_space<vmem>>, vector<1x16xf32>,
          %get3A_749 = vector.shape_cast %get3A_748 : vector<1x16xf32> to vector<16xf32>
          %broadcast_in_dim3A_750 = arith.constant 1 : i32
          %broadcast_in_dim3A_751 = vector.broadcast %broadcast_in_dim3A_750 : i32 to vector<16xi32>
          %broadcast_in_dim3A_752 = vector.shape_cast %broadcast_in_dim3A_751 : vector<16xi32> to vector<16x1xi32>
          %gather3A_753 = vector.shape_cast %broadcast_in_dim3A_752 : vector<16x1xi32> to vector<16xi32>
          %gather3A_754 = tpu.dynamic_gather %add3A_55[%gather3A_753] in [0] : vector<16xf32>, vector<16xi32> -> vector<16xf32>
          %mul3A_755 = arith.mulf %get3A_749, %gather3A_754 : vector<16xf32>
          %add3A_756 = arith.addf %add3A_700, %mul3A_755 : vector<16xf32>
          %mul3A_757 = arith.mulf %get3A_749, %get3A_749 : vector<16xf32>
          %add3A_758 = arith.addf %add3A_702, %mul3A_757 : vector<16xf32>
          %get3A_759 = arith.constant 34 : i32
          %get3A_760 = arith.index_cast %get3A_759 : i32 to index
          %get3A_761 = arith.index_cast %mul3A_266 : i32 to index
          %get3A_762 = tpu.vector_load %arg12[%get3A_760, %get3A_761] {strides = array<i32>} : memref<64x256xf32, #tpu.memory_space<vmem>>, vector<1x16xf32>,
          %get3A_763 = vector.shape_cast %get3A_762 : vector<1x16xf32> to vector<16xf32>
          %broadcast_in_dim3A_764 = arith.constant 2 : i32
          %broadcast_in_dim3A_765 = vector.broadcast %broadcast_in_dim3A_764 : i32 to vector<16xi32>
          %broadcast_in_dim3A_766 = vector.shape_cast %broadcast_in_dim3A_765 : vector<16xi32> to vector<16x1xi32>
          %gather3A_767 = vector.shape_cast %broadcast_in_dim3A_766 : vector<16x1xi32> to vector<16xi32>
          %gather3A_768 = tpu.dynamic_gather %add3A_55[%gather3A_767] in [0] : vector<16xf32>, vector<16xi32> -> vector<16xf32>
          %mul3A_769 = arith.mulf %get3A_763, %gather3A_768 : vector<16xf32>
          %add3A_770 = arith.addf %add3A_714, %mul3A_769 : vector<16xf32>
          %mul3A_771 = arith.mulf %get3A_763, %get3A_763 : vector<16xf32>
          %add3A_772 = arith.addf %add3A_716, %mul3A_771 : vector<16xf32>
          %get3A_773 = arith.constant 35 : i32
          %get3A_774 = arith.index_cast %get3A_773 : i32 to index
          %get3A_775 = arith.index_cast %mul3A_266 : i32 to index
          %get3A_776 = tpu.vector_load %arg12[%get3A_774, %get3A_775] {strides = array<i32>} : memref<64x256xf32, #tpu.memory_space<vmem>>, vector<1x16xf32>,
          %get3A_777 = vector.shape_cast %get3A_776 : vector<1x16xf32> to vector<16xf32>
          %broadcast_in_dim3A_778 = arith.constant 3 : i32
          %broadcast_in_dim3A_779 = vector.broadcast %broadcast_in_dim3A_778 : i32 to vector<16xi32>
          %broadcast_in_dim3A_780 = vector.shape_cast %broadcast_in_dim3A_779 : vector<16xi32> to vector<16x1xi32>
          %gather3A_781 = vector.shape_cast %broadcast_in_dim3A_780 : vector<16x1xi32> to vector<16xi32>
          %gather3A_782 = tpu.dynamic_gather %add3A_55[%gather3A_781] in [0] : vector<16xf32>, vector<16xi32> -> vector<16xf32>
          %mul3A_783 = arith.mulf %get3A_777, %gather3A_782 : vector<16xf32>
          %add3A_784 = arith.addf %add3A_728, %mul3A_783 : vector<16xf32>
          %mul3A_785 = arith.mulf %get3A_777, %get3A_777 : vector<16xf32>
          %add3A_786 = arith.addf %add3A_730, %mul3A_785 : vector<16xf32>
          %get3A_787 = arith.constant 36 : i32
          %get3A_788 = arith.index_cast %get3A_787 : i32 to index
          %get3A_789 = arith.index_cast %mul3A_266 : i32 to index
          %get3A_790 = tpu.vector_load %arg12[%get3A_788, %get3A_789] {strides = array<i32>} : memref<64x256xf32, #tpu.memory_space<vmem>>, vector<1x16xf32>,
          %get3A_791 = vector.shape_cast %get3A_790 : vector<1x16xf32> to vector<16xf32>
          %broadcast_in_dim3A_792 = arith.constant 4 : i32
          %broadcast_in_dim3A_793 = vector.broadcast %broadcast_in_dim3A_792 : i32 to vector<16xi32>
          %broadcast_in_dim3A_794 = vector.shape_cast %broadcast_in_dim3A_793 : vector<16xi32> to vector<16x1xi32>
          %gather3A_795 = vector.shape_cast %broadcast_in_dim3A_794 : vector<16x1xi32> to vector<16xi32>
          %gather3A_796 = tpu.dynamic_gather %add3A_55[%gather3A_795] in [0] : vector<16xf32>, vector<16xi32> -> vector<16xf32>
          %mul3A_797 = arith.mulf %get3A_791, %gather3A_796 : vector<16xf32>
          %add3A_798 = arith.addf %add3A_742, %mul3A_797 : vector<16xf32>
          %mul3A_799 = arith.mulf %get3A_791, %get3A_791 : vector<16xf32>
          %add3A_800 = arith.addf %add3A_744, %mul3A_799 : vector<16xf32>
          %get3A_801 = arith.constant 37 : i32
          %get3A_802 = arith.index_cast %get3A_801 : i32 to index
          %get3A_803 = arith.index_cast %mul3A_266 : i32 to index
          %get3A_804 = tpu.vector_load %arg12[%get3A_802, %get3A_803] {strides = array<i32>} : memref<64x256xf32, #tpu.memory_space<vmem>>, vector<1x16xf32>,
          %get3A_805 = vector.shape_cast %get3A_804 : vector<1x16xf32> to vector<16xf32>
          %broadcast_in_dim3A_806 = arith.constant 5 : i32
          %broadcast_in_dim3A_807 = vector.broadcast %broadcast_in_dim3A_806 : i32 to vector<16xi32>
          %broadcast_in_dim3A_808 = vector.shape_cast %broadcast_in_dim3A_807 : vector<16xi32> to vector<16x1xi32>
          %gather3A_809 = vector.shape_cast %broadcast_in_dim3A_808 : vector<16x1xi32> to vector<16xi32>
          %gather3A_810 = tpu.dynamic_gather %add3A_55[%gather3A_809] in [0] : vector<16xf32>, vector<16xi32> -> vector<16xf32>
          %mul3A_811 = arith.mulf %get3A_805, %gather3A_810 : vector<16xf32>
          %add3A_812 = arith.addf %add3A_756, %mul3A_811 : vector<16xf32>
          %mul3A_813 = arith.mulf %get3A_805, %get3A_805 : vector<16xf32>
          %add3A_814 = arith.addf %add3A_758, %mul3A_813 : vector<16xf32>
          %get3A_815 = arith.constant 38 : i32
          %get3A_816 = arith.index_cast %get3A_815 : i32 to index
          %get3A_817 = arith.index_cast %mul3A_266 : i32 to index
          %get3A_818 = tpu.vector_load %arg12[%get3A_816, %get3A_817] {strides = array<i32>} : memref<64x256xf32, #tpu.memory_space<vmem>>, vector<1x16xf32>,
          %get3A_819 = vector.shape_cast %get3A_818 : vector<1x16xf32> to vector<16xf32>
          %broadcast_in_dim3A_820 = arith.constant 6 : i32
          %broadcast_in_dim3A_821 = vector.broadcast %broadcast_in_dim3A_820 : i32 to vector<16xi32>
          %broadcast_in_dim3A_822 = vector.shape_cast %broadcast_in_dim3A_821 : vector<16xi32> to vector<16x1xi32>
          %gather3A_823 = vector.shape_cast %broadcast_in_dim3A_822 : vector<16x1xi32> to vector<16xi32>
          %gather3A_824 = tpu.dynamic_gather %add3A_55[%gather3A_823] in [0] : vector<16xf32>, vector<16xi32> -> vector<16xf32>
          %mul3A_825 = arith.mulf %get3A_819, %gather3A_824 : vector<16xf32>
          %add3A_826 = arith.addf %add3A_770, %mul3A_825 : vector<16xf32>
          %mul3A_827 = arith.mulf %get3A_819, %get3A_819 : vector<16xf32>
          %add3A_828 = arith.addf %add3A_772, %mul3A_827 : vector<16xf32>
          %get3A_829 = arith.constant 39 : i32
          %get3A_830 = arith.index_cast %get3A_829 : i32 to index
          %get3A_831 = arith.index_cast %mul3A_266 : i32 to index
          %get3A_832 = tpu.vector_load %arg12[%get3A_830, %get3A_831] {strides = array<i32>} : memref<64x256xf32, #tpu.memory_space<vmem>>, vector<1x16xf32>,
          %get3A_833 = vector.shape_cast %get3A_832 : vector<1x16xf32> to vector<16xf32>
          %broadcast_in_dim3A_834 = arith.constant 7 : i32
          %broadcast_in_dim3A_835 = vector.broadcast %broadcast_in_dim3A_834 : i32 to vector<16xi32>
          %broadcast_in_dim3A_836 = vector.shape_cast %broadcast_in_dim3A_835 : vector<16xi32> to vector<16x1xi32>
          %gather3A_837 = vector.shape_cast %broadcast_in_dim3A_836 : vector<16x1xi32> to vector<16xi32>
          %gather3A_838 = tpu.dynamic_gather %add3A_55[%gather3A_837] in [0] : vector<16xf32>, vector<16xi32> -> vector<16xf32>
          %mul3A_839 = arith.mulf %get3A_833, %gather3A_838 : vector<16xf32>
          %add3A_840 = arith.addf %add3A_784, %mul3A_839 : vector<16xf32>
          %mul3A_841 = arith.mulf %get3A_833, %get3A_833 : vector<16xf32>
          %add3A_842 = arith.addf %add3A_786, %mul3A_841 : vector<16xf32>
          %get3A_843 = arith.constant 40 : i32
          %get3A_844 = arith.index_cast %get3A_843 : i32 to index
          %get3A_845 = arith.index_cast %mul3A_266 : i32 to index
          %get3A_846 = tpu.vector_load %arg12[%get3A_844, %get3A_845] {strides = array<i32>} : memref<64x256xf32, #tpu.memory_space<vmem>>, vector<1x16xf32>,
          %get3A_847 = vector.shape_cast %get3A_846 : vector<1x16xf32> to vector<16xf32>
          %broadcast_in_dim3A_848 = arith.constant 8 : i32
          %broadcast_in_dim3A_849 = vector.broadcast %broadcast_in_dim3A_848 : i32 to vector<16xi32>
          %broadcast_in_dim3A_850 = vector.shape_cast %broadcast_in_dim3A_849 : vector<16xi32> to vector<16x1xi32>
          %gather3A_851 = vector.shape_cast %broadcast_in_dim3A_850 : vector<16x1xi32> to vector<16xi32>
          %gather3A_852 = tpu.dynamic_gather %add3A_55[%gather3A_851] in [0] : vector<16xf32>, vector<16xi32> -> vector<16xf32>
          %mul3A_853 = arith.mulf %get3A_847, %gather3A_852 : vector<16xf32>
          %add3A_854 = arith.addf %add3A_798, %mul3A_853 : vector<16xf32>
          %mul3A_855 = arith.mulf %get3A_847, %get3A_847 : vector<16xf32>
          %add3A_856 = arith.addf %add3A_800, %mul3A_855 : vector<16xf32>
          %get3A_857 = arith.constant 41 : i32
          %get3A_858 = arith.index_cast %get3A_857 : i32 to index
          %get3A_859 = arith.index_cast %mul3A_266 : i32 to index
          %get3A_860 = tpu.vector_load %arg12[%get3A_858, %get3A_859] {strides = array<i32>} : memref<64x256xf32, #tpu.memory_space<vmem>>, vector<1x16xf32>,
          %get3A_861 = vector.shape_cast %get3A_860 : vector<1x16xf32> to vector<16xf32>
          %broadcast_in_dim3A_862 = arith.constant 9 : i32
          %broadcast_in_dim3A_863 = vector.broadcast %broadcast_in_dim3A_862 : i32 to vector<16xi32>
          %broadcast_in_dim3A_864 = vector.shape_cast %broadcast_in_dim3A_863 : vector<16xi32> to vector<16x1xi32>
          %gather3A_865 = vector.shape_cast %broadcast_in_dim3A_864 : vector<16x1xi32> to vector<16xi32>
          %gather3A_866 = tpu.dynamic_gather %add3A_55[%gather3A_865] in [0] : vector<16xf32>, vector<16xi32> -> vector<16xf32>
          %mul3A_867 = arith.mulf %get3A_861, %gather3A_866 : vector<16xf32>
          %add3A_868 = arith.addf %add3A_812, %mul3A_867 : vector<16xf32>
          %mul3A_869 = arith.mulf %get3A_861, %get3A_861 : vector<16xf32>
          %add3A_870 = arith.addf %add3A_814, %mul3A_869 : vector<16xf32>
          %get3A_871 = arith.constant 42 : i32
          %get3A_872 = arith.index_cast %get3A_871 : i32 to index
          %get3A_873 = arith.index_cast %mul3A_266 : i32 to index
          %get3A_874 = tpu.vector_load %arg12[%get3A_872, %get3A_873] {strides = array<i32>} : memref<64x256xf32, #tpu.memory_space<vmem>>, vector<1x16xf32>,
          %get3A_875 = vector.shape_cast %get3A_874 : vector<1x16xf32> to vector<16xf32>
          %broadcast_in_dim3A_876 = arith.constant 10 : i32
          %broadcast_in_dim3A_877 = vector.broadcast %broadcast_in_dim3A_876 : i32 to vector<16xi32>
          %broadcast_in_dim3A_878 = vector.shape_cast %broadcast_in_dim3A_877 : vector<16xi32> to vector<16x1xi32>
          %gather3A_879 = vector.shape_cast %broadcast_in_dim3A_878 : vector<16x1xi32> to vector<16xi32>
          %gather3A_880 = tpu.dynamic_gather %add3A_55[%gather3A_879] in [0] : vector<16xf32>, vector<16xi32> -> vector<16xf32>
          %mul3A_881 = arith.mulf %get3A_875, %gather3A_880 : vector<16xf32>
          %add3A_882 = arith.addf %add3A_826, %mul3A_881 : vector<16xf32>
          %mul3A_883 = arith.mulf %get3A_875, %get3A_875 : vector<16xf32>
          %add3A_884 = arith.addf %add3A_828, %mul3A_883 : vector<16xf32>
          %get3A_885 = arith.constant 43 : i32
          %get3A_886 = arith.index_cast %get3A_885 : i32 to index
          %get3A_887 = arith.index_cast %mul3A_266 : i32 to index
          %get3A_888 = tpu.vector_load %arg12[%get3A_886, %get3A_887] {strides = array<i32>} : memref<64x256xf32, #tpu.memory_space<vmem>>, vector<1x16xf32>,
          %get3A_889 = vector.shape_cast %get3A_888 : vector<1x16xf32> to vector<16xf32>
          %broadcast_in_dim3A_890 = arith.constant 11 : i32
          %broadcast_in_dim3A_891 = vector.broadcast %broadcast_in_dim3A_890 : i32 to vector<16xi32>
          %broadcast_in_dim3A_892 = vector.shape_cast %broadcast_in_dim3A_891 : vector<16xi32> to vector<16x1xi32>
          %gather3A_893 = vector.shape_cast %broadcast_in_dim3A_892 : vector<16x1xi32> to vector<16xi32>
          %gather3A_894 = tpu.dynamic_gather %add3A_55[%gather3A_893] in [0] : vector<16xf32>, vector<16xi32> -> vector<16xf32>
          %mul3A_895 = arith.mulf %get3A_889, %gather3A_894 : vector<16xf32>
          %add3A_896 = arith.addf %add3A_840, %mul3A_895 : vector<16xf32>
          %mul3A_897 = arith.mulf %get3A_889, %get3A_889 : vector<16xf32>
          %add3A_898 = arith.addf %add3A_842, %mul3A_897 : vector<16xf32>
          %get3A_899 = arith.constant 44 : i32
          %get3A_900 = arith.index_cast %get3A_899 : i32 to index
          %get3A_901 = arith.index_cast %mul3A_266 : i32 to index
          %get3A_902 = tpu.vector_load %arg12[%get3A_900, %get3A_901] {strides = array<i32>} : memref<64x256xf32, #tpu.memory_space<vmem>>, vector<1x16xf32>,
          %get3A_903 = vector.shape_cast %get3A_902 : vector<1x16xf32> to vector<16xf32>
          %broadcast_in_dim3A_904 = arith.constant 12 : i32
          %broadcast_in_dim3A_905 = vector.broadcast %broadcast_in_dim3A_904 : i32 to vector<16xi32>
          %broadcast_in_dim3A_906 = vector.shape_cast %broadcast_in_dim3A_905 : vector<16xi32> to vector<16x1xi32>
          %gather3A_907 = vector.shape_cast %broadcast_in_dim3A_906 : vector<16x1xi32> to vector<16xi32>
          %gather3A_908 = tpu.dynamic_gather %add3A_55[%gather3A_907] in [0] : vector<16xf32>, vector<16xi32> -> vector<16xf32>
          %mul3A_909 = arith.mulf %get3A_903, %gather3A_908 : vector<16xf32>
          %add3A_910 = arith.addf %add3A_854, %mul3A_909 : vector<16xf32>
          %mul3A_911 = arith.mulf %get3A_903, %get3A_903 : vector<16xf32>
          %add3A_912 = arith.addf %add3A_856, %mul3A_911 : vector<16xf32>
          %get3A_913 = arith.constant 45 : i32
          %get3A_914 = arith.index_cast %get3A_913 : i32 to index
          %get3A_915 = arith.index_cast %mul3A_266 : i32 to index
          %get3A_916 = tpu.vector_load %arg12[%get3A_914, %get3A_915] {strides = array<i32>} : memref<64x256xf32, #tpu.memory_space<vmem>>, vector<1x16xf32>,
          %get3A_917 = vector.shape_cast %get3A_916 : vector<1x16xf32> to vector<16xf32>
          %broadcast_in_dim3A_918 = arith.constant 13 : i32
          %broadcast_in_dim3A_919 = vector.broadcast %broadcast_in_dim3A_918 : i32 to vector<16xi32>
          %broadcast_in_dim3A_920 = vector.shape_cast %broadcast_in_dim3A_919 : vector<16xi32> to vector<16x1xi32>
          %gather3A_921 = vector.shape_cast %broadcast_in_dim3A_920 : vector<16x1xi32> to vector<16xi32>
          %gather3A_922 = tpu.dynamic_gather %add3A_55[%gather3A_921] in [0] : vector<16xf32>, vector<16xi32> -> vector<16xf32>
          %mul3A_923 = arith.mulf %get3A_917, %gather3A_922 : vector<16xf32>
          %add3A_924 = arith.addf %add3A_868, %mul3A_923 : vector<16xf32>
          %mul3A_925 = arith.mulf %get3A_917, %get3A_917 : vector<16xf32>
          %add3A_926 = arith.addf %add3A_870, %mul3A_925 : vector<16xf32>
          %get3A_927 = arith.constant 46 : i32
          %get3A_928 = arith.index_cast %get3A_927 : i32 to index
          %get3A_929 = arith.index_cast %mul3A_266 : i32 to index
          %get3A_930 = tpu.vector_load %arg12[%get3A_928, %get3A_929] {strides = array<i32>} : memref<64x256xf32, #tpu.memory_space<vmem>>, vector<1x16xf32>,
          %get3A_931 = vector.shape_cast %get3A_930 : vector<1x16xf32> to vector<16xf32>
          %broadcast_in_dim3A_932 = arith.constant 14 : i32
          %broadcast_in_dim3A_933 = vector.broadcast %broadcast_in_dim3A_932 : i32 to vector<16xi32>
          %broadcast_in_dim3A_934 = vector.shape_cast %broadcast_in_dim3A_933 : vector<16xi32> to vector<16x1xi32>
          %gather3A_935 = vector.shape_cast %broadcast_in_dim3A_934 : vector<16x1xi32> to vector<16xi32>
          %gather3A_936 = tpu.dynamic_gather %add3A_55[%gather3A_935] in [0] : vector<16xf32>, vector<16xi32> -> vector<16xf32>
          %mul3A_937 = arith.mulf %get3A_931, %gather3A_936 : vector<16xf32>
          %add3A_938 = arith.addf %add3A_882, %mul3A_937 : vector<16xf32>
          %mul3A_939 = arith.mulf %get3A_931, %get3A_931 : vector<16xf32>
          %add3A_940 = arith.addf %add3A_884, %mul3A_939 : vector<16xf32>
          %get3A_941 = arith.constant 47 : i32
          %get3A_942 = arith.index_cast %get3A_941 : i32 to index
          %get3A_943 = arith.index_cast %mul3A_266 : i32 to index
          %get3A_944 = tpu.vector_load %arg12[%get3A_942, %get3A_943] {strides = array<i32>} : memref<64x256xf32, #tpu.memory_space<vmem>>, vector<1x16xf32>,
          %get3A_945 = vector.shape_cast %get3A_944 : vector<1x16xf32> to vector<16xf32>
          %broadcast_in_dim3A_946 = arith.constant 15 : i32
          %broadcast_in_dim3A_947 = vector.broadcast %broadcast_in_dim3A_946 : i32 to vector<16xi32>
          %broadcast_in_dim3A_948 = vector.shape_cast %broadcast_in_dim3A_947 : vector<16xi32> to vector<16x1xi32>
          %gather3A_949 = vector.shape_cast %broadcast_in_dim3A_948 : vector<16x1xi32> to vector<16xi32>
          %gather3A_950 = tpu.dynamic_gather %add3A_55[%gather3A_949] in [0] : vector<16xf32>, vector<16xi32> -> vector<16xf32>
          %mul3A_951 = arith.mulf %get3A_945, %gather3A_950 : vector<16xf32>
          %add3A_952 = arith.addf %add3A_896, %mul3A_951 : vector<16xf32>
          %mul3A_953 = arith.mulf %get3A_945, %get3A_945 : vector<16xf32>
          %add3A_954 = arith.addf %add3A_898, %mul3A_953 : vector<16xf32>
          %get3A_955 = arith.constant 48 : i32
          %get3A_956 = arith.index_cast %get3A_955 : i32 to index
          %get3A_957 = arith.index_cast %mul3A_266 : i32 to index
          %get3A_958 = tpu.vector_load %arg12[%get3A_956, %get3A_957] {strides = array<i32>} : memref<64x256xf32, #tpu.memory_space<vmem>>, vector<1x16xf32>,
          %get3A_959 = vector.shape_cast %get3A_958 : vector<1x16xf32> to vector<16xf32>
          %broadcast_in_dim3A_960 = arith.constant 0 : i32
          %broadcast_in_dim3A_961 = vector.broadcast %broadcast_in_dim3A_960 : i32 to vector<16xi32>
          %broadcast_in_dim3A_962 = vector.shape_cast %broadcast_in_dim3A_961 : vector<16xi32> to vector<16x1xi32>
          %gather3A_963 = vector.shape_cast %broadcast_in_dim3A_962 : vector<16x1xi32> to vector<16xi32>
          %gather3A_964 = tpu.dynamic_gather %add3A_67[%gather3A_963] in [0] : vector<16xf32>, vector<16xi32> -> vector<16xf32>
          %mul3A_965 = arith.mulf %get3A_959, %gather3A_964 : vector<16xf32>
          %add3A_966 = arith.addf %add3A_910, %mul3A_965 : vector<16xf32>
          %mul3A_967 = arith.mulf %get3A_959, %get3A_959 : vector<16xf32>
          %add3A_968 = arith.addf %add3A_912, %mul3A_967 : vector<16xf32>
          %get3A_969 = arith.constant 49 : i32
          %get3A_970 = arith.index_cast %get3A_969 : i32 to index
          %get3A_971 = arith.index_cast %mul3A_266 : i32 to index
          %get3A_972 = tpu.vector_load %arg12[%get3A_970, %get3A_971] {strides = array<i32>} : memref<64x256xf32, #tpu.memory_space<vmem>>, vector<1x16xf32>,
          %get3A_973 = vector.shape_cast %get3A_972 : vector<1x16xf32> to vector<16xf32>
          %broadcast_in_dim3A_974 = arith.constant 1 : i32
          %broadcast_in_dim3A_975 = vector.broadcast %broadcast_in_dim3A_974 : i32 to vector<16xi32>
          %broadcast_in_dim3A_976 = vector.shape_cast %broadcast_in_dim3A_975 : vector<16xi32> to vector<16x1xi32>
          %gather3A_977 = vector.shape_cast %broadcast_in_dim3A_976 : vector<16x1xi32> to vector<16xi32>
          %gather3A_978 = tpu.dynamic_gather %add3A_67[%gather3A_977] in [0] : vector<16xf32>, vector<16xi32> -> vector<16xf32>
          %mul3A_979 = arith.mulf %get3A_973, %gather3A_978 : vector<16xf32>
          %add3A_980 = arith.addf %add3A_924, %mul3A_979 : vector<16xf32>
          %mul3A_981 = arith.mulf %get3A_973, %get3A_973 : vector<16xf32>
          %add3A_982 = arith.addf %add3A_926, %mul3A_981 : vector<16xf32>
          %get3A_983 = arith.constant 50 : i32
          %get3A_984 = arith.index_cast %get3A_983 : i32 to index
          %get3A_985 = arith.index_cast %mul3A_266 : i32 to index
          %get3A_986 = tpu.vector_load %arg12[%get3A_984, %get3A_985] {strides = array<i32>} : memref<64x256xf32, #tpu.memory_space<vmem>>, vector<1x16xf32>,
          %get3A_987 = vector.shape_cast %get3A_986 : vector<1x16xf32> to vector<16xf32>
          %broadcast_in_dim3A_988 = arith.constant 2 : i32
          %broadcast_in_dim3A_989 = vector.broadcast %broadcast_in_dim3A_988 : i32 to vector<16xi32>
          %broadcast_in_dim3A_990 = vector.shape_cast %broadcast_in_dim3A_989 : vector<16xi32> to vector<16x1xi32>
          %gather3A_991 = vector.shape_cast %broadcast_in_dim3A_990 : vector<16x1xi32> to vector<16xi32>
          %gather3A_992 = tpu.dynamic_gather %add3A_67[%gather3A_991] in [0] : vector<16xf32>, vector<16xi32> -> vector<16xf32>
          %mul3A_993 = arith.mulf %get3A_987, %gather3A_992 : vector<16xf32>
          %add3A_994 = arith.addf %add3A_938, %mul3A_993 : vector<16xf32>
          %mul3A_995 = arith.mulf %get3A_987, %get3A_987 : vector<16xf32>
          %add3A_996 = arith.addf %add3A_940, %mul3A_995 : vector<16xf32>
          %get3A_997 = arith.constant 51 : i32
          %get3A_998 = arith.index_cast %get3A_997 : i32 to index
          %get3A_999 = arith.index_cast %mul3A_266 : i32 to index
          %get3A_1000 = tpu.vector_load %arg12[%get3A_998, %get3A_999] {strides = array<i32>} : memref<64x256xf32, #tpu.memory_space<vmem>>, vector<1x16xf32>,
          %get3A_1001 = vector.shape_cast %get3A_1000 : vector<1x16xf32> to vector<16xf32>
          %broadcast_in_dim3A_1002 = arith.constant 3 : i32
          %broadcast_in_dim3A_1003 = vector.broadcast %broadcast_in_dim3A_1002 : i32 to vector<16xi32>
          %broadcast_in_dim3A_1004 = vector.shape_cast %broadcast_in_dim3A_1003 : vector<16xi32> to vector<16x1xi32>
          %gather3A_1005 = vector.shape_cast %broadcast_in_dim3A_1004 : vector<16x1xi32> to vector<16xi32>
          %gather3A_1006 = tpu.dynamic_gather %add3A_67[%gather3A_1005] in [0] : vector<16xf32>, vector<16xi32> -> vector<16xf32>
          %mul3A_1007 = arith.mulf %get3A_1001, %gather3A_1006 : vector<16xf32>
          %add3A_1008 = arith.addf %add3A_952, %mul3A_1007 : vector<16xf32>
          %mul3A_1009 = arith.mulf %get3A_1001, %get3A_1001 : vector<16xf32>
          %add3A_1010 = arith.addf %add3A_954, %mul3A_1009 : vector<16xf32>
          %get3A_1011 = arith.constant 52 : i32
          %get3A_1012 = arith.index_cast %get3A_1011 : i32 to index
          %get3A_1013 = arith.index_cast %mul3A_266 : i32 to index
          %get3A_1014 = tpu.vector_load %arg12[%get3A_1012, %get3A_1013] {strides = array<i32>} : memref<64x256xf32, #tpu.memory_space<vmem>>, vector<1x16xf32>,
          %get3A_1015 = vector.shape_cast %get3A_1014 : vector<1x16xf32> to vector<16xf32>
          %broadcast_in_dim3A_1016 = arith.constant 4 : i32
          %broadcast_in_dim3A_1017 = vector.broadcast %broadcast_in_dim3A_1016 : i32 to vector<16xi32>
          %broadcast_in_dim3A_1018 = vector.shape_cast %broadcast_in_dim3A_1017 : vector<16xi32> to vector<16x1xi32>
          %gather3A_1019 = vector.shape_cast %broadcast_in_dim3A_1018 : vector<16x1xi32> to vector<16xi32>
          %gather3A_1020 = tpu.dynamic_gather %add3A_67[%gather3A_1019] in [0] : vector<16xf32>, vector<16xi32> -> vector<16xf32>
          %mul3A_1021 = arith.mulf %get3A_1015, %gather3A_1020 : vector<16xf32>
          %add3A_1022 = arith.addf %add3A_966, %mul3A_1021 : vector<16xf32>
          %mul3A_1023 = arith.mulf %get3A_1015, %get3A_1015 : vector<16xf32>
          %add3A_1024 = arith.addf %add3A_968, %mul3A_1023 : vector<16xf32>
          %get3A_1025 = arith.constant 53 : i32
          %get3A_1026 = arith.index_cast %get3A_1025 : i32 to index
          %get3A_1027 = arith.index_cast %mul3A_266 : i32 to index
          %get3A_1028 = tpu.vector_load %arg12[%get3A_1026, %get3A_1027] {strides = array<i32>} : memref<64x256xf32, #tpu.memory_space<vmem>>, vector<1x16xf32>,
          %get3A_1029 = vector.shape_cast %get3A_1028 : vector<1x16xf32> to vector<16xf32>
          %broadcast_in_dim3A_1030 = arith.constant 5 : i32
          %broadcast_in_dim3A_1031 = vector.broadcast %broadcast_in_dim3A_1030 : i32 to vector<16xi32>
          %broadcast_in_dim3A_1032 = vector.shape_cast %broadcast_in_dim3A_1031 : vector<16xi32> to vector<16x1xi32>
          %gather3A_1033 = vector.shape_cast %broadcast_in_dim3A_1032 : vector<16x1xi32> to vector<16xi32>
          %gather3A_1034 = tpu.dynamic_gather %add3A_67[%gather3A_1033] in [0] : vector<16xf32>, vector<16xi32> -> vector<16xf32>
          %mul3A_1035 = arith.mulf %get3A_1029, %gather3A_1034 : vector<16xf32>
          %add3A_1036 = arith.addf %add3A_980, %mul3A_1035 : vector<16xf32>
          %mul3A_1037 = arith.mulf %get3A_1029, %get3A_1029 : vector<16xf32>
          %add3A_1038 = arith.addf %add3A_982, %mul3A_1037 : vector<16xf32>
          %get3A_1039 = arith.constant 54 : i32
          %get3A_1040 = arith.index_cast %get3A_1039 : i32 to index
          %get3A_1041 = arith.index_cast %mul3A_266 : i32 to index
          %get3A_1042 = tpu.vector_load %arg12[%get3A_1040, %get3A_1041] {strides = array<i32>} : memref<64x256xf32, #tpu.memory_space<vmem>>, vector<1x16xf32>,
          %get3A_1043 = vector.shape_cast %get3A_1042 : vector<1x16xf32> to vector<16xf32>
          %broadcast_in_dim3A_1044 = arith.constant 6 : i32
          %broadcast_in_dim3A_1045 = vector.broadcast %broadcast_in_dim3A_1044 : i32 to vector<16xi32>
          %broadcast_in_dim3A_1046 = vector.shape_cast %broadcast_in_dim3A_1045 : vector<16xi32> to vector<16x1xi32>
          %gather3A_1047 = vector.shape_cast %broadcast_in_dim3A_1046 : vector<16x1xi32> to vector<16xi32>
          %gather3A_1048 = tpu.dynamic_gather %add3A_67[%gather3A_1047] in [0] : vector<16xf32>, vector<16xi32> -> vector<16xf32>
          %mul3A_1049 = arith.mulf %get3A_1043, %gather3A_1048 : vector<16xf32>
          %add3A_1050 = arith.addf %add3A_994, %mul3A_1049 : vector<16xf32>
          %mul3A_1051 = arith.mulf %get3A_1043, %get3A_1043 : vector<16xf32>
          %add3A_1052 = arith.addf %add3A_996, %mul3A_1051 : vector<16xf32>
          %get3A_1053 = arith.constant 55 : i32
          %get3A_1054 = arith.index_cast %get3A_1053 : i32 to index
          %get3A_1055 = arith.index_cast %mul3A_266 : i32 to index
          %get3A_1056 = tpu.vector_load %arg12[%get3A_1054, %get3A_1055] {strides = array<i32>} : memref<64x256xf32, #tpu.memory_space<vmem>>, vector<1x16xf32>,
          %get3A_1057 = vector.shape_cast %get3A_1056 : vector<1x16xf32> to vector<16xf32>
          %broadcast_in_dim3A_1058 = arith.constant 7 : i32
          %broadcast_in_dim3A_1059 = vector.broadcast %broadcast_in_dim3A_1058 : i32 to vector<16xi32>
          %broadcast_in_dim3A_1060 = vector.shape_cast %broadcast_in_dim3A_1059 : vector<16xi32> to vector<16x1xi32>
          %gather3A_1061 = vector.shape_cast %broadcast_in_dim3A_1060 : vector<16x1xi32> to vector<16xi32>
          %gather3A_1062 = tpu.dynamic_gather %add3A_67[%gather3A_1061] in [0] : vector<16xf32>, vector<16xi32> -> vector<16xf32>
          %mul3A_1063 = arith.mulf %get3A_1057, %gather3A_1062 : vector<16xf32>
          %add3A_1064 = arith.addf %add3A_1008, %mul3A_1063 : vector<16xf32>
          %mul3A_1065 = arith.mulf %get3A_1057, %get3A_1057 : vector<16xf32>
          %add3A_1066 = arith.addf %add3A_1010, %mul3A_1065 : vector<16xf32>
          %get3A_1067 = arith.constant 56 : i32
          %get3A_1068 = arith.index_cast %get3A_1067 : i32 to index
          %get3A_1069 = arith.index_cast %mul3A_266 : i32 to index
          %get3A_1070 = tpu.vector_load %arg12[%get3A_1068, %get3A_1069] {strides = array<i32>} : memref<64x256xf32, #tpu.memory_space<vmem>>, vector<1x16xf32>,
          %get3A_1071 = vector.shape_cast %get3A_1070 : vector<1x16xf32> to vector<16xf32>
          %broadcast_in_dim3A_1072 = arith.constant 8 : i32
          %broadcast_in_dim3A_1073 = vector.broadcast %broadcast_in_dim3A_1072 : i32 to vector<16xi32>
          %broadcast_in_dim3A_1074 = vector.shape_cast %broadcast_in_dim3A_1073 : vector<16xi32> to vector<16x1xi32>
          %gather3A_1075 = vector.shape_cast %broadcast_in_dim3A_1074 : vector<16x1xi32> to vector<16xi32>
          %gather3A_1076 = tpu.dynamic_gather %add3A_67[%gather3A_1075] in [0] : vector<16xf32>, vector<16xi32> -> vector<16xf32>
          %mul3A_1077 = arith.mulf %get3A_1071, %gather3A_1076 : vector<16xf32>
          %add3A_1078 = arith.addf %add3A_1022, %mul3A_1077 : vector<16xf32>
          %mul3A_1079 = arith.mulf %get3A_1071, %get3A_1071 : vector<16xf32>
          %add3A_1080 = arith.addf %add3A_1024, %mul3A_1079 : vector<16xf32>
          %get3A_1081 = arith.constant 57 : i32
          %get3A_1082 = arith.index_cast %get3A_1081 : i32 to index
          %get3A_1083 = arith.index_cast %mul3A_266 : i32 to index
          %get3A_1084 = tpu.vector_load %arg12[%get3A_1082, %get3A_1083] {strides = array<i32>} : memref<64x256xf32, #tpu.memory_space<vmem>>, vector<1x16xf32>,
          %get3A_1085 = vector.shape_cast %get3A_1084 : vector<1x16xf32> to vector<16xf32>
          %broadcast_in_dim3A_1086 = arith.constant 9 : i32
          %broadcast_in_dim3A_1087 = vector.broadcast %broadcast_in_dim3A_1086 : i32 to vector<16xi32>
          %broadcast_in_dim3A_1088 = vector.shape_cast %broadcast_in_dim3A_1087 : vector<16xi32> to vector<16x1xi32>
          %gather3A_1089 = vector.shape_cast %broadcast_in_dim3A_1088 : vector<16x1xi32> to vector<16xi32>
          %gather3A_1090 = tpu.dynamic_gather %add3A_67[%gather3A_1089] in [0] : vector<16xf32>, vector<16xi32> -> vector<16xf32>
          %mul3A_1091 = arith.mulf %get3A_1085, %gather3A_1090 : vector<16xf32>
          %add3A_1092 = arith.addf %add3A_1036, %mul3A_1091 : vector<16xf32>
          %mul3A_1093 = arith.mulf %get3A_1085, %get3A_1085 : vector<16xf32>
          %add3A_1094 = arith.addf %add3A_1038, %mul3A_1093 : vector<16xf32>
          %get3A_1095 = arith.constant 58 : i32
          %get3A_1096 = arith.index_cast %get3A_1095 : i32 to index
          %get3A_1097 = arith.index_cast %mul3A_266 : i32 to index
          %get3A_1098 = tpu.vector_load %arg12[%get3A_1096, %get3A_1097] {strides = array<i32>} : memref<64x256xf32, #tpu.memory_space<vmem>>, vector<1x16xf32>,
          %get3A_1099 = vector.shape_cast %get3A_1098 : vector<1x16xf32> to vector<16xf32>
          %broadcast_in_dim3A_1100 = arith.constant 10 : i32
          %broadcast_in_dim3A_1101 = vector.broadcast %broadcast_in_dim3A_1100 : i32 to vector<16xi32>
          %broadcast_in_dim3A_1102 = vector.shape_cast %broadcast_in_dim3A_1101 : vector<16xi32> to vector<16x1xi32>
          %gather3A_1103 = vector.shape_cast %broadcast_in_dim3A_1102 : vector<16x1xi32> to vector<16xi32>
          %gather3A_1104 = tpu.dynamic_gather %add3A_67[%gather3A_1103] in [0] : vector<16xf32>, vector<16xi32> -> vector<16xf32>
          %mul3A_1105 = arith.mulf %get3A_1099, %gather3A_1104 : vector<16xf32>
          %add3A_1106 = arith.addf %add3A_1050, %mul3A_1105 : vector<16xf32>
          %mul3A_1107 = arith.mulf %get3A_1099, %get3A_1099 : vector<16xf32>
          %add3A_1108 = arith.addf %add3A_1052, %mul3A_1107 : vector<16xf32>
          %get3A_1109 = arith.constant 59 : i32
          %get3A_1110 = arith.index_cast %get3A_1109 : i32 to index
          %get3A_1111 = arith.index_cast %mul3A_266 : i32 to index
          %get3A_1112 = tpu.vector_load %arg12[%get3A_1110, %get3A_1111] {strides = array<i32>} : memref<64x256xf32, #tpu.memory_space<vmem>>, vector<1x16xf32>,
          %get3A_1113 = vector.shape_cast %get3A_1112 : vector<1x16xf32> to vector<16xf32>
          %broadcast_in_dim3A_1114 = arith.constant 11 : i32
          %broadcast_in_dim3A_1115 = vector.broadcast %broadcast_in_dim3A_1114 : i32 to vector<16xi32>
          %broadcast_in_dim3A_1116 = vector.shape_cast %broadcast_in_dim3A_1115 : vector<16xi32> to vector<16x1xi32>
          %gather3A_1117 = vector.shape_cast %broadcast_in_dim3A_1116 : vector<16x1xi32> to vector<16xi32>
          %gather3A_1118 = tpu.dynamic_gather %add3A_67[%gather3A_1117] in [0] : vector<16xf32>, vector<16xi32> -> vector<16xf32>
          %mul3A_1119 = arith.mulf %get3A_1113, %gather3A_1118 : vector<16xf32>
          %add3A_1120 = arith.addf %add3A_1064, %mul3A_1119 : vector<16xf32>
          %mul3A_1121 = arith.mulf %get3A_1113, %get3A_1113 : vector<16xf32>
          %add3A_1122 = arith.addf %add3A_1066, %mul3A_1121 : vector<16xf32>
          %get3A_1123 = arith.constant 60 : i32
          %get3A_1124 = arith.index_cast %get3A_1123 : i32 to index
          %get3A_1125 = arith.index_cast %mul3A_266 : i32 to index
          %get3A_1126 = tpu.vector_load %arg12[%get3A_1124, %get3A_1125] {strides = array<i32>} : memref<64x256xf32, #tpu.memory_space<vmem>>, vector<1x16xf32>,
          %get3A_1127 = vector.shape_cast %get3A_1126 : vector<1x16xf32> to vector<16xf32>
          %broadcast_in_dim3A_1128 = arith.constant 12 : i32
          %broadcast_in_dim3A_1129 = vector.broadcast %broadcast_in_dim3A_1128 : i32 to vector<16xi32>
          %broadcast_in_dim3A_1130 = vector.shape_cast %broadcast_in_dim3A_1129 : vector<16xi32> to vector<16x1xi32>
          %gather3A_1131 = vector.shape_cast %broadcast_in_dim3A_1130 : vector<16x1xi32> to vector<16xi32>
          %gather3A_1132 = tpu.dynamic_gather %add3A_67[%gather3A_1131] in [0] : vector<16xf32>, vector<16xi32> -> vector<16xf32>
          %mul3A_1133 = arith.mulf %get3A_1127, %gather3A_1132 : vector<16xf32>
          %add3A_1134 = arith.addf %add3A_1078, %mul3A_1133 : vector<16xf32>
          %mul3A_1135 = arith.mulf %get3A_1127, %get3A_1127 : vector<16xf32>
          %add3A_1136 = arith.addf %add3A_1080, %mul3A_1135 : vector<16xf32>
          %get3A_1137 = arith.constant 61 : i32
          %get3A_1138 = arith.index_cast %get3A_1137 : i32 to index
          %get3A_1139 = arith.index_cast %mul3A_266 : i32 to index
          %get3A_1140 = tpu.vector_load %arg12[%get3A_1138, %get3A_1139] {strides = array<i32>} : memref<64x256xf32, #tpu.memory_space<vmem>>, vector<1x16xf32>,
          %get3A_1141 = vector.shape_cast %get3A_1140 : vector<1x16xf32> to vector<16xf32>
          %broadcast_in_dim3A_1142 = arith.constant 13 : i32
          %broadcast_in_dim3A_1143 = vector.broadcast %broadcast_in_dim3A_1142 : i32 to vector<16xi32>
          %broadcast_in_dim3A_1144 = vector.shape_cast %broadcast_in_dim3A_1143 : vector<16xi32> to vector<16x1xi32>
          %gather3A_1145 = vector.shape_cast %broadcast_in_dim3A_1144 : vector<16x1xi32> to vector<16xi32>
          %gather3A_1146 = tpu.dynamic_gather %add3A_67[%gather3A_1145] in [0] : vector<16xf32>, vector<16xi32> -> vector<16xf32>
          %mul3A_1147 = arith.mulf %get3A_1141, %gather3A_1146 : vector<16xf32>
          %add3A_1148 = arith.addf %add3A_1092, %mul3A_1147 : vector<16xf32>
          %mul3A_1149 = arith.mulf %get3A_1141, %get3A_1141 : vector<16xf32>
          %add3A_1150 = arith.addf %add3A_1094, %mul3A_1149 : vector<16xf32>
          %get3A_1151 = arith.constant 62 : i32
          %get3A_1152 = arith.index_cast %get3A_1151 : i32 to index
          %get3A_1153 = arith.index_cast %mul3A_266 : i32 to index
          %get3A_1154 = tpu.vector_load %arg12[%get3A_1152, %get3A_1153] {strides = array<i32>} : memref<64x256xf32, #tpu.memory_space<vmem>>, vector<1x16xf32>,
          %get3A_1155 = vector.shape_cast %get3A_1154 : vector<1x16xf32> to vector<16xf32>
          %broadcast_in_dim3A_1156 = arith.constant 14 : i32
          %broadcast_in_dim3A_1157 = vector.broadcast %broadcast_in_dim3A_1156 : i32 to vector<16xi32>
          %broadcast_in_dim3A_1158 = vector.shape_cast %broadcast_in_dim3A_1157 : vector<16xi32> to vector<16x1xi32>
          %gather3A_1159 = vector.shape_cast %broadcast_in_dim3A_1158 : vector<16x1xi32> to vector<16xi32>
          %gather3A_1160 = tpu.dynamic_gather %add3A_67[%gather3A_1159] in [0] : vector<16xf32>, vector<16xi32> -> vector<16xf32>
          %mul3A_1161 = arith.mulf %get3A_1155, %gather3A_1160 : vector<16xf32>
          %add3A_1162 = arith.addf %add3A_1106, %mul3A_1161 : vector<16xf32>
          %mul3A_1163 = arith.mulf %get3A_1155, %get3A_1155 : vector<16xf32>
          %add3A_1164 = arith.addf %add3A_1108, %mul3A_1163 : vector<16xf32>
          %get3A_1165 = arith.constant 63 : i32
          %get3A_1166 = arith.index_cast %get3A_1165 : i32 to index
          %get3A_1167 = arith.index_cast %mul3A_266 : i32 to index
          %get3A_1168 = tpu.vector_load %arg12[%get3A_1166, %get3A_1167] {strides = array<i32>} : memref<64x256xf32, #tpu.memory_space<vmem>>, vector<1x16xf32>,
          %get3A_1169 = vector.shape_cast %get3A_1168 : vector<1x16xf32> to vector<16xf32>
          %broadcast_in_dim3A_1170 = arith.constant 15 : i32
          %broadcast_in_dim3A_1171 = vector.broadcast %broadcast_in_dim3A_1170 : i32 to vector<16xi32>
          %broadcast_in_dim3A_1172 = vector.shape_cast %broadcast_in_dim3A_1171 : vector<16xi32> to vector<16x1xi32>
          %gather3A_1173 = vector.shape_cast %broadcast_in_dim3A_1172 : vector<16x1xi32> to vector<16xi32>
          %gather3A_1174 = tpu.dynamic_gather %add3A_67[%gather3A_1173] in [0] : vector<16xf32>, vector<16xi32> -> vector<16xf32>
          %mul3A_1175 = arith.mulf %get3A_1169, %gather3A_1174 : vector<16xf32>
          %add3A_1176 = arith.addf %add3A_1120, %mul3A_1175 : vector<16xf32>
          %mul3A_1177 = arith.mulf %get3A_1169, %get3A_1169 : vector<16xf32>
          %add3A_1178 = arith.addf %add3A_1122, %mul3A_1177 : vector<16xf32>
          %add3A_1179 = arith.addf %add3A_1134, %add3A_1148 : vector<16xf32>
          %add3A_1180 = arith.addf %add3A_1162, %add3A_1176 : vector<16xf32>
          %add3A_1181 = arith.addf %add3A_1179, %add3A_1180 : vector<16xf32>
          %add3A_1182 = arith.addf %add3A_1136, %add3A_1150 : vector<16xf32>
          %add3A_1183 = arith.addf %add3A_1164, %add3A_1178 : vector<16xf32>
          %add3A_1184 = arith.addf %add3A_1182, %add3A_1183 : vector<16xf32>
          %abs3A = math.absf %add3A_1181 : vector<16xf32>
          %mul3A_1185 = arith.mulf %add3A_1181, %abs3A : vector<16xf32>
          %max3A_1186 = arith.constant 1.000000e-16 : f32
          %max3A_1187 = vector.broadcast %max3A_1186 : f32 to vector<16xf32>
          %max3A_1188 = arith.maximumf %add3A_1184, %max3A_1187 : vector<16xf32>
          %div3A = arith.divf %mul3A_1185, %max3A_1188 : vector<16xf32>
          %add3A_1189 = arith.addi %multiple_of3A_209, %mul3A_266 : i32
          %add3A_1190 = vector.broadcast %add3A_1189 : i32 to vector<16xi32>
          %add3A_1191 = arith.addi %add3A_1190, %iota3A : vector<16xi32>
          %gt3A = arith.cmpf ogt, %div3A, %scan3A_263 : vector<16xf32>
          %select_n3A_1192 = arith.select %gt3A, %div3A, %scan3A_263 : vector<16xi1>, vector<16xf32>
          %select_n3A_1193 = arith.select %gt3A, %add3A_1191, %scan3A_264 : vector<16xi1>, vector<16xi32>
          scf.yield %select_n3A_1192, %select_n3A_1193 : vector<16xf32>, vector<16xi32>
        }
        %scan3A_253 = arith.constant 16 : i32
        %swap3A_254 = arith.constant 0 : index
        %swap3A_255 = tpu.vector_load %arg13[%swap3A_254] {strides = array<i32>} : memref<16xf32, #tpu.memory_space<vmem>>, vector<16xf32>,
        %swap3A_256 = vector.shape_cast %swap3A_255 : vector<16xf32> to vector<16xf32>
        %swap3A_257 = vector.shape_cast %scan3A_252#0 : vector<16xf32> to vector<16xf32>
        tpu.vector_store %arg13[%swap3A_254], %swap3A_257 {strides = array<i32>} : memref<16xf32, #tpu.memory_space<vmem>>, vector<16xf32>,
        %swap3A_258 = arith.constant 0 : index
        %swap3A_259 = tpu.vector_load %arg14[%swap3A_258] {strides = array<i32>} : memref<16xi32, #tpu.memory_space<vmem>>, vector<16xi32>,
        %swap3A_260 = vector.shape_cast %swap3A_259 : vector<16xi32> to vector<16xi32>
        %swap3A_261 = vector.shape_cast %scan3A_252#1 : vector<16xi32> to vector<16xi32>
        tpu.vector_store %arg14[%swap3A_258], %swap3A_261 {strides = array<i32>} : memref<16xi32, #tpu.memory_space<vmem>>, vector<16xi32>,
      } else {
      }
      %scan3A_238 = arith.constant 0 : i32
      scf.yield %scan3A_238 : i32
    }
    %scan3A_123 = arith.constant 16 : i32
    %get3A_124 = arith.constant 0 : index
    %get3A_125 = tpu.vector_load %arg13[%get3A_124] {strides = array<i32>} : memref<16xf32, #tpu.memory_space<vmem>>, vector<16xf32>,
    %get3A_126 = vector.shape_cast %get3A_125 : vector<16xf32> to vector<16xf32>
    %get3A_127 = arith.constant 0 : index
    %get3A_128 = tpu.vector_load %arg14[%get3A_127] {strides = array<i32>} : memref<16xi32, #tpu.memory_space<vmem>>, vector<16xi32>,
    %get3A_129 = vector.shape_cast %get3A_128 : vector<16xi32> to vector<16xi32>
    %xor3A_130 = arith.constant 8 : i32
    %xor3A_131 = vector.broadcast %xor3A_130 : i32 to vector<16xi32>
    %xor3A_132 = arith.xori %iota3A, %xor3A_131 : vector<16xi32>
    %broadcast_in_dim3A_133 = vector.shape_cast %xor3A_132 : vector<16xi32> to vector<16x1xi32>
    %gather3A_134 = vector.shape_cast %broadcast_in_dim3A_133 : vector<16x1xi32> to vector<16xi32>
    %gather3A_135 = tpu.dynamic_gather %get3A_126[%gather3A_134] in [0] : vector<16xf32>, vector<16xi32> -> vector<16xf32>
    %max3A = arith.maximumf %get3A_126, %gather3A_135 : vector<16xf32>
    %xor3A_136 = arith.constant 4 : i32
    %xor3A_137 = vector.broadcast %xor3A_136 : i32 to vector<16xi32>
    %xor3A_138 = arith.xori %iota3A, %xor3A_137 : vector<16xi32>
    %broadcast_in_dim3A_139 = vector.shape_cast %xor3A_138 : vector<16xi32> to vector<16x1xi32>
    %gather3A_140 = vector.shape_cast %broadcast_in_dim3A_139 : vector<16x1xi32> to vector<16xi32>
    %gather3A_141 = tpu.dynamic_gather %max3A[%gather3A_140] in [0] : vector<16xf32>, vector<16xi32> -> vector<16xf32>
    %max3A_142 = arith.maximumf %max3A, %gather3A_141 : vector<16xf32>
    %xor3A_143 = arith.constant 2 : i32
    %xor3A_144 = vector.broadcast %xor3A_143 : i32 to vector<16xi32>
    %xor3A_145 = arith.xori %iota3A, %xor3A_144 : vector<16xi32>
    %broadcast_in_dim3A_146 = vector.shape_cast %xor3A_145 : vector<16xi32> to vector<16x1xi32>
    %gather3A_147 = vector.shape_cast %broadcast_in_dim3A_146 : vector<16x1xi32> to vector<16xi32>
    %gather3A_148 = tpu.dynamic_gather %max3A_142[%gather3A_147] in [0] : vector<16xf32>, vector<16xi32> -> vector<16xf32>
    %max3A_149 = arith.maximumf %max3A_142, %gather3A_148 : vector<16xf32>
    %xor3A_150 = arith.constant 1 : i32
    %xor3A_151 = vector.broadcast %xor3A_150 : i32 to vector<16xi32>
    %xor3A_152 = arith.xori %iota3A, %xor3A_151 : vector<16xi32>
    %broadcast_in_dim3A_153 = vector.shape_cast %xor3A_152 : vector<16xi32> to vector<16x1xi32>
    %gather3A_154 = vector.shape_cast %broadcast_in_dim3A_153 : vector<16x1xi32> to vector<16xi32>
    %gather3A_155 = tpu.dynamic_gather %max3A_149[%gather3A_154] in [0] : vector<16xf32>, vector<16xi32> -> vector<16xf32>
    %max3A_156 = arith.maximumf %max3A_149, %gather3A_155 : vector<16xf32>
    %eq3A = arith.cmpf oeq, %get3A_126, %max3A_156 : vector<16xf32>
    %jit3A = arith.constant 2147483647 : i32
    %broadcast_in_dim3A_157 = vector.broadcast %jit3A : i32 to vector<16xi32>
    %select_n3A = arith.select %eq3A, %get3A_129, %broadcast_in_dim3A_157 : vector<16xi1>, vector<16xi32>
    %xor3A_158 = arith.constant 8 : i32
    %xor3A_159 = vector.broadcast %xor3A_158 : i32 to vector<16xi32>
    %xor3A_160 = arith.xori %iota3A, %xor3A_159 : vector<16xi32>
    %broadcast_in_dim3A_161 = vector.shape_cast %xor3A_160 : vector<16xi32> to vector<16x1xi32>
    %gather3A_162 = vector.shape_cast %broadcast_in_dim3A_161 : vector<16x1xi32> to vector<16xi32>
    %gather3A_163 = tpu.dynamic_gather %select_n3A[%gather3A_162] in [0] : vector<16xi32>, vector<16xi32> -> vector<16xi32>
    %min3A = arith.minsi %select_n3A, %gather3A_163 : vector<16xi32>
    %xor3A_164 = arith.constant 4 : i32
    %xor3A_165 = vector.broadcast %xor3A_164 : i32 to vector<16xi32>
    %xor3A_166 = arith.xori %iota3A, %xor3A_165 : vector<16xi32>
    %broadcast_in_dim3A_167 = vector.shape_cast %xor3A_166 : vector<16xi32> to vector<16x1xi32>
    %gather3A_168 = vector.shape_cast %broadcast_in_dim3A_167 : vector<16x1xi32> to vector<16xi32>
    %gather3A_169 = tpu.dynamic_gather %min3A[%gather3A_168] in [0] : vector<16xi32>, vector<16xi32> -> vector<16xi32>
    %min3A_170 = arith.minsi %min3A, %gather3A_169 : vector<16xi32>
    %xor3A_171 = arith.constant 2 : i32
    %xor3A_172 = vector.broadcast %xor3A_171 : i32 to vector<16xi32>
    %xor3A_173 = arith.xori %iota3A, %xor3A_172 : vector<16xi32>
    %broadcast_in_dim3A_174 = vector.shape_cast %xor3A_173 : vector<16xi32> to vector<16x1xi32>
    %gather3A_175 = vector.shape_cast %broadcast_in_dim3A_174 : vector<16x1xi32> to vector<16xi32>
    %gather3A_176 = tpu.dynamic_gather %min3A_170[%gather3A_175] in [0] : vector<16xi32>, vector<16xi32> -> vector<16xi32>
    %min3A_177 = arith.minsi %min3A_170, %gather3A_176 : vector<16xi32>
    %xor3A_178 = arith.constant 1 : i32
    %xor3A_179 = vector.broadcast %xor3A_178 : i32 to vector<16xi32>
    %xor3A_180 = arith.xori %iota3A, %xor3A_179 : vector<16xi32>
    %broadcast_in_dim3A_181 = vector.shape_cast %xor3A_180 : vector<16xi32> to vector<16x1xi32>
    %gather3A_182 = vector.shape_cast %broadcast_in_dim3A_181 : vector<16x1xi32> to vector<16xi32>
    %gather3A_183 = tpu.dynamic_gather %min3A_177[%gather3A_182] in [0] : vector<16xi32>, vector<16xi32> -> vector<16xi32>
    %min3A_184 = arith.minsi %min3A_177, %gather3A_183 : vector<16xi32>
    %broadcast_in_dim3A_185 = arith.constant 0.000000e+00 : f32
    %broadcast_in_dim3A_186 = vector.broadcast %broadcast_in_dim3A_185 : f32 to vector<16xf32>
    %eq3A_187 = arith.constant 0 : i32
    %eq3A_188 = vector.broadcast %eq3A_187 : i32 to vector<16xi32>
    %eq3A_189 = arith.cmpi eq, %iota3A, %eq3A_188 : vector<16xi32>
    %select_n3A_190 = arith.select %eq3A_189, %max3A_156, %broadcast_in_dim3A_186 : vector<16xi1>, vector<16xf32>
    %eq3A_191 = arith.constant 1 : i32
    %eq3A_192 = vector.broadcast %eq3A_191 : i32 to vector<16xi32>
    %eq3A_193 = arith.cmpi eq, %iota3A, %eq3A_192 : vector<16xi32>
    %select_n3A_194 = arith.select %eq3A_193, %add3A_100, %select_n3A_190 : vector<16xi1>, vector<16xf32>
    %swap3A_195 = arith.constant 0 : index
    %swap3A_196 = tpu.vector_load %arg13[%swap3A_195] {strides = array<i32>} : memref<16xf32, #tpu.memory_space<vmem>>, vector<16xf32>,
    %swap3A_197 = vector.shape_cast %swap3A_196 : vector<16xf32> to vector<16xf32>
    %swap3A_198 = vector.shape_cast %select_n3A_194 : vector<16xf32> to vector<16xf32>
    tpu.vector_store %arg13[%swap3A_195], %swap3A_198 {strides = array<i32>} : memref<16xf32, #tpu.memory_space<vmem>>, vector<16xf32>,
    %swap3A_199 = arith.constant 0 : index
    %swap3A_200 = tpu.vector_load %arg14[%swap3A_199] {strides = array<i32>} : memref<16xi32, #tpu.memory_space<vmem>>, vector<16xi32>,
    %swap3A_201 = vector.shape_cast %swap3A_200 : vector<16xi32> to vector<16xi32>
    %swap3A_202 = vector.shape_cast %min3A_184 : vector<16xi32> to vector<16xi32>
    tpu.vector_store %arg14[%swap3A_199], %swap3A_202 {strides = array<i32>} : memref<16xi32, #tpu.memory_space<vmem>>, vector<16xi32>,
    "tpu.region"() ({
      %run_scoped3A = tpu.sem_alloc : memref<!tpu.dma_semaphore, #tpu.memory_space<semaphore_mem>>
      %dma_start3A_203 = arith.constant 0 : i32
      %dma_start3A_204 = tpu.memref_slice %arg6[%add3A, %dma_start3A_203] : memref<32x16xf32, #tpu.memory_space<hbm>> -> memref<1x16xf32, #tpu.memory_space<hbm>>
      %dma_start3A_205 = tpu.memref_squeeze %dma_start3A_204 : memref<1x16xf32, #tpu.memory_space<hbm>> -> memref<16xf32, #tpu.memory_space<hbm>>
      %dma_start3A_206 = arith.constant 0 : i32
      %dma_start3A_207 = tpu.memref_slice %arg6[%add3A, %dma_start3A_206] : memref<32x16xf32, #tpu.memory_space<hbm>> -> memref<1x16xf32, #tpu.memory_space<hbm>>
      %dma_start3A_208 = tpu.memref_squeeze %dma_start3A_207 : memref<1x16xf32, #tpu.memory_space<hbm>> -> memref<16xf32, #tpu.memory_space<hbm>>
      tpu.enqueue_dma source(%arg13 : memref<16xf32, #tpu.memory_space<vmem>>) target(%dma_start3A_208 : memref<16xf32, #tpu.memory_space<hbm>>) target_semaphore(%run_scoped3A : memref<!tpu.dma_semaphore, #tpu.memory_space<semaphore_mem>>)
      %dma_wait3A = arith.constant 0 : i32
      %dma_wait3A_209 = tpu.memref_slice %arg6[%add3A, %dma_wait3A] : memref<32x16xf32, #tpu.memory_space<hbm>> -> memref<1x16xf32, #tpu.memory_space<hbm>>
      %dma_wait3A_210 = tpu.memref_squeeze %dma_wait3A_209 : memref<1x16xf32, #tpu.memory_space<hbm>> -> memref<16xf32, #tpu.memory_space<hbm>>
      %dma_wait3A_211 = arith.constant 0 : i32
      %dma_wait3A_212 = tpu.memref_slice %arg6[%add3A, %dma_wait3A_211] : memref<32x16xf32, #tpu.memory_space<hbm>> -> memref<1x16xf32, #tpu.memory_space<hbm>>
      %dma_wait3A_213 = tpu.memref_squeeze %dma_wait3A_212 : memref<1x16xf32, #tpu.memory_space<hbm>> -> memref<16xf32, #tpu.memory_space<hbm>>
      tpu.wait_dma2 semaphore(%run_scoped3A : memref<!tpu.dma_semaphore, #tpu.memory_space<semaphore_mem>>) src(%arg13 : memref<16xf32, #tpu.memory_space<vmem>>) dst(%dma_wait3A_213 : memref<16xf32, #tpu.memory_space<hbm>>)
      tpu.yield
    }) : () -> ()
    "tpu.region"() ({
      %run_scoped3A = tpu.sem_alloc : memref<!tpu.dma_semaphore, #tpu.memory_space<semaphore_mem>>
      %dma_start3A_203 = arith.constant 0 : i32
      %dma_start3A_204 = tpu.memref_slice %arg7[%add3A, %dma_start3A_203] : memref<32x16xi32, #tpu.memory_space<hbm>> -> memref<1x16xi32, #tpu.memory_space<hbm>>
      %dma_start3A_205 = tpu.memref_squeeze %dma_start3A_204 : memref<1x16xi32, #tpu.memory_space<hbm>> -> memref<16xi32, #tpu.memory_space<hbm>>
      %dma_start3A_206 = arith.constant 0 : i32
      %dma_start3A_207 = tpu.memref_slice %arg7[%add3A, %dma_start3A_206] : memref<32x16xi32, #tpu.memory_space<hbm>> -> memref<1x16xi32, #tpu.memory_space<hbm>>
      %dma_start3A_208 = tpu.memref_squeeze %dma_start3A_207 : memref<1x16xi32, #tpu.memory_space<hbm>> -> memref<16xi32, #tpu.memory_space<hbm>>
      tpu.enqueue_dma source(%arg14 : memref<16xi32, #tpu.memory_space<vmem>>) target(%dma_start3A_208 : memref<16xi32, #tpu.memory_space<hbm>>) target_semaphore(%run_scoped3A : memref<!tpu.dma_semaphore, #tpu.memory_space<semaphore_mem>>)
      %dma_wait3A = arith.constant 0 : i32
      %dma_wait3A_209 = tpu.memref_slice %arg7[%add3A, %dma_wait3A] : memref<32x16xi32, #tpu.memory_space<hbm>> -> memref<1x16xi32, #tpu.memory_space<hbm>>
      %dma_wait3A_210 = tpu.memref_squeeze %dma_wait3A_209 : memref<1x16xi32, #tpu.memory_space<hbm>> -> memref<16xi32, #tpu.memory_space<hbm>>
      %dma_wait3A_211 = arith.constant 0 : i32
      %dma_wait3A_212 = tpu.memref_slice %arg7[%add3A, %dma_wait3A_211] : memref<32x16xi32, #tpu.memory_space<hbm>> -> memref<1x16xi32, #tpu.memory_space<hbm>>
      %dma_wait3A_213 = tpu.memref_squeeze %dma_wait3A_212 : memref<1x16xi32, #tpu.memory_space<hbm>> -> memref<16xi32, #tpu.memory_space<hbm>>
      tpu.wait_dma2 semaphore(%run_scoped3A : memref<!tpu.dma_semaphore, #tpu.memory_space<semaphore_mem>>) src(%arg14 : memref<16xi32, #tpu.memory_space<vmem>>) dst(%dma_wait3A_213 : memref<16xi32, #tpu.memory_space<hbm>>)
      tpu.yield
    }) : () -> ()
    return
  }
}

module attributes {stable_mosaic.version = 14 : i64} {
  func.func @_tc_body(%arg0: i32, %arg1: memref<1x64xf32, #tpu.memory_space<vmem>>, %arg2: memref<64x8192xf32, #tpu.memory_space<vmem>>, %arg3: memref<1x1x1xf32, #tpu.memory_space<vmem>>, %arg4: memref<1x1x1xi32, #tpu.memory_space<vmem>>) attributes {dimension_semantics = [#tpu.dimension_semantics<arbitrary>], iteration_bounds = array<i64: 106>, scalar_prefetch = 0 : i64, scratch_operands = 0 : i64, tpu.core_type = #tpu.core_type<tc>, window_params = [{pipeline_mode = #tpu.pipeline_mode<synchronous>, transform_indices = @transform_0, window_bounds = array<i64: 1, 64>}, {transform_indices = @transform_1, window_bounds = array<i64: 64, 8192>}, {transform_indices = @transform_2, window_bounds = array<i64: 1, 1, 1>}, {transform_indices = @transform_3, window_bounds = array<i64: 1, 1, 1>}]} {
    %get3A = arith.constant 0 : index
    %get3A_0 = arith.constant 0 : index
    %get3A_1 = vector.load %arg1[%get3A, %get3A_0] : memref<1x64xf32, #tpu.memory_space<vmem>>, vector<1x64xf32>
    %get3A_2 = arith.constant 0 : index
    %get3A_3 = arith.constant 0 : index
    %get3A_4 = vector.load %arg2[%get3A_2, %get3A_3] : memref<64x8192xf32, #tpu.memory_space<vmem>>, vector<64x8192xf32>
    %dot_general3A = arith.constant dense<0.000000e+00> : vector<1x8192xf32>
    %dot_general3A_5 = tpu.matmul %get3A_1, %get3A_4, %dot_general3A {dimension_numbers = #tpu.dot_dimension_numbers<[1], [0], [0], [1], [0, 0, 1, 1], [], []>, transpose_lhs_hint = false} : vector<1x64xf32>, vector<64x8192xf32>, vector<1x8192xf32> -> vector<1x8192xf32>
    %broadcast_in_dim3A = arith.constant 1.000000e+00 : f32
    %broadcast_in_dim3A_6 = vector.broadcast %broadcast_in_dim3A : f32 to vector<1x64xf32>
    %mul3A = arith.mulf %get3A_4, %get3A_4 : vector<64x8192xf32>
    %dot_general3A_7 = arith.constant dense<0.000000e+00> : vector<1x8192xf32>
    %dot_general3A_8 = tpu.matmul %broadcast_in_dim3A_6, %mul3A, %dot_general3A_7 {dimension_numbers = #tpu.dot_dimension_numbers<[1], [0], [0], [1], [0, 0, 1, 1], [], []>, transpose_lhs_hint = false} : vector<1x64xf32>, vector<64x8192xf32>, vector<1x8192xf32> -> vector<1x8192xf32>
    %abs3A = math.absf %dot_general3A_5 : vector<1x8192xf32>
    %mul3A_9 = arith.mulf %dot_general3A_5, %abs3A : vector<1x8192xf32>
    %max3A = arith.constant 1.000000e-16 : f32
    %max3A_10 = vector.broadcast %max3A : f32 to vector<1x8192xf32>
    %max3A_11 = arith.maximumf %dot_general3A_8, %max3A_10 : vector<1x8192xf32>
    %div3A = arith.divf %mul3A_9, %max3A_11 : vector<1x8192xf32>
    %mul3A_12 = arith.constant 8192 : i32
    %mul3A_13 = arith.muli %arg0, %mul3A_12 : i32
    %add3A = arith.constant 131072 : i32
    %add3A_14 = arith.addi %add3A, %mul3A_13 : i32
    %iota3A = tpu.iota {dimensions = array<i32: 1>} : vector<1x8192xi32>
    %add3A_15 = vector.broadcast %add3A_14 : i32 to vector<1x8192xi32>
    %add3A_16 = arith.addi %add3A_15, %iota3A : vector<1x8192xi32>
    %reduce_max3A = vector.shape_cast %div3A : vector<1x8192xf32> to vector<1x1x8192xf32>
    %reduce_max3A_17 = arith.constant dense<0xFF800000> : vector<1xf32>
    %reduce_max3A_18 = vector.multi_reduction <maximumf>, %reduce_max3A, %reduce_max3A_17 [1, 2] : vector<1x1x8192xf32> to vector<1xf32>
    %reduce_max3A_19 = vector.shape_cast %reduce_max3A_18 : vector<1xf32> to vector<1x1x1xf32>
    %reduce_max3A_20 = vector.extract %reduce_max3A_19[0, 0, 0] : f32 from vector<1x1x1xf32>
    %eq3A = vector.broadcast %reduce_max3A_20 : f32 to vector<1x8192xf32>
    %eq3A_21 = arith.cmpf oeq, %div3A, %eq3A : vector<1x8192xf32>
    %jit3A = arith.constant 2147483647 : i32
    %broadcast_in_dim3A_22 = vector.broadcast %jit3A : i32 to vector<1x8192xi32>
    %select_n3A = arith.select %eq3A_21, %add3A_16, %broadcast_in_dim3A_22 : vector<1x8192xi1>, vector<1x8192xi32>
    %reduce_min3A = vector.shape_cast %select_n3A : vector<1x8192xi32> to vector<1x1x8192xi32>
    %reduce_min3A_23 = arith.constant dense<2147483647> : vector<1xi32>
    %reduce_min3A_24 = vector.multi_reduction <minsi>, %reduce_min3A, %reduce_min3A_23 [1, 2] : vector<1x1x8192xi32> to vector<1xi32>
    %reduce_min3A_25 = vector.shape_cast %reduce_min3A_24 : vector<1xi32> to vector<1x1x1xi32>
    %reduce_min3A_26 = vector.extract %reduce_min3A_25[0, 0, 0] : i32 from vector<1x1x1xi32>
    %broadcast_in_dim3A_27 = vector.broadcast %reduce_max3A_20 : f32 to vector<1x1x1xf32>
    %swap3A = arith.constant 0 : index
    %swap3A_28 = arith.constant 0 : index
    %swap3A_29 = arith.constant 0 : index
    %swap3A_30 = vector.load %arg3[%swap3A, %swap3A_28, %swap3A_29] : memref<1x1x1xf32, #tpu.memory_space<vmem>>, vector<1x1x1xf32>
    tpu.vector_store %arg3[%swap3A, %swap3A_28, %swap3A_29], %broadcast_in_dim3A_27 {strides = array<i32>} : memref<1x1x1xf32, #tpu.memory_space<vmem>>, vector<1x1x1xf32>,
    %broadcast_in_dim3A_31 = vector.broadcast %reduce_min3A_26 : i32 to vector<1x1x1xi32>
    %swap3A_32 = arith.constant 0 : index
    %swap3A_33 = arith.constant 0 : index
    %swap3A_34 = arith.constant 0 : index
    %swap3A_35 = vector.load %arg4[%swap3A_32, %swap3A_33, %swap3A_34] : memref<1x1x1xi32, #tpu.memory_space<vmem>>, vector<1x1x1xi32>
    tpu.vector_store %arg4[%swap3A_32, %swap3A_33, %swap3A_34], %broadcast_in_dim3A_31 {strides = array<i32>} : memref<1x1x1xi32, #tpu.memory_space<vmem>>, vector<1x1x1xi32>,
    return
  }
  func.func @transform_0(%arg0: i32) -> (i32, i32) {
    %c0_i32 = arith.constant 0 : i32
    %c0_i32_0 = arith.constant 0 : i32
    %c0_i32_1 = arith.constant 0 : i32
    return %c0_i32, %c0_i32_0 : i32, i32
  }
  func.func @transform_1(%arg0: i32) -> (i32, i32) {
    %add3A = arith.constant 16 : i32
    %add3A_0 = arith.addi %arg0, %add3A : i32
    %c0_i32 = arith.constant 0 : i32
    %c0_i32_1 = arith.constant 0 : i32
    return %c0_i32, %add3A_0 : i32, i32
  }
  func.func @transform_2(%arg0: i32) -> (i32, i32, i32) {
    %c0_i32 = arith.constant 0 : i32
    %c0_i32_0 = arith.constant 0 : i32
    %c0_i32_1 = arith.constant 0 : i32
    return %arg0, %c0_i32, %c0_i32_0 : i32, i32, i32
  }
  func.func @transform_3(%arg0: i32) -> (i32, i32, i32) {
    %c0_i32 = arith.constant 0 : i32
    %c0_i32_0 = arith.constant 0 : i32
    %c0_i32_1 = arith.constant 0 : i32
    return %arg0, %c0_i32, %c0_i32_0 : i32, i32, i32
  }
}

</mosaic_0001>

<sc_bundles>
// kernel: kernel.4.cloned.1.call-start
scs
__scs_entry_jumppad:
0x0: {  	(pc) =	sbr.rel $0x88, $3  }
0x1: {  	(tag) =	ssettag $0x0;
	lr =	simm.s32 $0x1  }
0x2: {  	[smem:$0x3F9C] =	sst lr;
	_ =	strace $0xD0000000  }
0x3: {  	_ = 	snop  }
0x4: {  	_ = 	snop  }
0x5: {  	_ = 	snop  }
0x6: {  	_ = 	snop  }
0x7: {  	_ = 	snop  }
__scs_overlays_trampoline_lowered:
0x8: {  	[smem:$0x3FAB] =	sst s0  }
0x9: {  	[smem:$0x3FAC] =	sst s1  }
0xa: {  	[smem:$0x3FAD] =	sst s2  }
0xb: {  	[smem:$0x3FAE] =	sst s3  }
0xc: {  	[smem:$0x3FAF] =	sst s4  }
0xd: {  	[smem:$0x3FB0] =	sst s5  }
0xe: {  	[smem:$0x3FB1] =	sst s6  }
0xf: {  	[smem:$0x3FB2] =	sst s7  }
0x10: {  	[smem:$0x3FB3] =	sst s8  }
0x11: {  	[smem:$0x3FB4] =	sst s9;
	s0 =	simm.s32 @!p0 $0x0  }
0x12: {  	s1 =	sld [smem:$0x3F9A];
	s0 =	simm.s32 @p0 $0x1  }
0x13: {  	[smem:$0x3FB5] =	sst s0;
	s0 =	simm.s32 @!p1 $0x0  }
0x14: {  	s2 =	sld [smem:$0x3F99];
	s0 =	simm.s32 @p1 $0x1  }
0x15: {  	[smem:$0x3FB6] =	sst s0;
	s0 =	simm.s32 @!p2 $0x0  }
0x16: {  	s3 =	sld [smem:$0x3FDB];
	s0 =	simm.s32 @p2 $0x1  }
0x17: {  	s4 =	simm.s32 $0x1BF5;
	[smem:$0x3FB8] =	sst s0  }
0x18: {  	s0 =	sld [smem:$0x3F9B];
	_ =	swait.ge [sflag:s4], $0x0  }
0x19: {  	s7 =	sld [smem:$0x3F9C]  }
0x1a: {  	s8 =	sadd.s32 $0xFFFFE003, lr  }
0x1b: {  	s9 =	sadd.s32 $0xFFFFFEF7, lr;
	s5 =	simm.s32 $0xFFFFFFFF;
	p2 =	slt.u32 s8, $0xFFFFF086  }
0x1c: {  	p1 =	slt.u32 s9, $0xF7A;
	s5 =	simm.s32 @!p2 $0x0  }
0x1d: {  	s5 =	simm.s32 @p1 $0x1;
	p0 =	seq.s32 s7, s2  }
0x1e: {  	s7 =	smul.u32 @!p0 $0xF7A, s2;
	p2 =	seq.s32 @!p0 s5, $0x0  }
0x1f: {  	s9 =	smul.u32 $0xF7A, s1;
	s8 =	simm.s32 @!p0 $0x1BF5;
	p2 =	por !p2, p0  }
0x20: {  	[sflag:s8] =	ssyncset.s32 @!p0 $0xFFFFF086;
	s6 =	sadd.s32 @!p0 s3, s7;
	s7 =	simm.s32 @!p0 $0x108  }
0x21: {  	s3 =	sadd.s32 s3, s9;
	s6 =	sadd.s32 @!p0 $0x88, s6;
	s7 =	simm.s32 @p2 $0x1082  }
0x22: {  	[simem:s7], [sflag:s8] =	dma.local @!p0 [hbm:s6], $0xF7A  }
0x23: {  	s9 =	sor.u32 $0xD0000000, s2;
	s6 =	simm.s32 $0x108;
	_ =	swait.ge @!p0 [sflag:s8], $0x0  }
0x24: {  	s3 =	sadd.s32 $0x88, s3;
	s6 =	simm.s32 @!p1 $0x1082;
	[sflag:s4] =	ssyncset.s32 $0xFFFFF086  }
0x25: {  	[simem:s6], [sflag:s4] =	dma.local [hbm:s3], $0xF7A  }
0x26: {  	[smem:$0x3F9C] =	sst s1;
	(tag) =	ssettag s2;
	_ =	strace s9  }
0x27: {  	s1 =	sld [smem:$0x3FAC]  }
0x28: {  	s2 =	sld [smem:$0x3FAD]  }
0x29: {  	s4 =	sld [smem:$0x3FAF]  }
0x2a: {  	p0 =	seq.s32 s5, $0x0;
	s5 =	sld [smem:$0x3FB0]  }
0x2b: {  	s6 =	sld [smem:$0x3FB1]  }
0x2c: {  	s7 =	sld [smem:$0x3FB2]  }
0x2d: {  	s3 =	simm.s32 $0x108;
	s8 =	sld [smem:$0x3FB3]  }
0x2e: {  	s3 =	simm.s32 @!p0 $0x1082;
	s9 =	sld [smem:$0x3FB4]  }
0x2f: {  	lr =	sadd.s32 s0, s3;
	s0 =	sld [smem:$0x3FAB]  }
0x30: {  	s3 =	sld [smem:$0x3FAE]  }
0x31: {  	[smem:$0x3FB7] =	sst s10  }
0x32: {  	s10 =	sld [smem:$0x3FB5];
	_ =	sdelay $0x3  }
0x33: {  	p0 =	seq.s32 s10, $0x1;
	s10 =	sld [smem:$0x3FB7];
	_ =	sdelay $0x3  }
0x34: {  	[smem:$0x3FB7] =	sst s10  }
0x35: {  	s10 =	sld [smem:$0x3FB6];
	_ =	sdelay $0x3  }
0x36: {  	p1 =	seq.s32 s10, $0x1;
	s10 =	sld [smem:$0x3FB7];
	_ =	sdelay $0x3  }
0x37: {  	[smem:$0x3FB7] =	sst s10  }
0x38: {  	s10 =	sld [smem:$0x3FB8]  }
0x39: {  	_ = 	snop;
	(pc) =	sbr.ind lr, $3  }
0x3a: {  	_ = 	snop  }
0x3b: {  	_ = 	snop  }
0x3c: {  	p2 =	seq.s32 s10, $0x1;
	s10 =	sld [smem:$0x3FB7]  }
0x3d: {  	_ =	shalt  }
0x3e: {  	_ =	shalt  }
0x3f: {  	_ =	shalt  }
0x40: {  	_ =	shalt  }
0x41: {  	_ =	shalt  }
0x42: {  	_ =	shalt  }
0x43: {  	_ =	shalt  }
0x44: {  	_ =	shalt  }
0x45: {  	_ =	shalt  }
0x46: {  	_ =	shalt  }
0x47: {  	_ =	shalt  }
0x48: {  	_ =	shalt  }
0x49: {  	_ =	shalt  }
0x4a: {  	_ =	shalt  }
0x4b: {  	_ =	shalt  }
0x4c: {  	_ =	shalt  }
0x4d: {  	_ =	shalt  }
0x4e: {  	_ =	shalt  }
0x4f: {  	_ =	shalt  }
0x50: {  	_ =	shalt  }
0x51: {  	_ =	shalt  }
0x52: {  	_ =	shalt  }
0x53: {  	_ =	shalt  }
0x54: {  	_ =	shalt  }
0x55: {  	_ =	shalt  }
0x56: {  	_ =	shalt  }
0x57: {  	_ =	shalt  }
0x58: {  	_ =	shalt  }
0x59: {  	_ =	shalt  }
0x5a: {  	_ =	shalt  }
0x5b: {  	_ =	shalt  }
0x5c: {  	_ =	shalt  }
0x5d: {  	_ =	shalt  }
0x5e: {  	_ =	shalt  }
0x5f: {  	_ =	shalt  }
0x60: {  	_ =	shalt  }
0x61: {  	_ =	shalt  }
0x62: {  	_ =	shalt  }
0x63: {  	_ =	shalt  }
0x64: {  	_ =	shalt  }
0x65: {  	_ =	shalt  }
0x66: {  	_ =	shalt  }
0x67: {  	_ =	shalt  }
0x68: {  	_ =	shalt  }
0x69: {  	_ =	shalt  }
0x6a: {  	_ =	shalt  }
0x6b: {  	_ =	shalt  }
0x6c: {  	_ =	shalt  }
0x6d: {  	_ =	shalt  }
0x6e: {  	_ =	shalt  }
0x6f: {  	_ =	shalt  }
0x70: {  	_ =	shalt  }
0x71: {  	_ =	shalt  }
0x72: {  	_ =	shalt  }
0x73: {  	_ =	shalt  }
0x74: {  	_ =	shalt  }
0x75: {  	_ =	shalt  }
0x76: {  	_ =	shalt  }
0x77: {  	_ =	shalt  }
0x78: {  	_ =	shalt  }
0x79: {  	_ =	shalt  }
0x7a: {  	_ =	shalt  }
0x7b: {  	_ =	shalt  }
0x7c: {  	_ =	shalt  }
0x7d: {  	_ =	shalt  }
0x7e: {  	_ =	shalt  }
0x7f: {  	_ =	shalt  }
0x80: {  	_ =	shalt  }
0x81: {  	_ =	shalt  }
0x82: {  	_ =	shalt  }
0x83: {  	_ =	shalt  }
0x84: {  	_ =	shalt  }
0x85: {  	_ =	shalt  }
0x86: {  	_ =	shalt  }
0x87: {  	_ =	shalt  }
.Lfunc_end0:
.L_simem_size_0:
called_computation_lowered:
.L_overlay_start_0:
0x88: {  	s2 =	sld [smem:$0x3FD9]  }
0x89: {  	s3 =	sld [smem:$0x3FFE];
	_ =	sdelay $0x1  }
0x8a: {  	s1 =	srdreg.scid  }
0x8b: {  	s0 =	sand.u32 $0x1, s1  }
0x8c: {  	s17 =	sshll.u32 s0, $0xA;
	s2 =	sadd.s32 s3, s2  }
0x8d: {  	s2 =	sadd.s32 s2, s17  }
0x8e: {  	[smem:$0x3FC3] =	sst s2  }
0x8f: {  	_ = 	snop  }
0x90: {  	s2 =	sld [smem:$0x3FC9]  }
0x91: {  	s18 =	sld [smem:$0x3FC8]  }
0x92: {  	s4 =	sld [smem:$0x3FC7]  }
0x93: {  	s5 =	sld [smem:$0x3FC6];
	(tm) =	ssettm $0x1  }
0x94: {  	s6 =	sld [smem:$0x3FFB];
	_ =	sdelay $0x3  }
0x95: {  	_ =	strace s6  }
0x96: {  	s6 =	sld [smem:$0x3FFC];
	_ =	sdelay $0x3  }
0x97: {  	_ =	strace s6  }
0x98: {  	s6 =	sld [smem:$0x3FFD];
	_ =	sdelay $0x3  }
0x99: {  	_ =	strace s6  }
0x9a: {  	_ =	strace $0x8FFFFFFF  }
0x9b: {  	s19 =	sld [smem:$0x3FDB];
	_ =	sdelay $0x1  }
0x9c: {  	s7 =	simm.s32 $_scs_section_size  }
0x9d: {  	s8 =	simm.s32 $_size__tile_overlayer_lowered;
	s9 =	simm.s32 $_tile_overlayer_lowered  }
0x9e: {  	s22 =	simm.s32 $0x1BFF;
	s21 =	sshll.u32 s9, $0x1;
	s6 =	sadd.s32 s7, s19  }
0x9f: {  	s10 =	simm.s32 $0x0;
	s20 =	sshll.u32 s8, $0x1;
	s8 =	sadd.s32 s21, s6  }
0xa0: {  	[timem:s10], [sflag:s22] =	dma.local [hbm:s8], s20  }
0xa1: {  	_ =	swait.ge [sflag:s22], s20  }
0xa2: {  	s7 =	ssub.s32 $0x0, s20;
	[sflag:s22] =	ssyncset.done $0x0  }
0xa3: {  	[sflag:s22] =	ssyncadd.s32 s7;
	_ =	sdelay $0x1  }
0xa4: {  	s23 =	simm.s32 $0x1B8B  }
0xa5: {  	_ =	swait.ge [sflag:s23], $0x1  }
0xa6: {  	[sflag:s23] =	ssyncset.done $0x0  }
0xa7: {  	s25 =	simm.s32 $0x1B8E;
	s24 =	sld [smem:$0x3FFE];
	[sflag:s23] =	ssyncadd.s32 $0xFFFFFFFF  }
0xa8: {  	s26 =	simm.s32 $execute0_lowered;
	[smem:$0x3FD2] =	sst s25  }
0xa9: {  	s8 =	sshll.u32 s26, $0x1;
	_ =	strace $0x80000046;
	[dreg:$0x1] =	wrdreg $0xFFFFFFFF  }
0xaa: {  	s28 =	simm.s32 $_size_execute0_lowered;
	s6 =	sadd.s32 s6, s8;
	[dreg:$0x0] =	wrdreg $0x0  }
0xab: {  	s8 =	sshll.u32 s28, $0x1;
	[dreg:$0x2] =	wrdreg s6  }
0xac: {  	[dreg:$0x3] =	wrdreg s8  }
0xad: {  	[dreg:$0x4] =	wrdreg $0xC0  }
0xae: {  	_ =	task [dreg:s10], $0x5FFFF  }
0xaf: {  	[dreg:$0x1] =	wrdreg $0xFFFFFFFF  }
0xb0: {  	[dreg:$0x0] =	wrdreg $0x60  }
0xb1: {  	[dreg:$0x2] =	wrdreg s2  }
0xb2: {  	[dreg:$0x3] =	wrdreg s18  }
0xb3: {  	[dreg:$0x4] =	wrdreg s4  }
0xb4: {  	[dreg:$0x5] =	wrdreg s5  }
0xb5: {  	[dreg:$0x6] =	wrdreg s24  }
0xb6: {  	[dreg:$0x7] =	wrdreg $0x9  }
0xb7: {  	_ =	task.clear_ibuf [dreg:s10], $0x8FFFF;
	_ =	strace $0x90000046  }
0xb8: {  	s29 =	simm.s32 $0x9;
	_ =	strace $0x80000048  }
0xb9: {  	_ =	swait.ge [sflag:s29], $0x1  }
0xba: {  	[sflag:s29] =	ssyncadd.s32 $0xFFFFFFFF  }
0xbb: {  	_ =	strace $0x90000048  }
0xbc: {  	_ =	sfence  }
0xbd: {  	s30 =	sld [smem:$0x0];
	_ =	sdelay $0x2  }
0xbe: {  	s31 =	sshll.u32 s1, $0xD;
	s1 =	sshrl.u32 s1, $0x2  }
0xbf: {  	s3 =	sand.u32 $0x4000, s31;
	s1 =	sadd.s32 s1, s30  }
0xc0: {  	s0 =	sor.u32 s3, s0;
	s1 =	sshll.u32 s1, $0x11  }
0xc1: {  	s0 =	sor.u32 s1, s0  }
0xc2: {  	s0 =	sadd.s32 $0x8F2B, s0  }
0xc3: {  	[sflag:s0] =	ssyncadd.remote.s32 $0x1  }
0xc4: {  	_ =	sfence.sel $0xFFFF  }
0xc5: {  	[dreg:$0x0] =	wrdreg $0xFFFFFFFF;
	(pc) =	sbr.abs _section_cstart, $3  }
0xc6: {  	[dreg:$0x1] =	wrdreg $0xFFFFFFFF  }
0xc7: {  	_ =	task.clear_ibuf [dreg:s10], $0x2FFFF;
	_ =	strace $0x9FFFFFFF  }
0xc8: {  	(tm) =	ssettm $0x7FFFFFFF  }
0xc9: {  	_ =	shalt  }
tec
execute0_lowered:
.L_overlay_start_1:
0x0: {  	(tag) =	ssettag $0x1  }
0x1: {  	s0 =	rddreg [dreg:$0x0]  }
0x2: {  	s1 =	rddreg [dreg:$0x1]  }
0x3: {  	s2 =	rddreg [dreg:$0x2]  }
0x4: {  	v0 =	vimm.s32 $0xFEDCBA98;
	v1 =	vimm.s32 $0x76543210;
	s3 =	rddreg [dreg:$0x3];
	v2 =	vimm.s32 $0xBA98FEDC  }
0x5: {  	v3 =	vimm.s32 $0x32107654;
	v4 =	vimm.s32 $0xDCFE98BA;
	s8 =	rddreg [dreg:$0x4];
	v5 =	vimm.s32 $0x54761032  }
0x6: {  	v6 =	vimm.s32 $0xEFCDAB89;
	v7 =	vimm.s32 $0x67452301;
	s7 =	srdreg.scid;
	s4 =	stileid.u32;
	v0 =	vunpack.c.l.s4.s8 v0  }
0x7: {  	s6 =	simm.s32 $0x0;
	s14 =	simm.s32 $0x80;
	s15 =	simm.s32 $0x2080;
	v1 =	vunpack.c.l.s4.s8 v1;
	v2 =	vunpack.c.l.s4.s8 v2;
	v3 =	vunpack.c.l.s4.s8 v3  }
0x8: {  	s16 =	simm.s32 $0x800;
	s17 =	simm.s32 $0x7A1400;
	s18 =	simm.s32 $0x2100;
	v4 =	vunpack.c.l.s4.s8 v4;
	v5 =	vunpack.c.l.s4.s8 v5;
	v6 =	vunpack.c.l.s4.s8 v6  }
0x9: {  	s19 =	simm.s32 $0x1;
	s20 =	simm.s32 $0x2;
	s21 =	simm.s32 $0xA100;
	v7 =	vunpack.c.l.s4.s8 v7;
	v2 =	vunpack.c.0.s8.s32 v2;
	v3 =	vunpack.c.0.s8.s32 v3  }
0xa: {  	s22 =	simm.s32 $0xA180;
	s23 =	simm.s32 $0x0;
	s12 =	sand.u32 $0x1, s7;
	v0 =	vunpack.c.0.s8.s32 v0;
	v4 =	vunpack.c.0.s8.s32 v4;
	v5 =	vunpack.c.0.s8.s32 v5  }
0xb: {  	s31 =	sshll.u32 s4, $0x1;
	[smem:$0x7FF] =	sst s6;
	s13 =	sshll.u32 s4, $0xD;
	v6 =	vunpack.c.0.s8.s32 v6;
	v7 =	vunpack.c.0.s8.s32 v7;
	v27 =	vcombine.low v3, v2  }
.Ltmp0:
0xc: {  	s7 =	sor.u32 s12, s31;
	_ =	strace $0x80000047;
	v1 =	vunpack.c.0.s8.s32 v1;
	v28 =	vcombine.low v5, v4;
	(pc) =	sbr.rel .LBB2_1-.Ltmp0, $4  }
0xd: {  	s9 =	ssub.s32 $0x2, s12;
	s12 =	sshll.u32 s12, $0xC;
	s10 =	sshll.u32 s7, $0x4;
	v0 =	vand.u32 $0xF, v0;
	v29 =	vcombine.low v7, v6;
	[tilespmem:$0x1FFD0] =	vst v27  }
0xe: {  	s11 =	sshrl.u32 s9, $0x1;
	s7 =	sshll.u32 s7, $0xC;
	s12 =	sor.u32 s12, s13;
	v26 =	vcombine.low v0, v1;
	[tilespmem:$0x1FFE0] =	vst v28  }
0xf: {  	s13 =	simm.s32 $0x3;
	s8 =	sadd.s32 s8, s10;
	s11 =	ssub.s32 s9, s11;
	[tilespmem:$0x1FFF0] =	vst v29  }
0x10: {  	vm0 =	vcmask $0x308;
	s9 =	sadd.s32 s3, s7;
	s10 =	sadd.s32 $0x200, s8;
	s11 =	smax.u32 s11, $0x1;
	[tilespmem:$0x1FFC0] =	vst v26  }
.LBB2_19:
0x11: {  	v0 =	vld [tilespmem:$0xA100];
	_ =	sdelay $0x4  }
0x12: {  	v1 =	vperm.xlane v0, v26;
	_ =	sdelay $0x1  }
0x13: {  	v2 =	vand.u32 $0xF, v27;
	v1 =	vmax.f32 v0, v1  }
0x14: {  	v3 =	vperm.xlane v1, v2;
	_ =	sdelay $0x1  }
0x15: {  	v59 =	vand.u32 $0xF, v28;
	v1 =	vmax.f32 v1, v3  }
0x16: {  	v4 =	vperm.xlane v1, v59;
	_ =	sdelay $0x1  }
0x17: {  	v5 =	vld [tilespmem:$0xA180];
	v60 =	vand.u32 $0xF, v29;
	v1 =	vmax.f32 v1, v4  }
0x18: {  	v6 =	vperm.xlane v1, v60;
	_ =	sdelay $0x1  }
0x19: {  	v1 =	vmax.f32 v1, v6  }
0x1a: {  	vm1 =	veq.f32 v0, v1  }
0x1b: {  	v0 =	vnsel vm1, $0x7FFFFFFF, v5  }
0x1c: {  	v5 =	vperm.xlane v0, v26;
	_ =	sdelay $0x1  }
0x1d: {  	vm1 =	vlt.s32 v0, v5  }
0x1e: {  	v0 =	vsel vm1, v0, v5  }
0x1f: {  	v2 =	vperm.xlane v0, v2;
	_ =	sdelay $0x1  }
0x20: {  	v61 =	vld [tilespmem:$0x1FEB0];
	vm1 =	vlt.s32 v0, v2  }
0x21: {  	v62 =	vld [tilespmem:$0x1FEC0];
	v0 =	vsel vm1, v0, v2  }
0x22: {  	v2 =	vperm.xlane v0, v59;
	_ =	sdelay $0x1  }
0x23: {  	vm1 =	vlt.s32 v0, v2  }
0x24: {  	v0 =	vsel vm1, v0, v2  }
0x25: {  	v2 =	vadd.f32 v61, v62;
	vm1 =	vmmov $0x1;
	v63 =	vperm.xlane v0, v60  }
0x26: {  	v1 =	vnsel vm1, $0x0, v1  }
0x27: {  	v1 =	vsel vm0, v1, v2;
	vm1 =	vlt.s32 v0, v63  }
0x28: {  	[tilespmem:$0xA100] =	vst v1;
	v0 =	vsel vm1, v0, v63  }
0x29: {  	[tilespmem:$0xA180] =	vst v0  }
0x2a: {  	[hbm4b:s8+s6] =	stream.linear.scatter [tilespmem:s21], [sflag:$0x3], $0x80, $0x38;
	[tilespmem:$0xA200] =	vst v63  }
0x2b: {  	s23 =	sadd.s32 $0x1, s23;
	_ =	swait.ge [sflag:s13], $0x80  }
0x2c: {  	p0 =	sne.s32 s23, s11;
	[sflag:s13] =	ssyncset.done $0x0  }
.Ltmp1:
0x2d: {  	[sflag:s13] =	ssyncadd.s32 $0xFFFFFF80;
	(pc) =	sbr.rel @!p0 .LBB2_20-.Ltmp1, $4  }
0x2e: {  	[hbm4b:s10+s6] =	stream.linear.scatter [tilespmem:s22], [sflag:$0x3], $0x80, $0x38;
	[tilespmem:$0xA200] =	vst v63  }
0x2f: {  	_ =	swait.ge [sflag:s13], $0x80  }
0x30: {  	[sflag:s13] =	ssyncset.done $0x0  }
0x31: {  	[sflag:s13] =	ssyncadd.s32 $0xFFFFFF80  }
.LBB2_1:
0x32: {  	[tilespmem:s6], [sflag:$0x3] =	stream.linear.gather [hbm4b:s0+s6], $0x80, $0x38;
	[tilespmem:$0xA200] =	vst v63  }
0x33: {  	_ =	swait.ge [sflag:s13], $0x80  }
0x34: {  	[sflag:s13] =	ssyncset.done $0x0  }
0x35: {  	[sflag:s13] =	ssyncadd.s32 $0xFFFFFF80  }
0x36: {  	[tilespmem:s14], [sflag:$0x3] =	stream.linear.gather [hbm4b:s1+s6], $0x2000, $0x38;
	[tilespmem:$0xA200] =	vst v63  }
0x37: {  	_ =	swait.ge [sflag:s13], $0x2000  }
0x38: {  	[sflag:s13] =	ssyncset.done $0x0  }
0x39: {  	[sflag:s13] =	ssyncadd.s32 $0xFFFFE000  }
0x3a: {  	[tilespmem:s15], [sflag:$0x3] =	stream.linear.gather [hbm4b:s2+s6], $0x80, $0x38;
	[tilespmem:$0xA200] =	vst v63  }
0x3b: {  	_ =	swait.ge [sflag:s13], $0x80  }
0x3c: {  	[sflag:s13] =	ssyncset.done $0x0  }
0x3d: {  	[sflag:s13] =	ssyncadd.s32 $0xFFFFFF80  }
0x3e: {  	v5 =	vld [tilespmem:$0x0]  }
0x3f: {  	s24 =	simm.s32 $0xA0;
	v7 =	vld [tilespmem:$0x10]  }
0x40: {  	v0 =	vld [tilespmem:s24+$0xFFFFFFE0]  }
0x41: {  	v1 =	vld [tilespmem:s24+$0xFFFFFFF0]  }
0x42: {  	v9 =	vld [tilespmem:$0x20]  }
0x43: {  	v2 =	vld [tilespmem:s24+$0x0]  }
0x44: {  	v8 =	vld [tilespmem:$0x30]  }
0x45: {  	s25 =	simm.s32 $0x120;
	v3 =	vld [tilespmem:s24+$0x10]  }
0x46: {  	v4 =	vld [tilespmem:s25+$0xFFFFFFE0]  }
0x47: {  	v6 =	vld [tilespmem:s25+$0xFFFFFFF0];
	v0 =	vmul.f32 v0, v5;
	v1 =	vmul.f32 v1, v7;
	_ =	sdelay $0x1  }
0x48: {  	v0 =	vadd.f32 v1, v0;
	v1 =	vmul.f32 v2, v9;
	v2 =	vld [tilespmem:s25+$0x0];
	_ =	sdelay $0x1  }
0x49: {  	s26 =	simm.s32 $0x1A0;
	v0 =	vadd.f32 v1, v0;
	v1 =	vmul.f32 v3, v8;
	v3 =	vld [tilespmem:s25+$0x10]  }
0x4a: {  	v10 =	vld [tilespmem:s26+$0xFFFFFFE0];
	v4 =	vmul.f32 v4, v5;
	v6 =	vmul.f32 v6, v7  }
0x4b: {  	v0 =	vadd.f32 v1, v0;
	v1 =	vld [tilespmem:s26+$0xFFFFFFF0]  }
0x4c: {  	v4 =	vadd.f32 v6, v4;
	v2 =	vmul.f32 v2, v9  }
0x4d: {  	v6 =	vld [tilespmem:s26+$0x0];
	v11 =	vperm.xlane v0, v26  }
0x4e: {  	s31 =	simm.s32 $0x220;
	v2 =	vadd.f32 v2, v4;
	v3 =	vmul.f32 v3, v8;
	v4 =	vld [tilespmem:s26+$0x10]  }
0x4f: {  	v0 =	vadd.f32 v0, v11;
	v11 =	vld [tilespmem:s31+$0xFFFFFFE0]  }
0x50: {  	v10 =	vmul.f32 v10, v5;
	v1 =	vmul.f32 v1, v7;
	v2 =	vadd.f32 v3, v2;
	v3 =	vld [tilespmem:s31+$0xFFFFFFF0]  }
0x51: {  	v12 =	vperm.xlane v0, v27  }
0x52: {  	v6 =	vmul.f32 v6, v9;
	v1 =	vadd.f32 v1, v10;
	v13 =	vperm.xlane v2, v26  }
0x53: {  	v10 =	vld [tilespmem:s31+$0x0];
	v12 =	vadd.f32 v0, v12;
	v4 =	vmul.f32 v4, v8  }
0x54: {  	v1 =	vadd.f32 v6, v1;
	v6 =	vld [tilespmem:s31+$0x10];
	v13 =	vadd.f32 v2, v13;
	v11 =	vmul.f32 v11, v5  }
0x55: {  	s30 =	simm.s32 $0x2A0;
	v2 =	vperm.xlane v12, v28;
	v3 =	vmul.f32 v3, v7  }
0x56: {  	v14 =	vadd.f32 v4, v1;
	v4 =	vperm.xlane v13, v27;
	v1 =	vld [tilespmem:s30+$0xFFFFFFE0]  }
0x57: {  	v16 =	vmov s6;
	v15 =	vadd.f32 v12, v2;
	v11 =	vadd.f32 v3, v11;
	v2 =	vld [tilespmem:s30+$0xFFFFFFF0]  }
0x58: {  	v10 =	vmul.f32 v10, v9;
	v17 =	vperm.xlane v14, v26;
	v3 =	vadd.f32 v13, v4  }
0x59: {  	v4 =	vld [tilespmem:s30+$0x0];
	v18 =	vperm.xlane v15, v29;
	v13 =	vmul.f32 v6, v8;
	v6 =	vlaneseq.u32  }
0x5a: {  	s28 =	simm.s32 $0x1;
	s29 =	simm.s32 $0x5;
	s24 =	simm.s32 $0x4;
	v0 =	vimm.f32 $0.0e+00;
	v12 =	vadd.f32 v10, v11;
	vm1 =	veq.s32 v16, v6  }
0x5b: {  	s25 =	simm.s32 $0x3;
	s26 =	simm.s32 $0x2;
	v6 =	vld [tilespmem:s30+$0x10];
	s30 =	simm.s32 $0x320;
	v10 =	vadd.f32 v14, v17;
	v14 =	vperm.xlane v3, v28;
	v11 =	vadd.f32 v15, v18  }
.LBB2_2:
0x5c: {  	v15 =	vmul.f32 v1, v5;
	v16 =	vmul.f32 v2, v7;
	v17 =	vadd.f32 v13, v12  }
0x5d: {  	v1 =	vld [tilespmem:s30+$0xFFFFFFE0];
	s31 =	smov.u32 s29;
	p0 =	sne.s32 s29, $0xF;
	v12 =	vperm.xlane v10, v27;
	v18 =	vadd.f32 v3, v14;
	v0 =	vsel vm1, v11, v0  }
.Ltmp2:
0x5e: {  	v2 =	vld [tilespmem:s30+$0xFFFFFFF0];
	v14 =	vmov s28;
	v11 =	vadd.f32 v16, v15;
	v13 =	vmul.f32 v4, v9;
	(pc) =	sbr.rel @p0 .LBB2_2-.Ltmp2, $4  }
0x5f: {  	s29 =	sadd.s32 $0x1, s29;
	s28 =	smov.u32 s26;
	v15 =	vperm.xlane v17, v26;
	v3 =	vadd.f32 v10, v12;
	v16 =	vperm.xlane v18, v29  }
0x60: {  	s26 =	smov.u32 s25;
	s25 =	smov.u32 s24;
	s24 =	smov.u32 s31;
	v4 =	vld [tilespmem:s30+$0x0];
	v12 =	vadd.f32 v13, v11;
	v13 =	vmul.f32 v6, v8;
	v6 =	vlaneseq.u32  }
0x61: {  	vm1 =	veq.s32 v14, v6  }
0x62: {  	v10 =	vadd.f32 v17, v15;
	v14 =	vperm.xlane v3, v28;
	v11 =	vadd.f32 v18, v16;
	v6 =	vld [tilespmem:s30+$0x10];
	s30 =	sadd.s32 $0x80, s30  }
0x63: {  	v1 =	vmul.f32 v1, v5;
	v2 =	vmul.f32 v2, v7;
	_ =	sdelay $0x1  }
0x64: {  	v1 =	vadd.f32 v2, v1;
	v2 =	vmul.f32 v4, v9  }
0x65: {  	v3 =	vadd.f32 v3, v14;
	v4 =	vadd.f32 v13, v12  }
0x66: {  	s29 =	simm.s32 $0x8B0;
	v12 =	vperm.xlane v10, v27;
	v1 =	vadd.f32 v2, v1;
	v2 =	vmul.f32 v6, v8  }
0x67: {  	v14 =	vperm.xlane v3, v29;
	v6 =	vld [tilespmem:s29+$0xFFFFFFD0]  }
0x68: {  	v13 =	vperm.xlane v4, v26;
	v10 =	vadd.f32 v10, v12;
	v1 =	vadd.f32 v2, v1;
	v2 =	vld [tilespmem:s29+$0xFFFFFFE0]  }
0x69: {  	v22 =	vlaneseq.u32;
	v12 =	vmov s28  }
0x6a: {  	v16 =	vld [tilespmem:s29+$0xFFFFFFF0];
	s28 =	simm.s32 $0x930;
	v3 =	vadd.f32 v3, v14;
	v4 =	vadd.f32 v4, v13;
	v13 =	vperm.xlane v10, v28  }
0x6b: {  	v0 =	vsel vm1, v11, v0;
	vm1 =	veq.s32 v12, v22;
	v14 =	vld [tilespmem:s28+$0xFFFFFFE0];
	v15 =	vperm.xlane v1, v26  }
0x6c: {  	v12 =	vld [tilespmem:s29+$0x0];
	v0 =	vsel vm1, v3, v0;
	v11 =	vperm.xlane v4, v27;
	v10 =	vadd.f32 v10, v13  }
0x6d: {  	v3 =	vld [tilespmem:s28+$0xFFFFFFD0];
	v6 =	vmul.f32 v6, v5;
	v1 =	vadd.f32 v1, v15;
	v2 =	vmul.f32 v2, v7  }
0x6e: {  	v4 =	vadd.f32 v4, v11;
	v11 =	vperm.xlane v10, v29;
	v15 =	vmov s26  }
0x6f: {  	v13 =	vperm.xlane v1, v27;
	v2 =	vadd.f32 v2, v6;
	v6 =	vmul.f32 v16, v9  }
0x70: {  	s5 =	simm.s32 $0x9B0;
	v14 =	vmul.f32 v14, v7;
	v10 =	vadd.f32 v10, v11;
	v11 =	vld [tilespmem:s28+$0xFFFFFFF0];
	v16 =	vperm.xlane v4, v28  }
0x71: {  	v1 =	vadd.f32 v1, v13;
	v13 =	vld [tilespmem:s5+$0xFFFFFFD0];
	v2 =	vadd.f32 v6, v2;
	v6 =	vmul.f32 v12, v8  }
0x72: {  	vm1 =	veq.s32 v15, v22;
	v3 =	vmul.f32 v3, v5;
	v12 =	vld [tilespmem:s28+$0x0];
	v4 =	vadd.f32 v4, v16  }
0x73: {  	v0 =	vsel vm1, v10, v0;
	v10 =	vperm.xlane v1, v28;
	v2 =	vadd.f32 v6, v2;
	v6 =	vld [tilespmem:s5+$0xFFFFFFE0]  }
0x74: {  	v15 =	vmov s25;
	v3 =	vadd.f32 v14, v3;
	v16 =	vperm.xlane v4, v29  }
0x75: {  	v1 =	vadd.f32 v1, v10;
	v10 =	vmul.f32 v11, v9;
	v11 =	vld [tilespmem:s5+$0xFFFFFFF0];
	v14 =	vperm.xlane v2, v26  }
0x76: {  	vm1 =	veq.s32 v15, v22;
	v4 =	vadd.f32 v4, v16;
	v13 =	vmul.f32 v13, v5  }
0x77: {  	s26 =	simm.s32 $0xA30;
	v3 =	vadd.f32 v10, v3;
	v10 =	vmul.f32 v12, v8;
	v12 =	vld [tilespmem:s5+$0x0];
	v2 =	vadd.f32 v2, v14  }
0x78: {  	v15 =	vperm.xlane v1, v29;
	v0 =	vsel vm1, v4, v0;
	v4 =	vld [tilespmem:s26+$0xFFFFFFD0];
	v6 =	vmul.f32 v6, v7  }
0x79: {  	v14 =	vmov s24;
	v3 =	vadd.f32 v10, v3;
	v10 =	vld [tilespmem:s26+$0xFFFFFFE0];
	v16 =	vperm.xlane v2, v27  }
0x7a: {  	v1 =	vadd.f32 v1, v15;
	v11 =	vmul.f32 v11, v9;
	v6 =	vadd.f32 v6, v13  }
0x7b: {  	vm1 =	veq.s32 v14, v22;
	v14 =	vperm.xlane v3, v26;
	v15 =	vadd.f32 v2, v16  }
0x7c: {  	v13 =	vld [tilespmem:s26+$0xFFFFFFF0];
	v6 =	vadd.f32 v11, v6  }
0x7d: {  	v11 =	vmul.f32 v12, v8;
	v14 =	vadd.f32 v3, v14;
	v3 =	vperm.xlane v15, v28  }
0x7e: {  	s31 =	simm.s32 $0x0;
	s30 =	simm.s32 $0xAB0;
	v12 =	vld [tilespmem:s26+$0x0];
	v4 =	vmul.f32 v4, v5;
	v10 =	vmul.f32 v10, v7  }
0x7f: {  	v21 =	vlaneseq.u32;
	v18 =	vmov s31;
	v17 =	vadd.f32 v15, v3;
	v3 =	vld [tilespmem:s30+$0xFFFFFFD0]  }
0x80: {  	v16 =	vadd.f32 v11, v6;
	v6 =	vperm.xlane v14, v27;
	v11 =	vadd.f32 v10, v4;
	v4 =	vld [tilespmem:s30+$0xFFFFFFE0]  }
0x81: {  	v0 =	vsel vm1, v1, v0;
	vm1 =	veq.s32 v18, v22;
	v13 =	vmul.f32 v13, v9  }
0x82: {  	v10 =	vld [tilespmem:s30+$0xFFFFFFF0];
	v19 =	vperm.xlane v16, v26;
	v6 =	vadd.f32 v14, v6;
	v20 =	vperm.xlane v17, v29  }
0x83: {  	s29 =	simm.s32 $0x5;
	s25 =	simm.s32 $0x3;
	s28 =	simm.s32 $0x1;
	v1 =	vld [tilespmem:$0x2080];
	v2 =	vimm.f32 $0.0e+00;
	v14 =	vadd.f32 v13, v11;
	v15 =	vmul.f32 v12, v8  }
0x84: {  	s24 =	simm.s32 $0x4;
	s26 =	simm.s32 $0x2;
	v11 =	vld [tilespmem:s30+$0x0];
	s30 =	simm.s32 $0xB30;
	v12 =	vadd.f32 v16, v19;
	v16 =	vperm.xlane v6, v28;
	v13 =	vadd.f32 v17, v20  }
.LBB2_4:
0x85: {  	v17 =	vmul.f32 v3, v5;
	v3 =	vld [tilespmem:s30+$0xFFFFFFD0];
	v18 =	vmul.f32 v4, v7;
	v19 =	vadd.f32 v15, v14;
	s31 =	smov.u32 s29;
	p0 =	sne.s32 s29, $0xF  }
.Ltmp3:
0x86: {  	v4 =	vld [tilespmem:s30+$0xFFFFFFE0];
	v14 =	vperm.xlane v12, v27;
	v20 =	vadd.f32 v6, v16;
	v2 =	vsel vm1, v13, v2;
	(pc) =	sbr.rel @p0 .LBB2_4-.Ltmp3, $4  }
0x87: {  	s29 =	sadd.s32 $0x1, s29;
	v16 =	vmov s28;
	s28 =	smov.u32 s26;
	v13 =	vadd.f32 v18, v17;
	v15 =	vmul.f32 v10, v9  }
0x88: {  	s26 =	smov.u32 s25;
	s25 =	smov.u32 s24;
	s24 =	smov.u32 s31;
	v17 =	vperm.xlane v19, v26;
	v10 =	vld [tilespmem:s30+$0xFFFFFFF0];
	v6 =	vadd.f32 v12, v14;
	v18 =	vperm.xlane v20, v29  }
0x89: {  	vm1 =	veq.s32 v16, v21;
	v14 =	vadd.f32 v15, v13;
	v15 =	vmul.f32 v11, v8  }
0x8a: {  	v12 =	vadd.f32 v19, v17;
	v11 =	vld [tilespmem:s30+$0x0];
	s30 =	sadd.s32 $0x80, s30;
	v16 =	vperm.xlane v6, v28;
	v13 =	vadd.f32 v20, v18  }
0x8b: {  	v3 =	vmul.f32 v3, v5;
	v4 =	vmul.f32 v4, v7;
	_ =	sdelay $0x1  }
0x8c: {  	v3 =	vadd.f32 v4, v3;
	v4 =	vmul.f32 v10, v9  }
0x8d: {  	v6 =	vadd.f32 v6, v16;
	v10 =	vadd.f32 v15, v14  }
0x8e: {  	s29 =	simm.s32 $0x10B0;
	v14 =	vperm.xlane v12, v27;
	v3 =	vadd.f32 v4, v3;
	v4 =	vmul.f32 v11, v8  }
0x8f: {  	v16 =	vperm.xlane v6, v29;
	v11 =	vld [tilespmem:s29+$0xFFFFFFD0]  }
0x90: {  	v15 =	vperm.xlane v10, v26;
	v12 =	vadd.f32 v12, v14;
	v3 =	vadd.f32 v4, v3;
	v4 =	vld [tilespmem:s29+$0xFFFFFFE0]  }
0x91: {  	v24 =	vlaneseq.u32;
	v14 =	vmov s28  }
0x92: {  	v18 =	vld [tilespmem:s29+$0xFFFFFFF0];
	s28 =	simm.s32 $0x1130;
	v6 =	vadd.f32 v6, v16;
	v10 =	vadd.f32 v10, v15;
	v15 =	vperm.xlane v12, v28  }
0x93: {  	v2 =	vsel vm1, v13, v2;
	vm1 =	veq.s32 v14, v24;
	v16 =	vld [tilespmem:s28+$0xFFFFFFE0];
	v17 =	vperm.xlane v3, v26  }
0x94: {  	v14 =	vld [tilespmem:s29+$0x0];
	v2 =	vsel vm1, v6, v2;
	v13 =	vperm.xlane v10, v27;
	v12 =	vadd.f32 v12, v15  }
0x95: {  	v6 =	vld [tilespmem:s28+$0xFFFFFFD0];
	v11 =	vmul.f32 v11, v5;
	v3 =	vadd.f32 v3, v17;
	v4 =	vmul.f32 v4, v7  }
0x96: {  	v10 =	vadd.f32 v10, v13;
	v13 =	vperm.xlane v12, v29;
	v17 =	vmov s26  }
0x97: {  	v15 =	vperm.xlane v3, v27;
	v4 =	vadd.f32 v4, v11;
	v11 =	vmul.f32 v18, v9  }
0x98: {  	s5 =	simm.s32 $0x11B0;
	v16 =	vmul.f32 v16, v7;
	v12 =	vadd.f32 v12, v13;
	v13 =	vld [tilespmem:s28+$0xFFFFFFF0];
	v18 =	vperm.xlane v10, v28  }
0x99: {  	v3 =	vadd.f32 v3, v15;
	v15 =	vld [tilespmem:s5+$0xFFFFFFD0];
	v4 =	vadd.f32 v11, v4;
	v11 =	vmul.f32 v14, v8  }
0x9a: {  	vm1 =	veq.s32 v17, v24;
	v6 =	vmul.f32 v6, v5;
	v14 =	vld [tilespmem:s28+$0x0];
	v10 =	vadd.f32 v10, v18  }
0x9b: {  	v2 =	vsel vm1, v12, v2;
	v12 =	vperm.xlane v3, v28;
	v4 =	vadd.f32 v11, v4;
	v11 =	vld [tilespmem:s5+$0xFFFFFFE0]  }
0x9c: {  	v17 =	vmov s25;
	v6 =	vadd.f32 v16, v6;
	v18 =	vperm.xlane v10, v29  }
0x9d: {  	v3 =	vadd.f32 v3, v12;
	v12 =	vmul.f32 v13, v9;
	v13 =	vld [tilespmem:s5+$0xFFFFFFF0];
	v16 =	vperm.xlane v4, v26  }
0x9e: {  	vm1 =	veq.s32 v17, v24;
	v10 =	vadd.f32 v10, v18;
	v15 =	vmul.f32 v15, v5  }
0x9f: {  	s26 =	simm.s32 $0x1230;
	v6 =	vadd.f32 v12, v6;
	v12 =	vmul.f32 v14, v8;
	v14 =	vld [tilespmem:s5+$0x0];
	v4 =	vadd.f32 v4, v16  }
0xa0: {  	v17 =	vperm.xlane v3, v29;
	v2 =	vsel vm1, v10, v2;
	v10 =	vld [tilespmem:s26+$0xFFFFFFD0];
	v11 =	vmul.f32 v11, v7  }
0xa1: {  	v16 =	vmov s24;
	v6 =	vadd.f32 v12, v6;
	v12 =	vld [tilespmem:s26+$0xFFFFFFE0];
	v18 =	vperm.xlane v4, v27  }
0xa2: {  	v3 =	vadd.f32 v3, v17;
	v13 =	vmul.f32 v13, v9;
	v11 =	vadd.f32 v11, v15  }
0xa3: {  	vm1 =	veq.s32 v16, v24;
	v16 =	vperm.xlane v6, v26;
	v17 =	vadd.f32 v4, v18  }
0xa4: {  	v15 =	vld [tilespmem:s26+$0xFFFFFFF0];
	v11 =	vadd.f32 v13, v11  }
0xa5: {  	v13 =	vmul.f32 v14, v8;
	v16 =	vadd.f32 v6, v16;
	v6 =	vperm.xlane v17, v28  }
0xa6: {  	s31 =	simm.s32 $0x0;
	s30 =	simm.s32 $0x12B0;
	v14 =	vld [tilespmem:s26+$0x0];
	v10 =	vmul.f32 v10, v5;
	v12 =	vmul.f32 v12, v7  }
0xa7: {  	v23 =	vlaneseq.u32;
	v20 =	vmov s31;
	v19 =	vadd.f32 v17, v6;
	v6 =	vld [tilespmem:s30+$0xFFFFFFD0]  }
0xa8: {  	v18 =	vadd.f32 v13, v11;
	v11 =	vperm.xlane v16, v27;
	v13 =	vadd.f32 v12, v10;
	v10 =	vld [tilespmem:s30+$0xFFFFFFE0]  }
0xa9: {  	v2 =	vsel vm1, v3, v2;
	vm1 =	veq.s32 v20, v24;
	v15 =	vmul.f32 v15, v9  }
0xaa: {  	v12 =	vld [tilespmem:s30+$0xFFFFFFF0];
	v21 =	vperm.xlane v18, v26;
	v11 =	vadd.f32 v16, v11;
	v22 =	vperm.xlane v19, v29  }
0xab: {  	s29 =	simm.s32 $0x5;
	s25 =	simm.s32 $0x3;
	s28 =	simm.s32 $0x1;
	v3 =	vld [tilespmem:$0x2090];
	v4 =	vimm.f32 $0.0e+00;
	v16 =	vadd.f32 v15, v13;
	v17 =	vmul.f32 v14, v8  }
0xac: {  	s24 =	simm.s32 $0x4;
	s26 =	simm.s32 $0x2;
	v13 =	vld [tilespmem:s30+$0x0];
	s30 =	simm.s32 $0x1330;
	v14 =	vadd.f32 v18, v21;
	v18 =	vperm.xlane v11, v28;
	v15 =	vadd.f32 v19, v22  }
.LBB2_6:
0xad: {  	v19 =	vmul.f32 v6, v5;
	v6 =	vld [tilespmem:s30+$0xFFFFFFD0];
	v20 =	vmul.f32 v10, v7;
	v21 =	vadd.f32 v17, v16;
	s31 =	smov.u32 s29;
	p0 =	sne.s32 s29, $0xF  }
.Ltmp4:
0xae: {  	v10 =	vld [tilespmem:s30+$0xFFFFFFE0];
	v16 =	vperm.xlane v14, v27;
	v22 =	vadd.f32 v11, v18;
	v4 =	vsel vm1, v15, v4;
	(pc) =	sbr.rel @p0 .LBB2_6-.Ltmp4, $4  }
0xaf: {  	s29 =	sadd.s32 $0x1, s29;
	v18 =	vmov s28;
	s28 =	smov.u32 s26;
	v15 =	vadd.f32 v20, v19;
	v17 =	vmul.f32 v12, v9  }
0xb0: {  	s26 =	smov.u32 s25;
	s25 =	smov.u32 s24;
	s24 =	smov.u32 s31;
	v19 =	vperm.xlane v21, v26;
	v12 =	vld [tilespmem:s30+$0xFFFFFFF0];
	v11 =	vadd.f32 v14, v16;
	v20 =	vperm.xlane v22, v29  }
0xb1: {  	vm1 =	veq.s32 v18, v23;
	v16 =	vadd.f32 v17, v15;
	v17 =	vmul.f32 v13, v8  }
0xb2: {  	v14 =	vadd.f32 v21, v19;
	v13 =	vld [tilespmem:s30+$0x0];
	s30 =	sadd.s32 $0x80, s30;
	v18 =	vperm.xlane v11, v28;
	v15 =	vadd.f32 v22, v20  }
0xb3: {  	v6 =	vmul.f32 v6, v5;
	v10 =	vmul.f32 v10, v7;
	_ =	sdelay $0x1  }
0xb4: {  	v6 =	vadd.f32 v10, v6;
	v10 =	vmul.f32 v12, v9  }
0xb5: {  	v11 =	vadd.f32 v11, v18;
	v12 =	vadd.f32 v17, v16  }
0xb6: {  	s29 =	simm.s32 $0x18B0;
	v16 =	vperm.xlane v14, v27;
	v6 =	vadd.f32 v10, v6;
	v10 =	vmul.f32 v13, v8  }
0xb7: {  	v18 =	vperm.xlane v11, v29;
	v13 =	vld [tilespmem:s29+$0xFFFFFFD0]  }
0xb8: {  	v17 =	vperm.xlane v12, v26;
	v14 =	vadd.f32 v14, v16;
	v6 =	vadd.f32 v10, v6;
	v10 =	vld [tilespmem:s29+$0xFFFFFFE0]  }
0xb9: {  	v31 =	vlaneseq.u32;
	v16 =	vmov s28  }
0xba: {  	v20 =	vld [tilespmem:s29+$0xFFFFFFF0];
	s28 =	simm.s32 $0x1930;
	v11 =	vadd.f32 v11, v18;
	v12 =	vadd.f32 v12, v17;
	v17 =	vperm.xlane v14, v28  }
0xbb: {  	v4 =	vsel vm1, v15, v4;
	vm1 =	veq.s32 v16, v31;
	v18 =	vld [tilespmem:s28+$0xFFFFFFE0];
	v19 =	vperm.xlane v6, v26  }
0xbc: {  	v16 =	vld [tilespmem:s29+$0x0];
	v4 =	vsel vm1, v11, v4;
	v15 =	vperm.xlane v12, v27;
	v14 =	vadd.f32 v14, v17  }
0xbd: {  	v11 =	vld [tilespmem:s28+$0xFFFFFFD0];
	v13 =	vmul.f32 v13, v5;
	v6 =	vadd.f32 v6, v19;
	v10 =	vmul.f32 v10, v7  }
0xbe: {  	v12 =	vadd.f32 v12, v15;
	v15 =	vperm.xlane v14, v29;
	v19 =	vmov s26  }
0xbf: {  	v17 =	vperm.xlane v6, v27;
	v10 =	vadd.f32 v10, v13;
	v13 =	vmul.f32 v20, v9  }
0xc0: {  	s5 =	simm.s32 $0x19B0;
	v18 =	vmul.f32 v18, v7;
	v14 =	vadd.f32 v14, v15;
	v15 =	vld [tilespmem:s28+$0xFFFFFFF0];
	v20 =	vperm.xlane v12, v28  }
0xc1: {  	v6 =	vadd.f32 v6, v17;
	v17 =	vld [tilespmem:s5+$0xFFFFFFD0];
	v10 =	vadd.f32 v13, v10;
	v13 =	vmul.f32 v16, v8  }
0xc2: {  	vm1 =	veq.s32 v19, v31;
	v11 =	vmul.f32 v11, v5;
	v16 =	vld [tilespmem:s28+$0x0];
	v12 =	vadd.f32 v12, v20  }
0xc3: {  	v4 =	vsel vm1, v14, v4;
	v14 =	vperm.xlane v6, v28;
	v10 =	vadd.f32 v13, v10;
	v13 =	vld [tilespmem:s5+$0xFFFFFFE0]  }
0xc4: {  	v19 =	vmov s25;
	v11 =	vadd.f32 v18, v11;
	v20 =	vperm.xlane v12, v29  }
0xc5: {  	v6 =	vadd.f32 v6, v14;
	v14 =	vmul.f32 v15, v9;
	v15 =	vld [tilespmem:s5+$0xFFFFFFF0];
	v18 =	vperm.xlane v10, v26  }
0xc6: {  	vm1 =	veq.s32 v19, v31;
	v12 =	vadd.f32 v12, v20;
	v17 =	vmul.f32 v17, v5  }
0xc7: {  	s26 =	simm.s32 $0x1A30;
	v11 =	vadd.f32 v14, v11;
	v14 =	vmul.f32 v16, v8;
	v16 =	vld [tilespmem:s5+$0x0];
	v10 =	vadd.f32 v10, v18  }
0xc8: {  	v19 =	vperm.xlane v6, v29;
	v4 =	vsel vm1, v12, v4;
	v12 =	vld [tilespmem:s26+$0xFFFFFFD0];
	v13 =	vmul.f32 v13, v7  }
0xc9: {  	v18 =	vmov s24;
	v11 =	vadd.f32 v14, v11;
	v14 =	vld [tilespmem:s26+$0xFFFFFFE0];
	v20 =	vperm.xlane v10, v27  }
0xca: {  	v6 =	vadd.f32 v6, v19;
	v15 =	vmul.f32 v15, v9;
	v13 =	vadd.f32 v13, v17  }
0xcb: {  	vm1 =	veq.s32 v18, v31;
	v17 =	vld [tilespmem:s26+$0xFFFFFFF0];
	v18 =	vperm.xlane v11, v26;
	v19 =	vadd.f32 v10, v20  }
0xcc: {  	s31 =	simm.s32 $0x0;
	v30 =	vlaneseq.u32;
	v13 =	vadd.f32 v15, v13;
	v15 =	vmul.f32 v16, v8  }
0xcd: {  	s30 =	simm.s32 $0x1AB0;
	v23 =	vmov s31;
	v16 =	vld [tilespmem:s26+$0x0];
	v18 =	vadd.f32 v11, v18;
	v11 =	vperm.xlane v19, v28  }
0xce: {  	v12 =	vmul.f32 v12, v5;
	v14 =	vmul.f32 v14, v7;
	v21 =	vadd.f32 v15, v13;
	v13 =	vld [tilespmem:s30+$0xFFFFFFE0]  }
0xcf: {  	v4 =	vsel vm1, v6, v4;
	v15 =	vperm.xlane v18, v27;
	v22 =	vadd.f32 v19, v11;
	v11 =	vld [tilespmem:s30+$0xFFFFFFD0]  }
0xd0: {  	vm1 =	veq.s32 v23, v31;
	v19 =	vadd.f32 v14, v12;
	v17 =	vmul.f32 v17, v9  }
0xd1: {  	v14 =	vld [tilespmem:s30+$0xFFFFFFF0];
	v24 =	vperm.xlane v21, v26;
	v12 =	vadd.f32 v18, v15;
	v25 =	vperm.xlane v22, v29  }
0xd2: {  	s29 =	simm.s32 $0x5;
	s25 =	simm.s32 $0x4;
	s28 =	simm.s32 $0x1;
	v6 =	vld [tilespmem:$0x20A0];
	v10 =	vimm.f32 $0.0e+00;
	v19 =	vadd.f32 v17, v19;
	v20 =	vmul.f32 v16, v8  }
0xd3: {  	s24 =	simm.s32 $0x3;
	s26 =	simm.s32 $0x2;
	v15 =	vld [tilespmem:s30+$0x0];
	s30 =	simm.s32 $0x1B30;
	v16 =	vadd.f32 v21, v24;
	v18 =	vperm.xlane v12, v28;
	v17 =	vadd.f32 v22, v25  }
.LBB2_8:
0xd4: {  	v21 =	vmul.f32 v11, v5;
	v11 =	vld [tilespmem:s30+$0xFFFFFFD0];
	v22 =	vmul.f32 v13, v7;
	v23 =	vadd.f32 v20, v19;
	s31 =	smov.u32 s29;
	p0 =	sne.s32 s29, $0xF  }
.Ltmp5:
0xd5: {  	v13 =	vld [tilespmem:s30+$0xFFFFFFE0];
	v19 =	vperm.xlane v16, v27;
	v24 =	vadd.f32 v12, v18;
	v10 =	vsel vm1, v17, v10;
	(pc) =	sbr.rel @p0 .LBB2_8-.Ltmp5, $4  }
0xd6: {  	s29 =	sadd.s32 $0x1, s29;
	v17 =	vadd.f32 v22, v21;
	v18 =	vmul.f32 v14, v9;
	v21 =	vmov s28;
	s28 =	smov.u32 s26  }
0xd7: {  	v22 =	vperm.xlane v23, v26;
	s26 =	smov.u32 s24;
	s24 =	smov.u32 s25;
	s25 =	smov.u32 s31;
	v14 =	vld [tilespmem:s30+$0xFFFFFFF0];
	v12 =	vadd.f32 v16, v19;
	v25 =	vperm.xlane v24, v29  }
0xd8: {  	vm1 =	veq.s32 v21, v30;
	v19 =	vadd.f32 v18, v17;
	v20 =	vmul.f32 v15, v8  }
0xd9: {  	v16 =	vadd.f32 v23, v22;
	v15 =	vld [tilespmem:s30+$0x0];
	s30 =	sadd.s32 $0x80, s30;
	v18 =	vperm.xlane v12, v28;
	v17 =	vadd.f32 v24, v25  }
0xda: {  	v5 =	vmul.f32 v11, v5;
	v7 =	vmul.f32 v13, v7;
	_ =	sdelay $0x1  }
0xdb: {  	v5 =	vadd.f32 v7, v5;
	v48 =	vmul.f32 v14, v9;
	_ =	sdelay $0x1  }
0xdc: {  	v5 =	vadd.f32 v48, v5;
	v50 =	vmul.f32 v15, v8  }
0xdd: {  	v49 =	vadd.f32 v20, v19  }
0xde: {  	v5 =	vadd.f32 v50, v5  }
0xdf: {  	v51 =	vperm.xlane v49, v26  }
0xe0: {  	v53 =	vperm.xlane v5, v26  }
0xe1: {  	v8 =	vadd.f32 v49, v51  }
0xe2: {  	v52 =	vperm.xlane v16, v27;
	v5 =	vadd.f32 v5, v53  }
0xe3: {  	v60 =	vmov s28;
	v19 =	vadd.f32 v1, v0;
	v54 =	vperm.xlane v8, v27  }
0xe4: {  	v3 =	vadd.f32 v3, v2;
	v7 =	vadd.f32 v16, v52;
	v57 =	vperm.xlane v5, v27  }
0xe5: {  	v62 =	vlaneseq.u32;
	v4 =	vadd.f32 v6, v4;
	v8 =	vadd.f32 v8, v54  }
0xe6: {  	v55 =	vadd.f32 v12, v18;
	v56 =	vperm.xlane v7, v28;
	v5 =	vadd.f32 v5, v57  }
0xe7: {  	v10 =	vsel vm1, v17, v10;
	vm1 =	veq.s32 v60, v62;
	v59 =	vperm.xlane v8, v28  }
0xe8: {  	v12 =	vmov s26;
	v7 =	vadd.f32 v7, v56;
	v63 =	vperm.xlane v5, v28  }
0xe9: {  	v18 =	vmov s25;
	v58 =	vperm.xlane v55, v29;
	v8 =	vadd.f32 v8, v59  }
0xea: {  	v60 =	vimm.s32 $0xA;
	v61 =	vperm.xlane v7, v29;
	v5 =	vadd.f32 v5, v63  }
0xeb: {  	v44 =	vmul.f32 v19, v19;
	v9 =	vadd.f32 v55, v58;
	v13 =	vperm.xlane v8, v29  }
0xec: {  	v17 =	vld [tilespmem:$0x20B0];
	v15 =	vmov s24;
	v7 =	vadd.f32 v7, v61;
	v16 =	vperm.xlane v5, v29  }
0xed: {  	v9 =	vsel vm1, v9, v10;
	vm1 =	veq.s32 v12, v62;
	v8 =	vadd.f32 v8, v13  }
0xee: {  	v7 =	vsel vm1, v7, v9;
	vm1 =	veq.s32 v15, v62;
	v43 =	vadd.f32 v5, v16  }
0xef: {  	[tilespmem:$0x1FE80] =	vst v3;
	v3 =	vmul.f32 v3, v3;
	v42 =	vsel vm1, v8, v7;
	vm1 =	veq.s32 v18, v62  }
0xf0: {  	[tilespmem:$0x1FE90] =	vst v4;
	v47 =	vmul.f32 v4, v4;
	v40 =	vperm.xlane v19, v60;
	v0 =	vsel vm1, v43, v42  }
0xf1: {  	[tilespmem:$0x1FED0] =	vst v19;
	v52 =	vimm.s32 $0x3;
	v46 =	vadd.f32 v3, v44;
	v45 =	vadd.f32 v17, v0  }
0xf2: {  	v49 =	vimm.s32 $0x0;
	v51 =	vimm.s32 $0x2;
	v38 =	vperm.xlane v19, v52;
	[tilespmem:$0x1FFA0] =	vst v40  }
0xf3: {  	v35 =	vperm.xlane v19, v49;
	[tilespmem:$0xA180] =	vst v49;
	v0 =	vadd.f32 v47, v46;
	v48 =	vmul.f32 v45, v45  }
0xf4: {  	v37 =	vperm.xlane v19, v51;
	v58 =	vimm.s32 $0x8;
	[tilespmem:$0x1FF80] =	vst v38  }
0xf5: {  	v55 =	vimm.s32 $0x5;
	v25 =	vperm.xlane v19, v58;
	[tilespmem:$0x1FF50] =	vst v35;
	v0 =	vadd.f32 v48, v0  }
0xf6: {  	v50 =	vimm.s32 $0x1;
	v31 =	vperm.xlane v19, v55;
	[tilespmem:$0x1FF70] =	vst v37  }
0xf7: {  	v36 =	vperm.xlane v19, v50;
	v56 =	vimm.s32 $0x6;
	[tilespmem:$0x1FF00] =	vst v25;
	v1 =	vperm.xlane v0, v26  }
0xf8: {  	v32 =	vperm.xlane v19, v56;
	[tilespmem:$0x1FF20] =	vst v31  }
0xf9: {  	v54 =	vimm.s32 $0x4;
	[tilespmem:$0x1FF60] =	vst v36;
	v0 =	vadd.f32 v0, v1  }
0xfa: {  	v30 =	vperm.xlane v19, v54;
	v53 =	vimm.f32 $-3.399999950e+38;
	[tilespmem:$0x1FF30] =	vst v32  }
0xfb: {  	[tilespmem:$0xA100] =	vst v53;
	v59 =	vimm.s32 $0x9;
	v1 =	vperm.xlane v0, v27  }
0xfc: {  	[tilespmem:$0x1FF10] =	vst v30;
	v39 =	vperm.xlane v19, v59;
	v57 =	vimm.s32 $0x7  }
0xfd: {  	[tilespmem:s18], [sflag:$0x1] =	stream.strided.gather [hbm4b:s9+s16], $0x4000, s17, s16, $0x38;
	v33 =	vperm.xlane v19, v57;
	v62 =	vimm.s32 $0xC;
	v0 =	vadd.f32 v0, v1;
	[tilespmem:$0xA200] =	vst v63  }
0xfe: {  	[tilespmem:$0x1FF90] =	vst v39;
	v63 =	vimm.s32 $0xD;
	v23 =	vperm.xlane v19, v62  }
0xff: {  	v61 =	vimm.s32 $0xB;
	[tilespmem:$0x1FF40] =	vst v33;
	v24 =	vperm.xlane v19, v63;
	v1 =	vperm.xlane v0, v28  }
0x100: {  	[tilespmem:$0x1FEE0] =	vst v23;
	v42 =	vperm.xlane v19, v61  }
.Ltmp6:
0x101: {  	[tilespmem:$0x1FEF0] =	vst v24;
	v0 =	vadd.f32 v0, v1;
	(pc) =	sbr.rel .LBB2_10-.Ltmp6, $4  }
0x102: {  	[tilespmem:$0x1FFB0] =	vst v42  }
0x103: {  	[tilespmem:$0x1FEB0] =	vst v0;
	v0 =	vperm.xlane v0, v29  }
0x104: {  	[tilespmem:$0x1FEA0] =	vst v45  }
0x105: {  	s25 =	smov.u32 s12;
	s24 =	simm.s32 $0x0;
	[tilespmem:$0x1FEC0] =	vst v0  }
.LBB2_18:
0x106: {  	p0 =	sne.s32 s24, $0x10  }
.Ltmp7:
0x107: {  	_ = 	snop;
	(pc) =	sbr.rel @!p0 .LBB2_19-.Ltmp7, $2  }
0x108: {  	_ =	sdelay $0x2  }
0x109: {  	s25 =	sadd.s32 $0x100, s25  }
.LBB2_10:
0x10a: {  	s26 =	smov.u32 s24;
	s24 =	sadd.s32 $0x1, s24  }
0x10b: {  	s28 =	sand.u32 $0x1, s26;
	s29 =	sshll.u32 s24, $0x8  }
0x10c: {  	s29 =	sadd.s32 s7, s29;
	p0 =	seq.s32 s28, $0x1  }
0x10d: {  	p1 =	seq.s32 s26, $0xF;
	s30 =	sadd.s32 @!p0 s3, s29;
	s31 =	simm.s32 @!p0 $0x800  }
0x10e: {  	s4 =	simm.s32 @!p0 $0x7A1400;
	s5 =	simm.s32 @!p0 $0x6100;
	p1 =	por !p0, p1  }
0x10f: {  	[tilespmem:s5], [sflag:$0x2] =	stream.strided.gather @!p0 [hbm4b:s30+s31], $0x4000, s4, s31, $0x38;
	[tilespmem:$0xA200] =	vst v63  }
0x110: {  	s4 =	sadd.s32 @!p1 s3, s29  }
0x111: {  	s5 =	simm.s32 @!p1 $0x800;
	s26 =	simm.s32 @!p1 $0x7A1400;
	s29 =	simm.s32 @!p1 $0x2100  }
0x112: {  	[tilespmem:s29], [sflag:$0x1] =	stream.strided.gather @!p1 [hbm4b:s4+s5], $0x4000, s26, s5, $0x38;
	[tilespmem:$0xA200] =	vst v63  }
0x113: {  	p1 =	sne.s32 s28, $0x0  }
.Ltmp8:
0x114: {  	_ = 	snop;
	(pc) =	sbr.rel @p1 .LBB2_14-.Ltmp8, $1  }
0x115: {  	_ =	sdelay $0x3  }
0x116: {  	_ =	swait.ge [sflag:s19], $0x4000  }
0x117: {  	v5 =	vld [tilespmem:$0x1FED0]  }
0x118: {  	v63 =	vld [tilespmem:$0x1FE80];
	_ =	sdelay $0x2  }
0x119: {  	s28 =	simm.s32 $0x0;
	v56 =	vimm.s32 $0xE;
	v41 =	vimm.s32 $0xF  }
0x11a: {  	[sflag:s19] =	ssyncset.done $0x0;
	s4 =	sand.u32 $0x70, s28;
	s5 =	sand.u32 $0x400, s28;
	v34 =	vld [tilespmem:$0x1FEA0];
	v9 =	vperm.xlane v5, v56;
	v26 =	vperm.xlane v5, v41;
	v5 =	vimm.s32 $0x0  }
0x11b: {  	[sflag:s19] =	ssyncadd.s32 $0xFFFFC000;
	s26 =	sor.u32 s4, s5;
	v22 =	vperm.xlane v63, v5;
	v5 =	vimm.s32 $0x1  }
0x11c: {  	v0 =	vld [tilespmem:s26+$0x5B00];
	v27 =	vperm.xlane v63, v5;
	v5 =	vimm.s32 $0x2  }
0x11d: {  	v28 =	vperm.xlane v63, v5;
	v5 =	vimm.s32 $0x3  }
0x11e: {  	v1 =	vld [tilespmem:s26+$0x5B80];
	v51 =	vperm.xlane v63, v5;
	v5 =	vimm.s32 $0xC  }
0x11f: {  	v5 =	vperm.xlane v34, v5  }
0x120: {  	v14 =	vimm.s32 $0xD;
	v2 =	vld [tilespmem:s26+$0x5900]  }
0x121: {  	v17 =	vperm.xlane v34, v14;
	[tilespmem:$0x1F850] =	vst v5;
	v5 =	vmul.f32 v5, v0  }
0x122: {  	v3 =	vld [tilespmem:s26+$0x5980]  }
0x123: {  	[tilespmem:$0x1F860] =	vst v5;
	v5 =	vmul.f32 v17, v1;
	v1 =	vmul.f32 v1, v1  }
0x124: {  	v4 =	vld [tilespmem:s26+$0x5300]  }
0x125: {  	[tilespmem:$0x1F900] =	vst v1;
	v1 =	vmul.f32 v2, v2  }
0x126: {  	v6 =	vld [tilespmem:s26+$0x3100]  }
0x127: {  	[tilespmem:$0x1F910] =	vst v1;
	v1 =	vmul.f32 v3, v3  }
0x128: {  	v7 =	vld [tilespmem:s26+$0x3180]  }
0x129: {  	[tilespmem:$0x1F920] =	vst v1;
	v1 =	vmul.f32 v4, v4  }
0x12a: {  	v8 =	vld [tilespmem:s26+$0x3200]  }
0x12b: {  	v60 =	vimm.s32 $0x8;
	[tilespmem:$0x1F930] =	vst v1;
	v1 =	vmul.f32 v22, v6  }
0x12c: {  	v10 =	vld [tilespmem:s26+$0x2B00];
	v19 =	vperm.xlane v34, v60;
	[tilespmem:$0x1F870] =	vst v17  }
0x12d: {  	v54 =	vimm.s32 $0x4;
	[tilespmem:$0x1FD30] =	vst v1;
	v1 =	vmul.f32 v27, v7  }
0x12e: {  	v11 =	vld [tilespmem:s26+$0x2B80];
	v18 =	vperm.xlane v34, v54;
	[tilespmem:$0x1F890] =	vst v19  }
0x12f: {  	v12 =	vld [tilespmem:s26+$0x2C00];
	[tilespmem:$0x1FDC0] =	vst v1;
	v1 =	vmul.f32 v28, v8  }
0x130: {  	v16 =	vld [tilespmem:s26+$0x2980];
	[tilespmem:$0x1F8B0] =	vst v18  }
0x131: {  	v21 =	vld [tilespmem:s26+$0x2380];
	[tilespmem:$0x1FDF0] =	vst v1;
	v1 =	vmul.f32 v23, v10  }
0x132: {  	v61 =	vimm.s32 $0x9;
	v13 =	vld [tilespmem:s26+$0x2C80];
	v55 =	vperm.xlane v63, v54;
	[tilespmem:$0x1F880] =	vst v5;
	v5 =	vmul.f32 v19, v2  }
0x133: {  	v20 =	vperm.xlane v34, v61;
	[tilespmem:$0x1FAA0] =	vst v1;
	v1 =	vmul.f32 v24, v11  }
0x134: {  	v0 =	vmul.f32 v0, v0;
	[tilespmem:$0x1F8A0] =	vst v5;
	v5 =	vmul.f32 v18, v4;
	v18 =	vld [tilespmem:s26+$0x2A80]  }
0x135: {  	v14 =	vld [tilespmem:s26+$0x2900];
	v59 =	vmul.f32 v39, v16;
	[tilespmem:$0x1FB30] =	vst v1;
	v1 =	vmul.f32 v9, v12  }
0x136: {  	v31 =	vmul.f32 v31, v21;
	v21 =	vmul.f32 v21, v21;
	v17 =	vld [tilespmem:s26+$0x2A00];
	[tilespmem:$0x1F8F0] =	vst v0  }
0x137: {  	s31 =	sor.u32 s28, s28;
	v16 =	vmul.f32 v16, v16;
	v0 =	vld [tilespmem:s26+$0x2100];
	[tilespmem:$0x1FB80] =	vst v1;
	v1 =	vmul.f32 v26, v13  }
0x138: {  	s4 =	sor.u32 $0x380, s31;
	[tilespmem:$0x1F8D0] =	vst v20;
	v44 =	vmul.f32 v10, v10;
	v15 =	vmul.f32 v11, v11  }
0x139: {  	v58 =	vmul.f32 v12, v12;
	v23 =	vld [tilespmem:s4+$0x2100];
	[tilespmem:$0x1FBC0] =	vst v1;
	v1 =	vmul.f32 v42, v18  }
0x13a: {  	v47 =	vmul.f32 v25, v14;
	v14 =	vmul.f32 v14, v14;
	v19 =	vld [tilespmem:s26+$0x2180];
	[tilespmem:$0x1F8C0] =	vst v5  }
0x13b: {  	v5 =	vmul.f32 v20, v3;
	v20 =	vld [tilespmem:s26+$0x2300];
	[tilespmem:$0x1FA20] =	vst v1;
	v1 =	vmul.f32 v13, v13  }
0x13c: {  	[tilespmem:$0x1F940] =	vst v22;
	v62 =	vmul.f32 v40, v17;
	v46 =	vmul.f32 v35, v0  }
0x13d: {  	v0 =	vmul.f32 v0, v0;
	v22 =	vld [tilespmem:s26+$0x2400];
	[tilespmem:$0x1FAE0] =	vst v1;
	v1 =	vmul.f32 v6, v6  }
0x13e: {  	v2 =	vmul.f32 v33, v23;
	v53 =	vmul.f32 v23, v23;
	v23 =	vld [tilespmem:s26+$0x3280]  }
0x13f: {  	v3 =	vmul.f32 v17, v17;
	[tilespmem:$0x1FC20] =	vst v1;
	v1 =	vmul.f32 v7, v7  }
0x140: {  	[tilespmem:$0x1F980] =	vst v26;
	v49 =	vmul.f32 v36, v19;
	v30 =	vmul.f32 v30, v20  }
0x141: {  	v40 =	vimm.s32 $0x7;
	v20 =	vmul.f32 v20, v20;
	v24 =	vld [tilespmem:s26+$0x2200];
	[tilespmem:$0x1FC80] =	vst v1;
	v1 =	vmul.f32 v8, v8  }
0x142: {  	v19 =	vmul.f32 v19, v19;
	[tilespmem:$0x1F8E0] =	vst v5;
	v5 =	vimm.s32 $0x0;
	v25 =	vmul.f32 v18, v18;
	v10 =	vld [tilespmem:s26+$0x3380]  }
0x143: {  	v32 =	vmul.f32 v32, v22;
	v0 =	vadd.f32 v20, v0;
	v33 =	vld [tilespmem:s26+$0x3300];
	[tilespmem:$0x1FCD0] =	vst v1;
	v1 =	vmul.f32 v51, v23  }
0x144: {  	[tilespmem:$0x1F960] =	vst v28;
	v28 =	vimm.s32 $0x5;
	v22 =	vmul.f32 v22, v22;
	v20 =	vperm.xlane v63, v40;
	v26 =	vld [tilespmem:s26+$0x2280]  }
0x145: {  	v0 =	vadd.f32 v14, v0;
	v12 =	vadd.f32 v21, v19;
	[tilespmem:$0x1FE20] =	vst v1;
	v1 =	vmul.f32 v23, v23  }
0x146: {  	v50 =	vmul.f32 v37, v24;
	v24 =	vmul.f32 v24, v24;
	v42 =	vimm.s32 $0x6;
	v6 =	vld [tilespmem:s26+$0x3400]  }
0x147: {  	v14 =	vadd.f32 v16, v12;
	v18 =	vperm.xlane v63, v42;
	[tilespmem:$0x1FD80] =	vst v1;
	v1 =	vperm.xlane v63, v28  }
0x148: {  	[tilespmem:$0x1F9A0] =	vst v55;
	v21 =	vadd.f32 v22, v24;
	v4 =	vmul.f32 v55, v33;
	v13 =	vadd.f32 $0.0e+00, v46  }
0x149: {  	v55 =	vimm.s32 $0x3;
	v37 =	vmul.f32 v38, v26;
	[tilespmem:$0x1F9C0] =	vst v1;
	v1 =	vmul.f32 v1, v10  }
0x14a: {  	v11 =	vld [tilespmem:s26+$0x3480];
	v26 =	vmul.f32 v26, v26;
	v16 =	vadd.f32 v3, v21;
	[tilespmem:$0x1F9B0] =	vst v4;
	v4 =	vmul.f32 v33, v33  }
0x14b: {  	v46 =	vmul.f32 v6, v6;
	[tilespmem:$0x1F9D0] =	vst v1;
	v1 =	vmul.f32 v18, v6;
	v6 =	vadd.f32 $0.0e+00, v49  }
0x14c: {  	v3 =	vld [tilespmem:$0x1FA20];
	v30 =	vadd.f32 v30, v13;
	v22 =	vadd.f32 $0.0e+00, v37;
	v7 =	vmul.f32 v10, v10  }
0x14d: {  	[tilespmem:$0x1FE50] =	vst v4;
	v4 =	vimm.s32 $0xC;
	v13 =	vadd.f32 v31, v6;
	v6 =	vadd.f32 $0.0e+00, v50;
	v31 =	vld [tilespmem:$0x1FE90]  }
0x14e: {  	[tilespmem:$0x1F990] =	vst v51;
	v52 =	vperm.xlane v63, v4;
	v8 =	vimm.s32 $0xD;
	v51 =	vperm.xlane v63, v56  }
0x14f: {  	v23 =	vmul.f32 v11, v11;
	v24 =	vadd.f32 v32, v6;
	v6 =	vadd.f32 v2, v22  }
0x150: {  	v49 =	vperm.xlane v63, v41;
	[tilespmem:$0x1F9F0] =	vst v1;
	v1 =	vmul.f32 v20, v11;
	v11 =	vadd.f32 v53, v26  }
0x151: {  	v24 =	vadd.f32 v62, v24;
	v62 =	vadd.f32 v3, v6;
	v3 =	vperm.xlane v34, v28  }
0x152: {  	v26 =	vperm.xlane v31, v28;
	v28 =	vadd.f32 v44, v0;
	v0 =	vperm.xlane v34, v42  }
0x153: {  	v21 =	vadd.f32 v47, v30;
	v50 =	vperm.xlane v63, v8;
	[tilespmem:$0x1FA10] =	vst v1;
	v1 =	vperm.xlane v63, v60  }
0x154: {  	v30 =	vadd.f32 v59, v13;
	v13 =	vperm.xlane v34, v5;
	[tilespmem:$0x1FA50] =	vst v0;
	v0 =	vperm.xlane v34, v40  }
0x155: {  	v33 =	vimm.s32 $0xA;
	[tilespmem:$0x1FE30] =	vst v1;
	v1 =	vperm.xlane v63, v61;
	v6 =	vperm.xlane v34, v55  }
0x156: {  	v17 =	vimm.s32 $0x2;
	v48 =	vperm.xlane v31, v5;
	[tilespmem:$0x1FA60] =	vst v0;
	v0 =	vperm.xlane v34, v33  }
0x157: {  	[tilespmem:$0x1F950] =	vst v27;
	v35 =	vimm.s32 $0xB;
	v45 =	vperm.xlane v31, v17;
	v39 =	vperm.xlane v31, v55  }
0x158: {  	v27 =	vperm.xlane v31, v42;
	[tilespmem:$0x1FA70] =	vst v0;
	v0 =	vperm.xlane v34, v35  }
0x159: {  	v19 =	vperm.xlane v31, v40;
	v60 =	vperm.xlane v31, v60  }
0x15a: {  	v29 =	vld [tilespmem:s26+$0x5100];
	v61 =	vperm.xlane v31, v61;
	[tilespmem:$0x1FA80] =	vst v0;
	v0 =	vperm.xlane v34, v41  }
0x15b: {  	v37 =	vld [tilespmem:s26+$0x4B80];
	v10 =	vperm.xlane v31, v33;
	[tilespmem:$0x1FE40] =	vst v1;
	v1 =	vperm.xlane v63, v33  }
0x15c: {  	v22 =	vperm.xlane v31, v35;
	v47 =	vperm.xlane v31, v4;
	[tilespmem:$0x1FA90] =	vst v0;
	v0 =	vld [tilespmem:$0x1FAA0]  }
0x15d: {  	v25 =	vadd.f32 v25, v11;
	v11 =	vperm.xlane v31, v8;
	[tilespmem:$0x1FE60] =	vst v1;
	v1 =	vperm.xlane v63, v35  }
0x15e: {  	v2 =	vperm.xlane v31, v56;
	v59 =	vperm.xlane v31, v41;
	[tilespmem:$0x1FA30] =	vst v6  }
0x15f: {  	v6 =	vperm.xlane v34, v56;
	v63 =	vperm.xlane v31, v54;
	[tilespmem:$0x1FE70] =	vst v1;
	v1 =	vimm.s32 $0x1  }
0x160: {  	v12 =	vadd.f32 v15, v14;
	v14 =	vmovc v29;
	v43 =	vperm.xlane v31, v1;
	v31 =	vperm.xlane v34, v1  }
0x161: {  	v1 =	vperm.xlane v34, v17;
	v34 =	vmovc v37;
	v37 =	vadd.f32 v0, v21;
	v0 =	vmul.f32 v13, v14  }
0x162: {  	v38 =	vld [tilespmem:s26+$0x5180]  }
0x163: {  	[tilespmem:$0x1FAD0] =	vst v0;
	v0 =	vld [tilespmem:$0x1FAE0];
	_ =	sdelay $0x1  }
0x164: {  	v36 =	vld [tilespmem:s26+$0x4B00];
	_ =	sdelay $0x2  }
0x165: {  	v40 =	vadd.f32 v0, v25;
	v0 =	vmul.f32 v31, v38;
	_ =	sdelay $0x1  }
0x166: {  	[tilespmem:$0x1FB00] =	vst v0;
	v0 =	vmul.f32 v47, v36  }
0x167: {  	[tilespmem:$0x1FA00] =	vst v20;
	v20 =	vld [tilespmem:s26+$0x5200]  }
0x168: {  	[tilespmem:$0x1FB20] =	vst v0;
	v0 =	vld [tilespmem:$0x1FB30];
	_ =	sdelay $0x4  }
0x169: {  	v42 =	vadd.f32 v0, v30;
	v0 =	vmul.f32 v1, v20;
	_ =	sdelay $0x1  }
0x16a: {  	[tilespmem:$0x1FB50] =	vst v0;
	v0 =	vmul.f32 v11, v34  }
0x16b: {  	v53 =	vld [tilespmem:s26+$0x4C00]  }
0x16c: {  	[tilespmem:$0x1FB70] =	vst v0;
	v0 =	vld [tilespmem:$0x1FB80];
	_ =	sdelay $0x4  }
0x16d: {  	v44 =	vadd.f32 v0, v24;
	v0 =	vmul.f32 v2, v53  }
0x16e: {  	v32 =	vld [tilespmem:s26+$0x4900]  }
0x16f: {  	[tilespmem:$0x1FBA0] =	vst v0;
	v0 =	vld [tilespmem:$0x1FBC0];
	_ =	sdelay $0x1  }
0x170: {  	[tilespmem:$0x1F970] =	vst v9;
	v9 =	vld [tilespmem:s26+$0x4980];
	_ =	sdelay $0x1  }
0x171: {  	v30 =	vmov v32  }
0x172: {  	v35 =	vadd.f32 v0, v62;
	v0 =	vmul.f32 v60, v30;
	_ =	sdelay $0x1  }
0x173: {  	[tilespmem:$0x1FBE0] =	vst v0;
	v0 =	vmul.f32 v61, v9  }
0x174: {  	v57 =	vld [tilespmem:s26+$0x4A00]  }
0x175: {  	[tilespmem:$0x1FC10] =	vst v0;
	v0 =	vld [tilespmem:$0x1FC20];
	_ =	sdelay $0x2  }
0x176: {  	v4 =	vld [tilespmem:s26+$0x4A80];
	_ =	sdelay $0x1  }
0x177: {  	[tilespmem:$0x1FC00] =	vst v9;
	v9 =	vadd.f32 v0, v28;
	v28 =	vmov v57  }
0x178: {  	v0 =	vmul.f32 v10, v28;
	_ =	sdelay $0x1  }
0x179: {  	[tilespmem:$0x1FC40] =	vst v0;
	v0 =	vmul.f32 v22, v4  }
0x17a: {  	v8 =	vld [tilespmem:s26+$0x4300]  }
0x17b: {  	[tilespmem:$0x1FC70] =	vst v0;
	v0 =	vld [tilespmem:$0x1FC80];
	_ =	sdelay $0x1  }
0x17c: {  	v5 =	vld [tilespmem:s26+$0x4380];
	_ =	sdelay $0x2  }
0x17d: {  	[tilespmem:$0x1FBF0] =	vst v61;
	v61 =	vadd.f32 v0, v12;
	v0 =	vmul.f32 v63, v8;
	_ =	sdelay $0x1  }
0x17e: {  	[tilespmem:$0x1FCA0] =	vst v0;
	v0 =	vmul.f32 v26, v5  }
0x17f: {  	v17 =	vld [tilespmem:s26+$0x4400]  }
0x180: {  	[tilespmem:$0x1FCC0] =	vst v0;
	v0 =	vld [tilespmem:$0x1FCD0];
	_ =	sdelay $0x1  }
0x181: {  	[tilespmem:$0x1FA40] =	vst v3;
	v3 =	vld [tilespmem:s26+$0x4480]  }
0x182: {  	v16 =	vadd.f32 v58, v16;
	_ =	sdelay $0x1  }
0x183: {  	v62 =	vadd.f32 v0, v16;
	v0 =	vmul.f32 v27, v17;
	_ =	sdelay $0x1  }
0x184: {  	[tilespmem:$0x1FCF0] =	vst v0;
	v0 =	vmul.f32 v19, v3  }
0x185: {  	v55 =	vld [tilespmem:s26+$0x4100]  }
0x186: {  	[tilespmem:$0x1FD20] =	vst v0;
	v0 =	vld [tilespmem:$0x1FD30];
	_ =	sdelay $0x1  }
0x187: {  	v15 =	vld [tilespmem:s26+$0x4180];
	_ =	sdelay $0x2  }
0x188: {  	[tilespmem:$0x1FC90] =	vst v63;
	v63 =	vadd.f32 v0, v37;
	v0 =	vmul.f32 v48, v55;
	_ =	sdelay $0x1  }
0x189: {  	[tilespmem:$0x1FD50] =	vst v0;
	v0 =	vmul.f32 v43, v15  }
0x18a: {  	v56 =	vld [tilespmem:s26+$0x4200]  }
0x18b: {  	[tilespmem:$0x1FD70] =	vst v0;
	v0 =	vld [tilespmem:$0x1FD80];
	_ =	sdelay $0x4  }
0x18c: {  	[tilespmem:$0x1FC50] =	vst v22;
	v22 =	vadd.f32 v0, v40;
	v0 =	vmul.f32 v45, v56;
	_ =	sdelay $0x1  }
0x18d: {  	[tilespmem:$0x1FDA0] =	vst v0;
	v0 =	vld [tilespmem:$0x1FDC0];
	_ =	sdelay $0x4  }
0x18e: {  	[tilespmem:$0x1FD40] =	vst v48;
	v48 =	vadd.f32 v0, v42;
	v0 =	vld [tilespmem:$0x1FDF0];
	_ =	sdelay $0x3  }
0x18f: {  	[tilespmem:$0x1FB40] =	vst v1;
	v1 =	vld [tilespmem:s26+$0x3C80]  }
0x190: {  	[tilespmem:$0x1FAC0] =	vst v13;
	v13 =	vmov v8;
	v8 =	vadd.f32 v0, v44;
	v0 =	vld [tilespmem:$0x1FE20];
	_ =	sdelay $0x3  }
0x191: {  	[tilespmem:$0x1FE10] =	vst v49;
	v57 =	vld [tilespmem:s26+$0x3900]  }
0x192: {  	[tilespmem:$0x1FD10] =	vst v3;
	v3 =	vmul.f32 v49, v1;
	v49 =	vadd.f32 v0, v35;
	v0 =	vld [tilespmem:$0x1FE30];
	_ =	sdelay $0x3  }
0x193: {  	v58 =	vld [tilespmem:s26+$0x3980]  }
0x194: {  	[tilespmem:$0x1FB10] =	vst v47;
	v47 =	vmul.f32 v0, v57;
	v0 =	vld [tilespmem:$0x1FE40];
	_ =	sdelay $0x1  }
0x195: {  	[tilespmem:$0x1F9E0] =	vst v18  }
0x196: {  	[tilespmem:$0x1FDD0] =	vst v52  }
0x197: {  	[tilespmem:$0x1FE00] =	vst v51;
	v54 =	vld [tilespmem:s26+$0x4C80]  }
0x198: {  	[tilespmem:$0x1FAF0] =	vst v31;
	v31 =	vmov v5;
	v5 =	vmul.f32 v0, v58;
	v0 =	vld [tilespmem:$0x1FE50]  }
0x199: {  	v18 =	vld [tilespmem:s26+$0x5C00];
	[tilespmem:$0x1FDE0] =	vst v50  }
0x19a: {  	[tilespmem:$0x1FB60] =	vst v11  }
0x19b: {  	v29 =	vld [tilespmem:s26+$0x4280];
	[tilespmem:$0x1FB90] =	vst v2  }
0x19c: {  	[tilespmem:$0x1FBB0] =	vst v59;
	v41 =	vmul.f32 v59, v54;
	v59 =	vld [tilespmem:s26+$0x3A00]  }
0x19d: {  	[tilespmem:$0x1FBD0] =	vst v60;
	v16 =	vadd.f32 v0, v9;
	v0 =	vld [tilespmem:$0x1FE60]  }
0x19e: {  	[tilespmem:$0x1FAB0] =	vst v6;
	v33 =	vmul.f32 v6, v18;
	v6 =	vld [tilespmem:s26+$0x3B00]  }
0x19f: {  	[tilespmem:$0x1FC30] =	vst v10;
	v21 =	vmov v36;
	v36 =	vld [tilespmem:s26+$0x3B80]  }
0x1a0: {  	[tilespmem:$0x1FCB0] =	vst v26;
	v32 =	vld [tilespmem:s26+$0x3C00]  }
0x1a1: {  	[tilespmem:$0x1FCE0] =	vst v27;
	v60 =	vld [tilespmem:s26+$0x3A80]  }
0x1a2: {  	[tilespmem:$0x1FD00] =	vst v19;
	v37 =	vmov v15;
	v15 =	vmul.f32 v0, v59;
	v0 =	vld [tilespmem:$0x1FE70]  }
0x1a3: {  	[tilespmem:$0x1FD90] =	vst v45  }
0x1a4: {  	[tilespmem:$0x1FDB0] =	vst v39  }
0x1a5: {  	[tilespmem:$0x1FC60] =	vst v4;
	v40 =	vmul.f32 v39, v29  }
0x1a6: {  	[tilespmem:$0x1FD60] =	vst v43;
	v25 =	vld [tilespmem:$0xA100];
	v26 =	vmov v55;
	v45 =	vmul.f32 v52, v6;
	v42 =	vmul.f32 v50, v36  }
0x1a7: {  	s30 =	simm.s32 $0x10;
	s29 =	simm.s32 $0x0;
	v27 =	vmovc v6;
	v19 =	vld [tilespmem:$0xA180];
	v39 =	vmovc v29;
	v52 =	vmov v1;
	v44 =	vmul.f32 v51, v32;
	v9 =	vmul.f32 v0, v60  }
.LBB2_12:
0x1a8: {  	v0 =	vld [tilespmem:$0x1F9B0];
	_ =	sdelay $0x4  }
0x1a9: {  	v50 =	vadd.f32 v0, v63;
	v0 =	vld [tilespmem:$0x1F9D0];
	_ =	sdelay $0x4  }
0x1aa: {  	v48 =	vadd.f32 v0, v48;
	v0 =	vld [tilespmem:$0x1F9F0];
	_ =	sdelay $0x3  }
0x1ab: {  	v7 =	vadd.f32 v7, v61;
	v22 =	vadd.f32 v23, v22;
	v23 =	vmul.f32 v58, v58  }
0x1ac: {  	v46 =	vadd.f32 v46, v62;
	v51 =	vmul.f32 v59, v59;
	v8 =	vadd.f32 v0, v8;
	v0 =	vld [tilespmem:$0x1FA10]  }
0x1ad: {  	v7 =	vadd.f32 v23, v7  }
0x1ae: {  	v2 =	vld [tilespmem:$0x1FD50];
	v23 =	vadd.f32 v51, v46;
	v8 =	vadd.f32 v15, v8;
	v15 =	vmul.f32 v32, v32  }
0x1af: {  	v57 =	vmul.f32 v57, v57;
	v43 =	vadd.f32 v47, v50  }
0x1b0: {  	v55 =	vmul.f32 v60, v60;
	v15 =	vadd.f32 v15, v23;
	v23 =	vmul.f32 v26, v26  }
0x1b1: {  	v26 =	vadd.f32 v45, v43;
	v49 =	vadd.f32 v0, v49;
	v0 =	vmul.f32 v56, v56  }
0x1b2: {  	v29 =	vmul.f32 v27, v27;
	v16 =	vadd.f32 v57, v16;
	v22 =	vadd.f32 v55, v22  }
0x1b3: {  	v0 =	vadd.f32 v0, v15;
	v15 =	vadd.f32 v2, v26;
	v2 =	vld [tilespmem:$0x1FD70]  }
0x1b4: {  	v16 =	vadd.f32 v29, v16;
	v29 =	vmul.f32 v52, v52;
	v5 =	vadd.f32 v5, v48;
	_ =	sdelay $0x1  }
0x1b5: {  	v1 =	vmul.f32 v39, v39;
	v22 =	vadd.f32 v29, v22;
	v46 =	vadd.f32 v42, v5;
	_ =	sdelay $0x1  }
0x1b6: {  	v1 =	vadd.f32 v1, v22;
	v22 =	vadd.f32 v2, v46;
	v2 =	vld [tilespmem:$0x1FDA0];
	_ =	sdelay $0x2  }
0x1b7: {  	v8 =	vadd.f32 v44, v8;
	_ =	sdelay $0x1  }
0x1b8: {  	v8 =	vadd.f32 v2, v8;
	v2 =	vld [tilespmem:$0x1FD10];
	_ =	sdelay $0x4  }
0x1b9: {  	v10 =	vmul.f32 v13, v13;
	v13 =	vmul.f32 v2, v2;
	v2 =	vld [tilespmem:$0x1FCA0];
	_ =	sdelay $0x4  }
0x1ba: {  	v15 =	vadd.f32 v2, v15;
	v2 =	vld [tilespmem:$0x1FC00];
	_ =	sdelay $0x4  }
0x1bb: {  	v1 =	vadd.f32 v13, v1;
	v13 =	vmul.f32 v2, v2;
	v2 =	vld [tilespmem:$0x1FCC0];
	_ =	sdelay $0x4  }
0x1bc: {  	v22 =	vadd.f32 v2, v22;
	v2 =	vld [tilespmem:$0x1FCF0];
	_ =	sdelay $0x3  }
0x1bd: {  	v9 =	vadd.f32 v9, v49  }
0x1be: {  	v8 =	vadd.f32 v2, v8;
	v2 =	vld [tilespmem:$0x1FD20]  }
0x1bf: {  	v9 =	vadd.f32 v3, v9;
	_ =	sdelay $0x1  }
0x1c0: {  	v26 =	vadd.f32 v40, v9;
	_ =	sdelay $0x1  }
0x1c1: {  	v26 =	vadd.f32 v2, v26;
	v2 =	vld [tilespmem:$0x1FC60]  }
0x1c2: {  	v12 =	vmul.f32 v17, v17;
	v16 =	vadd.f32 v23, v16;
	_ =	sdelay $0x1  }
0x1c3: {  	v10 =	vadd.f32 v10, v16;
	v0 =	vadd.f32 v12, v0;
	v12 =	vmul.f32 v30, v30;
	_ =	sdelay $0x1  }
0x1c4: {  	v10 =	vadd.f32 v12, v10;
	v12 =	vmul.f32 v2, v2;
	v2 =	vld [tilespmem:$0x1FBE0];
	_ =	sdelay $0x3  }
0x1c5: {  	v35 =	vmul.f32 v36, v36  }
0x1c6: {  	v6 =	vmul.f32 v54, v54;
	v1 =	vadd.f32 v12, v1;
	v3 =	vadd.f32 v2, v15;
	v2 =	vld [tilespmem:$0x1FC10];
	_ =	sdelay $0x1  }
0x1c7: {  	v27 =	vmul.f32 v37, v37;
	v7 =	vadd.f32 v35, v7;
	v1 =	vadd.f32 v6, v1;
	v6 =	vld [tilespmem:$0x1FB70];
	_ =	sdelay $0x1  }
0x1c8: {  	v11 =	vmul.f32 v31, v31;
	v23 =	vadd.f32 v27, v7  }
0x1c9: {  	v4 =	vadd.f32 v2, v22;
	v2 =	vld [tilespmem:$0x1FC40]  }
0x1ca: {  	v11 =	vadd.f32 v11, v23  }
0x1cb: {  	v4 =	vadd.f32 v6, v4;
	v6 =	vld [tilespmem:$0x1FBA0]  }
0x1cc: {  	v11 =	vadd.f32 v13, v11;
	v13 =	vmul.f32 v21, v21;
	_ =	sdelay $0x1  }
0x1cd: {  	v10 =	vadd.f32 v13, v10;
	v13 =	vld [tilespmem:$0x1FB20];
	v8 =	vadd.f32 v2, v8;
	_ =	sdelay $0x1  }
0x1ce: {  	v8 =	vadd.f32 v6, v8;
	v6 =	vld [tilespmem:$0x1FAD0];
	_ =	sdelay $0x2  }
0x1cf: {  	v3 =	vadd.f32 v13, v3;
	_ =	sdelay $0x1  }
0x1d0: {  	v3 =	vadd.f32 v6, v3;
	v6 =	vld [tilespmem:$0x1FB00];
	_ =	sdelay $0x4  }
0x1d1: {  	v4 =	vadd.f32 v6, v4;
	v6 =	vld [tilespmem:$0x1FB50];
	_ =	sdelay $0x2  }
0x1d2: {  	v23 =	vmul.f32 v28, v28  }
0x1d3: {  	v12 =	vmul.f32 v34, v34  }
0x1d4: {  	v0 =	vadd.f32 v23, v0;
	v8 =	vadd.f32 v6, v8;
	v6 =	vld [tilespmem:$0x1F930]  }
0x1d5: {  	v11 =	vadd.f32 v12, v11;
	v12 =	vmul.f32 v14, v14;
	v15 =	vmul.f32 v53, v53;
	_ =	sdelay $0x1  }
0x1d6: {  	v10 =	vadd.f32 v12, v10;
	v0 =	vadd.f32 v15, v0;
	v15 =	vmul.f32 v20, v20;
	_ =	sdelay $0x1  }
0x1d7: {  	s28 =	sadd.s32 $0x80, s28;
	v0 =	vadd.f32 v15, v0;
	v15 =	vadd.f32 v6, v10;
	v6 =	vld [tilespmem:$0x1F910]  }
0x1d8: {  	s4 =	sand.u32 $0x70, s30;
	s5 =	sand.u32 $0x400, s28;
	v16 =	vld [tilespmem:s26+$0x5380]  }
0x1d9: {  	s31 =	sor.u32 s4, s5  }
0x1da: {  	v23 =	vld [tilespmem:s31+$0x5180]  }
0x1db: {  	v13 =	vmul.f32 v38, v38;
	v22 =	vld [tilespmem:s26+$0x5280]  }
0x1dc: {  	v15 =	vadd.f32 v6, v15;
	v6 =	vld [tilespmem:$0x1F920]  }
0x1dd: {  	v31 =	vld [tilespmem:s26+$0x5400];
	v11 =	vadd.f32 v13, v11;
	v13 =	vmul.f32 v16, v16;
	_ =	sdelay $0x1  }
0x1de: {  	v7 =	vld [tilespmem:s26+$0x5A00];
	v10 =	vadd.f32 v13, v11  }
0x1df: {  	v12 =	vmul.f32 v22, v22  }
0x1e0: {  	v40 =	vmov v23;
	v23 =	vadd.f32 v6, v10;
	v6 =	vld [tilespmem:$0x1FA30]  }
0x1e1: {  	v1 =	vadd.f32 v12, v1;
	v12 =	vmul.f32 v31, v31;
	_ =	sdelay $0x1  }
0x1e2: {  	v21 =	vmul.f32 v7, v7;
	v0 =	vadd.f32 v12, v0;
	_ =	sdelay $0x1  }
0x1e3: {  	v0 =	vadd.f32 v21, v0;
	v21 =	vmul.f32 v6, v22;
	v6 =	vld [tilespmem:$0x1F8F0];
	_ =	sdelay $0x4  }
0x1e4: {  	v15 =	vadd.f32 v6, v15;
	v6 =	vld [tilespmem:$0x1F900];
	_ =	sdelay $0x2  }
0x1e5: {  	v24 =	vmul.f32 v18, v18  }
0x1e6: {  	v30 =	vld [tilespmem:s26+$0x5480]  }
0x1e7: {  	v22 =	vadd.f32 v6, v23;
	v23 =	vadd.f32 v24, v0;
	v0 =	vld [tilespmem:$0x1F8C0]  }
0x1e8: {  	v9 =	vld [tilespmem:s26+$0x5A80];
	_ =	sdelay $0x1  }
0x1e9: {  	v5 =	vld [tilespmem:s26+$0x5C80]  }
0x1ea: {  	v14 =	vmul.f32 v30, v30  }
0x1eb: {  	v3 =	vadd.f32 v0, v3;
	v0 =	vld [tilespmem:$0x1FA50]  }
0x1ec: {  	v2 =	vld [tilespmem:$0x1FC70];
	v1 =	vadd.f32 v14, v1;
	v14 =	vmul.f32 v9, v9;
	_ =	sdelay $0x1  }
0x1ed: {  	v1 =	vadd.f32 v14, v1;
	v14 =	vmul.f32 v5, v5;
	_ =	sdelay $0x1  }
0x1ee: {  	v1 =	vadd.f32 v14, v1;
	v14 =	vmul.f32 v0, v31;
	v0 =	vld [tilespmem:$0x1FA60]  }
0x1ef: {  	v2 =	vadd.f32 v2, v26;
	_ =	sdelay $0x1  }
0x1f0: {  	v2 =	vadd.f32 v41, v2;
	_ =	sdelay $0x1  }
0x1f1: {  	v2 =	vadd.f32 v21, v2;
	v21 =	vmul.f32 v0, v30;
	v0 =	vld [tilespmem:$0x1FA70];
	_ =	sdelay $0x4  }
0x1f2: {  	v7 =	vmul.f32 v0, v7;
	v0 =	vld [tilespmem:$0x1FA80];
	_ =	sdelay $0x4  }
0x1f3: {  	v9 =	vmul.f32 v0, v9;
	v0 =	vld [tilespmem:$0x1F8A0]  }
0x1f4: {  	v6 =	vld [tilespmem:$0x1FA40];
	_ =	sdelay $0x3  }
0x1f5: {  	v3 =	vadd.f32 v0, v3;
	v0 =	vld [tilespmem:$0x1F8E0]  }
0x1f6: {  	v16 =	vmul.f32 v6, v16;
	_ =	sdelay $0x1  }
0x1f7: {  	v4 =	vadd.f32 v16, v4;
	_ =	sdelay $0x1  }
0x1f8: {  	v4 =	vadd.f32 v0, v4;
	v0 =	vld [tilespmem:$0x1FA90];
	_ =	sdelay $0x4  }
0x1f9: {  	v5 =	vmul.f32 v0, v5;
	v0 =	vld [tilespmem:$0x1F860];
	_ =	sdelay $0x4  }
0x1fa: {  	v3 =	vadd.f32 v0, v3;
	v0 =	vld [tilespmem:$0x1F880];
	_ =	sdelay $0x3  }
0x1fb: {  	v50 =	vld [tilespmem:s31+$0x5B00]  }
0x1fc: {  	v4 =	vadd.f32 v0, v4;
	v0 =	vld [tilespmem:$0x1F850];
	_ =	sdelay $0x4  }
0x1fd: {  	v0 =	vmul.f32 v0, v50  }
0x1fe: {  	v51 =	vld [tilespmem:s31+$0x5B80]  }
0x1ff: {  	[tilespmem:$0x1F860] =	vst v0;
	v0 =	vld [tilespmem:$0x1F870];
	_ =	sdelay $0x4  }
0x200: {  	v0 =	vmul.f32 v0, v51  }
0x201: {  	v29 =	vld [tilespmem:s31+$0x5C00]  }
0x202: {  	[tilespmem:$0x1F880] =	vst v0;
	v0 =	vld [tilespmem:$0x1FAB0];
	_ =	sdelay $0x3  }
0x203: {  	v13 =	vmov v29  }
0x204: {  	v0 =	vmul.f32 v0, v13  }
0x205: {  	v42 =	vld [tilespmem:s31+$0x5900]  }
0x206: {  	[tilespmem:$0x1F780] =	vst v0;
	v0 =	vld [tilespmem:$0x1F890];
	_ =	sdelay $0x4  }
0x207: {  	v0 =	vmul.f32 v0, v42  }
0x208: {  	v37 =	vld [tilespmem:s31+$0x5300]  }
0x209: {  	[tilespmem:$0x1F8A0] =	vst v0;
	v0 =	vld [tilespmem:$0x1F8B0];
	_ =	sdelay $0x4  }
0x20a: {  	v0 =	vmul.f32 v0, v37  }
0x20b: {  	v43 =	vld [tilespmem:s31+$0x5980]  }
0x20c: {  	[tilespmem:$0x1F8C0] =	vst v0;
	v0 =	vld [tilespmem:$0x1F8D0];
	_ =	sdelay $0x4  }
0x20d: {  	v0 =	vmul.f32 v0, v43  }
0x20e: {  	v27 =	vld [tilespmem:s31+$0x5100]  }
0x20f: {  	[tilespmem:$0x1F8E0] =	vst v0;
	v0 =	vld [tilespmem:$0x1FAC0];
	_ =	sdelay $0x3  }
0x210: {  	v26 =	vmov v27  }
0x211: {  	v0 =	vmul.f32 v0, v26;
	_ =	sdelay $0x1  }
0x212: {  	[tilespmem:$0x1FAD0] =	vst v0;
	v0 =	vld [tilespmem:$0x1FAF0];
	_ =	sdelay $0x4  }
0x213: {  	s26 =	smov.u32 s31;
	v0 =	vmul.f32 v0, v40  }
0x214: {  	v35 =	vld [tilespmem:s26+$0x4B00]  }
0x215: {  	[tilespmem:$0x1FB00] =	vst v0;
	v0 =	vld [tilespmem:$0x1FB10];
	_ =	sdelay $0x4  }
0x216: {  	v0 =	vmul.f32 v0, v35  }
0x217: {  	v28 =	vld [tilespmem:s26+$0x5200]  }
0x218: {  	[tilespmem:$0x1FB20] =	vst v0;
	v0 =	vld [tilespmem:$0x1FB40];
	_ =	sdelay $0x3  }
0x219: {  	v32 =	vmov v28  }
0x21a: {  	v0 =	vmul.f32 v0, v32  }
0x21b: {  	v34 =	vld [tilespmem:s26+$0x4B80]  }
0x21c: {  	[tilespmem:$0x1FB50] =	vst v0;
	v0 =	vld [tilespmem:$0x1FB60];
	_ =	sdelay $0x4  }
0x21d: {  	v0 =	vmul.f32 v0, v34  }
0x21e: {  	v38 =	vld [tilespmem:s26+$0x4C00]  }
0x21f: {  	[tilespmem:$0x1FB70] =	vst v0;
	v0 =	vld [tilespmem:$0x1FB90];
	_ =	sdelay $0x4  }
0x220: {  	v0 =	vmul.f32 v0, v38  }
0x221: {  	v27 =	vld [tilespmem:s26+$0x4C80]  }
0x222: {  	[tilespmem:$0x1FBA0] =	vst v0;
	v0 =	vld [tilespmem:$0x1FBB0];
	_ =	sdelay $0x4  }
0x223: {  	v0 =	vmul.f32 v0, v27;
	_ =	sdelay $0x1  }
0x224: {  	[tilespmem:$0x1F820] =	vst v0;
	v0 =	vmul.f32 v50, v50;
	_ =	sdelay $0x1  }
0x225: {  	[tilespmem:$0x1F8F0] =	vst v0;
	v0 =	vmul.f32 v51, v51  }
0x226: {  	v39 =	vld [tilespmem:s26+$0x4900]  }
0x227: {  	[tilespmem:$0x1F900] =	vst v0;
	v0 =	vld [tilespmem:$0x1FBD0];
	_ =	sdelay $0x4  }
0x228: {  	v0 =	vmul.f32 v0, v39  }
0x229: {  	v17 =	vld [tilespmem:s26+$0x4980]  }
0x22a: {  	[tilespmem:$0x1FBE0] =	vst v0;
	v0 =	vld [tilespmem:$0x1FBF0];
	_ =	sdelay $0x4  }
0x22b: {  	v0 =	vmul.f32 v0, v17  }
0x22c: {  	v28 =	vld [tilespmem:s26+$0x4A00]  }
0x22d: {  	[tilespmem:$0x1FC10] =	vst v0;
	v0 =	vld [tilespmem:$0x1FC30];
	_ =	sdelay $0x2  }
0x22e: {  	v15 =	vadd.f32 v22, v15;
	v22 =	vadd.f32 v1, v23;
	_ =	sdelay $0x1  }
0x22f: {  	v8 =	vadd.f32 v14, v8;
	v14 =	vadd.f32 v22, v15;
	v0 =	vmul.f32 v0, v28;
	_ =	sdelay $0x1  }
0x230: {  	s5 =	sadd.s32 s29, s25;
	v20 =	vld [tilespmem:s26+$0x4A80];
	v7 =	vadd.f32 v7, v8;
	v8 =	vmax.f32 v14, $1.000000020e-16;
	[tilespmem:$0x1FC40] =	vst v0;
	v0 =	vlaneseq.u32  }
0x231: {  	(erf) = vrcp.f32 v8;
	v8 =	vor.u32 s5, v0;
	v0 =	vld [tilespmem:$0x1FC50];
	_ =	sdelay $0x4  }
0x232: {  	v0 =	vmul.f32 v0, v20;
	_ =	sdelay $0x1  }
0x233: {  	[tilespmem:$0x1FC70] =	vst v0;
	v0 =	vmul.f32 v42, v42  }
0x234: {  	v11 =	vld [tilespmem:s26+$0x4300]  }
0x235: {  	[tilespmem:$0x1F910] =	vst v0;
	v0 =	vld [tilespmem:$0x1FC90];
	_ =	sdelay $0x4  }
0x236: {  	v0 =	vmul.f32 v0, v11;
	_ =	sdelay $0x1  }
0x237: {  	[tilespmem:$0x1FCA0] =	vst v0;
	v0 =	vmul.f32 v43, v43  }
0x238: {  	v44 =	vld [tilespmem:s26+$0x4380]  }
0x239: {  	[tilespmem:$0x1F920] =	vst v0;
	v0 =	vld [tilespmem:$0x1FCB0];
	_ =	sdelay $0x4  }
0x23a: {  	v0 =	vmul.f32 v0, v44  }
0x23b: {  	v12 =	vld [tilespmem:s26+$0x4400]  }
0x23c: {  	[tilespmem:$0x1FCC0] =	vst v0;
	v0 =	vld [tilespmem:$0x1FCE0];
	_ =	sdelay $0x4  }
0x23d: {  	v0 =	vmul.f32 v0, v12  }
0x23e: {  	v10 =	vld [tilespmem:s26+$0x4480]  }
0x23f: {  	[tilespmem:$0x1FCF0] =	vst v0;
	v0 =	vld [tilespmem:$0x1FD00];
	_ =	sdelay $0x4  }
0x240: {  	v0 =	vmul.f32 v0, v10;
	_ =	sdelay $0x1  }
0x241: {  	[tilespmem:$0x1FD20] =	vst v0;
	v0 =	vmul.f32 v37, v37  }
0x242: {  	v47 =	vld [tilespmem:s26+$0x4100]  }
0x243: {  	[tilespmem:$0x1F930] =	vst v0;
	v0 =	vld [tilespmem:$0x1FD40];
	_ =	sdelay $0x4  }
0x244: {  	v0 =	vmul.f32 v0, v47  }
0x245: {  	v53 =	vld [tilespmem:s26+$0x4180]  }
0x246: {  	[tilespmem:$0x1FD50] =	vst v0;
	v0 =	vld [tilespmem:$0x1FD60];
	_ =	sdelay $0x4  }
0x247: {  	v0 =	vmul.f32 v0, v53  }
0x248: {  	v56 =	vld [tilespmem:s26+$0x4200]  }
0x249: {  	[tilespmem:$0x1FD70] =	vst v0;
	v0 =	vld [tilespmem:$0x1FD90];
	_ =	sdelay $0x4  }
0x24a: {  	v0 =	vmul.f32 v0, v56  }
0x24b: {  	v23 =	vld [tilespmem:s26+$0x4280]  }
0x24c: {  	[tilespmem:$0x1FDA0] =	vst v0;
	v0 =	vld [tilespmem:$0x1FDB0];
	_ =	sdelay $0x3  }
0x24d: {  	v24 =	vld [tilespmem:s26+$0x3B00]  }
0x24e: {  	[tilespmem:$0x1F7D0] =	vst v32;
	v32 =	vmul.f32 v0, v23;
	v0 =	vld [tilespmem:$0x1FDD0];
	_ =	sdelay $0x3  }
0x24f: {  	v49 =	vld [tilespmem:s26+$0x3B80]  }
0x250: {  	v45 =	vmul.f32 v0, v24;
	v0 =	vld [tilespmem:$0x1FDE0];
	_ =	sdelay $0x3  }
0x251: {  	v36 =	vld [tilespmem:s26+$0x3C00];
	v2 =	vadd.f32 v21, v2  }
0x252: {  	v42 =	vmul.f32 v0, v49;
	v0 =	vld [tilespmem:$0x1FE00]  }
0x253: {  	v2 =	vadd.f32 v9, v2;
	_ =	sdelay $0x1  }
0x254: {  	v7 =	vadd.f32 v33, v7;
	v2 =	vadd.f32 v5, v2  }
0x255: {  	v1 =	vld [tilespmem:s26+$0x3C80]  }
0x256: {  	[tilespmem:$0x1F770] =	vst v44;
	v2 =	vadd.f32 v2, v7;
	v3 =	vadd.f32 v4, v3;
	v44 =	vmul.f32 v0, v36;
	v0 =	vld [tilespmem:$0x1FE10];
	_ =	sdelay $0x1  }
0x257: {  	v2 =	vadd.f32 v2, v3;
	_ =	sdelay $0x1  }
0x258: {  	v57 =	vld [tilespmem:s26+$0x3900];
	v3 =	vand.u32 $0x7FFFFFFF, v2  }
0x259: {  	v2 =	vmul.f32 v3, v2;
	v3 =	vmul.f32 v0, v1;
	v0 =	vld [tilespmem:$0x1FE30];
	_ =	sdelay $0x3  }
0x25a: {  	v58 =	vld [tilespmem:s26+$0x3980];
	v4 =	vpop (erf)  }
0x25b: {  	v5 =	vmul.f32 v2, v4;
	v2 =	vmov v47;
	v47 =	vmul.f32 v0, v57;
	v0 =	vld [tilespmem:$0x1FE40];
	_ =	sdelay $0x3  }
0x25c: {  	v59 =	vld [tilespmem:s26+$0x3A00];
	vm1 =	vgt.f32 v5, v25  }
0x25d: {  	v51 =	vsel vm1, v5, v25;
	v5 =	vmul.f32 v0, v58;
	v0 =	vld [tilespmem:$0x1FE60];
	_ =	sdelay $0x3  }
0x25e: {  	v60 =	vld [tilespmem:s26+$0x3A80]  }
0x25f: {  	v15 =	vmul.f32 v0, v59;
	v0 =	vld [tilespmem:$0x1FE70];
	_ =	sdelay $0x3  }
0x260: {  	v48 =	vld [tilespmem:s26+$0x3300]  }
0x261: {  	v9 =	vmul.f32 v0, v60;
	v0 =	vld [tilespmem:$0x1F9A0];
	_ =	sdelay $0x4  }
0x262: {  	v0 =	vmul.f32 v0, v48  }
0x263: {  	v55 =	vld [tilespmem:s26+$0x3380]  }
0x264: {  	[tilespmem:$0x1F9B0] =	vst v0;
	v0 =	vld [tilespmem:$0x1F9C0];
	_ =	sdelay $0x4  }
0x265: {  	v0 =	vmul.f32 v0, v55  }
0x266: {  	v29 =	vld [tilespmem:s26+$0x3400]  }
0x267: {  	[tilespmem:$0x1F9D0] =	vst v0;
	v0 =	vld [tilespmem:$0x1F9E0];
	_ =	sdelay $0x4  }
0x268: {  	v0 =	vmul.f32 v0, v29  }
0x269: {  	v30 =	vld [tilespmem:s26+$0x3480]  }
0x26a: {  	[tilespmem:$0x1F9F0] =	vst v0;
	v0 =	vld [tilespmem:$0x1FA00];
	_ =	sdelay $0x4  }
0x26b: {  	v0 =	vmul.f32 v0, v30  }
0x26c: {  	v62 =	vld [tilespmem:s26+$0x3100]  }
0x26d: {  	[tilespmem:$0x1FA10] =	vst v0;
	v0 =	vld [tilespmem:$0x1F940];
	_ =	sdelay $0x3  }
0x26e: {  	v63 =	vld [tilespmem:s26+$0x3180]  }
0x26f: {  	v52 =	vmul.f32 v0, v62;
	v0 =	vld [tilespmem:$0x1F950];
	_ =	sdelay $0x3  }
0x270: {  	v7 =	vld [tilespmem:s26+$0x3200]  }
0x271: {  	v46 =	vmul.f32 v0, v63;
	v0 =	vld [tilespmem:$0x1F960];
	_ =	sdelay $0x3  }
0x272: {  	v61 =	vld [tilespmem:s26+$0x3280]  }
0x273: {  	[tilespmem:$0x1F830] =	vst v29;
	v29 =	vmul.f32 v0, v7;
	v0 =	vld [tilespmem:$0x1F990];
	_ =	sdelay $0x3  }
0x274: {  	v16 =	vld [tilespmem:s26+$0x2B00]  }
0x275: {  	[tilespmem:$0x1F760] =	vst v35;
	v35 =	vmul.f32 v0, v61;
	v0 =	vld [tilespmem:$0x1FEE0];
	_ =	sdelay $0x3  }
0x276: {  	v22 =	vld [tilespmem:s26+$0x2B80]  }
0x277: {  	[tilespmem:$0x1F7C0] =	vst v28;
	v28 =	vmul.f32 v0, v16;
	v0 =	vld [tilespmem:$0x1FEF0];
	_ =	sdelay $0x3  }
0x278: {  	v54 =	vsel vm1, v8, v19;
	v8 =	vld [tilespmem:s26+$0x2C00]  }
0x279: {  	[tilespmem:$0x1FD10] =	vst v10;
	v10 =	vmul.f32 v0, v22;
	v0 =	vld [tilespmem:$0x1F970];
	_ =	sdelay $0x3  }
0x27a: {  	v18 =	vld [tilespmem:s26+$0x2C80]  }
0x27b: {  	[tilespmem:$0x1F7F0] =	vst v12;
	v12 =	vmul.f32 v0, v8;
	v0 =	vld [tilespmem:$0x1F980];
	_ =	sdelay $0x3  }
0x27c: {  	v6 =	vld [tilespmem:s26+$0x2900]  }
0x27d: {  	[tilespmem:$0x1F7A0] =	vst v13;
	v13 =	vmul.f32 v0, v18;
	v0 =	vld [tilespmem:$0x1FF00];
	_ =	sdelay $0x3  }
0x27e: {  	[tilespmem:$0x1FC60] =	vst v20;
	v20 =	vld [tilespmem:s26+$0x2980]  }
0x27f: {  	[tilespmem:$0x1F840] =	vst v30;
	v30 =	vmul.f32 v0, v6;
	v0 =	vld [tilespmem:$0x1FF90];
	_ =	sdelay $0x2  }
0x280: {  	v14 =	vld [tilespmem:s26+$0x2A00]  }
0x281: {  	v50 =	vld [tilespmem:$0x1FF60]  }
0x282: {  	v31 =	vmul.f32 v0, v20;
	v0 =	vld [tilespmem:$0x1FFA0]  }
0x283: {  	v25 =	vld [tilespmem:s26+$0x2180]  }
0x284: {  	v41 =	vld [tilespmem:s26+$0x2380]  }
0x285: {  	v21 =	vld [tilespmem:s26+$0x2A80]  }
0x286: {  	[tilespmem:$0x1F730] =	vst v40;
	v40 =	vld [tilespmem:$0x1FF50]  }
0x287: {  	v33 =	vmul.f32 v0, v14;
	v0 =	vld [tilespmem:$0x1FFB0]  }
0x288: {  	[tilespmem:$0x1F750] =	vst v39;
	v39 =	vmul.f32 v50, v25;
	v50 =	vld [tilespmem:$0x1FF70]  }
0x289: {  	[tilespmem:$0x1F7E0] =	vst v11;
	v11 =	vld [tilespmem:s26+$0x2200]  }
0x28a: {  	v43 =	vmov v24;
	v24 =	vld [tilespmem:s26+$0x2100]  }
0x28b: {  	s31 =	sor.u32 s28, s30;
	[tilespmem:$0x1F740] =	vst v38;
	v38 =	vld [tilespmem:s26+$0x2300]  }
0x28c: {  	s4 =	sor.u32 $0x380, s31;
	[tilespmem:$0x1F790] =	vst v34;
	v34 =	vmul.f32 v0, v21;
	v0 =	vld [tilespmem:$0x1FF10]  }
0x28d: {  	v4 =	vld [tilespmem:s4+$0x2100]  }
0x28e: {  	[tilespmem:$0x1FC00] =	vst v17;
	v17 =	vld [tilespmem:s26+$0x2280]  }
0x28f: {  	v37 =	vmul.f32 v40, v24;
	v40 =	vmul.f32 v50, v11;
	v50 =	vld [tilespmem:$0x1FF80]  }
0x290: {  	[tilespmem:$0x1F810] =	vst v1;
	v1 =	vld [tilespmem:$0x1FF40]  }
0x291: {  	[tilespmem:$0x1F800] =	vst v26;
	v26 =	vmul.f32 v0, v38;
	v0 =	vld [tilespmem:$0x1FF20];
	_ =	sdelay $0x2  }
0x292: {  	v50 =	vmul.f32 v50, v17  }
0x293: {  	v25 =	vmul.f32 v25, v25;
	v19 =	vld [tilespmem:s26+$0x2400]  }
0x294: {  	[tilespmem:$0x1F7B0] =	vst v27;
	v50 =	vadd.f32 $0.0e+00, v50;
	v1 =	vmul.f32 v1, v4;
	v27 =	vmul.f32 v0, v41;
	v0 =	vld [tilespmem:$0x1FF30]  }
0x295: {  	v17 =	vmul.f32 v17, v17;
	v4 =	vmul.f32 v4, v4  }
0x296: {  	v39 =	vadd.f32 $0.0e+00, v39;
	v24 =	vmul.f32 v24, v24;
	v1 =	vadd.f32 v1, v50  }
0x297: {  	v11 =	vmul.f32 v11, v11;
	v37 =	vadd.f32 $0.0e+00, v37;
	v4 =	vadd.f32 v4, v17  }
0x298: {  	v17 =	vmul.f32 v20, v20;
	v21 =	vmul.f32 v21, v21;
	v1 =	vadd.f32 v34, v1  }
0x299: {  	v40 =	vadd.f32 $0.0e+00, v40;
	v0 =	vmul.f32 v0, v19;
	v19 =	vmul.f32 v19, v19  }
0x29a: {  	v4 =	vadd.f32 v21, v4;
	v21 =	vld [tilespmem:$0x1F760];
	v1 =	vadd.f32 v13, v1;
	v38 =	vmul.f32 v38, v38  }
0x29b: {  	v14 =	vmul.f32 v14, v14;
	v34 =	vld [tilespmem:$0x1F790];
	v11 =	vadd.f32 v19, v11;
	v0 =	vadd.f32 v0, v40  }
0x29c: {  	v13 =	vld [tilespmem:$0x1F7E0];
	v24 =	vadd.f32 v38, v24;
	v41 =	vmul.f32 v41, v41;
	v20 =	vadd.f32 v27, v39  }
0x29d: {  	v8 =	vmul.f32 v8, v8;
	v38 =	vld [tilespmem:$0x1F730];
	v11 =	vadd.f32 v14, v11;
	v0 =	vadd.f32 v33, v0  }
0x29e: {  	v25 =	vadd.f32 v41, v25;
	v41 =	vld [tilespmem:$0x1F820];
	v20 =	vadd.f32 v31, v20  }
0x29f: {  	v7 =	vmul.f32 v7, v7;
	v31 =	vld [tilespmem:$0x1F770];
	v8 =	vadd.f32 v8, v11;
	v0 =	vadd.f32 v12, v0  }
0x2a0: {  	v6 =	vmul.f32 v6, v6;
	v10 =	vadd.f32 v10, v20;
	v20 =	vld [tilespmem:$0x1F7D0];
	v19 =	vadd.f32 v26, v37  }
0x2a1: {  	v11 =	vmul.f32 v62, v62;
	v62 =	vadd.f32 v7, v8;
	v8 =	vadd.f32 v29, v0;
	v0 =	vld [tilespmem:$0x1F830]  }
0x2a2: {  	v37 =	vmov v53;
	v53 =	vld [tilespmem:$0x1F740]  }
0x2a3: {  	v6 =	vadd.f32 v6, v24;
	v14 =	vmul.f32 v16, v16;
	v16 =	vadd.f32 v30, v19;
	v30 =	vld [tilespmem:$0x1F750]  }
0x2a4: {  	v17 =	vadd.f32 v17, v25;
	v33 =	vld [tilespmem:$0x1F780]  }
0x2a5: {  	v26 =	vmovc v2;
	v2 =	vmul.f32 v22, v22;
	v6 =	vadd.f32 v14, v6;
	v14 =	vmul.f32 v18, v18;
	v18 =	vld [tilespmem:$0x1F7A0]  }
0x2a6: {  	p1 =	sne.s32 s30, $0xF0;
	v12 =	vmul.f32 v48, v48;
	v48 =	vadd.f32 v46, v10;
	v46 =	vmul.f32 v0, v0;
	v0 =	vld [tilespmem:$0x1F840]  }
.Ltmp9:
0x2a7: {  	v39 =	vmovc v23;
	v27 =	vmov v43;
	v19 =	vmov v54;
	v54 =	vld [tilespmem:$0x1F7B0];
	v16 =	vadd.f32 v28, v16;
	(pc) =	sbr.rel @p1 .LBB2_12-.Ltmp9, $4  }
0x2a8: {  	v40 =	vmovc v32;
	v17 =	vadd.f32 v2, v17;
	v28 =	vld [tilespmem:$0x1F7C0];
	v4 =	vadd.f32 v14, v4;
	v14 =	vmul.f32 v63, v63  }
0x2a9: {  	v32 =	vmovc v36;
	v6 =	vadd.f32 v11, v6;
	v11 =	vmul.f32 v61, v61;
	v63 =	vadd.f32 v52, v16;
	v52 =	vld [tilespmem:$0x1F810]  }
0x2aa: {  	v36 =	vmovc v49;
	v49 =	vadd.f32 v35, v1;
	v7 =	vmul.f32 v55, v55;
	v61 =	vadd.f32 v14, v17;
	v17 =	vld [tilespmem:$0x1F7F0]  }
0x2ab: {  	s29 =	smov.u32 s30;
	s30 =	sadd.s32 $0x10, s30;
	v25 =	vmovc v51;
	v14 =	vld [tilespmem:$0x1F800];
	v22 =	vadd.f32 v11, v4;
	v16 =	vadd.f32 v12, v6;
	v23 =	vmul.f32 v0, v0  }
0x2ac: {  	v2 =	vld [tilespmem:$0x1F9B0]  }
0x2ad: {  	v4 =	vld [tilespmem:$0x1F9D0]  }
0x2ae: {  	v35 =	vld [tilespmem:$0x1F9F0]  }
0x2af: {  	v11 =	vld [tilespmem:$0x1FA10]  }
0x2b0: {  	v6 =	vmul.f32 v57, v57;
	v57 =	vld [tilespmem:$0x1FD50]  }
0x2b1: {  	v10 =	vmul.f32 v59, v59;
	v59 =	vld [tilespmem:$0x1FD70]  }
0x2b2: {  	v1 =	vadd.f32 v46, v62;
	v43 =	vmul.f32 v58, v58;
	v62 =	vld [tilespmem:$0x1FDA0]  }
0x2b3: {  	v12 =	vmul.f32 v60, v60;
	v60 =	vmul.f32 v13, v13;
	v13 =	vld [tilespmem:$0x1FCC0]  }
0x2b4: {  	v0 =	vadd.f32 v7, v61;
	v55 =	vmul.f32 v56, v56;
	v56 =	vmul.f32 v39, v39;
	v39 =	vld [tilespmem:$0x1FC10]  }
0x2b5: {  	v22 =	vadd.f32 v23, v22;
	v6 =	vadd.f32 v6, v16;
	v16 =	vld [tilespmem:$0x1FCF0]  }
0x2b6: {  	v0 =	vadd.f32 v43, v0;
	v1 =	vadd.f32 v10, v1;
	v43 =	vld [tilespmem:$0x1FC40]  }
0x2b7: {  	v12 =	vadd.f32 v12, v22;
	v2 =	vadd.f32 v2, v63;
	v63 =	vmul.f32 v17, v17;
	v17 =	vld [tilespmem:$0x1FC00]  }
0x2b8: {  	v46 =	vmul.f32 v27, v27;
	v7 =	vadd.f32 v35, v8;
	v11 =	vadd.f32 v11, v49;
	v35 =	vld [tilespmem:$0x1FD20]  }
0x2b9: {  	v4 =	vadd.f32 v4, v48;
	v49 =	vmul.f32 v52, v52;
	v52 =	vmul.f32 v37, v37;
	v37 =	vld [tilespmem:$0x1FBE0]  }
0x2ba: {  	v48 =	vmul.f32 v32, v32;
	v2 =	vadd.f32 v47, v2;
	v9 =	vadd.f32 v9, v11;
	v11 =	vld [tilespmem:$0x1FD10]  }
0x2bb: {  	v4 =	vadd.f32 v5, v4;
	v47 =	vmul.f32 v36, v36;
	v50 =	vadd.f32 v49, v12;
	v12 =	vld [tilespmem:$0x1FCA0]  }
0x2bc: {  	v7 =	vadd.f32 v15, v7;
	v5 =	vadd.f32 v46, v6;
	v36 =	vld [tilespmem:$0x1FC60]  }
0x2bd: {  	v1 =	vadd.f32 v48, v1;
	v46 =	vld [tilespmem:s26+$0x5280];
	v0 =	vadd.f32 v47, v0  }
0x2be: {  	v51 =	vmul.f32 v26, v26;
	v48 =	vld [tilespmem:$0x1FB20];
	v2 =	vadd.f32 v45, v2;
	v4 =	vadd.f32 v42, v4  }
0x2bf: {  	v61 =	vmul.f32 v31, v31;
	v49 =	vld [tilespmem:s26+$0x5380];
	v7 =	vadd.f32 v44, v7;
	v9 =	vadd.f32 v3, v9  }
0x2c0: {  	v32 =	vmul.f32 v28, v28;
	v5 =	vadd.f32 v51, v5;
	v1 =	vadd.f32 v55, v1;
	v45 =	vld [tilespmem:$0x1FC70]  }
0x2c1: {  	v15 =	vmul.f32 v30, v30;
	v58 =	vadd.f32 v56, v50;
	v50 =	vld [tilespmem:$0x1FB70];
	v0 =	vadd.f32 v52, v0  }
0x2c2: {  	v42 =	vmul.f32 v34, v34;
	v51 =	vld [tilespmem:s26+$0x5400];
	v2 =	vadd.f32 v57, v2;
	v4 =	vadd.f32 v59, v4  }
0x2c3: {  	v44 =	vmul.f32 v53, v53;
	v53 =	vld [tilespmem:$0x1FBA0];
	v7 =	vadd.f32 v62, v7;
	v9 =	vadd.f32 v40, v9  }
0x2c4: {  	v47 =	vmul.f32 v54, v54;
	v54 =	vld [tilespmem:s26+$0x5480];
	v5 =	vadd.f32 v60, v5;
	v1 =	vadd.f32 v63, v1  }
0x2c5: {  	v55 =	vmul.f32 v38, v38;
	v34 =	vld [tilespmem:$0x1FB50];
	v0 =	vadd.f32 v61, v0;
	v2 =	vadd.f32 v12, v2  }
0x2c6: {  	v38 =	vld [tilespmem:$0x1F910];
	v8 =	vmul.f32 v17, v17;
	v4 =	vadd.f32 v13, v4;
	v7 =	vadd.f32 v16, v7  }
0x2c7: {  	v57 =	vld [tilespmem:s26+$0x5A00];
	v6 =	vmul.f32 v11, v11;
	v9 =	vadd.f32 v35, v9;
	v5 =	vadd.f32 v15, v5  }
0x2c8: {  	v1 =	vadd.f32 v32, v1;
	v7 =	vadd.f32 v43, v7;
	v43 =	vld [tilespmem:$0x1FA30]  }
0x2c9: {  	v40 =	vmul.f32 v21, v21;
	v59 =	vld [tilespmem:s26+$0x5A80];
	v3 =	vadd.f32 v6, v58;
	v0 =	vadd.f32 v8, v0  }
0x2ca: {  	v60 =	vld [tilespmem:$0x1FAD0];
	v6 =	vmul.f32 v36, v36;
	v2 =	vadd.f32 v37, v2;
	v4 =	vadd.f32 v39, v4  }
0x2cb: {  	v52 =	vmul.f32 v14, v14;
	v63 =	vld [tilespmem:$0x1FB00];
	v9 =	vadd.f32 v45, v9;
	v5 =	vadd.f32 v40, v5  }
0x2cc: {  	v61 =	vld [tilespmem:s26+$0x5C80];
	v58 =	vmul.f32 v46, v46;
	v1 =	vadd.f32 v44, v1;
	v3 =	vadd.f32 v6, v3  }
0x2cd: {  	v0 =	vadd.f32 v42, v0;
	v2 =	vadd.f32 v48, v2;
	v11 =	vmul.f32 v43, v46;
	v46 =	vld [tilespmem:$0x1FA40]  }
0x2ce: {  	v56 =	vmul.f32 v20, v20;
	v35 =	vld [tilespmem:$0x1F930];
	v4 =	vadd.f32 v50, v4;
	v7 =	vadd.f32 v53, v7  }
0x2cf: {  	v62 =	vmul.f32 v49, v49;
	v40 =	vld [tilespmem:$0x1F920];
	v9 =	vadd.f32 v41, v9;
	v5 =	vadd.f32 v52, v5  }
0x2d0: {  	v32 =	vmul.f32 v51, v51;
	v44 =	vld [tilespmem:$0x1F8F0];
	v1 =	vadd.f32 v56, v1;
	v3 =	vadd.f32 v47, v3  }
0x2d1: {  	v36 =	vmul.f32 v54, v54;
	v45 =	vld [tilespmem:$0x1F900];
	v0 =	vadd.f32 v55, v0;
	v2 =	vadd.f32 v60, v2  }
0x2d2: {  	v4 =	vadd.f32 v63, v4;
	v7 =	vadd.f32 v34, v7;
	v8 =	vmul.f32 v46, v49;
	v49 =	vld [tilespmem:$0x1FA60]  }
0x2d3: {  	v37 =	vmul.f32 v57, v57;
	v48 =	vld [tilespmem:$0x1FA50];
	v5 =	vadd.f32 v35, v5;
	v3 =	vadd.f32 v58, v3  }
0x2d4: {  	v39 =	vmul.f32 v59, v59;
	v1 =	vadd.f32 v32, v1;
	v0 =	vadd.f32 v62, v0  }
0x2d5: {  	v41 =	vmul.f32 v18, v18;
	v52 =	vld [tilespmem:$0x1FA70];
	v5 =	vadd.f32 v38, v5;
	v3 =	vadd.f32 v36, v3  }
0x2d6: {  	v42 =	vmul.f32 v61, v61;
	v47 =	vld [tilespmem:$0x1F8C0];
	v1 =	vadd.f32 v37, v1;
	v0 =	vadd.f32 v40, v0  }
0x2d7: {  	v9 =	vadd.f32 v11, v9;
	v3 =	vadd.f32 v39, v3;
	v11 =	vmul.f32 v49, v54;
	v54 =	vld [tilespmem:$0x1FA80]  }
0x2d8: {  	v56 =	vld [tilespmem:$0x1F8E0];
	v6 =	vmul.f32 v48, v51;
	v5 =	vadd.f32 v44, v5;
	v0 =	vadd.f32 v45, v0  }
0x2d9: {  	v55 =	vld [tilespmem:$0x1F8A0];
	v1 =	vadd.f32 v41, v1;
	v3 =	vadd.f32 v42, v3  }
0x2da: {  	v51 =	vadd.f32 v6, v7;
	v0 =	vadd.f32 v0, v5;
	v5 =	vmul.f32 v52, v57;
	v57 =	vld [tilespmem:$0x1FA90]  }
0x2db: {  	v60 =	vld [tilespmem:$0x1F880];
	v2 =	vadd.f32 v47, v2;
	v1 =	vadd.f32 v3, v1  }
0x2dc: {  	v50 =	vadd.f32 v8, v4;
	v4 =	vadd.f32 v5, v51;
	v7 =	vmul.f32 v54, v59;
	v59 =	vld [tilespmem:$0x1F860]  }
0x2dd: {  	v0 =	vadd.f32 v1, v0;
	v53 =	vadd.f32 v11, v9  }
0x2de: {  	v26 =	vld [tilespmem:$0x1FFC0];
	v1 =	vadd.f32 v55, v2;
	v2 =	vadd.f32 v56, v50  }
0x2df: {  	v27 =	vld [tilespmem:$0x1FFD0];
	v3 =	vmul.f32 v57, v61;
	v0 =	vmax.f32 v0, $1.000000020e-16;
	v58 =	vadd.f32 v7, v53  }
0x2e0: {  	v29 =	vld [tilespmem:$0x1FFF0];
	v2 =	vadd.f32 v60, v2;
	v61 =	vadd.f32 v33, v4;
	(erf) = vrcp.f32 v0  }
0x2e1: {  	v31 =	vld [tilespmem:$0x1FF20];
	v3 =	vadd.f32 v3, v58;
	v1 =	vadd.f32 v59, v1  }
0x2e2: {  	v24 =	vld [tilespmem:$0x1FEF0]  }
0x2e3: {  	v23 =	vld [tilespmem:$0x1FEE0];
	v0 =	vadd.f32 v3, v61;
	v1 =	vadd.f32 v2, v1  }
0x2e4: {  	v28 =	vld [tilespmem:$0x1FFE0]  }
0x2e5: {  	v30 =	vld [tilespmem:$0x1FF10];
	v0 =	vadd.f32 v0, v1  }
0x2e6: {  	v35 =	vld [tilespmem:$0x1FF50]  }
0x2e7: {  	v32 =	vld [tilespmem:$0x1FF30];
	v1 =	vand.u32 $0x7FFFFFFF, v0  }
0x2e8: {  	v37 =	vld [tilespmem:$0x1FF70];
	v0 =	vmul.f32 v1, v0  }
0x2e9: {  	v38 =	vld [tilespmem:$0x1FF80];
	v62 =	vpop (erf)  }
0x2ea: {  	v36 =	vld [tilespmem:$0x1FF60];
	v0 =	vmul.f32 v0, v62  }
0x2eb: {  	v40 =	vld [tilespmem:$0x1FFA0]  }
0x2ec: {  	s4 =	sadd.s32 s29, s25;
	v63 =	vlaneseq.u32;
	v39 =	vld [tilespmem:$0x1FF90];
	vm1 =	vgt.f32 v0, v25  }
0x2ed: {  	v42 =	vld [tilespmem:$0x1FFB0];
	v1 =	vor.u32 s4, v63;
	v0 =	vsel vm1, v0, v25  }
0x2ee: {  	v33 =	vld [tilespmem:$0x1FF40];
	v1 =	vsel vm1, v1, v19;
	[tilespmem:$0xA100] =	vst v0  }
0x2ef: {  	v25 =	vld [tilespmem:$0x1FF00];
	[tilespmem:$0xA180] =	vst v1  }
.LBB2_14:
.Ltmp10:
0x2f0: {  	(pc) =	sbr.rel @!p0 .LBB2_18-.Ltmp10, $1  }
0x2f1: {  	_ =	sdelay $0x3  }
0x2f2: {  	_ =	swait.ge [sflag:s20], $0x4000  }
0x2f3: {  	v5 =	vld [tilespmem:$0x1FED0]  }
0x2f4: {  	v63 =	vld [tilespmem:$0x1FE80];
	_ =	sdelay $0x2  }
0x2f5: {  	s28 =	simm.s32 $0x0;
	v56 =	vimm.s32 $0xE;
	v41 =	vimm.s32 $0xF  }
0x2f6: {  	[sflag:s20] =	ssyncset.done $0x0;
	s4 =	sand.u32 $0x70, s28;
	s5 =	sand.u32 $0x400, s28;
	v34 =	vld [tilespmem:$0x1FEA0];
	v9 =	vperm.xlane v5, v56;
	v26 =	vperm.xlane v5, v41;
	v5 =	vimm.s32 $0x0  }
0x2f7: {  	[sflag:s20] =	ssyncadd.s32 $0xFFFFC000;
	s26 =	sor.u32 s4, s5;
	v22 =	vperm.xlane v63, v5;
	v5 =	vimm.s32 $0x1  }
0x2f8: {  	v0 =	vld [tilespmem:s26+$0x9B00];
	v27 =	vperm.xlane v63, v5;
	v5 =	vimm.s32 $0x2  }
0x2f9: {  	v28 =	vperm.xlane v63, v5;
	v5 =	vimm.s32 $0x3  }
0x2fa: {  	v1 =	vld [tilespmem:s26+$0x9B80];
	v51 =	vperm.xlane v63, v5;
	v5 =	vimm.s32 $0xC  }
0x2fb: {  	v5 =	vperm.xlane v34, v5  }
0x2fc: {  	v14 =	vimm.s32 $0xD;
	v2 =	vld [tilespmem:s26+$0x9900]  }
0x2fd: {  	v17 =	vperm.xlane v34, v14;
	[tilespmem:$0x1F100] =	vst v5;
	v5 =	vmul.f32 v5, v0  }
0x2fe: {  	v3 =	vld [tilespmem:s26+$0x9980]  }
0x2ff: {  	[tilespmem:$0x1F110] =	vst v5;
	v5 =	vmul.f32 v17, v1;
	v1 =	vmul.f32 v1, v1  }
0x300: {  	v4 =	vld [tilespmem:s26+$0x9300]  }
0x301: {  	[tilespmem:$0x1F1B0] =	vst v1;
	v1 =	vmul.f32 v2, v2  }
0x302: {  	v6 =	vld [tilespmem:s26+$0x7100]  }
0x303: {  	[tilespmem:$0x1F1C0] =	vst v1;
	v1 =	vmul.f32 v3, v3  }
0x304: {  	v7 =	vld [tilespmem:s26+$0x7180]  }
0x305: {  	[tilespmem:$0x1F1D0] =	vst v1;
	v1 =	vmul.f32 v4, v4  }
0x306: {  	v8 =	vld [tilespmem:s26+$0x7200]  }
0x307: {  	v60 =	vimm.s32 $0x8;
	[tilespmem:$0x1F1E0] =	vst v1;
	v1 =	vmul.f32 v22, v6  }
0x308: {  	v10 =	vld [tilespmem:s26+$0x6B00];
	v19 =	vperm.xlane v34, v60;
	[tilespmem:$0x1F120] =	vst v17  }
0x309: {  	v54 =	vimm.s32 $0x4;
	[tilespmem:$0x1F5E0] =	vst v1;
	v1 =	vmul.f32 v27, v7  }
0x30a: {  	v11 =	vld [tilespmem:s26+$0x6B80];
	v18 =	vperm.xlane v34, v54;
	[tilespmem:$0x1F140] =	vst v19  }
0x30b: {  	v12 =	vld [tilespmem:s26+$0x6C00];
	[tilespmem:$0x1F670] =	vst v1;
	v1 =	vmul.f32 v28, v8  }
0x30c: {  	v16 =	vld [tilespmem:s26+$0x6980];
	[tilespmem:$0x1F160] =	vst v18  }
0x30d: {  	v21 =	vld [tilespmem:s26+$0x6380];
	[tilespmem:$0x1F6A0] =	vst v1;
	v1 =	vmul.f32 v23, v10  }
0x30e: {  	v61 =	vimm.s32 $0x9;
	v13 =	vld [tilespmem:s26+$0x6C80];
	v55 =	vperm.xlane v63, v54;
	[tilespmem:$0x1F130] =	vst v5;
	v5 =	vmul.f32 v19, v2  }
0x30f: {  	v20 =	vperm.xlane v34, v61;
	[tilespmem:$0x1F350] =	vst v1;
	v1 =	vmul.f32 v24, v11  }
0x310: {  	v0 =	vmul.f32 v0, v0;
	[tilespmem:$0x1F150] =	vst v5;
	v5 =	vmul.f32 v18, v4;
	v18 =	vld [tilespmem:s26+$0x6A80]  }
0x311: {  	v14 =	vld [tilespmem:s26+$0x6900];
	v59 =	vmul.f32 v39, v16;
	[tilespmem:$0x1F3E0] =	vst v1;
	v1 =	vmul.f32 v9, v12  }
0x312: {  	v31 =	vmul.f32 v31, v21;
	v21 =	vmul.f32 v21, v21;
	v17 =	vld [tilespmem:s26+$0x6A00];
	[tilespmem:$0x1F1A0] =	vst v0  }
0x313: {  	s31 =	sor.u32 s28, s28;
	v16 =	vmul.f32 v16, v16;
	v0 =	vld [tilespmem:s26+$0x6100];
	[tilespmem:$0x1F430] =	vst v1;
	v1 =	vmul.f32 v26, v13  }
0x314: {  	s4 =	sor.u32 $0x380, s31;
	[tilespmem:$0x1F180] =	vst v20;
	v44 =	vmul.f32 v10, v10;
	v15 =	vmul.f32 v11, v11  }
0x315: {  	v58 =	vmul.f32 v12, v12;
	v23 =	vld [tilespmem:s4+$0x6100];
	[tilespmem:$0x1F470] =	vst v1;
	v1 =	vmul.f32 v42, v18  }
0x316: {  	v47 =	vmul.f32 v25, v14;
	v14 =	vmul.f32 v14, v14;
	v19 =	vld [tilespmem:s26+$0x6180];
	[tilespmem:$0x1F170] =	vst v5  }
0x317: {  	v5 =	vmul.f32 v20, v3;
	v20 =	vld [tilespmem:s26+$0x6300];
	[tilespmem:$0x1F2D0] =	vst v1;
	v1 =	vmul.f32 v13, v13  }
0x318: {  	[tilespmem:$0x1F1F0] =	vst v22;
	v62 =	vmul.f32 v40, v17;
	v46 =	vmul.f32 v35, v0  }
0x319: {  	v0 =	vmul.f32 v0, v0;
	v22 =	vld [tilespmem:s26+$0x6400];
	[tilespmem:$0x1F390] =	vst v1;
	v1 =	vmul.f32 v6, v6  }
0x31a: {  	v2 =	vmul.f32 v33, v23;
	v53 =	vmul.f32 v23, v23;
	v23 =	vld [tilespmem:s26+$0x7280]  }
0x31b: {  	v3 =	vmul.f32 v17, v17;
	[tilespmem:$0x1F4D0] =	vst v1;
	v1 =	vmul.f32 v7, v7  }
0x31c: {  	[tilespmem:$0x1F230] =	vst v26;
	v49 =	vmul.f32 v36, v19;
	v30 =	vmul.f32 v30, v20  }
0x31d: {  	v40 =	vimm.s32 $0x7;
	v20 =	vmul.f32 v20, v20;
	v24 =	vld [tilespmem:s26+$0x6200];
	[tilespmem:$0x1F530] =	vst v1;
	v1 =	vmul.f32 v8, v8  }
0x31e: {  	v19 =	vmul.f32 v19, v19;
	[tilespmem:$0x1F190] =	vst v5;
	v5 =	vimm.s32 $0x0;
	v25 =	vmul.f32 v18, v18;
	v10 =	vld [tilespmem:s26+$0x7380]  }
0x31f: {  	v32 =	vmul.f32 v32, v22;
	v0 =	vadd.f32 v20, v0;
	v33 =	vld [tilespmem:s26+$0x7300];
	[tilespmem:$0x1F580] =	vst v1;
	v1 =	vmul.f32 v51, v23  }
0x320: {  	[tilespmem:$0x1F210] =	vst v28;
	v28 =	vimm.s32 $0x5;
	v22 =	vmul.f32 v22, v22;
	v20 =	vperm.xlane v63, v40;
	v26 =	vld [tilespmem:s26+$0x6280]  }
0x321: {  	v0 =	vadd.f32 v14, v0;
	v12 =	vadd.f32 v21, v19;
	[tilespmem:$0x1F6D0] =	vst v1;
	v1 =	vmul.f32 v23, v23  }
0x322: {  	v50 =	vmul.f32 v37, v24;
	v24 =	vmul.f32 v24, v24;
	v42 =	vimm.s32 $0x6;
	v6 =	vld [tilespmem:s26+$0x7400]  }
0x323: {  	v14 =	vadd.f32 v16, v12;
	v18 =	vperm.xlane v63, v42;
	[tilespmem:$0x1F630] =	vst v1;
	v1 =	vperm.xlane v63, v28  }
0x324: {  	[tilespmem:$0x1F250] =	vst v55;
	v21 =	vadd.f32 v22, v24;
	v4 =	vmul.f32 v55, v33;
	v13 =	vadd.f32 $0.0e+00, v46  }
0x325: {  	v55 =	vimm.s32 $0x3;
	v37 =	vmul.f32 v38, v26;
	[tilespmem:$0x1F270] =	vst v1;
	v1 =	vmul.f32 v1, v10  }
0x326: {  	v11 =	vld [tilespmem:s26+$0x7480];
	v26 =	vmul.f32 v26, v26;
	v16 =	vadd.f32 v3, v21;
	[tilespmem:$0x1F260] =	vst v4;
	v4 =	vmul.f32 v33, v33  }
0x327: {  	v46 =	vmul.f32 v6, v6;
	[tilespmem:$0x1F280] =	vst v1;
	v1 =	vmul.f32 v18, v6;
	v6 =	vadd.f32 $0.0e+00, v49  }
0x328: {  	v3 =	vld [tilespmem:$0x1F2D0];
	v30 =	vadd.f32 v30, v13;
	v22 =	vadd.f32 $0.0e+00, v37;
	v7 =	vmul.f32 v10, v10  }
0x329: {  	[tilespmem:$0x1F700] =	vst v4;
	v4 =	vimm.s32 $0xC;
	v13 =	vadd.f32 v31, v6;
	v6 =	vadd.f32 $0.0e+00, v50;
	v31 =	vld [tilespmem:$0x1FE90]  }
0x32a: {  	[tilespmem:$0x1F240] =	vst v51;
	v52 =	vperm.xlane v63, v4;
	v8 =	vimm.s32 $0xD;
	v51 =	vperm.xlane v63, v56  }
0x32b: {  	v23 =	vmul.f32 v11, v11;
	v24 =	vadd.f32 v32, v6;
	v6 =	vadd.f32 v2, v22  }
0x32c: {  	v49 =	vperm.xlane v63, v41;
	[tilespmem:$0x1F2A0] =	vst v1;
	v1 =	vmul.f32 v20, v11;
	v11 =	vadd.f32 v53, v26  }
0x32d: {  	v24 =	vadd.f32 v62, v24;
	v62 =	vadd.f32 v3, v6;
	v3 =	vperm.xlane v34, v28  }
0x32e: {  	v26 =	vperm.xlane v31, v28;
	v28 =	vadd.f32 v44, v0;
	v0 =	vperm.xlane v34, v42  }
0x32f: {  	v21 =	vadd.f32 v47, v30;
	v50 =	vperm.xlane v63, v8;
	[tilespmem:$0x1F2C0] =	vst v1;
	v1 =	vperm.xlane v63, v60  }
0x330: {  	v30 =	vadd.f32 v59, v13;
	v13 =	vperm.xlane v34, v5;
	[tilespmem:$0x1F300] =	vst v0;
	v0 =	vperm.xlane v34, v40  }
0x331: {  	v33 =	vimm.s32 $0xA;
	[tilespmem:$0x1F6E0] =	vst v1;
	v1 =	vperm.xlane v63, v61;
	v6 =	vperm.xlane v34, v55  }
0x332: {  	v17 =	vimm.s32 $0x2;
	v48 =	vperm.xlane v31, v5;
	[tilespmem:$0x1F310] =	vst v0;
	v0 =	vperm.xlane v34, v33  }
0x333: {  	[tilespmem:$0x1F200] =	vst v27;
	v35 =	vimm.s32 $0xB;
	v45 =	vperm.xlane v31, v17;
	v39 =	vperm.xlane v31, v55  }
0x334: {  	v27 =	vperm.xlane v31, v42;
	[tilespmem:$0x1F320] =	vst v0;
	v0 =	vperm.xlane v34, v35  }
0x335: {  	v19 =	vperm.xlane v31, v40;
	v60 =	vperm.xlane v31, v60  }
0x336: {  	v29 =	vld [tilespmem:s26+$0x9100];
	v61 =	vperm.xlane v31, v61;
	[tilespmem:$0x1F330] =	vst v0;
	v0 =	vperm.xlane v34, v41  }
0x337: {  	v37 =	vld [tilespmem:s26+$0x8B80];
	v10 =	vperm.xlane v31, v33;
	[tilespmem:$0x1F6F0] =	vst v1;
	v1 =	vperm.xlane v63, v33  }
0x338: {  	v22 =	vperm.xlane v31, v35;
	v47 =	vperm.xlane v31, v4;
	[tilespmem:$0x1F340] =	vst v0;
	v0 =	vld [tilespmem:$0x1F350]  }
0x339: {  	v25 =	vadd.f32 v25, v11;
	v11 =	vperm.xlane v31, v8;
	[tilespmem:$0x1F710] =	vst v1;
	v1 =	vperm.xlane v63, v35  }
0x33a: {  	v2 =	vperm.xlane v31, v56;
	v59 =	vperm.xlane v31, v41;
	[tilespmem:$0x1F2E0] =	vst v6  }
0x33b: {  	v6 =	vperm.xlane v34, v56;
	v63 =	vperm.xlane v31, v54;
	[tilespmem:$0x1F720] =	vst v1;
	v1 =	vimm.s32 $0x1  }
0x33c: {  	v12 =	vadd.f32 v15, v14;
	v14 =	vmovc v29;
	v43 =	vperm.xlane v31, v1;
	v31 =	vperm.xlane v34, v1  }
0x33d: {  	v1 =	vperm.xlane v34, v17;
	v34 =	vmovc v37;
	v37 =	vadd.f32 v0, v21;
	v0 =	vmul.f32 v13, v14  }
0x33e: {  	v38 =	vld [tilespmem:s26+$0x9180]  }
0x33f: {  	[tilespmem:$0x1F380] =	vst v0;
	v0 =	vld [tilespmem:$0x1F390];
	_ =	sdelay $0x1  }
0x340: {  	v36 =	vld [tilespmem:s26+$0x8B00];
	_ =	sdelay $0x2  }
0x341: {  	v40 =	vadd.f32 v0, v25;
	v0 =	vmul.f32 v31, v38;
	_ =	sdelay $0x1  }
0x342: {  	[tilespmem:$0x1F3B0] =	vst v0;
	v0 =	vmul.f32 v47, v36  }
0x343: {  	[tilespmem:$0x1F2B0] =	vst v20;
	v20 =	vld [tilespmem:s26+$0x9200]  }
0x344: {  	[tilespmem:$0x1F3D0] =	vst v0;
	v0 =	vld [tilespmem:$0x1F3E0];
	_ =	sdelay $0x4  }
0x345: {  	v42 =	vadd.f32 v0, v30;
	v0 =	vmul.f32 v1, v20;
	_ =	sdelay $0x1  }
0x346: {  	[tilespmem:$0x1F400] =	vst v0;
	v0 =	vmul.f32 v11, v34  }
0x347: {  	v53 =	vld [tilespmem:s26+$0x8C00]  }
0x348: {  	[tilespmem:$0x1F420] =	vst v0;
	v0 =	vld [tilespmem:$0x1F430];
	_ =	sdelay $0x4  }
0x349: {  	v44 =	vadd.f32 v0, v24;
	v0 =	vmul.f32 v2, v53  }
0x34a: {  	v32 =	vld [tilespmem:s26+$0x8900]  }
0x34b: {  	[tilespmem:$0x1F450] =	vst v0;
	v0 =	vld [tilespmem:$0x1F470];
	_ =	sdelay $0x1  }
0x34c: {  	[tilespmem:$0x1F220] =	vst v9;
	v9 =	vld [tilespmem:s26+$0x8980];
	_ =	sdelay $0x1  }
0x34d: {  	v30 =	vmov v32  }
0x34e: {  	v35 =	vadd.f32 v0, v62;
	v0 =	vmul.f32 v60, v30;
	_ =	sdelay $0x1  }
0x34f: {  	[tilespmem:$0x1F490] =	vst v0;
	v0 =	vmul.f32 v61, v9  }
0x350: {  	v57 =	vld [tilespmem:s26+$0x8A00]  }
0x351: {  	[tilespmem:$0x1F4C0] =	vst v0;
	v0 =	vld [tilespmem:$0x1F4D0];
	_ =	sdelay $0x2  }
0x352: {  	v4 =	vld [tilespmem:s26+$0x8A80];
	_ =	sdelay $0x1  }
0x353: {  	[tilespmem:$0x1F4B0] =	vst v9;
	v9 =	vadd.f32 v0, v28;
	v28 =	vmov v57  }
0x354: {  	v0 =	vmul.f32 v10, v28;
	_ =	sdelay $0x1  }
0x355: {  	[tilespmem:$0x1F4F0] =	vst v0;
	v0 =	vmul.f32 v22, v4  }
0x356: {  	v8 =	vld [tilespmem:s26+$0x8300]  }
0x357: {  	[tilespmem:$0x1F520] =	vst v0;
	v0 =	vld [tilespmem:$0x1F530];
	_ =	sdelay $0x1  }
0x358: {  	v5 =	vld [tilespmem:s26+$0x8380];
	_ =	sdelay $0x2  }
0x359: {  	[tilespmem:$0x1F4A0] =	vst v61;
	v61 =	vadd.f32 v0, v12;
	v0 =	vmul.f32 v63, v8;
	_ =	sdelay $0x1  }
0x35a: {  	[tilespmem:$0x1F550] =	vst v0;
	v0 =	vmul.f32 v26, v5  }
0x35b: {  	v17 =	vld [tilespmem:s26+$0x8400]  }
0x35c: {  	[tilespmem:$0x1F570] =	vst v0;
	v0 =	vld [tilespmem:$0x1F580];
	_ =	sdelay $0x1  }
0x35d: {  	[tilespmem:$0x1F2F0] =	vst v3;
	v3 =	vld [tilespmem:s26+$0x8480]  }
0x35e: {  	v16 =	vadd.f32 v58, v16;
	_ =	sdelay $0x1  }
0x35f: {  	v62 =	vadd.f32 v0, v16;
	v0 =	vmul.f32 v27, v17;
	_ =	sdelay $0x1  }
0x360: {  	[tilespmem:$0x1F5A0] =	vst v0;
	v0 =	vmul.f32 v19, v3  }
0x361: {  	v55 =	vld [tilespmem:s26+$0x8100]  }
0x362: {  	[tilespmem:$0x1F5D0] =	vst v0;
	v0 =	vld [tilespmem:$0x1F5E0];
	_ =	sdelay $0x1  }
0x363: {  	v15 =	vld [tilespmem:s26+$0x8180];
	_ =	sdelay $0x2  }
0x364: {  	[tilespmem:$0x1F540] =	vst v63;
	v63 =	vadd.f32 v0, v37;
	v0 =	vmul.f32 v48, v55;
	_ =	sdelay $0x1  }
0x365: {  	[tilespmem:$0x1F600] =	vst v0;
	v0 =	vmul.f32 v43, v15  }
0x366: {  	v56 =	vld [tilespmem:s26+$0x8200]  }
0x367: {  	[tilespmem:$0x1F620] =	vst v0;
	v0 =	vld [tilespmem:$0x1F630];
	_ =	sdelay $0x4  }
0x368: {  	[tilespmem:$0x1F500] =	vst v22;
	v22 =	vadd.f32 v0, v40;
	v0 =	vmul.f32 v45, v56;
	_ =	sdelay $0x1  }
0x369: {  	[tilespmem:$0x1F650] =	vst v0;
	v0 =	vld [tilespmem:$0x1F670];
	_ =	sdelay $0x4  }
0x36a: {  	[tilespmem:$0x1F5F0] =	vst v48;
	v48 =	vadd.f32 v0, v42;
	v0 =	vld [tilespmem:$0x1F6A0];
	_ =	sdelay $0x3  }
0x36b: {  	[tilespmem:$0x1F3F0] =	vst v1;
	v1 =	vld [tilespmem:s26+$0x7C80]  }
0x36c: {  	[tilespmem:$0x1F370] =	vst v13;
	v13 =	vmov v8;
	v8 =	vadd.f32 v0, v44;
	v0 =	vld [tilespmem:$0x1F6D0];
	_ =	sdelay $0x3  }
0x36d: {  	[tilespmem:$0x1F6C0] =	vst v49;
	v57 =	vld [tilespmem:s26+$0x7900]  }
0x36e: {  	[tilespmem:$0x1F5C0] =	vst v3;
	v3 =	vmul.f32 v49, v1;
	v49 =	vadd.f32 v0, v35;
	v0 =	vld [tilespmem:$0x1F6E0];
	_ =	sdelay $0x3  }
0x36f: {  	v58 =	vld [tilespmem:s26+$0x7980]  }
0x370: {  	[tilespmem:$0x1F3C0] =	vst v47;
	v47 =	vmul.f32 v0, v57;
	v0 =	vld [tilespmem:$0x1F6F0];
	_ =	sdelay $0x1  }
0x371: {  	[tilespmem:$0x1F290] =	vst v18  }
0x372: {  	[tilespmem:$0x1F680] =	vst v52  }
0x373: {  	[tilespmem:$0x1F6B0] =	vst v51;
	v54 =	vld [tilespmem:s26+$0x8C80]  }
0x374: {  	[tilespmem:$0x1F3A0] =	vst v31;
	v31 =	vmov v5;
	v5 =	vmul.f32 v0, v58;
	v0 =	vld [tilespmem:$0x1F700]  }
0x375: {  	v18 =	vld [tilespmem:s26+$0x9C00];
	[tilespmem:$0x1F690] =	vst v50  }
0x376: {  	[tilespmem:$0x1F410] =	vst v11  }
0x377: {  	v29 =	vld [tilespmem:s26+$0x8280];
	[tilespmem:$0x1F440] =	vst v2  }
0x378: {  	[tilespmem:$0x1F460] =	vst v59;
	v41 =	vmul.f32 v59, v54;
	v59 =	vld [tilespmem:s26+$0x7A00]  }
0x379: {  	[tilespmem:$0x1F480] =	vst v60;
	v16 =	vadd.f32 v0, v9;
	v0 =	vld [tilespmem:$0x1F710]  }
0x37a: {  	[tilespmem:$0x1F360] =	vst v6;
	v33 =	vmul.f32 v6, v18;
	v6 =	vld [tilespmem:s26+$0x7B00]  }
0x37b: {  	[tilespmem:$0x1F4E0] =	vst v10;
	v21 =	vmov v36;
	v36 =	vld [tilespmem:s26+$0x7B80]  }
0x37c: {  	[tilespmem:$0x1F560] =	vst v26;
	v32 =	vld [tilespmem:s26+$0x7C00]  }
0x37d: {  	[tilespmem:$0x1F590] =	vst v27;
	v60 =	vld [tilespmem:s26+$0x7A80]  }
0x37e: {  	[tilespmem:$0x1F5B0] =	vst v19;
	v37 =	vmov v15;
	v15 =	vmul.f32 v0, v59;
	v0 =	vld [tilespmem:$0x1F720]  }
0x37f: {  	[tilespmem:$0x1F640] =	vst v45  }
0x380: {  	[tilespmem:$0x1F660] =	vst v39  }
0x381: {  	[tilespmem:$0x1F510] =	vst v4;
	v40 =	vmul.f32 v39, v29  }
0x382: {  	[tilespmem:$0x1F610] =	vst v43;
	v25 =	vld [tilespmem:$0xA100];
	v26 =	vmov v55;
	v45 =	vmul.f32 v52, v6;
	v42 =	vmul.f32 v50, v36  }
0x383: {  	s30 =	simm.s32 $0x10;
	s29 =	simm.s32 $0x0;
	v27 =	vmovc v6;
	v19 =	vld [tilespmem:$0xA180];
	v39 =	vmovc v29;
	v52 =	vmov v1;
	v44 =	vmul.f32 v51, v32;
	v9 =	vmul.f32 v0, v60  }
.LBB2_16:
0x384: {  	v0 =	vld [tilespmem:$0x1F260];
	_ =	sdelay $0x4  }
0x385: {  	v50 =	vadd.f32 v0, v63;
	v0 =	vld [tilespmem:$0x1F280];
	_ =	sdelay $0x4  }
0x386: {  	v48 =	vadd.f32 v0, v48;
	v0 =	vld [tilespmem:$0x1F2A0];
	_ =	sdelay $0x3  }
0x387: {  	v7 =	vadd.f32 v7, v61;
	v22 =	vadd.f32 v23, v22;
	v23 =	vmul.f32 v58, v58  }
0x388: {  	v46 =	vadd.f32 v46, v62;
	v51 =	vmul.f32 v59, v59;
	v8 =	vadd.f32 v0, v8;
	v0 =	vld [tilespmem:$0x1F2C0]  }
0x389: {  	v7 =	vadd.f32 v23, v7  }
0x38a: {  	v2 =	vld [tilespmem:$0x1F600];
	v23 =	vadd.f32 v51, v46;
	v8 =	vadd.f32 v15, v8;
	v15 =	vmul.f32 v32, v32  }
0x38b: {  	v57 =	vmul.f32 v57, v57;
	v43 =	vadd.f32 v47, v50  }
0x38c: {  	v55 =	vmul.f32 v60, v60;
	v15 =	vadd.f32 v15, v23;
	v23 =	vmul.f32 v26, v26  }
0x38d: {  	v26 =	vadd.f32 v45, v43;
	v49 =	vadd.f32 v0, v49;
	v0 =	vmul.f32 v56, v56  }
0x38e: {  	v29 =	vmul.f32 v27, v27;
	v16 =	vadd.f32 v57, v16;
	v22 =	vadd.f32 v55, v22  }
0x38f: {  	v0 =	vadd.f32 v0, v15;
	v15 =	vadd.f32 v2, v26;
	v2 =	vld [tilespmem:$0x1F620]  }
0x390: {  	v16 =	vadd.f32 v29, v16;
	v29 =	vmul.f32 v52, v52;
	v5 =	vadd.f32 v5, v48;
	_ =	sdelay $0x1  }
0x391: {  	v1 =	vmul.f32 v39, v39;
	v22 =	vadd.f32 v29, v22;
	v46 =	vadd.f32 v42, v5;
	_ =	sdelay $0x1  }
0x392: {  	v1 =	vadd.f32 v1, v22;
	v22 =	vadd.f32 v2, v46;
	v2 =	vld [tilespmem:$0x1F650];
	_ =	sdelay $0x2  }
0x393: {  	v8 =	vadd.f32 v44, v8;
	_ =	sdelay $0x1  }
0x394: {  	v8 =	vadd.f32 v2, v8;
	v2 =	vld [tilespmem:$0x1F5C0];
	_ =	sdelay $0x4  }
0x395: {  	v10 =	vmul.f32 v13, v13;
	v13 =	vmul.f32 v2, v2;
	v2 =	vld [tilespmem:$0x1F550];
	_ =	sdelay $0x4  }
0x396: {  	v15 =	vadd.f32 v2, v15;
	v2 =	vld [tilespmem:$0x1F4B0];
	_ =	sdelay $0x4  }
0x397: {  	v1 =	vadd.f32 v13, v1;
	v13 =	vmul.f32 v2, v2;
	v2 =	vld [tilespmem:$0x1F570];
	_ =	sdelay $0x4  }
0x398: {  	v22 =	vadd.f32 v2, v22;
	v2 =	vld [tilespmem:$0x1F5A0];
	_ =	sdelay $0x3  }
0x399: {  	v9 =	vadd.f32 v9, v49  }
0x39a: {  	v8 =	vadd.f32 v2, v8;
	v2 =	vld [tilespmem:$0x1F5D0]  }
0x39b: {  	v9 =	vadd.f32 v3, v9;
	_ =	sdelay $0x1  }
0x39c: {  	v26 =	vadd.f32 v40, v9;
	_ =	sdelay $0x1  }
0x39d: {  	v26 =	vadd.f32 v2, v26;
	v2 =	vld [tilespmem:$0x1F510]  }
0x39e: {  	v12 =	vmul.f32 v17, v17;
	v16 =	vadd.f32 v23, v16;
	_ =	sdelay $0x1  }
0x39f: {  	v10 =	vadd.f32 v10, v16;
	v0 =	vadd.f32 v12, v0;
	v12 =	vmul.f32 v30, v30;
	_ =	sdelay $0x1  }
0x3a0: {  	v10 =	vadd.f32 v12, v10;
	v12 =	vmul.f32 v2, v2;
	v2 =	vld [tilespmem:$0x1F490];
	_ =	sdelay $0x3  }
0x3a1: {  	v35 =	vmul.f32 v36, v36  }
0x3a2: {  	v6 =	vmul.f32 v54, v54;
	v1 =	vadd.f32 v12, v1;
	v3 =	vadd.f32 v2, v15;
	v2 =	vld [tilespmem:$0x1F4C0];
	_ =	sdelay $0x1  }
0x3a3: {  	v27 =	vmul.f32 v37, v37;
	v7 =	vadd.f32 v35, v7;
	v1 =	vadd.f32 v6, v1;
	v6 =	vld [tilespmem:$0x1F420];
	_ =	sdelay $0x1  }
0x3a4: {  	v11 =	vmul.f32 v31, v31;
	v23 =	vadd.f32 v27, v7  }
0x3a5: {  	v4 =	vadd.f32 v2, v22;
	v2 =	vld [tilespmem:$0x1F4F0]  }
0x3a6: {  	v11 =	vadd.f32 v11, v23  }
0x3a7: {  	v4 =	vadd.f32 v6, v4;
	v6 =	vld [tilespmem:$0x1F450]  }
0x3a8: {  	v11 =	vadd.f32 v13, v11;
	v13 =	vmul.f32 v21, v21;
	_ =	sdelay $0x1  }
0x3a9: {  	v10 =	vadd.f32 v13, v10;
	v13 =	vld [tilespmem:$0x1F3D0];
	v8 =	vadd.f32 v2, v8;
	_ =	sdelay $0x1  }
0x3aa: {  	v8 =	vadd.f32 v6, v8;
	v6 =	vld [tilespmem:$0x1F380];
	_ =	sdelay $0x2  }
0x3ab: {  	v3 =	vadd.f32 v13, v3;
	_ =	sdelay $0x1  }
0x3ac: {  	v3 =	vadd.f32 v6, v3;
	v6 =	vld [tilespmem:$0x1F3B0];
	_ =	sdelay $0x4  }
0x3ad: {  	v4 =	vadd.f32 v6, v4;
	v6 =	vld [tilespmem:$0x1F400];
	_ =	sdelay $0x2  }
0x3ae: {  	v23 =	vmul.f32 v28, v28  }
0x3af: {  	v12 =	vmul.f32 v34, v34  }
0x3b0: {  	v0 =	vadd.f32 v23, v0;
	v8 =	vadd.f32 v6, v8;
	v6 =	vld [tilespmem:$0x1F1E0]  }
0x3b1: {  	v11 =	vadd.f32 v12, v11;
	v12 =	vmul.f32 v14, v14;
	v15 =	vmul.f32 v53, v53;
	_ =	sdelay $0x1  }
0x3b2: {  	v10 =	vadd.f32 v12, v10;
	v0 =	vadd.f32 v15, v0;
	v15 =	vmul.f32 v20, v20;
	_ =	sdelay $0x1  }
0x3b3: {  	s28 =	sadd.s32 $0x80, s28;
	v0 =	vadd.f32 v15, v0;
	v15 =	vadd.f32 v6, v10;
	v6 =	vld [tilespmem:$0x1F1C0]  }
0x3b4: {  	s4 =	sand.u32 $0x70, s30;
	s5 =	sand.u32 $0x400, s28;
	v16 =	vld [tilespmem:s26+$0x9380]  }
0x3b5: {  	s31 =	sor.u32 s4, s5  }
0x3b6: {  	v23 =	vld [tilespmem:s31+$0x9180]  }
0x3b7: {  	v13 =	vmul.f32 v38, v38;
	v22 =	vld [tilespmem:s26+$0x9280]  }
0x3b8: {  	v15 =	vadd.f32 v6, v15;
	v6 =	vld [tilespmem:$0x1F1D0]  }
0x3b9: {  	v31 =	vld [tilespmem:s26+$0x9400];
	v11 =	vadd.f32 v13, v11;
	v13 =	vmul.f32 v16, v16;
	_ =	sdelay $0x1  }
0x3ba: {  	v7 =	vld [tilespmem:s26+$0x9A00];
	v10 =	vadd.f32 v13, v11  }
0x3bb: {  	v12 =	vmul.f32 v22, v22  }
0x3bc: {  	v40 =	vmov v23;
	v23 =	vadd.f32 v6, v10;
	v6 =	vld [tilespmem:$0x1F2E0]  }
0x3bd: {  	v1 =	vadd.f32 v12, v1;
	v12 =	vmul.f32 v31, v31;
	_ =	sdelay $0x1  }
0x3be: {  	v21 =	vmul.f32 v7, v7;
	v0 =	vadd.f32 v12, v0;
	_ =	sdelay $0x1  }
0x3bf: {  	v0 =	vadd.f32 v21, v0;
	v21 =	vmul.f32 v6, v22;
	v6 =	vld [tilespmem:$0x1F1A0];
	_ =	sdelay $0x4  }
0x3c0: {  	v15 =	vadd.f32 v6, v15;
	v6 =	vld [tilespmem:$0x1F1B0];
	_ =	sdelay $0x2  }
0x3c1: {  	v24 =	vmul.f32 v18, v18  }
0x3c2: {  	v30 =	vld [tilespmem:s26+$0x9480]  }
0x3c3: {  	v22 =	vadd.f32 v6, v23;
	v23 =	vadd.f32 v24, v0;
	v0 =	vld [tilespmem:$0x1F170]  }
0x3c4: {  	v9 =	vld [tilespmem:s26+$0x9A80];
	_ =	sdelay $0x1  }
0x3c5: {  	v5 =	vld [tilespmem:s26+$0x9C80]  }
0x3c6: {  	v14 =	vmul.f32 v30, v30  }
0x3c7: {  	v3 =	vadd.f32 v0, v3;
	v0 =	vld [tilespmem:$0x1F300]  }
0x3c8: {  	v2 =	vld [tilespmem:$0x1F520];
	v1 =	vadd.f32 v14, v1;
	v14 =	vmul.f32 v9, v9;
	_ =	sdelay $0x1  }
0x3c9: {  	v1 =	vadd.f32 v14, v1;
	v14 =	vmul.f32 v5, v5;
	_ =	sdelay $0x1  }
0x3ca: {  	v1 =	vadd.f32 v14, v1;
	v14 =	vmul.f32 v0, v31;
	v0 =	vld [tilespmem:$0x1F310]  }
0x3cb: {  	v2 =	vadd.f32 v2, v26;
	_ =	sdelay $0x1  }
0x3cc: {  	v2 =	vadd.f32 v41, v2;
	_ =	sdelay $0x1  }
0x3cd: {  	v2 =	vadd.f32 v21, v2;
	v21 =	vmul.f32 v0, v30;
	v0 =	vld [tilespmem:$0x1F320];
	_ =	sdelay $0x4  }
0x3ce: {  	v7 =	vmul.f32 v0, v7;
	v0 =	vld [tilespmem:$0x1F330];
	_ =	sdelay $0x4  }
0x3cf: {  	v9 =	vmul.f32 v0, v9;
	v0 =	vld [tilespmem:$0x1F150]  }
0x3d0: {  	v6 =	vld [tilespmem:$0x1F2F0];
	_ =	sdelay $0x3  }
0x3d1: {  	v3 =	vadd.f32 v0, v3;
	v0 =	vld [tilespmem:$0x1F190]  }
0x3d2: {  	v16 =	vmul.f32 v6, v16;
	_ =	sdelay $0x1  }
0x3d3: {  	v4 =	vadd.f32 v16, v4;
	_ =	sdelay $0x1  }
0x3d4: {  	v4 =	vadd.f32 v0, v4;
	v0 =	vld [tilespmem:$0x1F340];
	_ =	sdelay $0x4  }
0x3d5: {  	v5 =	vmul.f32 v0, v5;
	v0 =	vld [tilespmem:$0x1F110];
	_ =	sdelay $0x4  }
0x3d6: {  	v3 =	vadd.f32 v0, v3;
	v0 =	vld [tilespmem:$0x1F130];
	_ =	sdelay $0x3  }
0x3d7: {  	v50 =	vld [tilespmem:s31+$0x9B00]  }
0x3d8: {  	v4 =	vadd.f32 v0, v4;
	v0 =	vld [tilespmem:$0x1F100];
	_ =	sdelay $0x4  }
0x3d9: {  	v0 =	vmul.f32 v0, v50  }
0x3da: {  	v51 =	vld [tilespmem:s31+$0x9B80]  }
0x3db: {  	[tilespmem:$0x1F110] =	vst v0;
	v0 =	vld [tilespmem:$0x1F120];
	_ =	sdelay $0x4  }
0x3dc: {  	v0 =	vmul.f32 v0, v51  }
0x3dd: {  	v29 =	vld [tilespmem:s31+$0x9C00]  }
0x3de: {  	[tilespmem:$0x1F130] =	vst v0;
	v0 =	vld [tilespmem:$0x1F360];
	_ =	sdelay $0x3  }
0x3df: {  	v13 =	vmov v29  }
0x3e0: {  	v0 =	vmul.f32 v0, v13  }
0x3e1: {  	v42 =	vld [tilespmem:s31+$0x9900]  }
0x3e2: {  	[tilespmem:$0x1F030] =	vst v0;
	v0 =	vld [tilespmem:$0x1F140];
	_ =	sdelay $0x4  }
0x3e3: {  	v0 =	vmul.f32 v0, v42  }
0x3e4: {  	v37 =	vld [tilespmem:s31+$0x9300]  }
0x3e5: {  	[tilespmem:$0x1F150] =	vst v0;
	v0 =	vld [tilespmem:$0x1F160];
	_ =	sdelay $0x4  }
0x3e6: {  	v0 =	vmul.f32 v0, v37  }
0x3e7: {  	v43 =	vld [tilespmem:s31+$0x9980]  }
0x3e8: {  	[tilespmem:$0x1F170] =	vst v0;
	v0 =	vld [tilespmem:$0x1F180];
	_ =	sdelay $0x4  }
0x3e9: {  	v0 =	vmul.f32 v0, v43  }
0x3ea: {  	v27 =	vld [tilespmem:s31+$0x9100]  }
0x3eb: {  	[tilespmem:$0x1F190] =	vst v0;
	v0 =	vld [tilespmem:$0x1F370];
	_ =	sdelay $0x3  }
0x3ec: {  	v26 =	vmov v27  }
0x3ed: {  	v0 =	vmul.f32 v0, v26;
	_ =	sdelay $0x1  }
0x3ee: {  	[tilespmem:$0x1F380] =	vst v0;
	v0 =	vld [tilespmem:$0x1F3A0];
	_ =	sdelay $0x4  }
0x3ef: {  	s26 =	smov.u32 s31;
	v0 =	vmul.f32 v0, v40  }
0x3f0: {  	v35 =	vld [tilespmem:s26+$0x8B00]  }
0x3f1: {  	[tilespmem:$0x1F3B0] =	vst v0;
	v0 =	vld [tilespmem:$0x1F3C0];
	_ =	sdelay $0x4  }
0x3f2: {  	v0 =	vmul.f32 v0, v35  }
0x3f3: {  	v28 =	vld [tilespmem:s26+$0x9200]  }
0x3f4: {  	[tilespmem:$0x1F3D0] =	vst v0;
	v0 =	vld [tilespmem:$0x1F3F0];
	_ =	sdelay $0x3  }
0x3f5: {  	v32 =	vmov v28  }
0x3f6: {  	v0 =	vmul.f32 v0, v32  }
0x3f7: {  	v34 =	vld [tilespmem:s26+$0x8B80]  }
0x3f8: {  	[tilespmem:$0x1F400] =	vst v0;
	v0 =	vld [tilespmem:$0x1F410];
	_ =	sdelay $0x4  }
0x3f9: {  	v0 =	vmul.f32 v0, v34  }
0x3fa: {  	v38 =	vld [tilespmem:s26+$0x8C00]  }
0x3fb: {  	[tilespmem:$0x1F420] =	vst v0;
	v0 =	vld [tilespmem:$0x1F440];
	_ =	sdelay $0x4  }
0x3fc: {  	v0 =	vmul.f32 v0, v38  }
0x3fd: {  	v27 =	vld [tilespmem:s26+$0x8C80]  }
0x3fe: {  	[tilespmem:$0x1F450] =	vst v0;
	v0 =	vld [tilespmem:$0x1F460];
	_ =	sdelay $0x4  }
0x3ff: {  	v0 =	vmul.f32 v0, v27;
	_ =	sdelay $0x1  }
0x400: {  	[tilespmem:$0x1F0D0] =	vst v0;
	v0 =	vmul.f32 v50, v50;
	_ =	sdelay $0x1  }
0x401: {  	[tilespmem:$0x1F1A0] =	vst v0;
	v0 =	vmul.f32 v51, v51  }
0x402: {  	v39 =	vld [tilespmem:s26+$0x8900]  }
0x403: {  	[tilespmem:$0x1F1B0] =	vst v0;
	v0 =	vld [tilespmem:$0x1F480];
	_ =	sdelay $0x4  }
0x404: {  	v0 =	vmul.f32 v0, v39  }
0x405: {  	v17 =	vld [tilespmem:s26+$0x8980]  }
0x406: {  	[tilespmem:$0x1F490] =	vst v0;
	v0 =	vld [tilespmem:$0x1F4A0];
	_ =	sdelay $0x4  }
0x407: {  	v0 =	vmul.f32 v0, v17  }
0x408: {  	v28 =	vld [tilespmem:s26+$0x8A00]  }
0x409: {  	[tilespmem:$0x1F4C0] =	vst v0;
	v0 =	vld [tilespmem:$0x1F4E0];
	_ =	sdelay $0x2  }
0x40a: {  	v15 =	vadd.f32 v22, v15;
	v22 =	vadd.f32 v1, v23;
	_ =	sdelay $0x1  }
0x40b: {  	v8 =	vadd.f32 v14, v8;
	v14 =	vadd.f32 v22, v15;
	v0 =	vmul.f32 v0, v28;
	_ =	sdelay $0x1  }
0x40c: {  	s5 =	sadd.s32 s29, s25;
	v20 =	vld [tilespmem:s26+$0x8A80];
	v7 =	vadd.f32 v7, v8;
	v8 =	vmax.f32 v14, $1.000000020e-16;
	[tilespmem:$0x1F4F0] =	vst v0;
	v0 =	vlaneseq.u32  }
0x40d: {  	(erf) = vrcp.f32 v8;
	v8 =	vor.u32 s5, v0;
	v0 =	vld [tilespmem:$0x1F500];
	_ =	sdelay $0x4  }
0x40e: {  	v0 =	vmul.f32 v0, v20;
	_ =	sdelay $0x1  }
0x40f: {  	[tilespmem:$0x1F520] =	vst v0;
	v0 =	vmul.f32 v42, v42  }
0x410: {  	v11 =	vld [tilespmem:s26+$0x8300]  }
0x411: {  	[tilespmem:$0x1F1C0] =	vst v0;
	v0 =	vld [tilespmem:$0x1F540];
	_ =	sdelay $0x4  }
0x412: {  	v0 =	vmul.f32 v0, v11;
	_ =	sdelay $0x1  }
0x413: {  	[tilespmem:$0x1F550] =	vst v0;
	v0 =	vmul.f32 v43, v43  }
0x414: {  	v44 =	vld [tilespmem:s26+$0x8380]  }
0x415: {  	[tilespmem:$0x1F1D0] =	vst v0;
	v0 =	vld [tilespmem:$0x1F560];
	_ =	sdelay $0x4  }
0x416: {  	v0 =	vmul.f32 v0, v44  }
0x417: {  	v12 =	vld [tilespmem:s26+$0x8400]  }
0x418: {  	[tilespmem:$0x1F570] =	vst v0;
	v0 =	vld [tilespmem:$0x1F590];
	_ =	sdelay $0x4  }
0x419: {  	v0 =	vmul.f32 v0, v12  }
0x41a: {  	v10 =	vld [tilespmem:s26+$0x8480]  }
0x41b: {  	[tilespmem:$0x1F5A0] =	vst v0;
	v0 =	vld [tilespmem:$0x1F5B0];
	_ =	sdelay $0x4  }
0x41c: {  	v0 =	vmul.f32 v0, v10;
	_ =	sdelay $0x1  }
0x41d: {  	[tilespmem:$0x1F5D0] =	vst v0;
	v0 =	vmul.f32 v37, v37  }
0x41e: {  	v47 =	vld [tilespmem:s26+$0x8100]  }
0x41f: {  	[tilespmem:$0x1F1E0] =	vst v0;
	v0 =	vld [tilespmem:$0x1F5F0];
	_ =	sdelay $0x4  }
0x420: {  	v0 =	vmul.f32 v0, v47  }
0x421: {  	v53 =	vld [tilespmem:s26+$0x8180]  }
0x422: {  	[tilespmem:$0x1F600] =	vst v0;
	v0 =	vld [tilespmem:$0x1F610];
	_ =	sdelay $0x4  }
0x423: {  	v0 =	vmul.f32 v0, v53  }
0x424: {  	v56 =	vld [tilespmem:s26+$0x8200]  }
0x425: {  	[tilespmem:$0x1F620] =	vst v0;
	v0 =	vld [tilespmem:$0x1F640];
	_ =	sdelay $0x4  }
0x426: {  	v0 =	vmul.f32 v0, v56  }
0x427: {  	v23 =	vld [tilespmem:s26+$0x8280]  }
0x428: {  	[tilespmem:$0x1F650] =	vst v0;
	v0 =	vld [tilespmem:$0x1F660];
	_ =	sdelay $0x3  }
0x429: {  	v24 =	vld [tilespmem:s26+$0x7B00]  }
0x42a: {  	[tilespmem:$0x1F080] =	vst v32;
	v32 =	vmul.f32 v0, v23;
	v0 =	vld [tilespmem:$0x1F680];
	_ =	sdelay $0x3  }
0x42b: {  	v49 =	vld [tilespmem:s26+$0x7B80]  }
0x42c: {  	v45 =	vmul.f32 v0, v24;
	v0 =	vld [tilespmem:$0x1F690];
	_ =	sdelay $0x3  }
0x42d: {  	v36 =	vld [tilespmem:s26+$0x7C00];
	v2 =	vadd.f32 v21, v2  }
0x42e: {  	v42 =	vmul.f32 v0, v49;
	v0 =	vld [tilespmem:$0x1F6B0]  }
0x42f: {  	v2 =	vadd.f32 v9, v2;
	_ =	sdelay $0x1  }
0x430: {  	v7 =	vadd.f32 v33, v7;
	v2 =	vadd.f32 v5, v2  }
0x431: {  	v1 =	vld [tilespmem:s26+$0x7C80]  }
0x432: {  	[tilespmem:$0x1F020] =	vst v44;
	v2 =	vadd.f32 v2, v7;
	v3 =	vadd.f32 v4, v3;
	v44 =	vmul.f32 v0, v36;
	v0 =	vld [tilespmem:$0x1F6C0];
	_ =	sdelay $0x1  }
0x433: {  	v2 =	vadd.f32 v2, v3;
	_ =	sdelay $0x1  }
0x434: {  	v57 =	vld [tilespmem:s26+$0x7900];
	v3 =	vand.u32 $0x7FFFFFFF, v2  }
0x435: {  	v2 =	vmul.f32 v3, v2;
	v3 =	vmul.f32 v0, v1;
	v0 =	vld [tilespmem:$0x1F6E0];
	_ =	sdelay $0x3  }
0x436: {  	v58 =	vld [tilespmem:s26+$0x7980];
	v4 =	vpop (erf)  }
0x437: {  	v5 =	vmul.f32 v2, v4;
	v2 =	vmov v47;
	v47 =	vmul.f32 v0, v57;
	v0 =	vld [tilespmem:$0x1F6F0];
	_ =	sdelay $0x3  }
0x438: {  	v59 =	vld [tilespmem:s26+$0x7A00];
	vm1 =	vgt.f32 v5, v25  }
0x439: {  	v51 =	vsel vm1, v5, v25;
	v5 =	vmul.f32 v0, v58;
	v0 =	vld [tilespmem:$0x1F710];
	_ =	sdelay $0x3  }
0x43a: {  	v60 =	vld [tilespmem:s26+$0x7A80]  }
0x43b: {  	v15 =	vmul.f32 v0, v59;
	v0 =	vld [tilespmem:$0x1F720];
	_ =	sdelay $0x3  }
0x43c: {  	v48 =	vld [tilespmem:s26+$0x7300]  }
0x43d: {  	v9 =	vmul.f32 v0, v60;
	v0 =	vld [tilespmem:$0x1F250];
	_ =	sdelay $0x4  }
0x43e: {  	v0 =	vmul.f32 v0, v48  }
0x43f: {  	v55 =	vld [tilespmem:s26+$0x7380]  }
0x440: {  	[tilespmem:$0x1F260] =	vst v0;
	v0 =	vld [tilespmem:$0x1F270];
	_ =	sdelay $0x4  }
0x441: {  	v0 =	vmul.f32 v0, v55  }
0x442: {  	v29 =	vld [tilespmem:s26+$0x7400]  }
0x443: {  	[tilespmem:$0x1F280] =	vst v0;
	v0 =	vld [tilespmem:$0x1F290];
	_ =	sdelay $0x4  }
0x444: {  	v0 =	vmul.f32 v0, v29  }
0x445: {  	v30 =	vld [tilespmem:s26+$0x7480]  }
0x446: {  	[tilespmem:$0x1F2A0] =	vst v0;
	v0 =	vld [tilespmem:$0x1F2B0];
	_ =	sdelay $0x4  }
0x447: {  	v0 =	vmul.f32 v0, v30  }
0x448: {  	v62 =	vld [tilespmem:s26+$0x7100]  }
0x449: {  	[tilespmem:$0x1F2C0] =	vst v0;
	v0 =	vld [tilespmem:$0x1F1F0];
	_ =	sdelay $0x3  }
0x44a: {  	v63 =	vld [tilespmem:s26+$0x7180]  }
0x44b: {  	v52 =	vmul.f32 v0, v62;
	v0 =	vld [tilespmem:$0x1F200];
	_ =	sdelay $0x3  }
0x44c: {  	v7 =	vld [tilespmem:s26+$0x7200]  }
0x44d: {  	v46 =	vmul.f32 v0, v63;
	v0 =	vld [tilespmem:$0x1F210];
	_ =	sdelay $0x3  }
0x44e: {  	v61 =	vld [tilespmem:s26+$0x7280]  }
0x44f: {  	[tilespmem:$0x1F0E0] =	vst v29;
	v29 =	vmul.f32 v0, v7;
	v0 =	vld [tilespmem:$0x1F240];
	_ =	sdelay $0x3  }
0x450: {  	v16 =	vld [tilespmem:s26+$0x6B00]  }
0x451: {  	[tilespmem:$0x1F010] =	vst v35;
	v35 =	vmul.f32 v0, v61;
	v0 =	vld [tilespmem:$0x1FEE0];
	_ =	sdelay $0x3  }
0x452: {  	v22 =	vld [tilespmem:s26+$0x6B80]  }
0x453: {  	[tilespmem:$0x1F070] =	vst v28;
	v28 =	vmul.f32 v0, v16;
	v0 =	vld [tilespmem:$0x1FEF0];
	_ =	sdelay $0x3  }
0x454: {  	v54 =	vsel vm1, v8, v19;
	v8 =	vld [tilespmem:s26+$0x6C00]  }
0x455: {  	[tilespmem:$0x1F5C0] =	vst v10;
	v10 =	vmul.f32 v0, v22;
	v0 =	vld [tilespmem:$0x1F220];
	_ =	sdelay $0x3  }
0x456: {  	v18 =	vld [tilespmem:s26+$0x6C80]  }
0x457: {  	[tilespmem:$0x1F0A0] =	vst v12;
	v12 =	vmul.f32 v0, v8;
	v0 =	vld [tilespmem:$0x1F230];
	_ =	sdelay $0x3  }
0x458: {  	v6 =	vld [tilespmem:s26+$0x6900]  }
0x459: {  	[tilespmem:$0x1F050] =	vst v13;
	v13 =	vmul.f32 v0, v18;
	v0 =	vld [tilespmem:$0x1FF00];
	_ =	sdelay $0x3  }
0x45a: {  	[tilespmem:$0x1F510] =	vst v20;
	v20 =	vld [tilespmem:s26+$0x6980]  }
0x45b: {  	[tilespmem:$0x1F0F0] =	vst v30;
	v30 =	vmul.f32 v0, v6;
	v0 =	vld [tilespmem:$0x1FF90];
	_ =	sdelay $0x2  }
0x45c: {  	v14 =	vld [tilespmem:s26+$0x6A00]  }
0x45d: {  	v50 =	vld [tilespmem:$0x1FF60]  }
0x45e: {  	v31 =	vmul.f32 v0, v20;
	v0 =	vld [tilespmem:$0x1FFA0]  }
0x45f: {  	v25 =	vld [tilespmem:s26+$0x6180]  }
0x460: {  	v41 =	vld [tilespmem:s26+$0x6380]  }
0x461: {  	v21 =	vld [tilespmem:s26+$0x6A80]  }
0x462: {  	[tilespmem:$0x1EFE0] =	vst v40;
	v40 =	vld [tilespmem:$0x1FF50]  }
0x463: {  	v33 =	vmul.f32 v0, v14;
	v0 =	vld [tilespmem:$0x1FFB0]  }
0x464: {  	[tilespmem:$0x1F000] =	vst v39;
	v39 =	vmul.f32 v50, v25;
	v50 =	vld [tilespmem:$0x1FF70]  }
0x465: {  	[tilespmem:$0x1F090] =	vst v11;
	v11 =	vld [tilespmem:s26+$0x6200]  }
0x466: {  	v43 =	vmov v24;
	v24 =	vld [tilespmem:s26+$0x6100]  }
0x467: {  	s31 =	sor.u32 s28, s30;
	[tilespmem:$0x1EFF0] =	vst v38;
	v38 =	vld [tilespmem:s26+$0x6300]  }
0x468: {  	s4 =	sor.u32 $0x380, s31;
	[tilespmem:$0x1F040] =	vst v34;
	v34 =	vmul.f32 v0, v21;
	v0 =	vld [tilespmem:$0x1FF10]  }
0x469: {  	v4 =	vld [tilespmem:s4+$0x6100]  }
0x46a: {  	[tilespmem:$0x1F4B0] =	vst v17;
	v17 =	vld [tilespmem:s26+$0x6280]  }
0x46b: {  	v37 =	vmul.f32 v40, v24;
	v40 =	vmul.f32 v50, v11;
	v50 =	vld [tilespmem:$0x1FF80]  }
0x46c: {  	[tilespmem:$0x1F0C0] =	vst v1;
	v1 =	vld [tilespmem:$0x1FF40]  }
0x46d: {  	[tilespmem:$0x1F0B0] =	vst v26;
	v26 =	vmul.f32 v0, v38;
	v0 =	vld [tilespmem:$0x1FF20];
	_ =	sdelay $0x2  }
0x46e: {  	v50 =	vmul.f32 v50, v17  }
0x46f: {  	v25 =	vmul.f32 v25, v25;
	v19 =	vld [tilespmem:s26+$0x6400]  }
0x470: {  	[tilespmem:$0x1F060] =	vst v27;
	v50 =	vadd.f32 $0.0e+00, v50;
	v1 =	vmul.f32 v1, v4;
	v27 =	vmul.f32 v0, v41;
	v0 =	vld [tilespmem:$0x1FF30]  }
0x471: {  	v17 =	vmul.f32 v17, v17;
	v4 =	vmul.f32 v4, v4  }
0x472: {  	v39 =	vadd.f32 $0.0e+00, v39;
	v24 =	vmul.f32 v24, v24;
	v1 =	vadd.f32 v1, v50  }
0x473: {  	v11 =	vmul.f32 v11, v11;
	v37 =	vadd.f32 $0.0e+00, v37;
	v4 =	vadd.f32 v4, v17  }
0x474: {  	v17 =	vmul.f32 v20, v20;
	v21 =	vmul.f32 v21, v21;
	v1 =	vadd.f32 v34, v1  }
0x475: {  	v40 =	vadd.f32 $0.0e+00, v40;
	v0 =	vmul.f32 v0, v19;
	v19 =	vmul.f32 v19, v19  }
0x476: {  	v4 =	vadd.f32 v21, v4;
	v21 =	vld [tilespmem:$0x1F010];
	v1 =	vadd.f32 v13, v1;
	v38 =	vmul.f32 v38, v38  }
0x477: {  	v14 =	vmul.f32 v14, v14;
	v34 =	vld [tilespmem:$0x1F040];
	v11 =	vadd.f32 v19, v11;
	v0 =	vadd.f32 v0, v40  }
0x478: {  	v13 =	vld [tilespmem:$0x1F090];
	v24 =	vadd.f32 v38, v24;
	v41 =	vmul.f32 v41, v41;
	v20 =	vadd.f32 v27, v39  }
0x479: {  	v8 =	vmul.f32 v8, v8;
	v38 =	vld [tilespmem:$0x1EFE0];
	v11 =	vadd.f32 v14, v11;
	v0 =	vadd.f32 v33, v0  }
0x47a: {  	v25 =	vadd.f32 v41, v25;
	v41 =	vld [tilespmem:$0x1F0D0];
	v20 =	vadd.f32 v31, v20  }
0x47b: {  	v7 =	vmul.f32 v7, v7;
	v31 =	vld [tilespmem:$0x1F020];
	v8 =	vadd.f32 v8, v11;
	v0 =	vadd.f32 v12, v0  }
0x47c: {  	v6 =	vmul.f32 v6, v6;
	v10 =	vadd.f32 v10, v20;
	v20 =	vld [tilespmem:$0x1F080];
	v19 =	vadd.f32 v26, v37  }
0x47d: {  	v11 =	vmul.f32 v62, v62;
	v62 =	vadd.f32 v7, v8;
	v8 =	vadd.f32 v29, v0;
	v0 =	vld [tilespmem:$0x1F0E0]  }
0x47e: {  	v37 =	vmov v53;
	v53 =	vld [tilespmem:$0x1EFF0]  }
0x47f: {  	v6 =	vadd.f32 v6, v24;
	v14 =	vmul.f32 v16, v16;
	v16 =	vadd.f32 v30, v19;
	v30 =	vld [tilespmem:$0x1F000]  }
0x480: {  	v17 =	vadd.f32 v17, v25;
	v33 =	vld [tilespmem:$0x1F030]  }
0x481: {  	v26 =	vmovc v2;
	v2 =	vmul.f32 v22, v22;
	v6 =	vadd.f32 v14, v6;
	v14 =	vmul.f32 v18, v18;
	v18 =	vld [tilespmem:$0x1F050]  }
0x482: {  	p0 =	sne.s32 s30, $0xF0;
	v12 =	vmul.f32 v48, v48;
	v48 =	vadd.f32 v46, v10;
	v46 =	vmul.f32 v0, v0;
	v0 =	vld [tilespmem:$0x1F0F0]  }
.Ltmp11:
0x483: {  	v39 =	vmovc v23;
	v27 =	vmov v43;
	v19 =	vmov v54;
	v54 =	vld [tilespmem:$0x1F060];
	v16 =	vadd.f32 v28, v16;
	(pc) =	sbr.rel @p0 .LBB2_16-.Ltmp11, $4  }
0x484: {  	v40 =	vmovc v32;
	v17 =	vadd.f32 v2, v17;
	v28 =	vld [tilespmem:$0x1F070];
	v4 =	vadd.f32 v14, v4;
	v14 =	vmul.f32 v63, v63  }
0x485: {  	v32 =	vmovc v36;
	v6 =	vadd.f32 v11, v6;
	v11 =	vmul.f32 v61, v61;
	v63 =	vadd.f32 v52, v16;
	v52 =	vld [tilespmem:$0x1F0C0]  }
0x486: {  	v36 =	vmovc v49;
	v49 =	vadd.f32 v35, v1;
	v7 =	vmul.f32 v55, v55;
	v61 =	vadd.f32 v14, v17;
	v17 =	vld [tilespmem:$0x1F0A0]  }
0x487: {  	s29 =	smov.u32 s30;
	s30 =	sadd.s32 $0x10, s30;
	v25 =	vmovc v51;
	v14 =	vld [tilespmem:$0x1F0B0];
	v22 =	vadd.f32 v11, v4;
	v16 =	vadd.f32 v12, v6;
	v23 =	vmul.f32 v0, v0  }
0x488: {  	v2 =	vld [tilespmem:$0x1F260]  }
0x489: {  	v4 =	vld [tilespmem:$0x1F280]  }
0x48a: {  	v35 =	vld [tilespmem:$0x1F2A0]  }
0x48b: {  	v11 =	vld [tilespmem:$0x1F2C0]  }
0x48c: {  	v6 =	vmul.f32 v57, v57;
	v57 =	vld [tilespmem:$0x1F600]  }
0x48d: {  	v10 =	vmul.f32 v59, v59;
	v59 =	vld [tilespmem:$0x1F620]  }
0x48e: {  	v1 =	vadd.f32 v46, v62;
	v43 =	vmul.f32 v58, v58;
	v62 =	vld [tilespmem:$0x1F650]  }
0x48f: {  	v12 =	vmul.f32 v60, v60;
	v60 =	vmul.f32 v13, v13;
	v13 =	vld [tilespmem:$0x1F570]  }
0x490: {  	v0 =	vadd.f32 v7, v61;
	v55 =	vmul.f32 v56, v56;
	v56 =	vmul.f32 v39, v39;
	v39 =	vld [tilespmem:$0x1F4C0]  }
0x491: {  	v22 =	vadd.f32 v23, v22;
	v6 =	vadd.f32 v6, v16;
	v16 =	vld [tilespmem:$0x1F5A0]  }
0x492: {  	v0 =	vadd.f32 v43, v0;
	v1 =	vadd.f32 v10, v1;
	v43 =	vld [tilespmem:$0x1F4F0]  }
0x493: {  	v12 =	vadd.f32 v12, v22;
	v2 =	vadd.f32 v2, v63;
	v63 =	vmul.f32 v17, v17;
	v17 =	vld [tilespmem:$0x1F4B0]  }
0x494: {  	v46 =	vmul.f32 v27, v27;
	v7 =	vadd.f32 v35, v8;
	v11 =	vadd.f32 v11, v49;
	v35 =	vld [tilespmem:$0x1F5D0]  }
0x495: {  	v4 =	vadd.f32 v4, v48;
	v49 =	vmul.f32 v52, v52;
	v52 =	vmul.f32 v37, v37;
	v37 =	vld [tilespmem:$0x1F490]  }
0x496: {  	v48 =	vmul.f32 v32, v32;
	v2 =	vadd.f32 v47, v2;
	v9 =	vadd.f32 v9, v11;
	v11 =	vld [tilespmem:$0x1F5C0]  }
0x497: {  	v4 =	vadd.f32 v5, v4;
	v47 =	vmul.f32 v36, v36;
	v50 =	vadd.f32 v49, v12;
	v12 =	vld [tilespmem:$0x1F550]  }
0x498: {  	v7 =	vadd.f32 v15, v7;
	v5 =	vadd.f32 v46, v6;
	v36 =	vld [tilespmem:$0x1F510]  }
0x499: {  	v1 =	vadd.f32 v48, v1;
	v46 =	vld [tilespmem:s26+$0x9280];
	v0 =	vadd.f32 v47, v0  }
0x49a: {  	v51 =	vmul.f32 v26, v26;
	v48 =	vld [tilespmem:$0x1F3D0];
	v2 =	vadd.f32 v45, v2;
	v4 =	vadd.f32 v42, v4  }
0x49b: {  	v61 =	vmul.f32 v31, v31;
	v49 =	vld [tilespmem:s26+$0x9380];
	v7 =	vadd.f32 v44, v7;
	v9 =	vadd.f32 v3, v9  }
0x49c: {  	v32 =	vmul.f32 v28, v28;
	v5 =	vadd.f32 v51, v5;
	v1 =	vadd.f32 v55, v1;
	v45 =	vld [tilespmem:$0x1F520]  }
0x49d: {  	v15 =	vmul.f32 v30, v30;
	v58 =	vadd.f32 v56, v50;
	v50 =	vld [tilespmem:$0x1F420];
	v0 =	vadd.f32 v52, v0  }
0x49e: {  	v42 =	vmul.f32 v34, v34;
	v51 =	vld [tilespmem:s26+$0x9400];
	v2 =	vadd.f32 v57, v2;
	v4 =	vadd.f32 v59, v4  }
0x49f: {  	v44 =	vmul.f32 v53, v53;
	v53 =	vld [tilespmem:$0x1F450];
	v7 =	vadd.f32 v62, v7;
	v9 =	vadd.f32 v40, v9  }
0x4a0: {  	v47 =	vmul.f32 v54, v54;
	v54 =	vld [tilespmem:s26+$0x9480];
	v5 =	vadd.f32 v60, v5;
	v1 =	vadd.f32 v63, v1  }
0x4a1: {  	v55 =	vmul.f32 v38, v38;
	v34 =	vld [tilespmem:$0x1F400];
	v0 =	vadd.f32 v61, v0;
	v2 =	vadd.f32 v12, v2  }
0x4a2: {  	v38 =	vld [tilespmem:$0x1F1C0];
	v8 =	vmul.f32 v17, v17;
	v4 =	vadd.f32 v13, v4;
	v7 =	vadd.f32 v16, v7  }
0x4a3: {  	v57 =	vld [tilespmem:s26+$0x9A00];
	v6 =	vmul.f32 v11, v11;
	v9 =	vadd.f32 v35, v9;
	v5 =	vadd.f32 v15, v5  }
0x4a4: {  	v1 =	vadd.f32 v32, v1;
	v7 =	vadd.f32 v43, v7;
	v43 =	vld [tilespmem:$0x1F2E0]  }
0x4a5: {  	v40 =	vmul.f32 v21, v21;
	v59 =	vld [tilespmem:s26+$0x9A80];
	v3 =	vadd.f32 v6, v58;
	v0 =	vadd.f32 v8, v0  }
0x4a6: {  	v60 =	vld [tilespmem:$0x1F380];
	v6 =	vmul.f32 v36, v36;
	v2 =	vadd.f32 v37, v2;
	v4 =	vadd.f32 v39, v4  }
0x4a7: {  	v52 =	vmul.f32 v14, v14;
	v63 =	vld [tilespmem:$0x1F3B0];
	v9 =	vadd.f32 v45, v9;
	v5 =	vadd.f32 v40, v5  }
0x4a8: {  	v61 =	vld [tilespmem:s26+$0x9C80];
	v58 =	vmul.f32 v46, v46;
	v1 =	vadd.f32 v44, v1;
	v3 =	vadd.f32 v6, v3  }
0x4a9: {  	v0 =	vadd.f32 v42, v0;
	v2 =	vadd.f32 v48, v2;
	v11 =	vmul.f32 v43, v46;
	v46 =	vld [tilespmem:$0x1F2F0]  }
0x4aa: {  	v56 =	vmul.f32 v20, v20;
	v35 =	vld [tilespmem:$0x1F1E0];
	v4 =	vadd.f32 v50, v4;
	v7 =	vadd.f32 v53, v7  }
0x4ab: {  	v62 =	vmul.f32 v49, v49;
	v40 =	vld [tilespmem:$0x1F1D0];
	v9 =	vadd.f32 v41, v9;
	v5 =	vadd.f32 v52, v5  }
0x4ac: {  	v32 =	vmul.f32 v51, v51;
	v44 =	vld [tilespmem:$0x1F1A0];
	v1 =	vadd.f32 v56, v1;
	v3 =	vadd.f32 v47, v3  }
0x4ad: {  	v36 =	vmul.f32 v54, v54;
	v45 =	vld [tilespmem:$0x1F1B0];
	v0 =	vadd.f32 v55, v0;
	v2 =	vadd.f32 v60, v2  }
0x4ae: {  	v4 =	vadd.f32 v63, v4;
	v7 =	vadd.f32 v34, v7;
	v8 =	vmul.f32 v46, v49;
	v49 =	vld [tilespmem:$0x1F310]  }
0x4af: {  	v37 =	vmul.f32 v57, v57;
	v48 =	vld [tilespmem:$0x1F300];
	v5 =	vadd.f32 v35, v5;
	v3 =	vadd.f32 v58, v3  }
0x4b0: {  	v39 =	vmul.f32 v59, v59;
	v1 =	vadd.f32 v32, v1;
	v0 =	vadd.f32 v62, v0  }
0x4b1: {  	v41 =	vmul.f32 v18, v18;
	v52 =	vld [tilespmem:$0x1F320];
	v5 =	vadd.f32 v38, v5;
	v3 =	vadd.f32 v36, v3  }
0x4b2: {  	v42 =	vmul.f32 v61, v61;
	v47 =	vld [tilespmem:$0x1F170];
	v1 =	vadd.f32 v37, v1;
	v0 =	vadd.f32 v40, v0  }
0x4b3: {  	v9 =	vadd.f32 v11, v9;
	v3 =	vadd.f32 v39, v3;
	v11 =	vmul.f32 v49, v54;
	v54 =	vld [tilespmem:$0x1F330]  }
0x4b4: {  	v56 =	vld [tilespmem:$0x1F190];
	v6 =	vmul.f32 v48, v51;
	v5 =	vadd.f32 v44, v5;
	v0 =	vadd.f32 v45, v0  }
0x4b5: {  	v55 =	vld [tilespmem:$0x1F150];
	v1 =	vadd.f32 v41, v1;
	v3 =	vadd.f32 v42, v3  }
0x4b6: {  	v51 =	vadd.f32 v6, v7;
	v0 =	vadd.f32 v0, v5;
	v5 =	vmul.f32 v52, v57;
	v57 =	vld [tilespmem:$0x1F340]  }
0x4b7: {  	v60 =	vld [tilespmem:$0x1F130];
	v2 =	vadd.f32 v47, v2;
	v1 =	vadd.f32 v3, v1  }
0x4b8: {  	v50 =	vadd.f32 v8, v4;
	v4 =	vadd.f32 v5, v51;
	v7 =	vmul.f32 v54, v59;
	v59 =	vld [tilespmem:$0x1F110]  }
0x4b9: {  	v0 =	vadd.f32 v1, v0;
	v53 =	vadd.f32 v11, v9  }
0x4ba: {  	v26 =	vld [tilespmem:$0x1FFC0];
	v1 =	vadd.f32 v55, v2;
	v2 =	vadd.f32 v56, v50  }
0x4bb: {  	v27 =	vld [tilespmem:$0x1FFD0];
	v3 =	vmul.f32 v57, v61;
	v0 =	vmax.f32 v0, $1.000000020e-16;
	v58 =	vadd.f32 v7, v53  }
0x4bc: {  	v29 =	vld [tilespmem:$0x1FFF0];
	v2 =	vadd.f32 v60, v2;
	v61 =	vadd.f32 v33, v4;
	(erf) = vrcp.f32 v0  }
0x4bd: {  	v31 =	vld [tilespmem:$0x1FF20];
	v3 =	vadd.f32 v3, v58;
	v1 =	vadd.f32 v59, v1  }
0x4be: {  	v24 =	vld [tilespmem:$0x1FEF0]  }
0x4bf: {  	v23 =	vld [tilespmem:$0x1FEE0];
	v0 =	vadd.f32 v3, v61;
	v1 =	vadd.f32 v2, v1  }
0x4c0: {  	v28 =	vld [tilespmem:$0x1FFE0]  }
0x4c1: {  	v30 =	vld [tilespmem:$0x1FF10];
	v0 =	vadd.f32 v0, v1  }
0x4c2: {  	v35 =	vld [tilespmem:$0x1FF50]  }
0x4c3: {  	v32 =	vld [tilespmem:$0x1FF30];
	v1 =	vand.u32 $0x7FFFFFFF, v0  }
0x4c4: {  	v37 =	vld [tilespmem:$0x1FF70];
	v0 =	vmul.f32 v1, v0  }
0x4c5: {  	v38 =	vld [tilespmem:$0x1FF80];
	v62 =	vpop (erf)  }
0x4c6: {  	v36 =	vld [tilespmem:$0x1FF60];
	v0 =	vmul.f32 v0, v62  }
.Ltmp12:
0x4c7: {  	v40 =	vld [tilespmem:$0x1FFA0];
	(pc) =	sbr.rel .LBB2_18-.Ltmp12, $4  }
0x4c8: {  	s4 =	sadd.s32 s29, s25;
	v63 =	vlaneseq.u32;
	v39 =	vld [tilespmem:$0x1FF90];
	vm1 =	vgt.f32 v0, v25  }
0x4c9: {  	v42 =	vld [tilespmem:$0x1FFB0];
	v1 =	vor.u32 s4, v63;
	v0 =	vsel vm1, v0, v25  }
0x4ca: {  	v33 =	vld [tilespmem:$0x1FF40];
	v1 =	vsel vm1, v1, v19;
	[tilespmem:$0xA100] =	vst v0  }
0x4cb: {  	v25 =	vld [tilespmem:$0x1FF00];
	[tilespmem:$0xA180] =	vst v1  }
.LBB2_20:
0x4cc: {  	_ =	sfence.sel $0x180000  }
0x4cd: {  	[bflag:$0x0] =	sbarrier.arrive $0xFFFF  }
0x4ce: {  	_ =	strace $0x90000047  }
0x4cf: {  	s0 =	stileid.u32;
	[bflag:$0x2] =	sbarrier.arrive $0xFFFF  }
0x4d0: {  	p0 =	sne.s32 s0, $0x0;
	s0 =	rddreg [dreg:$0x5]  }
0x4d1: {  	s0 =	sadd.s32 @!p0 $0x100000, s0  }
0x4d2: {  	[sflag:s0] =	ssyncadd.tile.s32 @!p0 $0x1;
	_ =	shalt  }
.Lfunc_end2:
_tile_overlayer_lowered:
.L_overlay_start_2:
0x4d3: {  	(tag) =	ssettag $0x2  }
0x4d4: {  	s0 =	rddreg [dreg:$0x0];
	s2 =	stileid.u32  }
0x4d5: {  	s1 =	rddreg [dreg:$0x1];
	p0 =	sne.s32 s2, $0x0  }
0x4d6: {  	s3 =	rddreg [dreg:$0x2];
	[bflag:$0x3] =	sbarrier.arrive $0xFFFF;
	s2 =	simm.s32 @!p0 $0x1C03  }
0x4d7: {  	[timem:s3], [sflag:s2] =	dma.local @!p0 [hbm:s0], s1  }
0x4d8: {  	s0 =	simm.s32 @!p0 $0x3  }
0x4d9: {  	_ =	swait.ge @!p0 [sflag:s0], s1  }
0x4da: {  	s1 =	ssub.s32 @!p0 $0x0, s1;
	[sflag:s0] =	ssyncset.done @!p0 $0x0  }
0x4db: {  	[sflag:s0] =	ssyncadd.s32 @!p0 s1  }
0x4dc: {  	[bflag:$0x3] =	sbarrier.arrive $0xFFFF  }
0x4dd: {  	_ =	shalt  }

</sc_bundles>
